<compile_context>
chip_gen: v7x
topology: tpu7x:2x2x1
jax: 0.10.2.dev20260603
libtpu: 0.0.44.dev20260713+nightly
codegen_flags: <defaults>
</compile_context>

<pallas_src>
import functools

import jax
import jax.numpy as jnp
import numpy as np
from jax import lax
from jax.experimental import pallas as pl
from jax.experimental.pallas import tpu as pltpu
from jax.experimental.pallas import tpu_sc as plsc

_EPS = 1e-5
_K = 16
_NT = 256
_SPLIT0 = 50


def _sc_gather_pack(table, idx_flat, n_rows, keep):
    info = plsc.get_sparse_core_info()
    nc, ns = info.num_cores, info.num_subcores
    total_chunks = n_rows // 128
    ch0 = ((total_chunks * _SPLIT0) // (ns * 100) // 8) * 8
    ch1 = total_chunks // ns - ch0
    max_ch = max(ch0, ch1, 2)
    pack = 128 // keep
    rows_pc = 128 // pack
    out_rows = n_rows // pack
    idx2 = idx_flat.reshape(total_chunks, 128)
    mesh = plsc.VectorSubcoreMesh(core_axis_name="c", subcore_axis_name="s")

    @functools.partial(
        pl.kernel,
        mesh=mesh,
        out_type=jax.ShapeDtypeStruct((out_rows, 128), jnp.float32),
        scratch_types=[
            pltpu.VMEM((max_ch, 128), jnp.int32),
            pltpu.VMEM((4, 128, 128), jnp.float32),
            pltpu.VMEM((2, rows_pc, 128), jnp.float32),
            pltpu.SemaphoreType.DMA,
            pltpu.SemaphoreType.DMA,
            pltpu.SemaphoreType.DMA,
            pltpu.SemaphoreType.DMA,
            pltpu.SemaphoreType.DMA,
            pltpu.SemaphoreType.DMA,
        ],
    )
    def gk(table_hbm, idx_hbm, out_hbm, idx_v, gbuf, cpk,
           gs0, gs1, gs2, gs3, ss0, ss1):
        cid = lax.axis_index("c")
        sid = lax.axis_index("s")
        gsems = (gs0, gs1, gs2, gs3)
        ssems = (ss0, ss1)

        def compact(b, p):
            def crow(r, carry):
                for l in range(pack):
                    for c4 in range(keep // 16):
                        v = gbuf[b, pack * r + l, pl.ds(c4 * 16, 16)]
                        cpk[p, r, pl.ds(l * keep + c4 * 16, 16)] = v
                return carry
            lax.fori_loop(0, rows_pc, crow, 0)

        def run(cb, cpw):
            if cpw == 0:
                return
            ro = cb * rows_pc
            pltpu.sync_copy(idx_hbm.at[pl.ds(cb, cpw)],
                            idx_v.at[pl.ds(0, cpw)])
            for b in range(4):
                pltpu.async_copy(table_hbm.at[idx_v.at[b]], gbuf.at[b],
                                 gsems[b])

            def step(s, carry):
                for b in range(4):
                    c = 4 * s + b
                    p = b % 2
                    pltpu.make_async_copy(
                        table_hbm.at[idx_v.at[0]], gbuf.at[b], gsems[b]).wait()

                    @pl.when(c >= 2)
                    def _drain_store():
                        pltpu.make_async_copy(
                            cpk.at[p], out_hbm.at[pl.ds(ro, rows_pc)],
                            ssems[p]).wait()

                    compact(b, p)
                    pltpu.async_copy(
                        cpk.at[p],
                        out_hbm.at[pl.ds(ro + c * rows_pc, rows_pc)],
                        ssems[p])

                    @pl.when(c + 4 < cpw)
                    def _next():
                        pltpu.async_copy(
                            table_hbm.at[idx_v.at[c + 4]], gbuf.at[b],
                            gsems[b])
                return carry

            lax.fori_loop(0, cpw // 4, step, 0)
            for p in range(2):
                pltpu.make_async_copy(
                    cpk.at[p], out_hbm.at[pl.ds(ro, rows_pc)], ssems[p]).wait()

        @pl.when(cid == 0)
        def _c0():
            run(sid * ch0, ch0)

        @pl.when(cid == 1)
        def _c1():
            run(ns * ch0 + sid * ch1, ch1)

    return gk(table, idx2)


def _tc1_body(feat, xyzp, nbp_ref, t8, sd, m0, sha, shb, wfcbd, rmat,
              w1p, b1r, wattp, battp, wae, waf, bg1r, wbe, wbf,
              a_ref, bv_ref, enc_ref):
    nt = _NT
    xyz16 = xyzp[...]
    nbp = nbp_ref[...]
    cen1 = jnp.dot(xyz16, t8[...])
    cenp = jnp.broadcast_to(cen1[:, None, :], (nt, 2, 128)).reshape(nt * 2, 128)
    relp = cenp - nbp
    ssq = jnp.dot(relp * relp, sd[...])
    distp = jnp.sqrt(ssq + 1e-12)
    fx = distp * m0[...] + jnp.dot(cenp, sha[...]) + jnp.dot(nbp, shb[...])
    logits = jnp.dot(fx, wfcbd[...])
    e = jnp.exp(logits)
    s2 = jnp.sum(e.reshape(nt, 2, 128), axis=1)
    den = jnp.dot(s2, rmat[...])
    attn = e / jnp.broadcast_to(den[:, None, :], (nt, 2, 128)).reshape(nt * 2, 128)
    w = fx * attn
    fagg_rep = jnp.dot(jnp.sum(w.reshape(nt, 2, 128), axis=1), rmat[...])
    fagg = fagg_rep[:, :16]
    enc = jnp.maximum(jnp.dot(fagg, wattp[...]) + battp[...], 0.0)
    f_pc = jnp.maximum(
        lax.dot_general(feat[...], w1p[...], (((0,), (0,)), ((), ()))) + b1r[...],
        0.0)
    a_ref[...] = jnp.dot(enc, wae[...]) + jnp.dot(f_pc, waf[...]) + bg1r[...]
    bv_ref[...] = jnp.dot(enc, wbe[...]) + jnp.dot(f_pc, wbf[...])
    enc_ref[...] = enc


def _tc2_body(g_ref, a_ref, feat_ref, dup, wgpk, bg2r, w2, ws, bsum, out_ref):
    nt = _NT
    gp = g_ref[...]
    a = a_ref[...]
    aw = jnp.dot(a, dup[...])
    ap = jnp.broadcast_to(aw[:, None, :], (nt, 8, 128)).reshape(nt * 8, 128)
    h = jnp.maximum(gp + ap, 0.0)
    h2 = lax.dot_general(h, wgpk[...], (((1,), (0,)), ((), ())),
                         precision=lax.Precision.HIGHEST)
    m8 = jnp.max(h2.reshape(nt, 8, 256), axis=1)
    mx = jnp.maximum(jnp.maximum(m8[:, :128], m8[:, 128:]) + bg2r[...], 0.0)
    y = (lax.dot_general(mx, w2[...], (((1,), (1,)), ((), ())))
         + lax.dot_general(feat_ref[...], ws[...], (((0,), (1,)), ((), ())))
         + bsum[...])
    out_ref[...] = jnp.maximum(y, 0.2 * y)


def kernel(feature, xyz, neigh_idx, encode_list, W1, g1, b1, Wfc, Watt, gatt,
           batt, Wg1, gg1, bg1, Wg2, gg2, bg2, W2, g2, b2, Ws, gs, bs):
    del encode_list
    B, d_in, N, _ = feature.shape
    k = neigh_idx.shape[-1]
    npad = ((N + _NT - 1) // _NT) * _NT
    ep = npad * k
    s = 1.0 / np.sqrt(1.0 + _EPS)

    feat = feature[0, :, :, 0]
    featp = jnp.pad(feat, ((0, 0), (0, npad - N)))
    xyzt = jnp.pad(xyz[0], ((0, npad - N), (0, 125)))
    xyzp = jnp.pad(xyz[0], ((0, npad - N), (0, 13)))
    idx_flat = jnp.pad(neigh_idx[0], ((0, npad - N), (0, 0))).astype(
        jnp.int32).reshape(ep)

    w1p = (W1 * (g1 * s)[:, None]).T
    b1r = b1[None, :]
    m0_np = np.zeros((1, 128), np.float32)
    m0_np[0, 0::16] = 1.0
    rmat_np = np.zeros((128, 128), np.float32)
    t8_np = np.zeros((16, 128), np.float32)
    sd_np = np.zeros((128, 128), np.float32)
    sh1_np = np.zeros((128, 128), np.float32)
    sh4_np = np.zeros((128, 128), np.float32)
    sh7_np = np.zeros((128, 128), np.float32)
    for kb in range(8):
        o = 16 * kb
        for c in range(16):
            t8_np[c, o + c] = 1.0
        for c in range(3):
            sd_np[o + c, o] = 1.0
            sh1_np[o + c, o + 1 + c] = 1.0
            sh4_np[o + c, o + 4 + c] = 1.0
            sh7_np[o + c, o + 7 + c] = 1.0
    for i in range(128):
        for j in range(i % 16, 128, 16):
            rmat_np[i, j] = 1.0
    m0c = jnp.asarray(m0_np)
    rmat = jnp.asarray(rmat_np)
    t8 = jnp.asarray(t8_np)
    sd = jnp.asarray(sd_np)
    sha = jnp.asarray(sh1_np + sh4_np)
    shb = jnp.asarray(sh7_np - sh1_np)
    wfcp = jnp.zeros((16, 16), jnp.float32).at[:10, :10].set(Wfc.T)
    wfcbd = jax.scipy.linalg.block_diag(*([wfcp] * 8))
    wattf = Watt * (gatt * s)[:, None]
    wattp = jnp.zeros((16, 16), jnp.float32).at[:10, :10].set(wattf.T)
    battp = jnp.zeros((1, 16), jnp.float32).at[0, :10].set(batt)
    wg1f = Wg1 * (gg1 * s)[:, None]
    wa = wg1f[:, :74] - wg1f[:, 74:]
    wb = wg1f[:, 74:]
    wae = jnp.zeros((16, 64), jnp.float32).at[:10, :].set(wa[:, :10].T)
    waf = wa[:, 10:].T
    bg1r = bg1[None, :]
    wbe = jnp.zeros((16, 128), jnp.float32).at[:10, :64].set(wb[:, :10].T)
    wbf = jnp.zeros((64, 128), jnp.float32).at[:, :64].set(wb[:, 10:].T)
    wg2t = (Wg2 * (gg2 * s)[:, None]).T
    dup = jnp.asarray(np.tile(np.eye(64, dtype=np.float32), (1, 2)))
    wgpk = jax.scipy.linalg.block_diag(wg2t, wg2t)
    bg2r = bg2[None, :]
    w2f = W2 * (g2 * s)[:, None]
    wsf = Ws * (gs * s)[:, None]
    bsum = (b2 + bs)[None, :]

    nbp = _sc_gather_pack(xyzt, idx_flat, ep, 16)

    grid = npad // _NT
    wspec = lambda shape: pl.BlockSpec(shape, lambda i: (0, 0))
    a_arr, bv_arr, enc_arr = pl.pallas_call(
        _tc1_body,
        grid=(grid,),
        in_specs=[
            pl.BlockSpec((128, _NT), lambda i: (0, i)),
            pl.BlockSpec((_NT, 16), lambda i: (i, 0)),
            pl.BlockSpec((_NT * 2, 128), lambda i: (i, 0)),
            wspec((16, 128)), wspec((128, 128)), wspec((1, 128)),
            wspec((128, 128)), wspec((128, 128)), wspec((128, 128)),
            wspec((128, 128)),
            wspec((128, 64)), wspec((1, 64)),
            wspec((16, 16)), wspec((1, 16)),
            wspec((16, 64)), wspec((64, 64)), wspec((1, 64)), wspec((16, 128)),
            wspec((64, 128)),
        ],
        out_specs=[
            pl.BlockSpec((_NT, 64), lambda i: (i, 0)),
            pl.BlockSpec((_NT, 128), lambda i: (i, 0)),
            pl.BlockSpec((_NT, 16), lambda i: (i, 0)),
        ],
        out_shape=[
            jax.ShapeDtypeStruct((npad, 64), jnp.float32),
            jax.ShapeDtypeStruct((npad, 128), jnp.float32),
            jax.ShapeDtypeStruct((npad, 16), jnp.float32),
        ],
    )(featp, xyzp, nbp, t8, sd, m0c, sha, shb, wfcbd, rmat, w1p, b1r,
      wattp, battp, wae, waf, bg1r, wbe, wbf)

    gbp = _sc_gather_pack(bv_arr, idx_flat, ep, 64)

    out_pm = pl.pallas_call(
        _tc2_body,
        grid=(grid,),
        in_specs=[
            pl.BlockSpec((_NT * 8, 128), lambda i: (i, 0)),
            pl.BlockSpec((_NT, 64), lambda i: (i, 0)),
            pl.BlockSpec((128, _NT), lambda i: (0, i)),
            wspec((64, 128)), wspec((128, 256)), wspec((1, 128)),
            wspec((256, 128)), wspec((256, 128)), wspec((1, 256)),
        ],
        out_specs=pl.BlockSpec((_NT, 256), lambda i: (i, 0)),
        out_shape=jax.ShapeDtypeStruct((npad, 256), jnp.float32),
    )(gbp, a_arr, featp, dup, wgpk, bg2r, w2f, wsf, bsum)

    out = out_pm[:N].T[None, :, :, None]
    enc_out = enc_arr[:N, :10].T[None, :, :, None]
    return out, enc_out

# --- scband reference (transcript-rebuilt; emitter-appended) ---
"""Pipeline reference for scband-dilated-res-block-13804024889409 (READ-ONLY COPY).

The authoritative reference and input builder live on the scoring server;
editing this copy changes nothing except your own understanding.
"""

import jax, jax.numpy as jnp
import numpy as np

EPS = 1e-5

def _conv_bn(x, W, gamma, beta, act):
    # 1x1 Conv2d (no bias) + eval-mode BatchNorm (running_mean=0, running_var=1) + optional ReLU
    y = jnp.einsum('oc,bcnk->bonk', W, x)
    y = (y / jnp.sqrt(1.0 + EPS)) * gamma[None, :, None, None] + beta[None, :, None, None]
    if act == 'relu':
        y = jax.nn.relu(y)
    return y

def _gather_neighbour(pc, neigh_idx):
    # pc: (B, N, d), neigh_idx: (B, N, K) -> (B, N, K, d)
    B, N, d = pc.shape
    K = neigh_idx.shape[-1]
    idx = neigh_idx.reshape(B, N * K)
    feats = jnp.take_along_axis(pc, idx[:, :, None], axis=1)
    return feats.reshape(B, N, K, d)

def _forward(feature, xyz, neigh_idx, W1, g1, b1, Wfc, Watt, gatt, batt, Wg1, gg1, bg1, Wg2, gg2, bg2, W2, g2, b2, Ws, gs, bs):
    K = neigh_idx.shape[-1]
    # mlp1: d_in -> d_out//2
    f_pc = _conv_bn(feature, W1, g1, b1, 'relu')  # (B, 64, N, 1)
    # relative position encoding (10 channels)
    neighbor_xyz = _gather_neighbour(xyz, neigh_idx)          # (B, N, K, 3)
    xyz_tile = jnp.repeat(xyz[:, :, None, :], K, axis=2)       # (B, N, K, 3)
    relative_xyz = xyz_tile - neighbor_xyz
    relative_dis = jnp.sqrt(jnp.sum(relative_xyz ** 2, axis=-1, keepdims=True) + 1e-12)
    f_xyz = jnp.concatenate([relative_dis, relative_xyz, xyz_tile, neighbor_xyz], axis=-1)  # (B, N, K, 10)
    f_xyz = jnp.transpose(f_xyz, (0, 3, 1, 2))                 # (B, 10, N, K)
    # Att_pooling(10 -> 10)
    att = jnp.einsum('oc,bcnk->bonk', Wfc, f_xyz)
    att = jax.nn.softmax(att, axis=3)
    f_agg = jnp.sum(f_xyz * att, axis=3, keepdims=True)        # (B, 10, N, 1)
    f_agg = _conv_bn(f_agg, Watt, gatt, batt, 'relu')
    f_xyz_enc = jnp.squeeze(f_agg, -1)                         # (B, 10, N)
    feat_sq = jnp.squeeze(f_pc, -1)                            # (B, 64, N)
    f_concat = jnp.concatenate([f_xyz_enc, feat_sq], axis=1)   # (B, 74, N)
    # GNN: edge-conv message passing over neigh_idx, mlp_lst=[64, 128], max aggregation
    fT = jnp.transpose(f_concat, (0, 2, 1))                    # (B, N, 74)
    nb = _gather_neighbour(fT, neigh_idx)                      # (B, N, K, 74)
    center = jnp.repeat(fT[:, :, None, :], K, axis=2)
    edge = jnp.concatenate([center, nb - center], axis=-1)     # (B, N, K, 148)
    edge = jnp.transpose(edge, (0, 3, 1, 2))                   # (B, 148, N, K)
    h = _conv_bn(edge, Wg1, gg1, bg1, 'relu')                  # (B, 64, N, K)
    h = _conv_bn(h, Wg2, gg2, bg2, 'relu')                     # (B, 128, N, K)
    f_pc_agg = jnp.max(h, axis=3)                              # (B, 128, N)
    # mlp2 + shortcut + leaky relu
    f_pc2 = _conv_bn(f_pc_agg[..., None], W2, g2, b2, None)    # (B, 256, N, 1)
    shortcut = _conv_bn(feature, Ws, gs, bs, None)             # (B, 256, N, 1)
    out = jax.nn.leaky_relu(f_pc2 + shortcut, negative_slope=0.2)
    return out, f_xyz_enc[..., None]

def setup_inputs(seed: int = 0):
    key = jax.random.key(seed)
    ks = jax.random.split(key, 12)
    B, N, K = 1, 10000, 16
    d_in, d_out = 128, 128
    dh = d_out // 2
    c_in = 10 + dh  # 74
    inp = {}
    inp['feature'] = jax.random.normal(ks[0], (B, d_in, N, 1), dtype=jnp.float32)
    inp['xyz'] = jax.random.uniform(ks[1], (B, N, 3), dtype=jnp.float32)
    inp['neigh_idx'] = jax.random.randint(ks[2], (B, N, K), 0, N)
    inp['encode_list'] = jnp.zeros((0,), dtype=jnp.float32)
    inp['W1'] = 0.05 * jax.random.normal(ks[3], (dh, d_in), dtype=jnp.float32)
    inp['g1'] = jnp.ones((dh,), jnp.float32); inp['b1'] = jnp.zeros((dh,), jnp.float32)
    inp['Wfc'] = 0.05 * jax.random.normal(ks[4], (10, 10), dtype=jnp.float32)
    inp['Watt'] = 0.05 * jax.random.normal(ks[5], (10, 10), dtype=jnp.float32)
    inp['gatt'] = jnp.ones((10,), jnp.float32); inp['batt'] = jnp.zeros((10,), jnp.float32)
    inp['Wg1'] = 0.05 * jax.random.normal(ks[6], (64, 2 * c_in), dtype=jnp.float32)
    inp['gg1'] = jnp.ones((64,), jnp.float32); inp['bg1'] = jnp.zeros((64,), jnp.float32)
    inp['Wg2'] = 0.05 * jax.random.normal(ks[7], (128, 64), dtype=jnp.float32)
    inp['gg2'] = jnp.ones((128,), jnp.float32); inp['bg2'] = jnp.zeros((128,), jnp.float32)
    inp['W2'] = 0.05 * jax.random.normal(ks[8], (2 * d_out, d_out), dtype=jnp.float32)
    inp['g2'] = jnp.ones((2 * d_out,), jnp.float32); inp['b2'] = jnp.zeros((2 * d_out,), jnp.float32)
    inp['Ws'] = 0.05 * jax.random.normal(ks[9], (2 * d_out, d_in), dtype=jnp.float32)
    inp['gs'] = jnp.ones((2 * d_out,), jnp.float32); inp['bs'] = jnp.zeros((2 * d_out,), jnp.float32)
    return inp

def reference(feature, xyz, neigh_idx, encode_list, W1, g1, b1, Wfc, Watt, gatt, batt, Wg1, gg1, bg1, Wg2, gg2, bg2, W2, g2, b2, Ws, gs, bs):
    return _forward(feature, xyz, neigh_idx, W1, g1, b1, Wfc, Watt, gatt, batt, Wg1, gg1, bg1, Wg2, gg2, bg2, W2, g2, b2, Ws, gs, bs)

if __name__ == "__main__":
    import jax
    _d = setup_inputs()
    print(jax.jit(kernel)(*tuple(_d.values())))

</pallas_src>

<mosaic_0001>
#map = affine_map<(d0, d1) -> (0, 0)>
module attributes {stable_mosaic.version = 14 : i64} {
  func.func @gk(%arg0: i32, %arg1: i32, %arg2: memref<10240x128xf32, #tpu.memory_space<hbm>>, %arg3: memref<1280x128xi32, #tpu.memory_space<hbm>>, %arg4: memref<20480x128xf32, #tpu.memory_space<hbm>>, %arg5: memref<40x128xi32, #tpu.memory_space<vmem>>, %arg6: memref<4x128x128xf32, #tpu.memory_space<vmem>>, %arg7: memref<2x16x128xf32, #tpu.memory_space<vmem>>, %arg8: memref<!tpu.dma_semaphore, #tpu.memory_space<semaphore_mem>>, %arg9: memref<!tpu.dma_semaphore, #tpu.memory_space<semaphore_mem>>, %arg10: memref<!tpu.dma_semaphore, #tpu.memory_space<semaphore_mem>>, %arg11: memref<!tpu.dma_semaphore, #tpu.memory_space<semaphore_mem>>, %arg12: memref<!tpu.dma_semaphore, #tpu.memory_space<semaphore_mem>>, %arg13: memref<!tpu.dma_semaphore, #tpu.memory_space<semaphore_mem>>) attributes {dimension_semantics = [#tpu.dimension_semantics<core_parallel>, #tpu.dimension_semantics<subcore_parallel>], iteration_bounds = array<i64: 2, 16>, scalar_prefetch = 0 : i64, scratch_operands = 9 : i64, tpu.core_type = #tpu.core_type<sc_vector_subcore>, window_params = [{transform_indices = #map}, {transform_indices = #map}, {transform_indices = #map}]} {
    %eq3A = arith.constant 0 : i32
    %eq3A_0 = arith.cmpi eq, %arg0, %eq3A : i32
    %convert_element_type3A = arith.extui %eq3A_0 : i1 to i32
    %cond3A = arith.constant 0 : i32
    %cond3A_1 = arith.cmpi ne, %convert_element_type3A, %cond3A : i32
    scf.if %cond3A_1 {
      %mul3A = arith.constant 40 : i32
      %mul3A_7 = arith.muli %arg1, %mul3A : i32
      %mul3A_8 = arith.constant 16 : i32
      %mul3A_9 = arith.muli %mul3A_7, %mul3A_8 : i32
      "tpu.region"() ({
        %run_scoped3A = tpu.sem_alloc : memref<!tpu.dma_semaphore, #tpu.memory_space<semaphore_mem>>
        %dma_start3A_87 = arith.constant 0 : i32
        %dma_start3A_88 = arith.constant 0 : i32
        %dma_start3A_89 = tpu.memref_slice %arg5[%dma_start3A_87, %dma_start3A_88] : memref<40x128xi32, #tpu.memory_space<vmem>> -> memref<40x128xi32, #tpu.memory_space<vmem>>
        %dma_start3A_90 = arith.constant 0 : i32
        %dma_start3A_91 = tpu.memref_slice %arg3[%mul3A_7, %dma_start3A_90] : memref<1280x128xi32, #tpu.memory_space<hbm>> -> memref<40x128xi32, #tpu.memory_space<hbm>>
        %dma_start3A_92 = arith.constant 0 : i32
        %dma_start3A_93 = arith.constant 0 : i32
        %dma_start3A_94 = tpu.memref_slice %arg5[%dma_start3A_92, %dma_start3A_93] : memref<40x128xi32, #tpu.memory_space<vmem>> -> memref<40x128xi32, #tpu.memory_space<vmem>>
        %dma_start3A_95 = arith.constant 0 : i32
        %dma_start3A_96 = tpu.memref_slice %arg3[%mul3A_7, %dma_start3A_95] : memref<1280x128xi32, #tpu.memory_space<hbm>> -> memref<40x128xi32, #tpu.memory_space<hbm>>
        tpu.enqueue_dma source(%dma_start3A_96 : memref<40x128xi32, #tpu.memory_space<hbm>>) target(%dma_start3A_94 : memref<40x128xi32, #tpu.memory_space<vmem>>) target_semaphore(%run_scoped3A : memref<!tpu.dma_semaphore, #tpu.memory_space<semaphore_mem>>)
        %dma_wait3A_97 = arith.constant 0 : i32
        %dma_wait3A_98 = arith.constant 0 : i32
        %dma_wait3A_99 = tpu.memref_slice %arg5[%dma_wait3A_97, %dma_wait3A_98] : memref<40x128xi32, #tpu.memory_space<vmem>> -> memref<40x128xi32, #tpu.memory_space<vmem>>
        %dma_wait3A_100 = arith.constant 0 : i32
        %dma_wait3A_101 = tpu.memref_slice %arg3[%mul3A_7, %dma_wait3A_100] : memref<1280x128xi32, #tpu.memory_space<hbm>> -> memref<40x128xi32, #tpu.memory_space<hbm>>
        %dma_wait3A_102 = arith.constant 0 : i32
        %dma_wait3A_103 = arith.constant 0 : i32
        %dma_wait3A_104 = tpu.memref_slice %arg5[%dma_wait3A_102, %dma_wait3A_103] : memref<40x128xi32, #tpu.memory_space<vmem>> -> memref<40x128xi32, #tpu.memory_space<vmem>>
        %dma_wait3A_105 = arith.constant 0 : i32
        %dma_wait3A_106 = tpu.memref_slice %arg3[%mul3A_7, %dma_wait3A_105] : memref<1280x128xi32, #tpu.memory_space<hbm>> -> memref<40x128xi32, #tpu.memory_space<hbm>>
        tpu.wait_dma2 semaphore(%run_scoped3A : memref<!tpu.dma_semaphore, #tpu.memory_space<semaphore_mem>>) src(%dma_wait3A_106 : memref<40x128xi32, #tpu.memory_space<hbm>>) dst(%dma_wait3A_104 : memref<40x128xi32, #tpu.memory_space<vmem>>)
        tpu.yield
      }) : () -> ()
      %dma_start3A = arith.constant 0 : i32
      %dma_start3A_10 = arith.constant 0 : i32
      %dma_start3A_11 = arith.constant 0 : i32
      %dma_start3A_12 = arith.constant 0 : i32
      %dma_start3A_13 = tpu.memref_slice %arg6[%dma_start3A_10, %dma_start3A_11, %dma_start3A_12] : memref<4x128x128xf32, #tpu.memory_space<vmem>> -> memref<1x128x128xf32, #tpu.memory_space<vmem>>
      %dma_start3A_14 = tpu.memref_squeeze %dma_start3A_13 : memref<1x128x128xf32, #tpu.memory_space<vmem>> -> memref<128x128xf32, #tpu.memory_space<vmem>>
      %dma_start3A_15 = arith.constant 0 : i32
      %dma_start3A_16 = tpu.memref_slice %arg5[%dma_start3A, %dma_start3A_15] : memref<40x128xi32, #tpu.memory_space<vmem>> -> memref<1x128xi32, #tpu.memory_space<vmem>>
      %dma_start3A_17 = tpu.memref_squeeze %dma_start3A_16 : memref<1x128xi32, #tpu.memory_space<vmem>> -> memref<128xi32, #tpu.memory_space<vmem>>
      %dma_start3A_18 = arith.constant 0 : i32
      %dma_start3A_19 = arith.constant 0 : i32
      %dma_start3A_20 = tpu.memref_slice %arg2[%dma_start3A_18, %dma_start3A_19] : memref<10240x128xf32, #tpu.memory_space<hbm>> -> memref<10240x128xf32, #tpu.memory_space<hbm>>
      tpu.enqueue_indirect_dma source(%dma_start3A_20 : memref<10240x128xf32, #tpu.memory_space<hbm>>) target(%dma_start3A_14 : memref<128x128xf32, #tpu.memory_space<vmem>>) offsets(%dma_start3A_17 : memref<128xi32, #tpu.memory_space<vmem>>) semaphore(%arg8 : memref<!tpu.dma_semaphore, #tpu.memory_space<semaphore_mem>>)
      %dma_start3A_21 = arith.constant 1 : i32
      %dma_start3A_22 = arith.constant 1 : i32
      %dma_start3A_23 = arith.constant 0 : i32
      %dma_start3A_24 = arith.constant 0 : i32
      %dma_start3A_25 = tpu.memref_slice %arg6[%dma_start3A_22, %dma_start3A_23, %dma_start3A_24] : memref<4x128x128xf32, #tpu.memory_space<vmem>> -> memref<1x128x128xf32, #tpu.memory_space<vmem>>
      %dma_start3A_26 = tpu.memref_squeeze %dma_start3A_25 : memref<1x128x128xf32, #tpu.memory_space<vmem>> -> memref<128x128xf32, #tpu.memory_space<vmem>>
      %dma_start3A_27 = arith.constant 0 : i32
      %dma_start3A_28 = tpu.memref_slice %arg5[%dma_start3A_21, %dma_start3A_27] : memref<40x128xi32, #tpu.memory_space<vmem>> -> memref<1x128xi32, #tpu.memory_space<vmem>>
      %dma_start3A_29 = tpu.memref_squeeze %dma_start3A_28 : memref<1x128xi32, #tpu.memory_space<vmem>> -> memref<128xi32, #tpu.memory_space<vmem>>
      %dma_start3A_30 = arith.constant 0 : i32
      %dma_start3A_31 = arith.constant 0 : i32
      %dma_start3A_32 = tpu.memref_slice %arg2[%dma_start3A_30, %dma_start3A_31] : memref<10240x128xf32, #tpu.memory_space<hbm>> -> memref<10240x128xf32, #tpu.memory_space<hbm>>
      tpu.enqueue_indirect_dma source(%dma_start3A_32 : memref<10240x128xf32, #tpu.memory_space<hbm>>) target(%dma_start3A_26 : memref<128x128xf32, #tpu.memory_space<vmem>>) offsets(%dma_start3A_29 : memref<128xi32, #tpu.memory_space<vmem>>) semaphore(%arg9 : memref<!tpu.dma_semaphore, #tpu.memory_space<semaphore_mem>>)
      %dma_start3A_33 = arith.constant 2 : i32
      %dma_start3A_34 = arith.constant 2 : i32
      %dma_start3A_35 = arith.constant 0 : i32
      %dma_start3A_36 = arith.constant 0 : i32
      %dma_start3A_37 = tpu.memref_slice %arg6[%dma_start3A_34, %dma_start3A_35, %dma_start3A_36] : memref<4x128x128xf32, #tpu.memory_space<vmem>> -> memref<1x128x128xf32, #tpu.memory_space<vmem>>
      %dma_start3A_38 = tpu.memref_squeeze %dma_start3A_37 : memref<1x128x128xf32, #tpu.memory_space<vmem>> -> memref<128x128xf32, #tpu.memory_space<vmem>>
      %dma_start3A_39 = arith.constant 0 : i32
      %dma_start3A_40 = tpu.memref_slice %arg5[%dma_start3A_33, %dma_start3A_39] : memref<40x128xi32, #tpu.memory_space<vmem>> -> memref<1x128xi32, #tpu.memory_space<vmem>>
      %dma_start3A_41 = tpu.memref_squeeze %dma_start3A_40 : memref<1x128xi32, #tpu.memory_space<vmem>> -> memref<128xi32, #tpu.memory_space<vmem>>
      %dma_start3A_42 = arith.constant 0 : i32
      %dma_start3A_43 = arith.constant 0 : i32
      %dma_start3A_44 = tpu.memref_slice %arg2[%dma_start3A_42, %dma_start3A_43] : memref<10240x128xf32, #tpu.memory_space<hbm>> -> memref<10240x128xf32, #tpu.memory_space<hbm>>
      tpu.enqueue_indirect_dma source(%dma_start3A_44 : memref<10240x128xf32, #tpu.memory_space<hbm>>) target(%dma_start3A_38 : memref<128x128xf32, #tpu.memory_space<vmem>>) offsets(%dma_start3A_41 : memref<128xi32, #tpu.memory_space<vmem>>) semaphore(%arg10 : memref<!tpu.dma_semaphore, #tpu.memory_space<semaphore_mem>>)
      %dma_start3A_45 = arith.constant 3 : i32
      %dma_start3A_46 = arith.constant 3 : i32
      %dma_start3A_47 = arith.constant 0 : i32
      %dma_start3A_48 = arith.constant 0 : i32
      %dma_start3A_49 = tpu.memref_slice %arg6[%dma_start3A_46, %dma_start3A_47, %dma_start3A_48] : memref<4x128x128xf32, #tpu.memory_space<vmem>> -> memref<1x128x128xf32, #tpu.memory_space<vmem>>
      %dma_start3A_50 = tpu.memref_squeeze %dma_start3A_49 : memref<1x128x128xf32, #tpu.memory_space<vmem>> -> memref<128x128xf32, #tpu.memory_space<vmem>>
      %dma_start3A_51 = arith.constant 0 : i32
      %dma_start3A_52 = tpu.memref_slice %arg5[%dma_start3A_45, %dma_start3A_51] : memref<40x128xi32, #tpu.memory_space<vmem>> -> memref<1x128xi32, #tpu.memory_space<vmem>>
      %dma_start3A_53 = tpu.memref_squeeze %dma_start3A_52 : memref<1x128xi32, #tpu.memory_space<vmem>> -> memref<128xi32, #tpu.memory_space<vmem>>
      %dma_start3A_54 = arith.constant 0 : i32
      %dma_start3A_55 = arith.constant 0 : i32
      %dma_start3A_56 = tpu.memref_slice %arg2[%dma_start3A_54, %dma_start3A_55] : memref<10240x128xf32, #tpu.memory_space<hbm>> -> memref<10240x128xf32, #tpu.memory_space<hbm>>
      tpu.enqueue_indirect_dma source(%dma_start3A_56 : memref<10240x128xf32, #tpu.memory_space<hbm>>) target(%dma_start3A_50 : memref<128x128xf32, #tpu.memory_space<vmem>>) offsets(%dma_start3A_53 : memref<128xi32, #tpu.memory_space<vmem>>) semaphore(%arg11 : memref<!tpu.dma_semaphore, #tpu.memory_space<semaphore_mem>>)
      %scan3A = arith.constant 0 : i32
      %scan3A_57 = arith.constant 0 : i32
      %scan3A_58 = arith.constant 10 : i32
      %scan3A_59 = arith.addi %scan3A_57, %scan3A_58 : i32
      %scan3A_60 = arith.constant 1 : i32
      scf.for %scan3A_87 = %scan3A_57 to %scan3A_59 step %scan3A_60  : i32 {
        %mul3A_88 = arith.constant 4 : i32
        %mul3A_89 = arith.muli %mul3A_88, %scan3A_87 : i32
        %add3A = arith.constant 0 : i32
        %add3A_90 = arith.addi %mul3A_89, %add3A : i32
        %dma_wait3A_91 = arith.constant 0 : i32
        %dma_wait3A_92 = arith.constant 0 : i32
        %dma_wait3A_93 = arith.constant 0 : i32
        %dma_wait3A_94 = arith.constant 0 : i32
        %dma_wait3A_95 = tpu.memref_slice %arg6[%dma_wait3A_92, %dma_wait3A_93, %dma_wait3A_94] : memref<4x128x128xf32, #tpu.memory_space<vmem>> -> memref<1x128x128xf32, #tpu.memory_space<vmem>>
        %dma_wait3A_96 = tpu.memref_squeeze %dma_wait3A_95 : memref<1x128x128xf32, #tpu.memory_space<vmem>> -> memref<128x128xf32, #tpu.memory_space<vmem>>
        %dma_wait3A_97 = arith.constant 0 : i32
        %dma_wait3A_98 = tpu.memref_slice %arg5[%dma_wait3A_91, %dma_wait3A_97] : memref<40x128xi32, #tpu.memory_space<vmem>> -> memref<1x128xi32, #tpu.memory_space<vmem>>
        %dma_wait3A_99 = tpu.memref_squeeze %dma_wait3A_98 : memref<1x128xi32, #tpu.memory_space<vmem>> -> memref<128xi32, #tpu.memory_space<vmem>>
        %dma_wait3A_100 = arith.constant 0 : i32
        %dma_wait3A_101 = arith.constant 0 : i32
        %dma_wait3A_102 = tpu.memref_slice %arg2[%dma_wait3A_100, %dma_wait3A_101] : memref<10240x128xf32, #tpu.memory_space<hbm>> -> memref<10240x128xf32, #tpu.memory_space<hbm>>
        tpu.wait_indirect_dma semaphore(%arg8 : memref<!tpu.dma_semaphore, #tpu.memory_space<semaphore_mem>>) src(%dma_wait3A_102 : memref<10240x128xf32, #tpu.memory_space<hbm>>) dst(%dma_wait3A_96 : memref<128x128xf32, #tpu.memory_space<vmem>>)
        %ge3A = arith.constant 2 : i32
        %ge3A_103 = arith.cmpi sge, %add3A_90, %ge3A : i32
        %convert_element_type3A_104 = arith.extui %ge3A_103 : i1 to i32
        %cond3A_105 = arith.constant 0 : i32
        %cond3A_106 = arith.cmpi ne, %convert_element_type3A_104, %cond3A_105 : i32
        scf.if %cond3A_106 {
          %dma_wait3A_285 = arith.constant 0 : i32
          %dma_wait3A_286 = arith.constant 0 : i32
          %dma_wait3A_287 = arith.constant 0 : i32
          %dma_wait3A_288 = tpu.memref_slice %arg7[%dma_wait3A_285, %dma_wait3A_286, %dma_wait3A_287] : memref<2x16x128xf32, #tpu.memory_space<vmem>> -> memref<1x16x128xf32, #tpu.memory_space<vmem>>
          %dma_wait3A_289 = tpu.memref_squeeze %dma_wait3A_288 : memref<1x16x128xf32, #tpu.memory_space<vmem>> -> memref<16x128xf32, #tpu.memory_space<vmem>>
          %dma_wait3A_290 = arith.constant 0 : i32
          %dma_wait3A_291 = tpu.memref_slice %arg4[%mul3A_9, %dma_wait3A_290] : memref<20480x128xf32, #tpu.memory_space<hbm>> -> memref<16x128xf32, #tpu.memory_space<hbm>>
          %dma_wait3A_292 = arith.constant 0 : i32
          %dma_wait3A_293 = tpu.memref_slice %arg4[%mul3A_9, %dma_wait3A_292] : memref<20480x128xf32, #tpu.memory_space<hbm>> -> memref<16x128xf32, #tpu.memory_space<hbm>>
          %dma_wait3A_294 = arith.constant 0 : i32
          %dma_wait3A_295 = arith.constant 0 : i32
          %dma_wait3A_296 = tpu.memref_slice %arg7[%dma_wait3A_285, %dma_wait3A_294, %dma_wait3A_295] : memref<2x16x128xf32, #tpu.memory_space<vmem>> -> memref<1x16x128xf32, #tpu.memory_space<vmem>>
          %dma_wait3A_297 = tpu.memref_squeeze %dma_wait3A_296 : memref<1x16x128xf32, #tpu.memory_space<vmem>> -> memref<16x128xf32, #tpu.memory_space<vmem>>
          tpu.wait_dma2 semaphore(%arg12 : memref<!tpu.dma_semaphore, #tpu.memory_space<semaphore_mem>>) src(%dma_wait3A_297 : memref<16x128xf32, #tpu.memory_space<vmem>>) dst(%dma_wait3A_293 : memref<16x128xf32, #tpu.memory_space<hbm>>)
        } else {
        }
        %scan3A_107 = arith.constant 0 : i32
        %scan3A_108 = arith.constant 0 : i32
        %scan3A_109 = arith.constant 16 : i32
        %scan3A_110 = arith.addi %scan3A_108, %scan3A_109 : i32
        %scan3A_111 = arith.constant 1 : i32
        scf.for %scan3A_285 = %scan3A_108 to %scan3A_110 step %scan3A_111  : i32 {
          %mul3A_286 = arith.constant 8 : i32
          %mul3A_287 = arith.muli %mul3A_286, %scan3A_285 : i32
          %add3A_288 = arith.constant 0 : i32
          %add3A_289 = arith.addi %mul3A_287, %add3A_288 : i32
          %get3A = arith.constant 0 : i32
          %get3A_290 = arith.index_cast %get3A : i32 to index
          %get3A_291 = arith.index_cast %add3A_289 : i32 to index
          %get3A_292 = arith.constant 0 : index
          %get3A_293 = tpu.vector_load %arg6[%get3A_290, %get3A_291, %get3A_292] {strides = array<i32>} : memref<4x128x128xf32, #tpu.memory_space<vmem>>, vector<1x1x16xf32>,
          %get3A_294 = vector.shape_cast %get3A_293 : vector<1x1x16xf32> to vector<16xf32>
          %swap3A = arith.constant 0 : i32
          %swap3A_295 = arith.index_cast %swap3A : i32 to index
          %swap3A_296 = arith.index_cast %scan3A_285 : i32 to index
          %swap3A_297 = arith.constant 0 : index
          %swap3A_298 = tpu.vector_load %arg7[%swap3A_295, %swap3A_296, %swap3A_297] {strides = array<i32>} : memref<2x16x128xf32, #tpu.memory_space<vmem>>, vector<1x1x16xf32>,
          %swap3A_299 = vector.shape_cast %swap3A_298 : vector<1x1x16xf32> to vector<16xf32>
          %swap3A_300 = vector.shape_cast %get3A_294 : vector<16xf32> to vector<1x1x16xf32>
          tpu.vector_store %arg7[%swap3A_295, %swap3A_296, %swap3A_297], %swap3A_300 {strides = array<i32>} : memref<2x16x128xf32, #tpu.memory_space<vmem>>, vector<1x1x16xf32>,
          %mul3A_301 = arith.constant 8 : i32
          %mul3A_302 = arith.muli %mul3A_301, %scan3A_285 : i32
          %add3A_303 = arith.constant 1 : i32
          %add3A_304 = arith.addi %mul3A_302, %add3A_303 : i32
          %get3A_305 = arith.constant 0 : i32
          %get3A_306 = arith.index_cast %get3A_305 : i32 to index
          %get3A_307 = arith.index_cast %add3A_304 : i32 to index
          %get3A_308 = arith.constant 0 : index
          %get3A_309 = tpu.vector_load %arg6[%get3A_306, %get3A_307, %get3A_308] {strides = array<i32>} : memref<4x128x128xf32, #tpu.memory_space<vmem>>, vector<1x1x16xf32>,
          %get3A_310 = vector.shape_cast %get3A_309 : vector<1x1x16xf32> to vector<16xf32>
          %swap3A_311 = arith.constant 0 : i32
          %swap3A_312 = arith.index_cast %swap3A_311 : i32 to index
          %swap3A_313 = arith.index_cast %scan3A_285 : i32 to index
          %swap3A_314 = arith.constant 16 : index
          %swap3A_315 = tpu.vector_load %arg7[%swap3A_312, %swap3A_313, %swap3A_314] {strides = array<i32>} : memref<2x16x128xf32, #tpu.memory_space<vmem>>, vector<1x1x16xf32>,
          %swap3A_316 = vector.shape_cast %swap3A_315 : vector<1x1x16xf32> to vector<16xf32>
          %swap3A_317 = vector.shape_cast %get3A_310 : vector<16xf32> to vector<1x1x16xf32>
          tpu.vector_store %arg7[%swap3A_312, %swap3A_313, %swap3A_314], %swap3A_317 {strides = array<i32>} : memref<2x16x128xf32, #tpu.memory_space<vmem>>, vector<1x1x16xf32>,
          %mul3A_318 = arith.constant 8 : i32
          %mul3A_319 = arith.muli %mul3A_318, %scan3A_285 : i32
          %add3A_320 = arith.constant 2 : i32
          %add3A_321 = arith.addi %mul3A_319, %add3A_320 : i32
          %get3A_322 = arith.constant 0 : i32
          %get3A_323 = arith.index_cast %get3A_322 : i32 to index
          %get3A_324 = arith.index_cast %add3A_321 : i32 to index
          %get3A_325 = arith.constant 0 : index
          %get3A_326 = tpu.vector_load %arg6[%get3A_323, %get3A_324, %get3A_325] {strides = array<i32>} : memref<4x128x128xf32, #tpu.memory_space<vmem>>, vector<1x1x16xf32>,
          %get3A_327 = vector.shape_cast %get3A_326 : vector<1x1x16xf32> to vector<16xf32>
          %swap3A_328 = arith.constant 0 : i32
          %swap3A_329 = arith.index_cast %swap3A_328 : i32 to index
          %swap3A_330 = arith.index_cast %scan3A_285 : i32 to index
          %swap3A_331 = arith.constant 32 : index
          %swap3A_332 = tpu.vector_load %arg7[%swap3A_329, %swap3A_330, %swap3A_331] {strides = array<i32>} : memref<2x16x128xf32, #tpu.memory_space<vmem>>, vector<1x1x16xf32>,
          %swap3A_333 = vector.shape_cast %swap3A_332 : vector<1x1x16xf32> to vector<16xf32>
          %swap3A_334 = vector.shape_cast %get3A_327 : vector<16xf32> to vector<1x1x16xf32>
          tpu.vector_store %arg7[%swap3A_329, %swap3A_330, %swap3A_331], %swap3A_334 {strides = array<i32>} : memref<2x16x128xf32, #tpu.memory_space<vmem>>, vector<1x1x16xf32>,
          %mul3A_335 = arith.constant 8 : i32
          %mul3A_336 = arith.muli %mul3A_335, %scan3A_285 : i32
          %add3A_337 = arith.constant 3 : i32
          %add3A_338 = arith.addi %mul3A_336, %add3A_337 : i32
          %get3A_339 = arith.constant 0 : i32
          %get3A_340 = arith.index_cast %get3A_339 : i32 to index
          %get3A_341 = arith.index_cast %add3A_338 : i32 to index
          %get3A_342 = arith.constant 0 : index
          %get3A_343 = tpu.vector_load %arg6[%get3A_340, %get3A_341, %get3A_342] {strides = array<i32>} : memref<4x128x128xf32, #tpu.memory_space<vmem>>, vector<1x1x16xf32>,
          %get3A_344 = vector.shape_cast %get3A_343 : vector<1x1x16xf32> to vector<16xf32>
          %swap3A_345 = arith.constant 0 : i32
          %swap3A_346 = arith.index_cast %swap3A_345 : i32 to index
          %swap3A_347 = arith.index_cast %scan3A_285 : i32 to index
          %swap3A_348 = arith.constant 48 : index
          %swap3A_349 = tpu.vector_load %arg7[%swap3A_346, %swap3A_347, %swap3A_348] {strides = array<i32>} : memref<2x16x128xf32, #tpu.memory_space<vmem>>, vector<1x1x16xf32>,
          %swap3A_350 = vector.shape_cast %swap3A_349 : vector<1x1x16xf32> to vector<16xf32>
          %swap3A_351 = vector.shape_cast %get3A_344 : vector<16xf32> to vector<1x1x16xf32>
          tpu.vector_store %arg7[%swap3A_346, %swap3A_347, %swap3A_348], %swap3A_351 {strides = array<i32>} : memref<2x16x128xf32, #tpu.memory_space<vmem>>, vector<1x1x16xf32>,
          %mul3A_352 = arith.constant 8 : i32
          %mul3A_353 = arith.muli %mul3A_352, %scan3A_285 : i32
          %add3A_354 = arith.constant 4 : i32
          %add3A_355 = arith.addi %mul3A_353, %add3A_354 : i32
          %get3A_356 = arith.constant 0 : i32
          %get3A_357 = arith.index_cast %get3A_356 : i32 to index
          %get3A_358 = arith.index_cast %add3A_355 : i32 to index
          %get3A_359 = arith.constant 0 : index
          %get3A_360 = tpu.vector_load %arg6[%get3A_357, %get3A_358, %get3A_359] {strides = array<i32>} : memref<4x128x128xf32, #tpu.memory_space<vmem>>, vector<1x1x16xf32>,
          %get3A_361 = vector.shape_cast %get3A_360 : vector<1x1x16xf32> to vector<16xf32>
          %swap3A_362 = arith.constant 0 : i32
          %swap3A_363 = arith.index_cast %swap3A_362 : i32 to index
          %swap3A_364 = arith.index_cast %scan3A_285 : i32 to index
          %swap3A_365 = arith.constant 64 : index
          %swap3A_366 = tpu.vector_load %arg7[%swap3A_363, %swap3A_364, %swap3A_365] {strides = array<i32>} : memref<2x16x128xf32, #tpu.memory_space<vmem>>, vector<1x1x16xf32>,
          %swap3A_367 = vector.shape_cast %swap3A_366 : vector<1x1x16xf32> to vector<16xf32>
          %swap3A_368 = vector.shape_cast %get3A_361 : vector<16xf32> to vector<1x1x16xf32>
          tpu.vector_store %arg7[%swap3A_363, %swap3A_364, %swap3A_365], %swap3A_368 {strides = array<i32>} : memref<2x16x128xf32, #tpu.memory_space<vmem>>, vector<1x1x16xf32>,
          %mul3A_369 = arith.constant 8 : i32
          %mul3A_370 = arith.muli %mul3A_369, %scan3A_285 : i32
          %add3A_371 = arith.constant 5 : i32
          %add3A_372 = arith.addi %mul3A_370, %add3A_371 : i32
          %get3A_373 = arith.constant 0 : i32
          %get3A_374 = arith.index_cast %get3A_373 : i32 to index
          %get3A_375 = arith.index_cast %add3A_372 : i32 to index
          %get3A_376 = arith.constant 0 : index
          %get3A_377 = tpu.vector_load %arg6[%get3A_374, %get3A_375, %get3A_376] {strides = array<i32>} : memref<4x128x128xf32, #tpu.memory_space<vmem>>, vector<1x1x16xf32>,
          %get3A_378 = vector.shape_cast %get3A_377 : vector<1x1x16xf32> to vector<16xf32>
          %swap3A_379 = arith.constant 0 : i32
          %swap3A_380 = arith.index_cast %swap3A_379 : i32 to index
          %swap3A_381 = arith.index_cast %scan3A_285 : i32 to index
          %swap3A_382 = arith.constant 80 : index
          %swap3A_383 = tpu.vector_load %arg7[%swap3A_380, %swap3A_381, %swap3A_382] {strides = array<i32>} : memref<2x16x128xf32, #tpu.memory_space<vmem>>, vector<1x1x16xf32>,
          %swap3A_384 = vector.shape_cast %swap3A_383 : vector<1x1x16xf32> to vector<16xf32>
          %swap3A_385 = vector.shape_cast %get3A_378 : vector<16xf32> to vector<1x1x16xf32>
          tpu.vector_store %arg7[%swap3A_380, %swap3A_381, %swap3A_382], %swap3A_385 {strides = array<i32>} : memref<2x16x128xf32, #tpu.memory_space<vmem>>, vector<1x1x16xf32>,
          %mul3A_386 = arith.constant 8 : i32
          %mul3A_387 = arith.muli %mul3A_386, %scan3A_285 : i32
          %add3A_388 = arith.constant 6 : i32
          %add3A_389 = arith.addi %mul3A_387, %add3A_388 : i32
          %get3A_390 = arith.constant 0 : i32
          %get3A_391 = arith.index_cast %get3A_390 : i32 to index
          %get3A_392 = arith.index_cast %add3A_389 : i32 to index
          %get3A_393 = arith.constant 0 : index
          %get3A_394 = tpu.vector_load %arg6[%get3A_391, %get3A_392, %get3A_393] {strides = array<i32>} : memref<4x128x128xf32, #tpu.memory_space<vmem>>, vector<1x1x16xf32>,
          %get3A_395 = vector.shape_cast %get3A_394 : vector<1x1x16xf32> to vector<16xf32>
          %swap3A_396 = arith.constant 0 : i32
          %swap3A_397 = arith.index_cast %swap3A_396 : i32 to index
          %swap3A_398 = arith.index_cast %scan3A_285 : i32 to index
          %swap3A_399 = arith.constant 96 : index
          %swap3A_400 = tpu.vector_load %arg7[%swap3A_397, %swap3A_398, %swap3A_399] {strides = array<i32>} : memref<2x16x128xf32, #tpu.memory_space<vmem>>, vector<1x1x16xf32>,
          %swap3A_401 = vector.shape_cast %swap3A_400 : vector<1x1x16xf32> to vector<16xf32>
          %swap3A_402 = vector.shape_cast %get3A_395 : vector<16xf32> to vector<1x1x16xf32>
          tpu.vector_store %arg7[%swap3A_397, %swap3A_398, %swap3A_399], %swap3A_402 {strides = array<i32>} : memref<2x16x128xf32, #tpu.memory_space<vmem>>, vector<1x1x16xf32>,
          %mul3A_403 = arith.constant 8 : i32
          %mul3A_404 = arith.muli %mul3A_403, %scan3A_285 : i32
          %add3A_405 = arith.constant 7 : i32
          %add3A_406 = arith.addi %mul3A_404, %add3A_405 : i32
          %get3A_407 = arith.constant 0 : i32
          %get3A_408 = arith.index_cast %get3A_407 : i32 to index
          %get3A_409 = arith.index_cast %add3A_406 : i32 to index
          %get3A_410 = arith.constant 0 : index
          %get3A_411 = tpu.vector_load %arg6[%get3A_408, %get3A_409, %get3A_410] {strides = array<i32>} : memref<4x128x128xf32, #tpu.memory_space<vmem>>, vector<1x1x16xf32>,
          %get3A_412 = vector.shape_cast %get3A_411 : vector<1x1x16xf32> to vector<16xf32>
          %swap3A_413 = arith.constant 0 : i32
          %swap3A_414 = arith.index_cast %swap3A_413 : i32 to index
          %swap3A_415 = arith.index_cast %scan3A_285 : i32 to index
          %swap3A_416 = arith.constant 112 : index
          %swap3A_417 = tpu.vector_load %arg7[%swap3A_414, %swap3A_415, %swap3A_416] {strides = array<i32>} : memref<2x16x128xf32, #tpu.memory_space<vmem>>, vector<1x1x16xf32>,
          %swap3A_418 = vector.shape_cast %swap3A_417 : vector<1x1x16xf32> to vector<16xf32>
          %swap3A_419 = vector.shape_cast %get3A_412 : vector<16xf32> to vector<1x1x16xf32>
          tpu.vector_store %arg7[%swap3A_414, %swap3A_415, %swap3A_416], %swap3A_419 {strides = array<i32>} : memref<2x16x128xf32, #tpu.memory_space<vmem>>, vector<1x1x16xf32>,
        }
        %scan3A_112 = arith.constant 16 : i32
        %mul3A_113 = arith.constant 16 : i32
        %mul3A_114 = arith.muli %add3A_90, %mul3A_113 : i32
        %add3A_115 = arith.addi %mul3A_9, %mul3A_114 : i32
        %dma_start3A_116 = arith.constant 0 : i32
        %dma_start3A_117 = arith.constant 0 : i32
        %dma_start3A_118 = arith.constant 0 : i32
        %dma_start3A_119 = tpu.memref_slice %arg7[%dma_start3A_116, %dma_start3A_117, %dma_start3A_118] : memref<2x16x128xf32, #tpu.memory_space<vmem>> -> memref<1x16x128xf32, #tpu.memory_space<vmem>>
        %dma_start3A_120 = tpu.memref_squeeze %dma_start3A_119 : memref<1x16x128xf32, #tpu.memory_space<vmem>> -> memref<16x128xf32, #tpu.memory_space<vmem>>
        %dma_start3A_121 = arith.constant 0 : i32
        %dma_start3A_122 = tpu.memref_slice %arg4[%add3A_115, %dma_start3A_121] : memref<20480x128xf32, #tpu.memory_space<hbm>> -> memref<16x128xf32, #tpu.memory_space<hbm>>
        %dma_start3A_123 = arith.constant 0 : i32
        %dma_start3A_124 = tpu.memref_slice %arg4[%add3A_115, %dma_start3A_123] : memref<20480x128xf32, #tpu.memory_space<hbm>> -> memref<16x128xf32, #tpu.memory_space<hbm>>
        %dma_start3A_125 = arith.constant 0 : i32
        %dma_start3A_126 = arith.constant 0 : i32
        %dma_start3A_127 = tpu.memref_slice %arg7[%dma_start3A_116, %dma_start3A_125, %dma_start3A_126] : memref<2x16x128xf32, #tpu.memory_space<vmem>> -> memref<1x16x128xf32, #tpu.memory_space<vmem>>
        %dma_start3A_128 = tpu.memref_squeeze %dma_start3A_127 : memref<1x16x128xf32, #tpu.memory_space<vmem>> -> memref<16x128xf32, #tpu.memory_space<vmem>>
        tpu.enqueue_dma source(%dma_start3A_128 : memref<16x128xf32, #tpu.memory_space<vmem>>) target(%dma_start3A_124 : memref<16x128xf32, #tpu.memory_space<hbm>>) target_semaphore(%arg12 : memref<!tpu.dma_semaphore, #tpu.memory_space<semaphore_mem>>)
        %add3A_129 = arith.constant 4 : i32
        %add3A_130 = arith.addi %add3A_90, %add3A_129 : i32
        %lt3A = arith.constant 40 : i32
        %lt3A_131 = arith.cmpi slt, %add3A_130, %lt3A : i32
        %convert_element_type3A_132 = arith.extui %lt3A_131 : i1 to i32
        %cond3A_133 = arith.constant 0 : i32
        %cond3A_134 = arith.cmpi ne, %convert_element_type3A_132, %cond3A_133 : i32
        scf.if %cond3A_134 {
          %add3A_285 = arith.constant 4 : i32
          %add3A_286 = arith.addi %add3A_90, %add3A_285 : i32
          %dma_start3A_287 = arith.constant 0 : i32
          %dma_start3A_288 = arith.constant 0 : i32
          %dma_start3A_289 = arith.constant 0 : i32
          %dma_start3A_290 = tpu.memref_slice %arg6[%dma_start3A_287, %dma_start3A_288, %dma_start3A_289] : memref<4x128x128xf32, #tpu.memory_space<vmem>> -> memref<1x128x128xf32, #tpu.memory_space<vmem>>
          %dma_start3A_291 = tpu.memref_squeeze %dma_start3A_290 : memref<1x128x128xf32, #tpu.memory_space<vmem>> -> memref<128x128xf32, #tpu.memory_space<vmem>>
          %dma_start3A_292 = arith.constant 0 : i32
          %dma_start3A_293 = tpu.memref_slice %arg5[%add3A_286, %dma_start3A_292] : memref<40x128xi32, #tpu.memory_space<vmem>> -> memref<1x128xi32, #tpu.memory_space<vmem>>
          %dma_start3A_294 = tpu.memref_squeeze %dma_start3A_293 : memref<1x128xi32, #tpu.memory_space<vmem>> -> memref<128xi32, #tpu.memory_space<vmem>>
          %dma_start3A_295 = arith.constant 0 : i32
          %dma_start3A_296 = arith.constant 0 : i32
          %dma_start3A_297 = tpu.memref_slice %arg2[%dma_start3A_295, %dma_start3A_296] : memref<10240x128xf32, #tpu.memory_space<hbm>> -> memref<10240x128xf32, #tpu.memory_space<hbm>>
          tpu.enqueue_indirect_dma source(%dma_start3A_297 : memref<10240x128xf32, #tpu.memory_space<hbm>>) target(%dma_start3A_291 : memref<128x128xf32, #tpu.memory_space<vmem>>) offsets(%dma_start3A_294 : memref<128xi32, #tpu.memory_space<vmem>>) semaphore(%arg8 : memref<!tpu.dma_semaphore, #tpu.memory_space<semaphore_mem>>)
        } else {
        }
        %mul3A_135 = arith.constant 4 : i32
        %mul3A_136 = arith.muli %mul3A_135, %scan3A_87 : i32
        %add3A_137 = arith.constant 1 : i32
        %add3A_138 = arith.addi %mul3A_136, %add3A_137 : i32
        %dma_wait3A_139 = arith.constant 0 : i32
        %dma_wait3A_140 = arith.constant 1 : i32
        %dma_wait3A_141 = arith.constant 0 : i32
        %dma_wait3A_142 = arith.constant 0 : i32
        %dma_wait3A_143 = tpu.memref_slice %arg6[%dma_wait3A_140, %dma_wait3A_141, %dma_wait3A_142] : memref<4x128x128xf32, #tpu.memory_space<vmem>> -> memref<1x128x128xf32, #tpu.memory_space<vmem>>
        %dma_wait3A_144 = tpu.memref_squeeze %dma_wait3A_143 : memref<1x128x128xf32, #tpu.memory_space<vmem>> -> memref<128x128xf32, #tpu.memory_space<vmem>>
        %dma_wait3A_145 = arith.constant 0 : i32
        %dma_wait3A_146 = tpu.memref_slice %arg5[%dma_wait3A_139, %dma_wait3A_145] : memref<40x128xi32, #tpu.memory_space<vmem>> -> memref<1x128xi32, #tpu.memory_space<vmem>>
        %dma_wait3A_147 = tpu.memref_squeeze %dma_wait3A_146 : memref<1x128xi32, #tpu.memory_space<vmem>> -> memref<128xi32, #tpu.memory_space<vmem>>
        %dma_wait3A_148 = arith.constant 0 : i32
        %dma_wait3A_149 = arith.constant 0 : i32
        %dma_wait3A_150 = tpu.memref_slice %arg2[%dma_wait3A_148, %dma_wait3A_149] : memref<10240x128xf32, #tpu.memory_space<hbm>> -> memref<10240x128xf32, #tpu.memory_space<hbm>>
        tpu.wait_indirect_dma semaphore(%arg9 : memref<!tpu.dma_semaphore, #tpu.memory_space<semaphore_mem>>) src(%dma_wait3A_150 : memref<10240x128xf32, #tpu.memory_space<hbm>>) dst(%dma_wait3A_144 : memref<128x128xf32, #tpu.memory_space<vmem>>)
        %ge3A_151 = arith.constant 2 : i32
        %ge3A_152 = arith.cmpi sge, %add3A_138, %ge3A_151 : i32
        %convert_element_type3A_153 = arith.extui %ge3A_152 : i1 to i32
        %cond3A_154 = arith.constant 0 : i32
        %cond3A_155 = arith.cmpi ne, %convert_element_type3A_153, %cond3A_154 : i32
        scf.if %cond3A_155 {
          %dma_wait3A_285 = arith.constant 1 : i32
          %dma_wait3A_286 = arith.constant 0 : i32
          %dma_wait3A_287 = arith.constant 0 : i32
          %dma_wait3A_288 = tpu.memref_slice %arg7[%dma_wait3A_285, %dma_wait3A_286, %dma_wait3A_287] : memref<2x16x128xf32, #tpu.memory_space<vmem>> -> memref<1x16x128xf32, #tpu.memory_space<vmem>>
          %dma_wait3A_289 = tpu.memref_squeeze %dma_wait3A_288 : memref<1x16x128xf32, #tpu.memory_space<vmem>> -> memref<16x128xf32, #tpu.memory_space<vmem>>
          %dma_wait3A_290 = arith.constant 0 : i32
          %dma_wait3A_291 = tpu.memref_slice %arg4[%mul3A_9, %dma_wait3A_290] : memref<20480x128xf32, #tpu.memory_space<hbm>> -> memref<16x128xf32, #tpu.memory_space<hbm>>
          %dma_wait3A_292 = arith.constant 0 : i32
          %dma_wait3A_293 = tpu.memref_slice %arg4[%mul3A_9, %dma_wait3A_292] : memref<20480x128xf32, #tpu.memory_space<hbm>> -> memref<16x128xf32, #tpu.memory_space<hbm>>
          %dma_wait3A_294 = arith.constant 0 : i32
          %dma_wait3A_295 = arith.constant 0 : i32
          %dma_wait3A_296 = tpu.memref_slice %arg7[%dma_wait3A_285, %dma_wait3A_294, %dma_wait3A_295] : memref<2x16x128xf32, #tpu.memory_space<vmem>> -> memref<1x16x128xf32, #tpu.memory_space<vmem>>
          %dma_wait3A_297 = tpu.memref_squeeze %dma_wait3A_296 : memref<1x16x128xf32, #tpu.memory_space<vmem>> -> memref<16x128xf32, #tpu.memory_space<vmem>>
          tpu.wait_dma2 semaphore(%arg13 : memref<!tpu.dma_semaphore, #tpu.memory_space<semaphore_mem>>) src(%dma_wait3A_297 : memref<16x128xf32, #tpu.memory_space<vmem>>) dst(%dma_wait3A_293 : memref<16x128xf32, #tpu.memory_space<hbm>>)
        } else {
        }
        %scan3A_156 = arith.constant 0 : i32
        %scan3A_157 = arith.constant 0 : i32
        %scan3A_158 = arith.constant 16 : i32
        %scan3A_159 = arith.addi %scan3A_157, %scan3A_158 : i32
        %scan3A_160 = arith.constant 1 : i32
        scf.for %scan3A_285 = %scan3A_157 to %scan3A_159 step %scan3A_160  : i32 {
          %mul3A_286 = arith.constant 8 : i32
          %mul3A_287 = arith.muli %mul3A_286, %scan3A_285 : i32
          %add3A_288 = arith.constant 0 : i32
          %add3A_289 = arith.addi %mul3A_287, %add3A_288 : i32
          %get3A = arith.constant 1 : i32
          %get3A_290 = arith.index_cast %get3A : i32 to index
          %get3A_291 = arith.index_cast %add3A_289 : i32 to index
          %get3A_292 = arith.constant 0 : index
          %get3A_293 = tpu.vector_load %arg6[%get3A_290, %get3A_291, %get3A_292] {strides = array<i32>} : memref<4x128x128xf32, #tpu.memory_space<vmem>>, vector<1x1x16xf32>,
          %get3A_294 = vector.shape_cast %get3A_293 : vector<1x1x16xf32> to vector<16xf32>
          %swap3A = arith.constant 1 : i32
          %swap3A_295 = arith.index_cast %swap3A : i32 to index
          %swap3A_296 = arith.index_cast %scan3A_285 : i32 to index
          %swap3A_297 = arith.constant 0 : index
          %swap3A_298 = tpu.vector_load %arg7[%swap3A_295, %swap3A_296, %swap3A_297] {strides = array<i32>} : memref<2x16x128xf32, #tpu.memory_space<vmem>>, vector<1x1x16xf32>,
          %swap3A_299 = vector.shape_cast %swap3A_298 : vector<1x1x16xf32> to vector<16xf32>
          %swap3A_300 = vector.shape_cast %get3A_294 : vector<16xf32> to vector<1x1x16xf32>
          tpu.vector_store %arg7[%swap3A_295, %swap3A_296, %swap3A_297], %swap3A_300 {strides = array<i32>} : memref<2x16x128xf32, #tpu.memory_space<vmem>>, vector<1x1x16xf32>,
          %mul3A_301 = arith.constant 8 : i32
          %mul3A_302 = arith.muli %mul3A_301, %scan3A_285 : i32
          %add3A_303 = arith.constant 1 : i32
          %add3A_304 = arith.addi %mul3A_302, %add3A_303 : i32
          %get3A_305 = arith.constant 1 : i32
          %get3A_306 = arith.index_cast %get3A_305 : i32 to index
          %get3A_307 = arith.index_cast %add3A_304 : i32 to index
          %get3A_308 = arith.constant 0 : index
          %get3A_309 = tpu.vector_load %arg6[%get3A_306, %get3A_307, %get3A_308] {strides = array<i32>} : memref<4x128x128xf32, #tpu.memory_space<vmem>>, vector<1x1x16xf32>,
          %get3A_310 = vector.shape_cast %get3A_309 : vector<1x1x16xf32> to vector<16xf32>
          %swap3A_311 = arith.constant 1 : i32
          %swap3A_312 = arith.index_cast %swap3A_311 : i32 to index
          %swap3A_313 = arith.index_cast %scan3A_285 : i32 to index
          %swap3A_314 = arith.constant 16 : index
          %swap3A_315 = tpu.vector_load %arg7[%swap3A_312, %swap3A_313, %swap3A_314] {strides = array<i32>} : memref<2x16x128xf32, #tpu.memory_space<vmem>>, vector<1x1x16xf32>,
          %swap3A_316 = vector.shape_cast %swap3A_315 : vector<1x1x16xf32> to vector<16xf32>
          %swap3A_317 = vector.shape_cast %get3A_310 : vector<16xf32> to vector<1x1x16xf32>
          tpu.vector_store %arg7[%swap3A_312, %swap3A_313, %swap3A_314], %swap3A_317 {strides = array<i32>} : memref<2x16x128xf32, #tpu.memory_space<vmem>>, vector<1x1x16xf32>,
          %mul3A_318 = arith.constant 8 : i32
          %mul3A_319 = arith.muli %mul3A_318, %scan3A_285 : i32
          %add3A_320 = arith.constant 2 : i32
          %add3A_321 = arith.addi %mul3A_319, %add3A_320 : i32
          %get3A_322 = arith.constant 1 : i32
          %get3A_323 = arith.index_cast %get3A_322 : i32 to index
          %get3A_324 = arith.index_cast %add3A_321 : i32 to index
          %get3A_325 = arith.constant 0 : index
          %get3A_326 = tpu.vector_load %arg6[%get3A_323, %get3A_324, %get3A_325] {strides = array<i32>} : memref<4x128x128xf32, #tpu.memory_space<vmem>>, vector<1x1x16xf32>,
          %get3A_327 = vector.shape_cast %get3A_326 : vector<1x1x16xf32> to vector<16xf32>
          %swap3A_328 = arith.constant 1 : i32
          %swap3A_329 = arith.index_cast %swap3A_328 : i32 to index
          %swap3A_330 = arith.index_cast %scan3A_285 : i32 to index
          %swap3A_331 = arith.constant 32 : index
          %swap3A_332 = tpu.vector_load %arg7[%swap3A_329, %swap3A_330, %swap3A_331] {strides = array<i32>} : memref<2x16x128xf32, #tpu.memory_space<vmem>>, vector<1x1x16xf32>,
          %swap3A_333 = vector.shape_cast %swap3A_332 : vector<1x1x16xf32> to vector<16xf32>
          %swap3A_334 = vector.shape_cast %get3A_327 : vector<16xf32> to vector<1x1x16xf32>
          tpu.vector_store %arg7[%swap3A_329, %swap3A_330, %swap3A_331], %swap3A_334 {strides = array<i32>} : memref<2x16x128xf32, #tpu.memory_space<vmem>>, vector<1x1x16xf32>,
          %mul3A_335 = arith.constant 8 : i32
          %mul3A_336 = arith.muli %mul3A_335, %scan3A_285 : i32
          %add3A_337 = arith.constant 3 : i32
          %add3A_338 = arith.addi %mul3A_336, %add3A_337 : i32
          %get3A_339 = arith.constant 1 : i32
          %get3A_340 = arith.index_cast %get3A_339 : i32 to index
          %get3A_341 = arith.index_cast %add3A_338 : i32 to index
          %get3A_342 = arith.constant 0 : index
          %get3A_343 = tpu.vector_load %arg6[%get3A_340, %get3A_341, %get3A_342] {strides = array<i32>} : memref<4x128x128xf32, #tpu.memory_space<vmem>>, vector<1x1x16xf32>,
          %get3A_344 = vector.shape_cast %get3A_343 : vector<1x1x16xf32> to vector<16xf32>
          %swap3A_345 = arith.constant 1 : i32
          %swap3A_346 = arith.index_cast %swap3A_345 : i32 to index
          %swap3A_347 = arith.index_cast %scan3A_285 : i32 to index
          %swap3A_348 = arith.constant 48 : index
          %swap3A_349 = tpu.vector_load %arg7[%swap3A_346, %swap3A_347, %swap3A_348] {strides = array<i32>} : memref<2x16x128xf32, #tpu.memory_space<vmem>>, vector<1x1x16xf32>,
          %swap3A_350 = vector.shape_cast %swap3A_349 : vector<1x1x16xf32> to vector<16xf32>
          %swap3A_351 = vector.shape_cast %get3A_344 : vector<16xf32> to vector<1x1x16xf32>
          tpu.vector_store %arg7[%swap3A_346, %swap3A_347, %swap3A_348], %swap3A_351 {strides = array<i32>} : memref<2x16x128xf32, #tpu.memory_space<vmem>>, vector<1x1x16xf32>,
          %mul3A_352 = arith.constant 8 : i32
          %mul3A_353 = arith.muli %mul3A_352, %scan3A_285 : i32
          %add3A_354 = arith.constant 4 : i32
          %add3A_355 = arith.addi %mul3A_353, %add3A_354 : i32
          %get3A_356 = arith.constant 1 : i32
          %get3A_357 = arith.index_cast %get3A_356 : i32 to index
          %get3A_358 = arith.index_cast %add3A_355 : i32 to index
          %get3A_359 = arith.constant 0 : index
          %get3A_360 = tpu.vector_load %arg6[%get3A_357, %get3A_358, %get3A_359] {strides = array<i32>} : memref<4x128x128xf32, #tpu.memory_space<vmem>>, vector<1x1x16xf32>,
          %get3A_361 = vector.shape_cast %get3A_360 : vector<1x1x16xf32> to vector<16xf32>
          %swap3A_362 = arith.constant 1 : i32
          %swap3A_363 = arith.index_cast %swap3A_362 : i32 to index
          %swap3A_364 = arith.index_cast %scan3A_285 : i32 to index
          %swap3A_365 = arith.constant 64 : index
          %swap3A_366 = tpu.vector_load %arg7[%swap3A_363, %swap3A_364, %swap3A_365] {strides = array<i32>} : memref<2x16x128xf32, #tpu.memory_space<vmem>>, vector<1x1x16xf32>,
          %swap3A_367 = vector.shape_cast %swap3A_366 : vector<1x1x16xf32> to vector<16xf32>
          %swap3A_368 = vector.shape_cast %get3A_361 : vector<16xf32> to vector<1x1x16xf32>
          tpu.vector_store %arg7[%swap3A_363, %swap3A_364, %swap3A_365], %swap3A_368 {strides = array<i32>} : memref<2x16x128xf32, #tpu.memory_space<vmem>>, vector<1x1x16xf32>,
          %mul3A_369 = arith.constant 8 : i32
          %mul3A_370 = arith.muli %mul3A_369, %scan3A_285 : i32
          %add3A_371 = arith.constant 5 : i32
          %add3A_372 = arith.addi %mul3A_370, %add3A_371 : i32
          %get3A_373 = arith.constant 1 : i32
          %get3A_374 = arith.index_cast %get3A_373 : i32 to index
          %get3A_375 = arith.index_cast %add3A_372 : i32 to index
          %get3A_376 = arith.constant 0 : index
          %get3A_377 = tpu.vector_load %arg6[%get3A_374, %get3A_375, %get3A_376] {strides = array<i32>} : memref<4x128x128xf32, #tpu.memory_space<vmem>>, vector<1x1x16xf32>,
          %get3A_378 = vector.shape_cast %get3A_377 : vector<1x1x16xf32> to vector<16xf32>
          %swap3A_379 = arith.constant 1 : i32
          %swap3A_380 = arith.index_cast %swap3A_379 : i32 to index
          %swap3A_381 = arith.index_cast %scan3A_285 : i32 to index
          %swap3A_382 = arith.constant 80 : index
          %swap3A_383 = tpu.vector_load %arg7[%swap3A_380, %swap3A_381, %swap3A_382] {strides = array<i32>} : memref<2x16x128xf32, #tpu.memory_space<vmem>>, vector<1x1x16xf32>,
          %swap3A_384 = vector.shape_cast %swap3A_383 : vector<1x1x16xf32> to vector<16xf32>
          %swap3A_385 = vector.shape_cast %get3A_378 : vector<16xf32> to vector<1x1x16xf32>
          tpu.vector_store %arg7[%swap3A_380, %swap3A_381, %swap3A_382], %swap3A_385 {strides = array<i32>} : memref<2x16x128xf32, #tpu.memory_space<vmem>>, vector<1x1x16xf32>,
          %mul3A_386 = arith.constant 8 : i32
          %mul3A_387 = arith.muli %mul3A_386, %scan3A_285 : i32
          %add3A_388 = arith.constant 6 : i32
          %add3A_389 = arith.addi %mul3A_387, %add3A_388 : i32
          %get3A_390 = arith.constant 1 : i32
          %get3A_391 = arith.index_cast %get3A_390 : i32 to index
          %get3A_392 = arith.index_cast %add3A_389 : i32 to index
          %get3A_393 = arith.constant 0 : index
          %get3A_394 = tpu.vector_load %arg6[%get3A_391, %get3A_392, %get3A_393] {strides = array<i32>} : memref<4x128x128xf32, #tpu.memory_space<vmem>>, vector<1x1x16xf32>,
          %get3A_395 = vector.shape_cast %get3A_394 : vector<1x1x16xf32> to vector<16xf32>
          %swap3A_396 = arith.constant 1 : i32
          %swap3A_397 = arith.index_cast %swap3A_396 : i32 to index
          %swap3A_398 = arith.index_cast %scan3A_285 : i32 to index
          %swap3A_399 = arith.constant 96 : index
          %swap3A_400 = tpu.vector_load %arg7[%swap3A_397, %swap3A_398, %swap3A_399] {strides = array<i32>} : memref<2x16x128xf32, #tpu.memory_space<vmem>>, vector<1x1x16xf32>,
          %swap3A_401 = vector.shape_cast %swap3A_400 : vector<1x1x16xf32> to vector<16xf32>
          %swap3A_402 = vector.shape_cast %get3A_395 : vector<16xf32> to vector<1x1x16xf32>
          tpu.vector_store %arg7[%swap3A_397, %swap3A_398, %swap3A_399], %swap3A_402 {strides = array<i32>} : memref<2x16x128xf32, #tpu.memory_space<vmem>>, vector<1x1x16xf32>,
          %mul3A_403 = arith.constant 8 : i32
          %mul3A_404 = arith.muli %mul3A_403, %scan3A_285 : i32
          %add3A_405 = arith.constant 7 : i32
          %add3A_406 = arith.addi %mul3A_404, %add3A_405 : i32
          %get3A_407 = arith.constant 1 : i32
          %get3A_408 = arith.index_cast %get3A_407 : i32 to index
          %get3A_409 = arith.index_cast %add3A_406 : i32 to index
          %get3A_410 = arith.constant 0 : index
          %get3A_411 = tpu.vector_load %arg6[%get3A_408, %get3A_409, %get3A_410] {strides = array<i32>} : memref<4x128x128xf32, #tpu.memory_space<vmem>>, vector<1x1x16xf32>,
          %get3A_412 = vector.shape_cast %get3A_411 : vector<1x1x16xf32> to vector<16xf32>
          %swap3A_413 = arith.constant 1 : i32
          %swap3A_414 = arith.index_cast %swap3A_413 : i32 to index
          %swap3A_415 = arith.index_cast %scan3A_285 : i32 to index
          %swap3A_416 = arith.constant 112 : index
          %swap3A_417 = tpu.vector_load %arg7[%swap3A_414, %swap3A_415, %swap3A_416] {strides = array<i32>} : memref<2x16x128xf32, #tpu.memory_space<vmem>>, vector<1x1x16xf32>,
          %swap3A_418 = vector.shape_cast %swap3A_417 : vector<1x1x16xf32> to vector<16xf32>
          %swap3A_419 = vector.shape_cast %get3A_412 : vector<16xf32> to vector<1x1x16xf32>
          tpu.vector_store %arg7[%swap3A_414, %swap3A_415, %swap3A_416], %swap3A_419 {strides = array<i32>} : memref<2x16x128xf32, #tpu.memory_space<vmem>>, vector<1x1x16xf32>,
        }
        %scan3A_161 = arith.constant 16 : i32
        %mul3A_162 = arith.constant 16 : i32
        %mul3A_163 = arith.muli %add3A_138, %mul3A_162 : i32
        %add3A_164 = arith.addi %mul3A_9, %mul3A_163 : i32
        %dma_start3A_165 = arith.constant 1 : i32
        %dma_start3A_166 = arith.constant 0 : i32
        %dma_start3A_167 = arith.constant 0 : i32
        %dma_start3A_168 = tpu.memref_slice %arg7[%dma_start3A_165, %dma_start3A_166, %dma_start3A_167] : memref<2x16x128xf32, #tpu.memory_space<vmem>> -> memref<1x16x128xf32, #tpu.memory_space<vmem>>
        %dma_start3A_169 = tpu.memref_squeeze %dma_start3A_168 : memref<1x16x128xf32, #tpu.memory_space<vmem>> -> memref<16x128xf32, #tpu.memory_space<vmem>>
        %dma_start3A_170 = arith.constant 0 : i32
        %dma_start3A_171 = tpu.memref_slice %arg4[%add3A_164, %dma_start3A_170] : memref<20480x128xf32, #tpu.memory_space<hbm>> -> memref<16x128xf32, #tpu.memory_space<hbm>>
        %dma_start3A_172 = arith.constant 0 : i32
        %dma_start3A_173 = tpu.memref_slice %arg4[%add3A_164, %dma_start3A_172] : memref<20480x128xf32, #tpu.memory_space<hbm>> -> memref<16x128xf32, #tpu.memory_space<hbm>>
        %dma_start3A_174 = arith.constant 0 : i32
        %dma_start3A_175 = arith.constant 0 : i32
        %dma_start3A_176 = tpu.memref_slice %arg7[%dma_start3A_165, %dma_start3A_174, %dma_start3A_175] : memref<2x16x128xf32, #tpu.memory_space<vmem>> -> memref<1x16x128xf32, #tpu.memory_space<vmem>>
        %dma_start3A_177 = tpu.memref_squeeze %dma_start3A_176 : memref<1x16x128xf32, #tpu.memory_space<vmem>> -> memref<16x128xf32, #tpu.memory_space<vmem>>
        tpu.enqueue_dma source(%dma_start3A_177 : memref<16x128xf32, #tpu.memory_space<vmem>>) target(%dma_start3A_173 : memref<16x128xf32, #tpu.memory_space<hbm>>) target_semaphore(%arg13 : memref<!tpu.dma_semaphore, #tpu.memory_space<semaphore_mem>>)
        %add3A_178 = arith.constant 4 : i32
        %add3A_179 = arith.addi %add3A_138, %add3A_178 : i32
        %lt3A_180 = arith.constant 40 : i32
        %lt3A_181 = arith.cmpi slt, %add3A_179, %lt3A_180 : i32
        %convert_element_type3A_182 = arith.extui %lt3A_181 : i1 to i32
        %cond3A_183 = arith.constant 0 : i32
        %cond3A_184 = arith.cmpi ne, %convert_element_type3A_182, %cond3A_183 : i32
        scf.if %cond3A_184 {
          %add3A_285 = arith.constant 4 : i32
          %add3A_286 = arith.addi %add3A_138, %add3A_285 : i32
          %dma_start3A_287 = arith.constant 1 : i32
          %dma_start3A_288 = arith.constant 0 : i32
          %dma_start3A_289 = arith.constant 0 : i32
          %dma_start3A_290 = tpu.memref_slice %arg6[%dma_start3A_287, %dma_start3A_288, %dma_start3A_289] : memref<4x128x128xf32, #tpu.memory_space<vmem>> -> memref<1x128x128xf32, #tpu.memory_space<vmem>>
          %dma_start3A_291 = tpu.memref_squeeze %dma_start3A_290 : memref<1x128x128xf32, #tpu.memory_space<vmem>> -> memref<128x128xf32, #tpu.memory_space<vmem>>
          %dma_start3A_292 = arith.constant 0 : i32
          %dma_start3A_293 = tpu.memref_slice %arg5[%add3A_286, %dma_start3A_292] : memref<40x128xi32, #tpu.memory_space<vmem>> -> memref<1x128xi32, #tpu.memory_space<vmem>>
          %dma_start3A_294 = tpu.memref_squeeze %dma_start3A_293 : memref<1x128xi32, #tpu.memory_space<vmem>> -> memref<128xi32, #tpu.memory_space<vmem>>
          %dma_start3A_295 = arith.constant 0 : i32
          %dma_start3A_296 = arith.constant 0 : i32
          %dma_start3A_297 = tpu.memref_slice %arg2[%dma_start3A_295, %dma_start3A_296] : memref<10240x128xf32, #tpu.memory_space<hbm>> -> memref<10240x128xf32, #tpu.memory_space<hbm>>
          tpu.enqueue_indirect_dma source(%dma_start3A_297 : memref<10240x128xf32, #tpu.memory_space<hbm>>) target(%dma_start3A_291 : memref<128x128xf32, #tpu.memory_space<vmem>>) offsets(%dma_start3A_294 : memref<128xi32, #tpu.memory_space<vmem>>) semaphore(%arg9 : memref<!tpu.dma_semaphore, #tpu.memory_space<semaphore_mem>>)
        } else {
        }
        %mul3A_185 = arith.constant 4 : i32
        %mul3A_186 = arith.muli %mul3A_185, %scan3A_87 : i32
        %add3A_187 = arith.constant 2 : i32
        %add3A_188 = arith.addi %mul3A_186, %add3A_187 : i32
        %dma_wait3A_189 = arith.constant 0 : i32
        %dma_wait3A_190 = arith.constant 2 : i32
        %dma_wait3A_191 = arith.constant 0 : i32
        %dma_wait3A_192 = arith.constant 0 : i32
        %dma_wait3A_193 = tpu.memref_slice %arg6[%dma_wait3A_190, %dma_wait3A_191, %dma_wait3A_192] : memref<4x128x128xf32, #tpu.memory_space<vmem>> -> memref<1x128x128xf32, #tpu.memory_space<vmem>>
        %dma_wait3A_194 = tpu.memref_squeeze %dma_wait3A_193 : memref<1x128x128xf32, #tpu.memory_space<vmem>> -> memref<128x128xf32, #tpu.memory_space<vmem>>
        %dma_wait3A_195 = arith.constant 0 : i32
        %dma_wait3A_196 = tpu.memref_slice %arg5[%dma_wait3A_189, %dma_wait3A_195] : memref<40x128xi32, #tpu.memory_space<vmem>> -> memref<1x128xi32, #tpu.memory_space<vmem>>
        %dma_wait3A_197 = tpu.memref_squeeze %dma_wait3A_196 : memref<1x128xi32, #tpu.memory_space<vmem>> -> memref<128xi32, #tpu.memory_space<vmem>>
        %dma_wait3A_198 = arith.constant 0 : i32
        %dma_wait3A_199 = arith.constant 0 : i32
        %dma_wait3A_200 = tpu.memref_slice %arg2[%dma_wait3A_198, %dma_wait3A_199] : memref<10240x128xf32, #tpu.memory_space<hbm>> -> memref<10240x128xf32, #tpu.memory_space<hbm>>
        tpu.wait_indirect_dma semaphore(%arg10 : memref<!tpu.dma_semaphore, #tpu.memory_space<semaphore_mem>>) src(%dma_wait3A_200 : memref<10240x128xf32, #tpu.memory_space<hbm>>) dst(%dma_wait3A_194 : memref<128x128xf32, #tpu.memory_space<vmem>>)
        %ge3A_201 = arith.constant 2 : i32
        %ge3A_202 = arith.cmpi sge, %add3A_188, %ge3A_201 : i32
        %convert_element_type3A_203 = arith.extui %ge3A_202 : i1 to i32
        %cond3A_204 = arith.constant 0 : i32
        %cond3A_205 = arith.cmpi ne, %convert_element_type3A_203, %cond3A_204 : i32
        scf.if %cond3A_205 {
          %dma_wait3A_285 = arith.constant 0 : i32
          %dma_wait3A_286 = arith.constant 0 : i32
          %dma_wait3A_287 = arith.constant 0 : i32
          %dma_wait3A_288 = tpu.memref_slice %arg7[%dma_wait3A_285, %dma_wait3A_286, %dma_wait3A_287] : memref<2x16x128xf32, #tpu.memory_space<vmem>> -> memref<1x16x128xf32, #tpu.memory_space<vmem>>
          %dma_wait3A_289 = tpu.memref_squeeze %dma_wait3A_288 : memref<1x16x128xf32, #tpu.memory_space<vmem>> -> memref<16x128xf32, #tpu.memory_space<vmem>>
          %dma_wait3A_290 = arith.constant 0 : i32
          %dma_wait3A_291 = tpu.memref_slice %arg4[%mul3A_9, %dma_wait3A_290] : memref<20480x128xf32, #tpu.memory_space<hbm>> -> memref<16x128xf32, #tpu.memory_space<hbm>>
          %dma_wait3A_292 = arith.constant 0 : i32
          %dma_wait3A_293 = tpu.memref_slice %arg4[%mul3A_9, %dma_wait3A_292] : memref<20480x128xf32, #tpu.memory_space<hbm>> -> memref<16x128xf32, #tpu.memory_space<hbm>>
          %dma_wait3A_294 = arith.constant 0 : i32
          %dma_wait3A_295 = arith.constant 0 : i32
          %dma_wait3A_296 = tpu.memref_slice %arg7[%dma_wait3A_285, %dma_wait3A_294, %dma_wait3A_295] : memref<2x16x128xf32, #tpu.memory_space<vmem>> -> memref<1x16x128xf32, #tpu.memory_space<vmem>>
          %dma_wait3A_297 = tpu.memref_squeeze %dma_wait3A_296 : memref<1x16x128xf32, #tpu.memory_space<vmem>> -> memref<16x128xf32, #tpu.memory_space<vmem>>
          tpu.wait_dma2 semaphore(%arg12 : memref<!tpu.dma_semaphore, #tpu.memory_space<semaphore_mem>>) src(%dma_wait3A_297 : memref<16x128xf32, #tpu.memory_space<vmem>>) dst(%dma_wait3A_293 : memref<16x128xf32, #tpu.memory_space<hbm>>)
        } else {
        }
        %scan3A_206 = arith.constant 0 : i32
        %scan3A_207 = arith.constant 0 : i32
        %scan3A_208 = arith.constant 16 : i32
        %scan3A_209 = arith.addi %scan3A_207, %scan3A_208 : i32
        %scan3A_210 = arith.constant 1 : i32
        scf.for %scan3A_285 = %scan3A_207 to %scan3A_209 step %scan3A_210  : i32 {
          %mul3A_286 = arith.constant 8 : i32
          %mul3A_287 = arith.muli %mul3A_286, %scan3A_285 : i32
          %add3A_288 = arith.constant 0 : i32
          %add3A_289 = arith.addi %mul3A_287, %add3A_288 : i32
          %get3A = arith.constant 2 : i32
          %get3A_290 = arith.index_cast %get3A : i32 to index
          %get3A_291 = arith.index_cast %add3A_289 : i32 to index
          %get3A_292 = arith.constant 0 : index
          %get3A_293 = tpu.vector_load %arg6[%get3A_290, %get3A_291, %get3A_292] {strides = array<i32>} : memref<4x128x128xf32, #tpu.memory_space<vmem>>, vector<1x1x16xf32>,
          %get3A_294 = vector.shape_cast %get3A_293 : vector<1x1x16xf32> to vector<16xf32>
          %swap3A = arith.constant 0 : i32
          %swap3A_295 = arith.index_cast %swap3A : i32 to index
          %swap3A_296 = arith.index_cast %scan3A_285 : i32 to index
          %swap3A_297 = arith.constant 0 : index
          %swap3A_298 = tpu.vector_load %arg7[%swap3A_295, %swap3A_296, %swap3A_297] {strides = array<i32>} : memref<2x16x128xf32, #tpu.memory_space<vmem>>, vector<1x1x16xf32>,
          %swap3A_299 = vector.shape_cast %swap3A_298 : vector<1x1x16xf32> to vector<16xf32>
          %swap3A_300 = vector.shape_cast %get3A_294 : vector<16xf32> to vector<1x1x16xf32>
          tpu.vector_store %arg7[%swap3A_295, %swap3A_296, %swap3A_297], %swap3A_300 {strides = array<i32>} : memref<2x16x128xf32, #tpu.memory_space<vmem>>, vector<1x1x16xf32>,
          %mul3A_301 = arith.constant 8 : i32
          %mul3A_302 = arith.muli %mul3A_301, %scan3A_285 : i32
          %add3A_303 = arith.constant 1 : i32
          %add3A_304 = arith.addi %mul3A_302, %add3A_303 : i32
          %get3A_305 = arith.constant 2 : i32
          %get3A_306 = arith.index_cast %get3A_305 : i32 to index
          %get3A_307 = arith.index_cast %add3A_304 : i32 to index
          %get3A_308 = arith.constant 0 : index
          %get3A_309 = tpu.vector_load %arg6[%get3A_306, %get3A_307, %get3A_308] {strides = array<i32>} : memref<4x128x128xf32, #tpu.memory_space<vmem>>, vector<1x1x16xf32>,
          %get3A_310 = vector.shape_cast %get3A_309 : vector<1x1x16xf32> to vector<16xf32>
          %swap3A_311 = arith.constant 0 : i32
          %swap3A_312 = arith.index_cast %swap3A_311 : i32 to index
          %swap3A_313 = arith.index_cast %scan3A_285 : i32 to index
          %swap3A_314 = arith.constant 16 : index
          %swap3A_315 = tpu.vector_load %arg7[%swap3A_312, %swap3A_313, %swap3A_314] {strides = array<i32>} : memref<2x16x128xf32, #tpu.memory_space<vmem>>, vector<1x1x16xf32>,
          %swap3A_316 = vector.shape_cast %swap3A_315 : vector<1x1x16xf32> to vector<16xf32>
          %swap3A_317 = vector.shape_cast %get3A_310 : vector<16xf32> to vector<1x1x16xf32>
          tpu.vector_store %arg7[%swap3A_312, %swap3A_313, %swap3A_314], %swap3A_317 {strides = array<i32>} : memref<2x16x128xf32, #tpu.memory_space<vmem>>, vector<1x1x16xf32>,
          %mul3A_318 = arith.constant 8 : i32
          %mul3A_319 = arith.muli %mul3A_318, %scan3A_285 : i32
          %add3A_320 = arith.constant 2 : i32
          %add3A_321 = arith.addi %mul3A_319, %add3A_320 : i32
          %get3A_322 = arith.constant 2 : i32
          %get3A_323 = arith.index_cast %get3A_322 : i32 to index
          %get3A_324 = arith.index_cast %add3A_321 : i32 to index
          %get3A_325 = arith.constant 0 : index
          %get3A_326 = tpu.vector_load %arg6[%get3A_323, %get3A_324, %get3A_325] {strides = array<i32>} : memref<4x128x128xf32, #tpu.memory_space<vmem>>, vector<1x1x16xf32>,
          %get3A_327 = vector.shape_cast %get3A_326 : vector<1x1x16xf32> to vector<16xf32>
          %swap3A_328 = arith.constant 0 : i32
          %swap3A_329 = arith.index_cast %swap3A_328 : i32 to index
          %swap3A_330 = arith.index_cast %scan3A_285 : i32 to index
          %swap3A_331 = arith.constant 32 : index
          %swap3A_332 = tpu.vector_load %arg7[%swap3A_329, %swap3A_330, %swap3A_331] {strides = array<i32>} : memref<2x16x128xf32, #tpu.memory_space<vmem>>, vector<1x1x16xf32>,
          %swap3A_333 = vector.shape_cast %swap3A_332 : vector<1x1x16xf32> to vector<16xf32>
          %swap3A_334 = vector.shape_cast %get3A_327 : vector<16xf32> to vector<1x1x16xf32>
          tpu.vector_store %arg7[%swap3A_329, %swap3A_330, %swap3A_331], %swap3A_334 {strides = array<i32>} : memref<2x16x128xf32, #tpu.memory_space<vmem>>, vector<1x1x16xf32>,
          %mul3A_335 = arith.constant 8 : i32
          %mul3A_336 = arith.muli %mul3A_335, %scan3A_285 : i32
          %add3A_337 = arith.constant 3 : i32
          %add3A_338 = arith.addi %mul3A_336, %add3A_337 : i32
          %get3A_339 = arith.constant 2 : i32
          %get3A_340 = arith.index_cast %get3A_339 : i32 to index
          %get3A_341 = arith.index_cast %add3A_338 : i32 to index
          %get3A_342 = arith.constant 0 : index
          %get3A_343 = tpu.vector_load %arg6[%get3A_340, %get3A_341, %get3A_342] {strides = array<i32>} : memref<4x128x128xf32, #tpu.memory_space<vmem>>, vector<1x1x16xf32>,
          %get3A_344 = vector.shape_cast %get3A_343 : vector<1x1x16xf32> to vector<16xf32>
          %swap3A_345 = arith.constant 0 : i32
          %swap3A_346 = arith.index_cast %swap3A_345 : i32 to index
          %swap3A_347 = arith.index_cast %scan3A_285 : i32 to index
          %swap3A_348 = arith.constant 48 : index
          %swap3A_349 = tpu.vector_load %arg7[%swap3A_346, %swap3A_347, %swap3A_348] {strides = array<i32>} : memref<2x16x128xf32, #tpu.memory_space<vmem>>, vector<1x1x16xf32>,
          %swap3A_350 = vector.shape_cast %swap3A_349 : vector<1x1x16xf32> to vector<16xf32>
          %swap3A_351 = vector.shape_cast %get3A_344 : vector<16xf32> to vector<1x1x16xf32>
          tpu.vector_store %arg7[%swap3A_346, %swap3A_347, %swap3A_348], %swap3A_351 {strides = array<i32>} : memref<2x16x128xf32, #tpu.memory_space<vmem>>, vector<1x1x16xf32>,
          %mul3A_352 = arith.constant 8 : i32
          %mul3A_353 = arith.muli %mul3A_352, %scan3A_285 : i32
          %add3A_354 = arith.constant 4 : i32
          %add3A_355 = arith.addi %mul3A_353, %add3A_354 : i32
          %get3A_356 = arith.constant 2 : i32
          %get3A_357 = arith.index_cast %get3A_356 : i32 to index
          %get3A_358 = arith.index_cast %add3A_355 : i32 to index
          %get3A_359 = arith.constant 0 : index
          %get3A_360 = tpu.vector_load %arg6[%get3A_357, %get3A_358, %get3A_359] {strides = array<i32>} : memref<4x128x128xf32, #tpu.memory_space<vmem>>, vector<1x1x16xf32>,
          %get3A_361 = vector.shape_cast %get3A_360 : vector<1x1x16xf32> to vector<16xf32>
          %swap3A_362 = arith.constant 0 : i32
          %swap3A_363 = arith.index_cast %swap3A_362 : i32 to index
          %swap3A_364 = arith.index_cast %scan3A_285 : i32 to index
          %swap3A_365 = arith.constant 64 : index
          %swap3A_366 = tpu.vector_load %arg7[%swap3A_363, %swap3A_364, %swap3A_365] {strides = array<i32>} : memref<2x16x128xf32, #tpu.memory_space<vmem>>, vector<1x1x16xf32>,
          %swap3A_367 = vector.shape_cast %swap3A_366 : vector<1x1x16xf32> to vector<16xf32>
          %swap3A_368 = vector.shape_cast %get3A_361 : vector<16xf32> to vector<1x1x16xf32>
          tpu.vector_store %arg7[%swap3A_363, %swap3A_364, %swap3A_365], %swap3A_368 {strides = array<i32>} : memref<2x16x128xf32, #tpu.memory_space<vmem>>, vector<1x1x16xf32>,
          %mul3A_369 = arith.constant 8 : i32
          %mul3A_370 = arith.muli %mul3A_369, %scan3A_285 : i32
          %add3A_371 = arith.constant 5 : i32
          %add3A_372 = arith.addi %mul3A_370, %add3A_371 : i32
          %get3A_373 = arith.constant 2 : i32
          %get3A_374 = arith.index_cast %get3A_373 : i32 to index
          %get3A_375 = arith.index_cast %add3A_372 : i32 to index
          %get3A_376 = arith.constant 0 : index
          %get3A_377 = tpu.vector_load %arg6[%get3A_374, %get3A_375, %get3A_376] {strides = array<i32>} : memref<4x128x128xf32, #tpu.memory_space<vmem>>, vector<1x1x16xf32>,
          %get3A_378 = vector.shape_cast %get3A_377 : vector<1x1x16xf32> to vector<16xf32>
          %swap3A_379 = arith.constant 0 : i32
          %swap3A_380 = arith.index_cast %swap3A_379 : i32 to index
          %swap3A_381 = arith.index_cast %scan3A_285 : i32 to index
          %swap3A_382 = arith.constant 80 : index
          %swap3A_383 = tpu.vector_load %arg7[%swap3A_380, %swap3A_381, %swap3A_382] {strides = array<i32>} : memref<2x16x128xf32, #tpu.memory_space<vmem>>, vector<1x1x16xf32>,
          %swap3A_384 = vector.shape_cast %swap3A_383 : vector<1x1x16xf32> to vector<16xf32>
          %swap3A_385 = vector.shape_cast %get3A_378 : vector<16xf32> to vector<1x1x16xf32>
          tpu.vector_store %arg7[%swap3A_380, %swap3A_381, %swap3A_382], %swap3A_385 {strides = array<i32>} : memref<2x16x128xf32, #tpu.memory_space<vmem>>, vector<1x1x16xf32>,
          %mul3A_386 = arith.constant 8 : i32
          %mul3A_387 = arith.muli %mul3A_386, %scan3A_285 : i32
          %add3A_388 = arith.constant 6 : i32
          %add3A_389 = arith.addi %mul3A_387, %add3A_388 : i32
          %get3A_390 = arith.constant 2 : i32
          %get3A_391 = arith.index_cast %get3A_390 : i32 to index
          %get3A_392 = arith.index_cast %add3A_389 : i32 to index
          %get3A_393 = arith.constant 0 : index
          %get3A_394 = tpu.vector_load %arg6[%get3A_391, %get3A_392, %get3A_393] {strides = array<i32>} : memref<4x128x128xf32, #tpu.memory_space<vmem>>, vector<1x1x16xf32>,
          %get3A_395 = vector.shape_cast %get3A_394 : vector<1x1x16xf32> to vector<16xf32>
          %swap3A_396 = arith.constant 0 : i32
          %swap3A_397 = arith.index_cast %swap3A_396 : i32 to index
          %swap3A_398 = arith.index_cast %scan3A_285 : i32 to index
          %swap3A_399 = arith.constant 96 : index
          %swap3A_400 = tpu.vector_load %arg7[%swap3A_397, %swap3A_398, %swap3A_399] {strides = array<i32>} : memref<2x16x128xf32, #tpu.memory_space<vmem>>, vector<1x1x16xf32>,
          %swap3A_401 = vector.shape_cast %swap3A_400 : vector<1x1x16xf32> to vector<16xf32>
          %swap3A_402 = vector.shape_cast %get3A_395 : vector<16xf32> to vector<1x1x16xf32>
          tpu.vector_store %arg7[%swap3A_397, %swap3A_398, %swap3A_399], %swap3A_402 {strides = array<i32>} : memref<2x16x128xf32, #tpu.memory_space<vmem>>, vector<1x1x16xf32>,
          %mul3A_403 = arith.constant 8 : i32
          %mul3A_404 = arith.muli %mul3A_403, %scan3A_285 : i32
          %add3A_405 = arith.constant 7 : i32
          %add3A_406 = arith.addi %mul3A_404, %add3A_405 : i32
          %get3A_407 = arith.constant 2 : i32
          %get3A_408 = arith.index_cast %get3A_407 : i32 to index
          %get3A_409 = arith.index_cast %add3A_406 : i32 to index
          %get3A_410 = arith.constant 0 : index
          %get3A_411 = tpu.vector_load %arg6[%get3A_408, %get3A_409, %get3A_410] {strides = array<i32>} : memref<4x128x128xf32, #tpu.memory_space<vmem>>, vector<1x1x16xf32>,
          %get3A_412 = vector.shape_cast %get3A_411 : vector<1x1x16xf32> to vector<16xf32>
          %swap3A_413 = arith.constant 0 : i32
          %swap3A_414 = arith.index_cast %swap3A_413 : i32 to index
          %swap3A_415 = arith.index_cast %scan3A_285 : i32 to index
          %swap3A_416 = arith.constant 112 : index
          %swap3A_417 = tpu.vector_load %arg7[%swap3A_414, %swap3A_415, %swap3A_416] {strides = array<i32>} : memref<2x16x128xf32, #tpu.memory_space<vmem>>, vector<1x1x16xf32>,
          %swap3A_418 = vector.shape_cast %swap3A_417 : vector<1x1x16xf32> to vector<16xf32>
          %swap3A_419 = vector.shape_cast %get3A_412 : vector<16xf32> to vector<1x1x16xf32>
          tpu.vector_store %arg7[%swap3A_414, %swap3A_415, %swap3A_416], %swap3A_419 {strides = array<i32>} : memref<2x16x128xf32, #tpu.memory_space<vmem>>, vector<1x1x16xf32>,
        }
        %scan3A_211 = arith.constant 16 : i32
        %mul3A_212 = arith.constant 16 : i32
        %mul3A_213 = arith.muli %add3A_188, %mul3A_212 : i32
        %add3A_214 = arith.addi %mul3A_9, %mul3A_213 : i32
        %dma_start3A_215 = arith.constant 0 : i32
        %dma_start3A_216 = arith.constant 0 : i32
        %dma_start3A_217 = arith.constant 0 : i32
        %dma_start3A_218 = tpu.memref_slice %arg7[%dma_start3A_215, %dma_start3A_216, %dma_start3A_217] : memref<2x16x128xf32, #tpu.memory_space<vmem>> -> memref<1x16x128xf32, #tpu.memory_space<vmem>>
        %dma_start3A_219 = tpu.memref_squeeze %dma_start3A_218 : memref<1x16x128xf32, #tpu.memory_space<vmem>> -> memref<16x128xf32, #tpu.memory_space<vmem>>
        %dma_start3A_220 = arith.constant 0 : i32
        %dma_start3A_221 = tpu.memref_slice %arg4[%add3A_214, %dma_start3A_220] : memref<20480x128xf32, #tpu.memory_space<hbm>> -> memref<16x128xf32, #tpu.memory_space<hbm>>
        %dma_start3A_222 = arith.constant 0 : i32
        %dma_start3A_223 = tpu.memref_slice %arg4[%add3A_214, %dma_start3A_222] : memref<20480x128xf32, #tpu.memory_space<hbm>> -> memref<16x128xf32, #tpu.memory_space<hbm>>
        %dma_start3A_224 = arith.constant 0 : i32
        %dma_start3A_225 = arith.constant 0 : i32
        %dma_start3A_226 = tpu.memref_slice %arg7[%dma_start3A_215, %dma_start3A_224, %dma_start3A_225] : memref<2x16x128xf32, #tpu.memory_space<vmem>> -> memref<1x16x128xf32, #tpu.memory_space<vmem>>
        %dma_start3A_227 = tpu.memref_squeeze %dma_start3A_226 : memref<1x16x128xf32, #tpu.memory_space<vmem>> -> memref<16x128xf32, #tpu.memory_space<vmem>>
        tpu.enqueue_dma source(%dma_start3A_227 : memref<16x128xf32, #tpu.memory_space<vmem>>) target(%dma_start3A_223 : memref<16x128xf32, #tpu.memory_space<hbm>>) target_semaphore(%arg12 : memref<!tpu.dma_semaphore, #tpu.memory_space<semaphore_mem>>)
        %add3A_228 = arith.constant 4 : i32
        %add3A_229 = arith.addi %add3A_188, %add3A_228 : i32
        %lt3A_230 = arith.constant 40 : i32
        %lt3A_231 = arith.cmpi slt, %add3A_229, %lt3A_230 : i32
        %convert_element_type3A_232 = arith.extui %lt3A_231 : i1 to i32
        %cond3A_233 = arith.constant 0 : i32
        %cond3A_234 = arith.cmpi ne, %convert_element_type3A_232, %cond3A_233 : i32
        scf.if %cond3A_234 {
          %add3A_285 = arith.constant 4 : i32
          %add3A_286 = arith.addi %add3A_188, %add3A_285 : i32
          %dma_start3A_287 = arith.constant 2 : i32
          %dma_start3A_288 = arith.constant 0 : i32
          %dma_start3A_289 = arith.constant 0 : i32
          %dma_start3A_290 = tpu.memref_slice %arg6[%dma_start3A_287, %dma_start3A_288, %dma_start3A_289] : memref<4x128x128xf32, #tpu.memory_space<vmem>> -> memref<1x128x128xf32, #tpu.memory_space<vmem>>
          %dma_start3A_291 = tpu.memref_squeeze %dma_start3A_290 : memref<1x128x128xf32, #tpu.memory_space<vmem>> -> memref<128x128xf32, #tpu.memory_space<vmem>>
          %dma_start3A_292 = arith.constant 0 : i32
          %dma_start3A_293 = tpu.memref_slice %arg5[%add3A_286, %dma_start3A_292] : memref<40x128xi32, #tpu.memory_space<vmem>> -> memref<1x128xi32, #tpu.memory_space<vmem>>
          %dma_start3A_294 = tpu.memref_squeeze %dma_start3A_293 : memref<1x128xi32, #tpu.memory_space<vmem>> -> memref<128xi32, #tpu.memory_space<vmem>>
          %dma_start3A_295 = arith.constant 0 : i32
          %dma_start3A_296 = arith.constant 0 : i32
          %dma_start3A_297 = tpu.memref_slice %arg2[%dma_start3A_295, %dma_start3A_296] : memref<10240x128xf32, #tpu.memory_space<hbm>> -> memref<10240x128xf32, #tpu.memory_space<hbm>>
          tpu.enqueue_indirect_dma source(%dma_start3A_297 : memref<10240x128xf32, #tpu.memory_space<hbm>>) target(%dma_start3A_291 : memref<128x128xf32, #tpu.memory_space<vmem>>) offsets(%dma_start3A_294 : memref<128xi32, #tpu.memory_space<vmem>>) semaphore(%arg10 : memref<!tpu.dma_semaphore, #tpu.memory_space<semaphore_mem>>)
        } else {
        }
        %mul3A_235 = arith.constant 4 : i32
        %mul3A_236 = arith.muli %mul3A_235, %scan3A_87 : i32
        %add3A_237 = arith.constant 3 : i32
        %add3A_238 = arith.addi %mul3A_236, %add3A_237 : i32
        %dma_wait3A_239 = arith.constant 0 : i32
        %dma_wait3A_240 = arith.constant 3 : i32
        %dma_wait3A_241 = arith.constant 0 : i32
        %dma_wait3A_242 = arith.constant 0 : i32
        %dma_wait3A_243 = tpu.memref_slice %arg6[%dma_wait3A_240, %dma_wait3A_241, %dma_wait3A_242] : memref<4x128x128xf32, #tpu.memory_space<vmem>> -> memref<1x128x128xf32, #tpu.memory_space<vmem>>
        %dma_wait3A_244 = tpu.memref_squeeze %dma_wait3A_243 : memref<1x128x128xf32, #tpu.memory_space<vmem>> -> memref<128x128xf32, #tpu.memory_space<vmem>>
        %dma_wait3A_245 = arith.constant 0 : i32
        %dma_wait3A_246 = tpu.memref_slice %arg5[%dma_wait3A_239, %dma_wait3A_245] : memref<40x128xi32, #tpu.memory_space<vmem>> -> memref<1x128xi32, #tpu.memory_space<vmem>>
        %dma_wait3A_247 = tpu.memref_squeeze %dma_wait3A_246 : memref<1x128xi32, #tpu.memory_space<vmem>> -> memref<128xi32, #tpu.memory_space<vmem>>
        %dma_wait3A_248 = arith.constant 0 : i32
        %dma_wait3A_249 = arith.constant 0 : i32
        %dma_wait3A_250 = tpu.memref_slice %arg2[%dma_wait3A_248, %dma_wait3A_249] : memref<10240x128xf32, #tpu.memory_space<hbm>> -> memref<10240x128xf32, #tpu.memory_space<hbm>>
        tpu.wait_indirect_dma semaphore(%arg11 : memref<!tpu.dma_semaphore, #tpu.memory_space<semaphore_mem>>) src(%dma_wait3A_250 : memref<10240x128xf32, #tpu.memory_space<hbm>>) dst(%dma_wait3A_244 : memref<128x128xf32, #tpu.memory_space<vmem>>)
        %ge3A_251 = arith.constant 2 : i32
        %ge3A_252 = arith.cmpi sge, %add3A_238, %ge3A_251 : i32
        %convert_element_type3A_253 = arith.extui %ge3A_252 : i1 to i32
        %cond3A_254 = arith.constant 0 : i32
        %cond3A_255 = arith.cmpi ne, %convert_element_type3A_253, %cond3A_254 : i32
        scf.if %cond3A_255 {
          %dma_wait3A_285 = arith.constant 1 : i32
          %dma_wait3A_286 = arith.constant 0 : i32
          %dma_wait3A_287 = arith.constant 0 : i32
          %dma_wait3A_288 = tpu.memref_slice %arg7[%dma_wait3A_285, %dma_wait3A_286, %dma_wait3A_287] : memref<2x16x128xf32, #tpu.memory_space<vmem>> -> memref<1x16x128xf32, #tpu.memory_space<vmem>>
          %dma_wait3A_289 = tpu.memref_squeeze %dma_wait3A_288 : memref<1x16x128xf32, #tpu.memory_space<vmem>> -> memref<16x128xf32, #tpu.memory_space<vmem>>
          %dma_wait3A_290 = arith.constant 0 : i32
          %dma_wait3A_291 = tpu.memref_slice %arg4[%mul3A_9, %dma_wait3A_290] : memref<20480x128xf32, #tpu.memory_space<hbm>> -> memref<16x128xf32, #tpu.memory_space<hbm>>
          %dma_wait3A_292 = arith.constant 0 : i32
          %dma_wait3A_293 = tpu.memref_slice %arg4[%mul3A_9, %dma_wait3A_292] : memref<20480x128xf32, #tpu.memory_space<hbm>> -> memref<16x128xf32, #tpu.memory_space<hbm>>
          %dma_wait3A_294 = arith.constant 0 : i32
          %dma_wait3A_295 = arith.constant 0 : i32
          %dma_wait3A_296 = tpu.memref_slice %arg7[%dma_wait3A_285, %dma_wait3A_294, %dma_wait3A_295] : memref<2x16x128xf32, #tpu.memory_space<vmem>> -> memref<1x16x128xf32, #tpu.memory_space<vmem>>
          %dma_wait3A_297 = tpu.memref_squeeze %dma_wait3A_296 : memref<1x16x128xf32, #tpu.memory_space<vmem>> -> memref<16x128xf32, #tpu.memory_space<vmem>>
          tpu.wait_dma2 semaphore(%arg13 : memref<!tpu.dma_semaphore, #tpu.memory_space<semaphore_mem>>) src(%dma_wait3A_297 : memref<16x128xf32, #tpu.memory_space<vmem>>) dst(%dma_wait3A_293 : memref<16x128xf32, #tpu.memory_space<hbm>>)
        } else {
        }
        %scan3A_256 = arith.constant 0 : i32
        %scan3A_257 = arith.constant 0 : i32
        %scan3A_258 = arith.constant 16 : i32
        %scan3A_259 = arith.addi %scan3A_257, %scan3A_258 : i32
        %scan3A_260 = arith.constant 1 : i32
        scf.for %scan3A_285 = %scan3A_257 to %scan3A_259 step %scan3A_260  : i32 {
          %mul3A_286 = arith.constant 8 : i32
          %mul3A_287 = arith.muli %mul3A_286, %scan3A_285 : i32
          %add3A_288 = arith.constant 0 : i32
          %add3A_289 = arith.addi %mul3A_287, %add3A_288 : i32
          %get3A = arith.constant 3 : i32
          %get3A_290 = arith.index_cast %get3A : i32 to index
          %get3A_291 = arith.index_cast %add3A_289 : i32 to index
          %get3A_292 = arith.constant 0 : index
          %get3A_293 = tpu.vector_load %arg6[%get3A_290, %get3A_291, %get3A_292] {strides = array<i32>} : memref<4x128x128xf32, #tpu.memory_space<vmem>>, vector<1x1x16xf32>,
          %get3A_294 = vector.shape_cast %get3A_293 : vector<1x1x16xf32> to vector<16xf32>
          %swap3A = arith.constant 1 : i32
          %swap3A_295 = arith.index_cast %swap3A : i32 to index
          %swap3A_296 = arith.index_cast %scan3A_285 : i32 to index
          %swap3A_297 = arith.constant 0 : index
          %swap3A_298 = tpu.vector_load %arg7[%swap3A_295, %swap3A_296, %swap3A_297] {strides = array<i32>} : memref<2x16x128xf32, #tpu.memory_space<vmem>>, vector<1x1x16xf32>,
          %swap3A_299 = vector.shape_cast %swap3A_298 : vector<1x1x16xf32> to vector<16xf32>
          %swap3A_300 = vector.shape_cast %get3A_294 : vector<16xf32> to vector<1x1x16xf32>
          tpu.vector_store %arg7[%swap3A_295, %swap3A_296, %swap3A_297], %swap3A_300 {strides = array<i32>} : memref<2x16x128xf32, #tpu.memory_space<vmem>>, vector<1x1x16xf32>,
          %mul3A_301 = arith.constant 8 : i32
          %mul3A_302 = arith.muli %mul3A_301, %scan3A_285 : i32
          %add3A_303 = arith.constant 1 : i32
          %add3A_304 = arith.addi %mul3A_302, %add3A_303 : i32
          %get3A_305 = arith.constant 3 : i32
          %get3A_306 = arith.index_cast %get3A_305 : i32 to index
          %get3A_307 = arith.index_cast %add3A_304 : i32 to index
          %get3A_308 = arith.constant 0 : index
          %get3A_309 = tpu.vector_load %arg6[%get3A_306, %get3A_307, %get3A_308] {strides = array<i32>} : memref<4x128x128xf32, #tpu.memory_space<vmem>>, vector<1x1x16xf32>,
          %get3A_310 = vector.shape_cast %get3A_309 : vector<1x1x16xf32> to vector<16xf32>
          %swap3A_311 = arith.constant 1 : i32
          %swap3A_312 = arith.index_cast %swap3A_311 : i32 to index
          %swap3A_313 = arith.index_cast %scan3A_285 : i32 to index
          %swap3A_314 = arith.constant 16 : index
          %swap3A_315 = tpu.vector_load %arg7[%swap3A_312, %swap3A_313, %swap3A_314] {strides = array<i32>} : memref<2x16x128xf32, #tpu.memory_space<vmem>>, vector<1x1x16xf32>,
          %swap3A_316 = vector.shape_cast %swap3A_315 : vector<1x1x16xf32> to vector<16xf32>
          %swap3A_317 = vector.shape_cast %get3A_310 : vector<16xf32> to vector<1x1x16xf32>
          tpu.vector_store %arg7[%swap3A_312, %swap3A_313, %swap3A_314], %swap3A_317 {strides = array<i32>} : memref<2x16x128xf32, #tpu.memory_space<vmem>>, vector<1x1x16xf32>,
          %mul3A_318 = arith.constant 8 : i32
          %mul3A_319 = arith.muli %mul3A_318, %scan3A_285 : i32
          %add3A_320 = arith.constant 2 : i32
          %add3A_321 = arith.addi %mul3A_319, %add3A_320 : i32
          %get3A_322 = arith.constant 3 : i32
          %get3A_323 = arith.index_cast %get3A_322 : i32 to index
          %get3A_324 = arith.index_cast %add3A_321 : i32 to index
          %get3A_325 = arith.constant 0 : index
          %get3A_326 = tpu.vector_load %arg6[%get3A_323, %get3A_324, %get3A_325] {strides = array<i32>} : memref<4x128x128xf32, #tpu.memory_space<vmem>>, vector<1x1x16xf32>,
          %get3A_327 = vector.shape_cast %get3A_326 : vector<1x1x16xf32> to vector<16xf32>
          %swap3A_328 = arith.constant 1 : i32
          %swap3A_329 = arith.index_cast %swap3A_328 : i32 to index
          %swap3A_330 = arith.index_cast %scan3A_285 : i32 to index
          %swap3A_331 = arith.constant 32 : index
          %swap3A_332 = tpu.vector_load %arg7[%swap3A_329, %swap3A_330, %swap3A_331] {strides = array<i32>} : memref<2x16x128xf32, #tpu.memory_space<vmem>>, vector<1x1x16xf32>,
          %swap3A_333 = vector.shape_cast %swap3A_332 : vector<1x1x16xf32> to vector<16xf32>
          %swap3A_334 = vector.shape_cast %get3A_327 : vector<16xf32> to vector<1x1x16xf32>
          tpu.vector_store %arg7[%swap3A_329, %swap3A_330, %swap3A_331], %swap3A_334 {strides = array<i32>} : memref<2x16x128xf32, #tpu.memory_space<vmem>>, vector<1x1x16xf32>,
          %mul3A_335 = arith.constant 8 : i32
          %mul3A_336 = arith.muli %mul3A_335, %scan3A_285 : i32
          %add3A_337 = arith.constant 3 : i32
          %add3A_338 = arith.addi %mul3A_336, %add3A_337 : i32
          %get3A_339 = arith.constant 3 : i32
          %get3A_340 = arith.index_cast %get3A_339 : i32 to index
          %get3A_341 = arith.index_cast %add3A_338 : i32 to index
          %get3A_342 = arith.constant 0 : index
          %get3A_343 = tpu.vector_load %arg6[%get3A_340, %get3A_341, %get3A_342] {strides = array<i32>} : memref<4x128x128xf32, #tpu.memory_space<vmem>>, vector<1x1x16xf32>,
          %get3A_344 = vector.shape_cast %get3A_343 : vector<1x1x16xf32> to vector<16xf32>
          %swap3A_345 = arith.constant 1 : i32
          %swap3A_346 = arith.index_cast %swap3A_345 : i32 to index
          %swap3A_347 = arith.index_cast %scan3A_285 : i32 to index
          %swap3A_348 = arith.constant 48 : index
          %swap3A_349 = tpu.vector_load %arg7[%swap3A_346, %swap3A_347, %swap3A_348] {strides = array<i32>} : memref<2x16x128xf32, #tpu.memory_space<vmem>>, vector<1x1x16xf32>,
          %swap3A_350 = vector.shape_cast %swap3A_349 : vector<1x1x16xf32> to vector<16xf32>
          %swap3A_351 = vector.shape_cast %get3A_344 : vector<16xf32> to vector<1x1x16xf32>
          tpu.vector_store %arg7[%swap3A_346, %swap3A_347, %swap3A_348], %swap3A_351 {strides = array<i32>} : memref<2x16x128xf32, #tpu.memory_space<vmem>>, vector<1x1x16xf32>,
          %mul3A_352 = arith.constant 8 : i32
          %mul3A_353 = arith.muli %mul3A_352, %scan3A_285 : i32
          %add3A_354 = arith.constant 4 : i32
          %add3A_355 = arith.addi %mul3A_353, %add3A_354 : i32
          %get3A_356 = arith.constant 3 : i32
          %get3A_357 = arith.index_cast %get3A_356 : i32 to index
          %get3A_358 = arith.index_cast %add3A_355 : i32 to index
          %get3A_359 = arith.constant 0 : index
          %get3A_360 = tpu.vector_load %arg6[%get3A_357, %get3A_358, %get3A_359] {strides = array<i32>} : memref<4x128x128xf32, #tpu.memory_space<vmem>>, vector<1x1x16xf32>,
          %get3A_361 = vector.shape_cast %get3A_360 : vector<1x1x16xf32> to vector<16xf32>
          %swap3A_362 = arith.constant 1 : i32
          %swap3A_363 = arith.index_cast %swap3A_362 : i32 to index
          %swap3A_364 = arith.index_cast %scan3A_285 : i32 to index
          %swap3A_365 = arith.constant 64 : index
          %swap3A_366 = tpu.vector_load %arg7[%swap3A_363, %swap3A_364, %swap3A_365] {strides = array<i32>} : memref<2x16x128xf32, #tpu.memory_space<vmem>>, vector<1x1x16xf32>,
          %swap3A_367 = vector.shape_cast %swap3A_366 : vector<1x1x16xf32> to vector<16xf32>
          %swap3A_368 = vector.shape_cast %get3A_361 : vector<16xf32> to vector<1x1x16xf32>
          tpu.vector_store %arg7[%swap3A_363, %swap3A_364, %swap3A_365], %swap3A_368 {strides = array<i32>} : memref<2x16x128xf32, #tpu.memory_space<vmem>>, vector<1x1x16xf32>,
          %mul3A_369 = arith.constant 8 : i32
          %mul3A_370 = arith.muli %mul3A_369, %scan3A_285 : i32
          %add3A_371 = arith.constant 5 : i32
          %add3A_372 = arith.addi %mul3A_370, %add3A_371 : i32
          %get3A_373 = arith.constant 3 : i32
          %get3A_374 = arith.index_cast %get3A_373 : i32 to index
          %get3A_375 = arith.index_cast %add3A_372 : i32 to index
          %get3A_376 = arith.constant 0 : index
          %get3A_377 = tpu.vector_load %arg6[%get3A_374, %get3A_375, %get3A_376] {strides = array<i32>} : memref<4x128x128xf32, #tpu.memory_space<vmem>>, vector<1x1x16xf32>,
          %get3A_378 = vector.shape_cast %get3A_377 : vector<1x1x16xf32> to vector<16xf32>
          %swap3A_379 = arith.constant 1 : i32
          %swap3A_380 = arith.index_cast %swap3A_379 : i32 to index
          %swap3A_381 = arith.index_cast %scan3A_285 : i32 to index
          %swap3A_382 = arith.constant 80 : index
          %swap3A_383 = tpu.vector_load %arg7[%swap3A_380, %swap3A_381, %swap3A_382] {strides = array<i32>} : memref<2x16x128xf32, #tpu.memory_space<vmem>>, vector<1x1x16xf32>,
          %swap3A_384 = vector.shape_cast %swap3A_383 : vector<1x1x16xf32> to vector<16xf32>
          %swap3A_385 = vector.shape_cast %get3A_378 : vector<16xf32> to vector<1x1x16xf32>
          tpu.vector_store %arg7[%swap3A_380, %swap3A_381, %swap3A_382], %swap3A_385 {strides = array<i32>} : memref<2x16x128xf32, #tpu.memory_space<vmem>>, vector<1x1x16xf32>,
          %mul3A_386 = arith.constant 8 : i32
          %mul3A_387 = arith.muli %mul3A_386, %scan3A_285 : i32
          %add3A_388 = arith.constant 6 : i32
          %add3A_389 = arith.addi %mul3A_387, %add3A_388 : i32
          %get3A_390 = arith.constant 3 : i32
          %get3A_391 = arith.index_cast %get3A_390 : i32 to index
          %get3A_392 = arith.index_cast %add3A_389 : i32 to index
          %get3A_393 = arith.constant 0 : index
          %get3A_394 = tpu.vector_load %arg6[%get3A_391, %get3A_392, %get3A_393] {strides = array<i32>} : memref<4x128x128xf32, #tpu.memory_space<vmem>>, vector<1x1x16xf32>,
          %get3A_395 = vector.shape_cast %get3A_394 : vector<1x1x16xf32> to vector<16xf32>
          %swap3A_396 = arith.constant 1 : i32
          %swap3A_397 = arith.index_cast %swap3A_396 : i32 to index
          %swap3A_398 = arith.index_cast %scan3A_285 : i32 to index
          %swap3A_399 = arith.constant 96 : index
          %swap3A_400 = tpu.vector_load %arg7[%swap3A_397, %swap3A_398, %swap3A_399] {strides = array<i32>} : memref<2x16x128xf32, #tpu.memory_space<vmem>>, vector<1x1x16xf32>,
          %swap3A_401 = vector.shape_cast %swap3A_400 : vector<1x1x16xf32> to vector<16xf32>
          %swap3A_402 = vector.shape_cast %get3A_395 : vector<16xf32> to vector<1x1x16xf32>
          tpu.vector_store %arg7[%swap3A_397, %swap3A_398, %swap3A_399], %swap3A_402 {strides = array<i32>} : memref<2x16x128xf32, #tpu.memory_space<vmem>>, vector<1x1x16xf32>,
          %mul3A_403 = arith.constant 8 : i32
          %mul3A_404 = arith.muli %mul3A_403, %scan3A_285 : i32
          %add3A_405 = arith.constant 7 : i32
          %add3A_406 = arith.addi %mul3A_404, %add3A_405 : i32
          %get3A_407 = arith.constant 3 : i32
          %get3A_408 = arith.index_cast %get3A_407 : i32 to index
          %get3A_409 = arith.index_cast %add3A_406 : i32 to index
          %get3A_410 = arith.constant 0 : index
          %get3A_411 = tpu.vector_load %arg6[%get3A_408, %get3A_409, %get3A_410] {strides = array<i32>} : memref<4x128x128xf32, #tpu.memory_space<vmem>>, vector<1x1x16xf32>,
          %get3A_412 = vector.shape_cast %get3A_411 : vector<1x1x16xf32> to vector<16xf32>
          %swap3A_413 = arith.constant 1 : i32
          %swap3A_414 = arith.index_cast %swap3A_413 : i32 to index
          %swap3A_415 = arith.index_cast %scan3A_285 : i32 to index
          %swap3A_416 = arith.constant 112 : index
          %swap3A_417 = tpu.vector_load %arg7[%swap3A_414, %swap3A_415, %swap3A_416] {strides = array<i32>} : memref<2x16x128xf32, #tpu.memory_space<vmem>>, vector<1x1x16xf32>,
          %swap3A_418 = vector.shape_cast %swap3A_417 : vector<1x1x16xf32> to vector<16xf32>
          %swap3A_419 = vector.shape_cast %get3A_412 : vector<16xf32> to vector<1x1x16xf32>
          tpu.vector_store %arg7[%swap3A_414, %swap3A_415, %swap3A_416], %swap3A_419 {strides = array<i32>} : memref<2x16x128xf32, #tpu.memory_space<vmem>>, vector<1x1x16xf32>,
        }
        %scan3A_261 = arith.constant 16 : i32
        %mul3A_262 = arith.constant 16 : i32
        %mul3A_263 = arith.muli %add3A_238, %mul3A_262 : i32
        %add3A_264 = arith.addi %mul3A_9, %mul3A_263 : i32
        %dma_start3A_265 = arith.constant 1 : i32
        %dma_start3A_266 = arith.constant 0 : i32
        %dma_start3A_267 = arith.constant 0 : i32
        %dma_start3A_268 = tpu.memref_slice %arg7[%dma_start3A_265, %dma_start3A_266, %dma_start3A_267] : memref<2x16x128xf32, #tpu.memory_space<vmem>> -> memref<1x16x128xf32, #tpu.memory_space<vmem>>
        %dma_start3A_269 = tpu.memref_squeeze %dma_start3A_268 : memref<1x16x128xf32, #tpu.memory_space<vmem>> -> memref<16x128xf32, #tpu.memory_space<vmem>>
        %dma_start3A_270 = arith.constant 0 : i32
        %dma_start3A_271 = tpu.memref_slice %arg4[%add3A_264, %dma_start3A_270] : memref<20480x128xf32, #tpu.memory_space<hbm>> -> memref<16x128xf32, #tpu.memory_space<hbm>>
        %dma_start3A_272 = arith.constant 0 : i32
        %dma_start3A_273 = tpu.memref_slice %arg4[%add3A_264, %dma_start3A_272] : memref<20480x128xf32, #tpu.memory_space<hbm>> -> memref<16x128xf32, #tpu.memory_space<hbm>>
        %dma_start3A_274 = arith.constant 0 : i32
        %dma_start3A_275 = arith.constant 0 : i32
        %dma_start3A_276 = tpu.memref_slice %arg7[%dma_start3A_265, %dma_start3A_274, %dma_start3A_275] : memref<2x16x128xf32, #tpu.memory_space<vmem>> -> memref<1x16x128xf32, #tpu.memory_space<vmem>>
        %dma_start3A_277 = tpu.memref_squeeze %dma_start3A_276 : memref<1x16x128xf32, #tpu.memory_space<vmem>> -> memref<16x128xf32, #tpu.memory_space<vmem>>
        tpu.enqueue_dma source(%dma_start3A_277 : memref<16x128xf32, #tpu.memory_space<vmem>>) target(%dma_start3A_273 : memref<16x128xf32, #tpu.memory_space<hbm>>) target_semaphore(%arg13 : memref<!tpu.dma_semaphore, #tpu.memory_space<semaphore_mem>>)
        %add3A_278 = arith.constant 4 : i32
        %add3A_279 = arith.addi %add3A_238, %add3A_278 : i32
        %lt3A_280 = arith.constant 40 : i32
        %lt3A_281 = arith.cmpi slt, %add3A_279, %lt3A_280 : i32
        %convert_element_type3A_282 = arith.extui %lt3A_281 : i1 to i32
        %cond3A_283 = arith.constant 0 : i32
        %cond3A_284 = arith.cmpi ne, %convert_element_type3A_282, %cond3A_283 : i32
        scf.if %cond3A_284 {
          %add3A_285 = arith.constant 4 : i32
          %add3A_286 = arith.addi %add3A_238, %add3A_285 : i32
          %dma_start3A_287 = arith.constant 3 : i32
          %dma_start3A_288 = arith.constant 0 : i32
          %dma_start3A_289 = arith.constant 0 : i32
          %dma_start3A_290 = tpu.memref_slice %arg6[%dma_start3A_287, %dma_start3A_288, %dma_start3A_289] : memref<4x128x128xf32, #tpu.memory_space<vmem>> -> memref<1x128x128xf32, #tpu.memory_space<vmem>>
          %dma_start3A_291 = tpu.memref_squeeze %dma_start3A_290 : memref<1x128x128xf32, #tpu.memory_space<vmem>> -> memref<128x128xf32, #tpu.memory_space<vmem>>
          %dma_start3A_292 = arith.constant 0 : i32
          %dma_start3A_293 = tpu.memref_slice %arg5[%add3A_286, %dma_start3A_292] : memref<40x128xi32, #tpu.memory_space<vmem>> -> memref<1x128xi32, #tpu.memory_space<vmem>>
          %dma_start3A_294 = tpu.memref_squeeze %dma_start3A_293 : memref<1x128xi32, #tpu.memory_space<vmem>> -> memref<128xi32, #tpu.memory_space<vmem>>
          %dma_start3A_295 = arith.constant 0 : i32
          %dma_start3A_296 = arith.constant 0 : i32
          %dma_start3A_297 = tpu.memref_slice %arg2[%dma_start3A_295, %dma_start3A_296] : memref<10240x128xf32, #tpu.memory_space<hbm>> -> memref<10240x128xf32, #tpu.memory_space<hbm>>
          tpu.enqueue_indirect_dma source(%dma_start3A_297 : memref<10240x128xf32, #tpu.memory_space<hbm>>) target(%dma_start3A_291 : memref<128x128xf32, #tpu.memory_space<vmem>>) offsets(%dma_start3A_294 : memref<128xi32, #tpu.memory_space<vmem>>) semaphore(%arg11 : memref<!tpu.dma_semaphore, #tpu.memory_space<semaphore_mem>>)
        } else {
        }
      }
      %scan3A_61 = arith.constant 10 : i32
      %dma_wait3A = arith.constant 0 : i32
      %dma_wait3A_62 = arith.constant 0 : i32
      %dma_wait3A_63 = arith.constant 0 : i32
      %dma_wait3A_64 = tpu.memref_slice %arg7[%dma_wait3A, %dma_wait3A_62, %dma_wait3A_63] : memref<2x16x128xf32, #tpu.memory_space<vmem>> -> memref<1x16x128xf32, #tpu.memory_space<vmem>>
      %dma_wait3A_65 = tpu.memref_squeeze %dma_wait3A_64 : memref<1x16x128xf32, #tpu.memory_space<vmem>> -> memref<16x128xf32, #tpu.memory_space<vmem>>
      %dma_wait3A_66 = arith.constant 0 : i32
      %dma_wait3A_67 = tpu.memref_slice %arg4[%mul3A_9, %dma_wait3A_66] : memref<20480x128xf32, #tpu.memory_space<hbm>> -> memref<16x128xf32, #tpu.memory_space<hbm>>
      %dma_wait3A_68 = arith.constant 0 : i32
      %dma_wait3A_69 = tpu.memref_slice %arg4[%mul3A_9, %dma_wait3A_68] : memref<20480x128xf32, #tpu.memory_space<hbm>> -> memref<16x128xf32, #tpu.memory_space<hbm>>
      %dma_wait3A_70 = arith.constant 0 : i32
      %dma_wait3A_71 = arith.constant 0 : i32
      %dma_wait3A_72 = tpu.memref_slice %arg7[%dma_wait3A, %dma_wait3A_70, %dma_wait3A_71] : memref<2x16x128xf32, #tpu.memory_space<vmem>> -> memref<1x16x128xf32, #tpu.memory_space<vmem>>
      %dma_wait3A_73 = tpu.memref_squeeze %dma_wait3A_72 : memref<1x16x128xf32, #tpu.memory_space<vmem>> -> memref<16x128xf32, #tpu.memory_space<vmem>>
      tpu.wait_dma2 semaphore(%arg12 : memref<!tpu.dma_semaphore, #tpu.memory_space<semaphore_mem>>) src(%dma_wait3A_73 : memref<16x128xf32, #tpu.memory_space<vmem>>) dst(%dma_wait3A_69 : memref<16x128xf32, #tpu.memory_space<hbm>>)
      %dma_wait3A_74 = arith.constant 1 : i32
      %dma_wait3A_75 = arith.constant 0 : i32
      %dma_wait3A_76 = arith.constant 0 : i32
      %dma_wait3A_77 = tpu.memref_slice %arg7[%dma_wait3A_74, %dma_wait3A_75, %dma_wait3A_76] : memref<2x16x128xf32, #tpu.memory_space<vmem>> -> memref<1x16x128xf32, #tpu.memory_space<vmem>>
      %dma_wait3A_78 = tpu.memref_squeeze %dma_wait3A_77 : memref<1x16x128xf32, #tpu.memory_space<vmem>> -> memref<16x128xf32, #tpu.memory_space<vmem>>
      %dma_wait3A_79 = arith.constant 0 : i32
      %dma_wait3A_80 = tpu.memref_slice %arg4[%mul3A_9, %dma_wait3A_79] : memref<20480x128xf32, #tpu.memory_space<hbm>> -> memref<16x128xf32, #tpu.memory_space<hbm>>
      %dma_wait3A_81 = arith.constant 0 : i32
      %dma_wait3A_82 = tpu.memref_slice %arg4[%mul3A_9, %dma_wait3A_81] : memref<20480x128xf32, #tpu.memory_space<hbm>> -> memref<16x128xf32, #tpu.memory_space<hbm>>
      %dma_wait3A_83 = arith.constant 0 : i32
      %dma_wait3A_84 = arith.constant 0 : i32
      %dma_wait3A_85 = tpu.memref_slice %arg7[%dma_wait3A_74, %dma_wait3A_83, %dma_wait3A_84] : memref<2x16x128xf32, #tpu.memory_space<vmem>> -> memref<1x16x128xf32, #tpu.memory_space<vmem>>
      %dma_wait3A_86 = tpu.memref_squeeze %dma_wait3A_85 : memref<1x16x128xf32, #tpu.memory_space<vmem>> -> memref<16x128xf32, #tpu.memory_space<vmem>>
      tpu.wait_dma2 semaphore(%arg13 : memref<!tpu.dma_semaphore, #tpu.memory_space<semaphore_mem>>) src(%dma_wait3A_86 : memref<16x128xf32, #tpu.memory_space<vmem>>) dst(%dma_wait3A_82 : memref<16x128xf32, #tpu.memory_space<hbm>>)
    } else {
    }
    %eq3A_2 = arith.constant 1 : i32
    %eq3A_3 = arith.cmpi eq, %arg0, %eq3A_2 : i32
    %convert_element_type3A_4 = arith.extui %eq3A_3 : i1 to i32
    %cond3A_5 = arith.constant 0 : i32
    %cond3A_6 = arith.cmpi ne, %convert_element_type3A_4, %cond3A_5 : i32
    scf.if %cond3A_6 {
      %mul3A = arith.constant 40 : i32
      %mul3A_7 = arith.muli %arg1, %mul3A : i32
      %add3A = arith.constant 640 : i32
      %add3A_8 = arith.addi %add3A, %mul3A_7 : i32
      %mul3A_9 = arith.constant 16 : i32
      %mul3A_10 = arith.muli %add3A_8, %mul3A_9 : i32
      "tpu.region"() ({
        %run_scoped3A = tpu.sem_alloc : memref<!tpu.dma_semaphore, #tpu.memory_space<semaphore_mem>>
        %dma_start3A_88 = arith.constant 0 : i32
        %dma_start3A_89 = arith.constant 0 : i32
        %dma_start3A_90 = tpu.memref_slice %arg5[%dma_start3A_88, %dma_start3A_89] : memref<40x128xi32, #tpu.memory_space<vmem>> -> memref<40x128xi32, #tpu.memory_space<vmem>>
        %dma_start3A_91 = arith.constant 0 : i32
        %dma_start3A_92 = tpu.memref_slice %arg3[%add3A_8, %dma_start3A_91] : memref<1280x128xi32, #tpu.memory_space<hbm>> -> memref<40x128xi32, #tpu.memory_space<hbm>>
        %dma_start3A_93 = arith.constant 0 : i32
        %dma_start3A_94 = arith.constant 0 : i32
        %dma_start3A_95 = tpu.memref_slice %arg5[%dma_start3A_93, %dma_start3A_94] : memref<40x128xi32, #tpu.memory_space<vmem>> -> memref<40x128xi32, #tpu.memory_space<vmem>>
        %dma_start3A_96 = arith.constant 0 : i32
        %dma_start3A_97 = tpu.memref_slice %arg3[%add3A_8, %dma_start3A_96] : memref<1280x128xi32, #tpu.memory_space<hbm>> -> memref<40x128xi32, #tpu.memory_space<hbm>>
        tpu.enqueue_dma source(%dma_start3A_97 : memref<40x128xi32, #tpu.memory_space<hbm>>) target(%dma_start3A_95 : memref<40x128xi32, #tpu.memory_space<vmem>>) target_semaphore(%run_scoped3A : memref<!tpu.dma_semaphore, #tpu.memory_space<semaphore_mem>>)
        %dma_wait3A_98 = arith.constant 0 : i32
        %dma_wait3A_99 = arith.constant 0 : i32
        %dma_wait3A_100 = tpu.memref_slice %arg5[%dma_wait3A_98, %dma_wait3A_99] : memref<40x128xi32, #tpu.memory_space<vmem>> -> memref<40x128xi32, #tpu.memory_space<vmem>>
        %dma_wait3A_101 = arith.constant 0 : i32
        %dma_wait3A_102 = tpu.memref_slice %arg3[%add3A_8, %dma_wait3A_101] : memref<1280x128xi32, #tpu.memory_space<hbm>> -> memref<40x128xi32, #tpu.memory_space<hbm>>
        %dma_wait3A_103 = arith.constant 0 : i32
        %dma_wait3A_104 = arith.constant 0 : i32
        %dma_wait3A_105 = tpu.memref_slice %arg5[%dma_wait3A_103, %dma_wait3A_104] : memref<40x128xi32, #tpu.memory_space<vmem>> -> memref<40x128xi32, #tpu.memory_space<vmem>>
        %dma_wait3A_106 = arith.constant 0 : i32
        %dma_wait3A_107 = tpu.memref_slice %arg3[%add3A_8, %dma_wait3A_106] : memref<1280x128xi32, #tpu.memory_space<hbm>> -> memref<40x128xi32, #tpu.memory_space<hbm>>
        tpu.wait_dma2 semaphore(%run_scoped3A : memref<!tpu.dma_semaphore, #tpu.memory_space<semaphore_mem>>) src(%dma_wait3A_107 : memref<40x128xi32, #tpu.memory_space<hbm>>) dst(%dma_wait3A_105 : memref<40x128xi32, #tpu.memory_space<vmem>>)
        tpu.yield
      }) : () -> ()
      %dma_start3A = arith.constant 0 : i32
      %dma_start3A_11 = arith.constant 0 : i32
      %dma_start3A_12 = arith.constant 0 : i32
      %dma_start3A_13 = arith.constant 0 : i32
      %dma_start3A_14 = tpu.memref_slice %arg6[%dma_start3A_11, %dma_start3A_12, %dma_start3A_13] : memref<4x128x128xf32, #tpu.memory_space<vmem>> -> memref<1x128x128xf32, #tpu.memory_space<vmem>>
      %dma_start3A_15 = tpu.memref_squeeze %dma_start3A_14 : memref<1x128x128xf32, #tpu.memory_space<vmem>> -> memref<128x128xf32, #tpu.memory_space<vmem>>
      %dma_start3A_16 = arith.constant 0 : i32
      %dma_start3A_17 = tpu.memref_slice %arg5[%dma_start3A, %dma_start3A_16] : memref<40x128xi32, #tpu.memory_space<vmem>> -> memref<1x128xi32, #tpu.memory_space<vmem>>
      %dma_start3A_18 = tpu.memref_squeeze %dma_start3A_17 : memref<1x128xi32, #tpu.memory_space<vmem>> -> memref<128xi32, #tpu.memory_space<vmem>>
      %dma_start3A_19 = arith.constant 0 : i32
      %dma_start3A_20 = arith.constant 0 : i32
      %dma_start3A_21 = tpu.memref_slice %arg2[%dma_start3A_19, %dma_start3A_20] : memref<10240x128xf32, #tpu.memory_space<hbm>> -> memref<10240x128xf32, #tpu.memory_space<hbm>>
      tpu.enqueue_indirect_dma source(%dma_start3A_21 : memref<10240x128xf32, #tpu.memory_space<hbm>>) target(%dma_start3A_15 : memref<128x128xf32, #tpu.memory_space<vmem>>) offsets(%dma_start3A_18 : memref<128xi32, #tpu.memory_space<vmem>>) semaphore(%arg8 : memref<!tpu.dma_semaphore, #tpu.memory_space<semaphore_mem>>)
      %dma_start3A_22 = arith.constant 1 : i32
      %dma_start3A_23 = arith.constant 1 : i32
      %dma_start3A_24 = arith.constant 0 : i32
      %dma_start3A_25 = arith.constant 0 : i32
      %dma_start3A_26 = tpu.memref_slice %arg6[%dma_start3A_23, %dma_start3A_24, %dma_start3A_25] : memref<4x128x128xf32, #tpu.memory_space<vmem>> -> memref<1x128x128xf32, #tpu.memory_space<vmem>>
      %dma_start3A_27 = tpu.memref_squeeze %dma_start3A_26 : memref<1x128x128xf32, #tpu.memory_space<vmem>> -> memref<128x128xf32, #tpu.memory_space<vmem>>
      %dma_start3A_28 = arith.constant 0 : i32
      %dma_start3A_29 = tpu.memref_slice %arg5[%dma_start3A_22, %dma_start3A_28] : memref<40x128xi32, #tpu.memory_space<vmem>> -> memref<1x128xi32, #tpu.memory_space<vmem>>
      %dma_start3A_30 = tpu.memref_squeeze %dma_start3A_29 : memref<1x128xi32, #tpu.memory_space<vmem>> -> memref<128xi32, #tpu.memory_space<vmem>>
      %dma_start3A_31 = arith.constant 0 : i32
      %dma_start3A_32 = arith.constant 0 : i32
      %dma_start3A_33 = tpu.memref_slice %arg2[%dma_start3A_31, %dma_start3A_32] : memref<10240x128xf32, #tpu.memory_space<hbm>> -> memref<10240x128xf32, #tpu.memory_space<hbm>>
      tpu.enqueue_indirect_dma source(%dma_start3A_33 : memref<10240x128xf32, #tpu.memory_space<hbm>>) target(%dma_start3A_27 : memref<128x128xf32, #tpu.memory_space<vmem>>) offsets(%dma_start3A_30 : memref<128xi32, #tpu.memory_space<vmem>>) semaphore(%arg9 : memref<!tpu.dma_semaphore, #tpu.memory_space<semaphore_mem>>)
      %dma_start3A_34 = arith.constant 2 : i32
      %dma_start3A_35 = arith.constant 2 : i32
      %dma_start3A_36 = arith.constant 0 : i32
      %dma_start3A_37 = arith.constant 0 : i32
      %dma_start3A_38 = tpu.memref_slice %arg6[%dma_start3A_35, %dma_start3A_36, %dma_start3A_37] : memref<4x128x128xf32, #tpu.memory_space<vmem>> -> memref<1x128x128xf32, #tpu.memory_space<vmem>>
      %dma_start3A_39 = tpu.memref_squeeze %dma_start3A_38 : memref<1x128x128xf32, #tpu.memory_space<vmem>> -> memref<128x128xf32, #tpu.memory_space<vmem>>
      %dma_start3A_40 = arith.constant 0 : i32
      %dma_start3A_41 = tpu.memref_slice %arg5[%dma_start3A_34, %dma_start3A_40] : memref<40x128xi32, #tpu.memory_space<vmem>> -> memref<1x128xi32, #tpu.memory_space<vmem>>
      %dma_start3A_42 = tpu.memref_squeeze %dma_start3A_41 : memref<1x128xi32, #tpu.memory_space<vmem>> -> memref<128xi32, #tpu.memory_space<vmem>>
      %dma_start3A_43 = arith.constant 0 : i32
      %dma_start3A_44 = arith.constant 0 : i32
      %dma_start3A_45 = tpu.memref_slice %arg2[%dma_start3A_43, %dma_start3A_44] : memref<10240x128xf32, #tpu.memory_space<hbm>> -> memref<10240x128xf32, #tpu.memory_space<hbm>>
      tpu.enqueue_indirect_dma source(%dma_start3A_45 : memref<10240x128xf32, #tpu.memory_space<hbm>>) target(%dma_start3A_39 : memref<128x128xf32, #tpu.memory_space<vmem>>) offsets(%dma_start3A_42 : memref<128xi32, #tpu.memory_space<vmem>>) semaphore(%arg10 : memref<!tpu.dma_semaphore, #tpu.memory_space<semaphore_mem>>)
      %dma_start3A_46 = arith.constant 3 : i32
      %dma_start3A_47 = arith.constant 3 : i32
      %dma_start3A_48 = arith.constant 0 : i32
      %dma_start3A_49 = arith.constant 0 : i32
      %dma_start3A_50 = tpu.memref_slice %arg6[%dma_start3A_47, %dma_start3A_48, %dma_start3A_49] : memref<4x128x128xf32, #tpu.memory_space<vmem>> -> memref<1x128x128xf32, #tpu.memory_space<vmem>>
      %dma_start3A_51 = tpu.memref_squeeze %dma_start3A_50 : memref<1x128x128xf32, #tpu.memory_space<vmem>> -> memref<128x128xf32, #tpu.memory_space<vmem>>
      %dma_start3A_52 = arith.constant 0 : i32
      %dma_start3A_53 = tpu.memref_slice %arg5[%dma_start3A_46, %dma_start3A_52] : memref<40x128xi32, #tpu.memory_space<vmem>> -> memref<1x128xi32, #tpu.memory_space<vmem>>
      %dma_start3A_54 = tpu.memref_squeeze %dma_start3A_53 : memref<1x128xi32, #tpu.memory_space<vmem>> -> memref<128xi32, #tpu.memory_space<vmem>>
      %dma_start3A_55 = arith.constant 0 : i32
      %dma_start3A_56 = arith.constant 0 : i32
      %dma_start3A_57 = tpu.memref_slice %arg2[%dma_start3A_55, %dma_start3A_56] : memref<10240x128xf32, #tpu.memory_space<hbm>> -> memref<10240x128xf32, #tpu.memory_space<hbm>>
      tpu.enqueue_indirect_dma source(%dma_start3A_57 : memref<10240x128xf32, #tpu.memory_space<hbm>>) target(%dma_start3A_51 : memref<128x128xf32, #tpu.memory_space<vmem>>) offsets(%dma_start3A_54 : memref<128xi32, #tpu.memory_space<vmem>>) semaphore(%arg11 : memref<!tpu.dma_semaphore, #tpu.memory_space<semaphore_mem>>)
      %scan3A = arith.constant 0 : i32
      %scan3A_58 = arith.constant 0 : i32
      %scan3A_59 = arith.constant 10 : i32
      %scan3A_60 = arith.addi %scan3A_58, %scan3A_59 : i32
      %scan3A_61 = arith.constant 1 : i32
      scf.for %scan3A_88 = %scan3A_58 to %scan3A_60 step %scan3A_61  : i32 {
        %mul3A_89 = arith.constant 4 : i32
        %mul3A_90 = arith.muli %mul3A_89, %scan3A_88 : i32
        %add3A_91 = arith.constant 0 : i32
        %add3A_92 = arith.addi %mul3A_90, %add3A_91 : i32
        %dma_wait3A_93 = arith.constant 0 : i32
        %dma_wait3A_94 = arith.constant 0 : i32
        %dma_wait3A_95 = arith.constant 0 : i32
        %dma_wait3A_96 = arith.constant 0 : i32
        %dma_wait3A_97 = tpu.memref_slice %arg6[%dma_wait3A_94, %dma_wait3A_95, %dma_wait3A_96] : memref<4x128x128xf32, #tpu.memory_space<vmem>> -> memref<1x128x128xf32, #tpu.memory_space<vmem>>
        %dma_wait3A_98 = tpu.memref_squeeze %dma_wait3A_97 : memref<1x128x128xf32, #tpu.memory_space<vmem>> -> memref<128x128xf32, #tpu.memory_space<vmem>>
        %dma_wait3A_99 = arith.constant 0 : i32
        %dma_wait3A_100 = tpu.memref_slice %arg5[%dma_wait3A_93, %dma_wait3A_99] : memref<40x128xi32, #tpu.memory_space<vmem>> -> memref<1x128xi32, #tpu.memory_space<vmem>>
        %dma_wait3A_101 = tpu.memref_squeeze %dma_wait3A_100 : memref<1x128xi32, #tpu.memory_space<vmem>> -> memref<128xi32, #tpu.memory_space<vmem>>
        %dma_wait3A_102 = arith.constant 0 : i32
        %dma_wait3A_103 = arith.constant 0 : i32
        %dma_wait3A_104 = tpu.memref_slice %arg2[%dma_wait3A_102, %dma_wait3A_103] : memref<10240x128xf32, #tpu.memory_space<hbm>> -> memref<10240x128xf32, #tpu.memory_space<hbm>>
        tpu.wait_indirect_dma semaphore(%arg8 : memref<!tpu.dma_semaphore, #tpu.memory_space<semaphore_mem>>) src(%dma_wait3A_104 : memref<10240x128xf32, #tpu.memory_space<hbm>>) dst(%dma_wait3A_98 : memref<128x128xf32, #tpu.memory_space<vmem>>)
        %ge3A = arith.constant 2 : i32
        %ge3A_105 = arith.cmpi sge, %add3A_92, %ge3A : i32
        %convert_element_type3A_106 = arith.extui %ge3A_105 : i1 to i32
        %cond3A_107 = arith.constant 0 : i32
        %cond3A_108 = arith.cmpi ne, %convert_element_type3A_106, %cond3A_107 : i32
        scf.if %cond3A_108 {
          %dma_wait3A_287 = arith.constant 0 : i32
          %dma_wait3A_288 = arith.constant 0 : i32
          %dma_wait3A_289 = arith.constant 0 : i32
          %dma_wait3A_290 = tpu.memref_slice %arg7[%dma_wait3A_287, %dma_wait3A_288, %dma_wait3A_289] : memref<2x16x128xf32, #tpu.memory_space<vmem>> -> memref<1x16x128xf32, #tpu.memory_space<vmem>>
          %dma_wait3A_291 = tpu.memref_squeeze %dma_wait3A_290 : memref<1x16x128xf32, #tpu.memory_space<vmem>> -> memref<16x128xf32, #tpu.memory_space<vmem>>
          %dma_wait3A_292 = arith.constant 0 : i32
          %dma_wait3A_293 = tpu.memref_slice %arg4[%mul3A_10, %dma_wait3A_292] : memref<20480x128xf32, #tpu.memory_space<hbm>> -> memref<16x128xf32, #tpu.memory_space<hbm>>
          %dma_wait3A_294 = arith.constant 0 : i32
          %dma_wait3A_295 = tpu.memref_slice %arg4[%mul3A_10, %dma_wait3A_294] : memref<20480x128xf32, #tpu.memory_space<hbm>> -> memref<16x128xf32, #tpu.memory_space<hbm>>
          %dma_wait3A_296 = arith.constant 0 : i32
          %dma_wait3A_297 = arith.constant 0 : i32
          %dma_wait3A_298 = tpu.memref_slice %arg7[%dma_wait3A_287, %dma_wait3A_296, %dma_wait3A_297] : memref<2x16x128xf32, #tpu.memory_space<vmem>> -> memref<1x16x128xf32, #tpu.memory_space<vmem>>
          %dma_wait3A_299 = tpu.memref_squeeze %dma_wait3A_298 : memref<1x16x128xf32, #tpu.memory_space<vmem>> -> memref<16x128xf32, #tpu.memory_space<vmem>>
          tpu.wait_dma2 semaphore(%arg12 : memref<!tpu.dma_semaphore, #tpu.memory_space<semaphore_mem>>) src(%dma_wait3A_299 : memref<16x128xf32, #tpu.memory_space<vmem>>) dst(%dma_wait3A_295 : memref<16x128xf32, #tpu.memory_space<hbm>>)
        } else {
        }
        %scan3A_109 = arith.constant 0 : i32
        %scan3A_110 = arith.constant 0 : i32
        %scan3A_111 = arith.constant 16 : i32
        %scan3A_112 = arith.addi %scan3A_110, %scan3A_111 : i32
        %scan3A_113 = arith.constant 1 : i32
        scf.for %scan3A_287 = %scan3A_110 to %scan3A_112 step %scan3A_113  : i32 {
          %mul3A_288 = arith.constant 8 : i32
          %mul3A_289 = arith.muli %mul3A_288, %scan3A_287 : i32
          %add3A_290 = arith.constant 0 : i32
          %add3A_291 = arith.addi %mul3A_289, %add3A_290 : i32
          %get3A = arith.constant 0 : i32
          %get3A_292 = arith.index_cast %get3A : i32 to index
          %get3A_293 = arith.index_cast %add3A_291 : i32 to index
          %get3A_294 = arith.constant 0 : index
          %get3A_295 = tpu.vector_load %arg6[%get3A_292, %get3A_293, %get3A_294] {strides = array<i32>} : memref<4x128x128xf32, #tpu.memory_space<vmem>>, vector<1x1x16xf32>,
          %get3A_296 = vector.shape_cast %get3A_295 : vector<1x1x16xf32> to vector<16xf32>
          %swap3A = arith.constant 0 : i32
          %swap3A_297 = arith.index_cast %swap3A : i32 to index
          %swap3A_298 = arith.index_cast %scan3A_287 : i32 to index
          %swap3A_299 = arith.constant 0 : index
          %swap3A_300 = tpu.vector_load %arg7[%swap3A_297, %swap3A_298, %swap3A_299] {strides = array<i32>} : memref<2x16x128xf32, #tpu.memory_space<vmem>>, vector<1x1x16xf32>,
          %swap3A_301 = vector.shape_cast %swap3A_300 : vector<1x1x16xf32> to vector<16xf32>
          %swap3A_302 = vector.shape_cast %get3A_296 : vector<16xf32> to vector<1x1x16xf32>
          tpu.vector_store %arg7[%swap3A_297, %swap3A_298, %swap3A_299], %swap3A_302 {strides = array<i32>} : memref<2x16x128xf32, #tpu.memory_space<vmem>>, vector<1x1x16xf32>,
          %mul3A_303 = arith.constant 8 : i32
          %mul3A_304 = arith.muli %mul3A_303, %scan3A_287 : i32
          %add3A_305 = arith.constant 1 : i32
          %add3A_306 = arith.addi %mul3A_304, %add3A_305 : i32
          %get3A_307 = arith.constant 0 : i32
          %get3A_308 = arith.index_cast %get3A_307 : i32 to index
          %get3A_309 = arith.index_cast %add3A_306 : i32 to index
          %get3A_310 = arith.constant 0 : index
          %get3A_311 = tpu.vector_load %arg6[%get3A_308, %get3A_309, %get3A_310] {strides = array<i32>} : memref<4x128x128xf32, #tpu.memory_space<vmem>>, vector<1x1x16xf32>,
          %get3A_312 = vector.shape_cast %get3A_311 : vector<1x1x16xf32> to vector<16xf32>
          %swap3A_313 = arith.constant 0 : i32
          %swap3A_314 = arith.index_cast %swap3A_313 : i32 to index
          %swap3A_315 = arith.index_cast %scan3A_287 : i32 to index
          %swap3A_316 = arith.constant 16 : index
          %swap3A_317 = tpu.vector_load %arg7[%swap3A_314, %swap3A_315, %swap3A_316] {strides = array<i32>} : memref<2x16x128xf32, #tpu.memory_space<vmem>>, vector<1x1x16xf32>,
          %swap3A_318 = vector.shape_cast %swap3A_317 : vector<1x1x16xf32> to vector<16xf32>
          %swap3A_319 = vector.shape_cast %get3A_312 : vector<16xf32> to vector<1x1x16xf32>
          tpu.vector_store %arg7[%swap3A_314, %swap3A_315, %swap3A_316], %swap3A_319 {strides = array<i32>} : memref<2x16x128xf32, #tpu.memory_space<vmem>>, vector<1x1x16xf32>,
          %mul3A_320 = arith.constant 8 : i32
          %mul3A_321 = arith.muli %mul3A_320, %scan3A_287 : i32
          %add3A_322 = arith.constant 2 : i32
          %add3A_323 = arith.addi %mul3A_321, %add3A_322 : i32
          %get3A_324 = arith.constant 0 : i32
          %get3A_325 = arith.index_cast %get3A_324 : i32 to index
          %get3A_326 = arith.index_cast %add3A_323 : i32 to index
          %get3A_327 = arith.constant 0 : index
          %get3A_328 = tpu.vector_load %arg6[%get3A_325, %get3A_326, %get3A_327] {strides = array<i32>} : memref<4x128x128xf32, #tpu.memory_space<vmem>>, vector<1x1x16xf32>,
          %get3A_329 = vector.shape_cast %get3A_328 : vector<1x1x16xf32> to vector<16xf32>
          %swap3A_330 = arith.constant 0 : i32
          %swap3A_331 = arith.index_cast %swap3A_330 : i32 to index
          %swap3A_332 = arith.index_cast %scan3A_287 : i32 to index
          %swap3A_333 = arith.constant 32 : index
          %swap3A_334 = tpu.vector_load %arg7[%swap3A_331, %swap3A_332, %swap3A_333] {strides = array<i32>} : memref<2x16x128xf32, #tpu.memory_space<vmem>>, vector<1x1x16xf32>,
          %swap3A_335 = vector.shape_cast %swap3A_334 : vector<1x1x16xf32> to vector<16xf32>
          %swap3A_336 = vector.shape_cast %get3A_329 : vector<16xf32> to vector<1x1x16xf32>
          tpu.vector_store %arg7[%swap3A_331, %swap3A_332, %swap3A_333], %swap3A_336 {strides = array<i32>} : memref<2x16x128xf32, #tpu.memory_space<vmem>>, vector<1x1x16xf32>,
          %mul3A_337 = arith.constant 8 : i32
          %mul3A_338 = arith.muli %mul3A_337, %scan3A_287 : i32
          %add3A_339 = arith.constant 3 : i32
          %add3A_340 = arith.addi %mul3A_338, %add3A_339 : i32
          %get3A_341 = arith.constant 0 : i32
          %get3A_342 = arith.index_cast %get3A_341 : i32 to index
          %get3A_343 = arith.index_cast %add3A_340 : i32 to index
          %get3A_344 = arith.constant 0 : index
          %get3A_345 = tpu.vector_load %arg6[%get3A_342, %get3A_343, %get3A_344] {strides = array<i32>} : memref<4x128x128xf32, #tpu.memory_space<vmem>>, vector<1x1x16xf32>,
          %get3A_346 = vector.shape_cast %get3A_345 : vector<1x1x16xf32> to vector<16xf32>
          %swap3A_347 = arith.constant 0 : i32
          %swap3A_348 = arith.index_cast %swap3A_347 : i32 to index
          %swap3A_349 = arith.index_cast %scan3A_287 : i32 to index
          %swap3A_350 = arith.constant 48 : index
          %swap3A_351 = tpu.vector_load %arg7[%swap3A_348, %swap3A_349, %swap3A_350] {strides = array<i32>} : memref<2x16x128xf32, #tpu.memory_space<vmem>>, vector<1x1x16xf32>,
          %swap3A_352 = vector.shape_cast %swap3A_351 : vector<1x1x16xf32> to vector<16xf32>
          %swap3A_353 = vector.shape_cast %get3A_346 : vector<16xf32> to vector<1x1x16xf32>
          tpu.vector_store %arg7[%swap3A_348, %swap3A_349, %swap3A_350], %swap3A_353 {strides = array<i32>} : memref<2x16x128xf32, #tpu.memory_space<vmem>>, vector<1x1x16xf32>,
          %mul3A_354 = arith.constant 8 : i32
          %mul3A_355 = arith.muli %mul3A_354, %scan3A_287 : i32
          %add3A_356 = arith.constant 4 : i32
          %add3A_357 = arith.addi %mul3A_355, %add3A_356 : i32
          %get3A_358 = arith.constant 0 : i32
          %get3A_359 = arith.index_cast %get3A_358 : i32 to index
          %get3A_360 = arith.index_cast %add3A_357 : i32 to index
          %get3A_361 = arith.constant 0 : index
          %get3A_362 = tpu.vector_load %arg6[%get3A_359, %get3A_360, %get3A_361] {strides = array<i32>} : memref<4x128x128xf32, #tpu.memory_space<vmem>>, vector<1x1x16xf32>,
          %get3A_363 = vector.shape_cast %get3A_362 : vector<1x1x16xf32> to vector<16xf32>
          %swap3A_364 = arith.constant 0 : i32
          %swap3A_365 = arith.index_cast %swap3A_364 : i32 to index
          %swap3A_366 = arith.index_cast %scan3A_287 : i32 to index
          %swap3A_367 = arith.constant 64 : index
          %swap3A_368 = tpu.vector_load %arg7[%swap3A_365, %swap3A_366, %swap3A_367] {strides = array<i32>} : memref<2x16x128xf32, #tpu.memory_space<vmem>>, vector<1x1x16xf32>,
          %swap3A_369 = vector.shape_cast %swap3A_368 : vector<1x1x16xf32> to vector<16xf32>
          %swap3A_370 = vector.shape_cast %get3A_363 : vector<16xf32> to vector<1x1x16xf32>
          tpu.vector_store %arg7[%swap3A_365, %swap3A_366, %swap3A_367], %swap3A_370 {strides = array<i32>} : memref<2x16x128xf32, #tpu.memory_space<vmem>>, vector<1x1x16xf32>,
          %mul3A_371 = arith.constant 8 : i32
          %mul3A_372 = arith.muli %mul3A_371, %scan3A_287 : i32
          %add3A_373 = arith.constant 5 : i32
          %add3A_374 = arith.addi %mul3A_372, %add3A_373 : i32
          %get3A_375 = arith.constant 0 : i32
          %get3A_376 = arith.index_cast %get3A_375 : i32 to index
          %get3A_377 = arith.index_cast %add3A_374 : i32 to index
          %get3A_378 = arith.constant 0 : index
          %get3A_379 = tpu.vector_load %arg6[%get3A_376, %get3A_377, %get3A_378] {strides = array<i32>} : memref<4x128x128xf32, #tpu.memory_space<vmem>>, vector<1x1x16xf32>,
          %get3A_380 = vector.shape_cast %get3A_379 : vector<1x1x16xf32> to vector<16xf32>
          %swap3A_381 = arith.constant 0 : i32
          %swap3A_382 = arith.index_cast %swap3A_381 : i32 to index
          %swap3A_383 = arith.index_cast %scan3A_287 : i32 to index
          %swap3A_384 = arith.constant 80 : index
          %swap3A_385 = tpu.vector_load %arg7[%swap3A_382, %swap3A_383, %swap3A_384] {strides = array<i32>} : memref<2x16x128xf32, #tpu.memory_space<vmem>>, vector<1x1x16xf32>,
          %swap3A_386 = vector.shape_cast %swap3A_385 : vector<1x1x16xf32> to vector<16xf32>
          %swap3A_387 = vector.shape_cast %get3A_380 : vector<16xf32> to vector<1x1x16xf32>
          tpu.vector_store %arg7[%swap3A_382, %swap3A_383, %swap3A_384], %swap3A_387 {strides = array<i32>} : memref<2x16x128xf32, #tpu.memory_space<vmem>>, vector<1x1x16xf32>,
          %mul3A_388 = arith.constant 8 : i32
          %mul3A_389 = arith.muli %mul3A_388, %scan3A_287 : i32
          %add3A_390 = arith.constant 6 : i32
          %add3A_391 = arith.addi %mul3A_389, %add3A_390 : i32
          %get3A_392 = arith.constant 0 : i32
          %get3A_393 = arith.index_cast %get3A_392 : i32 to index
          %get3A_394 = arith.index_cast %add3A_391 : i32 to index
          %get3A_395 = arith.constant 0 : index
          %get3A_396 = tpu.vector_load %arg6[%get3A_393, %get3A_394, %get3A_395] {strides = array<i32>} : memref<4x128x128xf32, #tpu.memory_space<vmem>>, vector<1x1x16xf32>,
          %get3A_397 = vector.shape_cast %get3A_396 : vector<1x1x16xf32> to vector<16xf32>
          %swap3A_398 = arith.constant 0 : i32
          %swap3A_399 = arith.index_cast %swap3A_398 : i32 to index
          %swap3A_400 = arith.index_cast %scan3A_287 : i32 to index
          %swap3A_401 = arith.constant 96 : index
          %swap3A_402 = tpu.vector_load %arg7[%swap3A_399, %swap3A_400, %swap3A_401] {strides = array<i32>} : memref<2x16x128xf32, #tpu.memory_space<vmem>>, vector<1x1x16xf32>,
          %swap3A_403 = vector.shape_cast %swap3A_402 : vector<1x1x16xf32> to vector<16xf32>
          %swap3A_404 = vector.shape_cast %get3A_397 : vector<16xf32> to vector<1x1x16xf32>
          tpu.vector_store %arg7[%swap3A_399, %swap3A_400, %swap3A_401], %swap3A_404 {strides = array<i32>} : memref<2x16x128xf32, #tpu.memory_space<vmem>>, vector<1x1x16xf32>,
          %mul3A_405 = arith.constant 8 : i32
          %mul3A_406 = arith.muli %mul3A_405, %scan3A_287 : i32
          %add3A_407 = arith.constant 7 : i32
          %add3A_408 = arith.addi %mul3A_406, %add3A_407 : i32
          %get3A_409 = arith.constant 0 : i32
          %get3A_410 = arith.index_cast %get3A_409 : i32 to index
          %get3A_411 = arith.index_cast %add3A_408 : i32 to index
          %get3A_412 = arith.constant 0 : index
          %get3A_413 = tpu.vector_load %arg6[%get3A_410, %get3A_411, %get3A_412] {strides = array<i32>} : memref<4x128x128xf32, #tpu.memory_space<vmem>>, vector<1x1x16xf32>,
          %get3A_414 = vector.shape_cast %get3A_413 : vector<1x1x16xf32> to vector<16xf32>
          %swap3A_415 = arith.constant 0 : i32
          %swap3A_416 = arith.index_cast %swap3A_415 : i32 to index
          %swap3A_417 = arith.index_cast %scan3A_287 : i32 to index
          %swap3A_418 = arith.constant 112 : index
          %swap3A_419 = tpu.vector_load %arg7[%swap3A_416, %swap3A_417, %swap3A_418] {strides = array<i32>} : memref<2x16x128xf32, #tpu.memory_space<vmem>>, vector<1x1x16xf32>,
          %swap3A_420 = vector.shape_cast %swap3A_419 : vector<1x1x16xf32> to vector<16xf32>
          %swap3A_421 = vector.shape_cast %get3A_414 : vector<16xf32> to vector<1x1x16xf32>
          tpu.vector_store %arg7[%swap3A_416, %swap3A_417, %swap3A_418], %swap3A_421 {strides = array<i32>} : memref<2x16x128xf32, #tpu.memory_space<vmem>>, vector<1x1x16xf32>,
        }
        %scan3A_114 = arith.constant 16 : i32
        %mul3A_115 = arith.constant 16 : i32
        %mul3A_116 = arith.muli %add3A_92, %mul3A_115 : i32
        %add3A_117 = arith.addi %mul3A_10, %mul3A_116 : i32
        %dma_start3A_118 = arith.constant 0 : i32
        %dma_start3A_119 = arith.constant 0 : i32
        %dma_start3A_120 = arith.constant 0 : i32
        %dma_start3A_121 = tpu.memref_slice %arg7[%dma_start3A_118, %dma_start3A_119, %dma_start3A_120] : memref<2x16x128xf32, #tpu.memory_space<vmem>> -> memref<1x16x128xf32, #tpu.memory_space<vmem>>
        %dma_start3A_122 = tpu.memref_squeeze %dma_start3A_121 : memref<1x16x128xf32, #tpu.memory_space<vmem>> -> memref<16x128xf32, #tpu.memory_space<vmem>>
        %dma_start3A_123 = arith.constant 0 : i32
        %dma_start3A_124 = tpu.memref_slice %arg4[%add3A_117, %dma_start3A_123] : memref<20480x128xf32, #tpu.memory_space<hbm>> -> memref<16x128xf32, #tpu.memory_space<hbm>>
        %dma_start3A_125 = arith.constant 0 : i32
        %dma_start3A_126 = tpu.memref_slice %arg4[%add3A_117, %dma_start3A_125] : memref<20480x128xf32, #tpu.memory_space<hbm>> -> memref<16x128xf32, #tpu.memory_space<hbm>>
        %dma_start3A_127 = arith.constant 0 : i32
        %dma_start3A_128 = arith.constant 0 : i32
        %dma_start3A_129 = tpu.memref_slice %arg7[%dma_start3A_118, %dma_start3A_127, %dma_start3A_128] : memref<2x16x128xf32, #tpu.memory_space<vmem>> -> memref<1x16x128xf32, #tpu.memory_space<vmem>>
        %dma_start3A_130 = tpu.memref_squeeze %dma_start3A_129 : memref<1x16x128xf32, #tpu.memory_space<vmem>> -> memref<16x128xf32, #tpu.memory_space<vmem>>
        tpu.enqueue_dma source(%dma_start3A_130 : memref<16x128xf32, #tpu.memory_space<vmem>>) target(%dma_start3A_126 : memref<16x128xf32, #tpu.memory_space<hbm>>) target_semaphore(%arg12 : memref<!tpu.dma_semaphore, #tpu.memory_space<semaphore_mem>>)
        %add3A_131 = arith.constant 4 : i32
        %add3A_132 = arith.addi %add3A_92, %add3A_131 : i32
        %lt3A = arith.constant 40 : i32
        %lt3A_133 = arith.cmpi slt, %add3A_132, %lt3A : i32
        %convert_element_type3A_134 = arith.extui %lt3A_133 : i1 to i32
        %cond3A_135 = arith.constant 0 : i32
        %cond3A_136 = arith.cmpi ne, %convert_element_type3A_134, %cond3A_135 : i32
        scf.if %cond3A_136 {
          %add3A_287 = arith.constant 4 : i32
          %add3A_288 = arith.addi %add3A_92, %add3A_287 : i32
          %dma_start3A_289 = arith.constant 0 : i32
          %dma_start3A_290 = arith.constant 0 : i32
          %dma_start3A_291 = arith.constant 0 : i32
          %dma_start3A_292 = tpu.memref_slice %arg6[%dma_start3A_289, %dma_start3A_290, %dma_start3A_291] : memref<4x128x128xf32, #tpu.memory_space<vmem>> -> memref<1x128x128xf32, #tpu.memory_space<vmem>>
          %dma_start3A_293 = tpu.memref_squeeze %dma_start3A_292 : memref<1x128x128xf32, #tpu.memory_space<vmem>> -> memref<128x128xf32, #tpu.memory_space<vmem>>
          %dma_start3A_294 = arith.constant 0 : i32
          %dma_start3A_295 = tpu.memref_slice %arg5[%add3A_288, %dma_start3A_294] : memref<40x128xi32, #tpu.memory_space<vmem>> -> memref<1x128xi32, #tpu.memory_space<vmem>>
          %dma_start3A_296 = tpu.memref_squeeze %dma_start3A_295 : memref<1x128xi32, #tpu.memory_space<vmem>> -> memref<128xi32, #tpu.memory_space<vmem>>
          %dma_start3A_297 = arith.constant 0 : i32
          %dma_start3A_298 = arith.constant 0 : i32
          %dma_start3A_299 = tpu.memref_slice %arg2[%dma_start3A_297, %dma_start3A_298] : memref<10240x128xf32, #tpu.memory_space<hbm>> -> memref<10240x128xf32, #tpu.memory_space<hbm>>
          tpu.enqueue_indirect_dma source(%dma_start3A_299 : memref<10240x128xf32, #tpu.memory_space<hbm>>) target(%dma_start3A_293 : memref<128x128xf32, #tpu.memory_space<vmem>>) offsets(%dma_start3A_296 : memref<128xi32, #tpu.memory_space<vmem>>) semaphore(%arg8 : memref<!tpu.dma_semaphore, #tpu.memory_space<semaphore_mem>>)
        } else {
        }
        %mul3A_137 = arith.constant 4 : i32
        %mul3A_138 = arith.muli %mul3A_137, %scan3A_88 : i32
        %add3A_139 = arith.constant 1 : i32
        %add3A_140 = arith.addi %mul3A_138, %add3A_139 : i32
        %dma_wait3A_141 = arith.constant 0 : i32
        %dma_wait3A_142 = arith.constant 1 : i32
        %dma_wait3A_143 = arith.constant 0 : i32
        %dma_wait3A_144 = arith.constant 0 : i32
        %dma_wait3A_145 = tpu.memref_slice %arg6[%dma_wait3A_142, %dma_wait3A_143, %dma_wait3A_144] : memref<4x128x128xf32, #tpu.memory_space<vmem>> -> memref<1x128x128xf32, #tpu.memory_space<vmem>>
        %dma_wait3A_146 = tpu.memref_squeeze %dma_wait3A_145 : memref<1x128x128xf32, #tpu.memory_space<vmem>> -> memref<128x128xf32, #tpu.memory_space<vmem>>
        %dma_wait3A_147 = arith.constant 0 : i32
        %dma_wait3A_148 = tpu.memref_slice %arg5[%dma_wait3A_141, %dma_wait3A_147] : memref<40x128xi32, #tpu.memory_space<vmem>> -> memref<1x128xi32, #tpu.memory_space<vmem>>
        %dma_wait3A_149 = tpu.memref_squeeze %dma_wait3A_148 : memref<1x128xi32, #tpu.memory_space<vmem>> -> memref<128xi32, #tpu.memory_space<vmem>>
        %dma_wait3A_150 = arith.constant 0 : i32
        %dma_wait3A_151 = arith.constant 0 : i32
        %dma_wait3A_152 = tpu.memref_slice %arg2[%dma_wait3A_150, %dma_wait3A_151] : memref<10240x128xf32, #tpu.memory_space<hbm>> -> memref<10240x128xf32, #tpu.memory_space<hbm>>
        tpu.wait_indirect_dma semaphore(%arg9 : memref<!tpu.dma_semaphore, #tpu.memory_space<semaphore_mem>>) src(%dma_wait3A_152 : memref<10240x128xf32, #tpu.memory_space<hbm>>) dst(%dma_wait3A_146 : memref<128x128xf32, #tpu.memory_space<vmem>>)
        %ge3A_153 = arith.constant 2 : i32
        %ge3A_154 = arith.cmpi sge, %add3A_140, %ge3A_153 : i32
        %convert_element_type3A_155 = arith.extui %ge3A_154 : i1 to i32
        %cond3A_156 = arith.constant 0 : i32
        %cond3A_157 = arith.cmpi ne, %convert_element_type3A_155, %cond3A_156 : i32
        scf.if %cond3A_157 {
          %dma_wait3A_287 = arith.constant 1 : i32
          %dma_wait3A_288 = arith.constant 0 : i32
          %dma_wait3A_289 = arith.constant 0 : i32
          %dma_wait3A_290 = tpu.memref_slice %arg7[%dma_wait3A_287, %dma_wait3A_288, %dma_wait3A_289] : memref<2x16x128xf32, #tpu.memory_space<vmem>> -> memref<1x16x128xf32, #tpu.memory_space<vmem>>
          %dma_wait3A_291 = tpu.memref_squeeze %dma_wait3A_290 : memref<1x16x128xf32, #tpu.memory_space<vmem>> -> memref<16x128xf32, #tpu.memory_space<vmem>>
          %dma_wait3A_292 = arith.constant 0 : i32
          %dma_wait3A_293 = tpu.memref_slice %arg4[%mul3A_10, %dma_wait3A_292] : memref<20480x128xf32, #tpu.memory_space<hbm>> -> memref<16x128xf32, #tpu.memory_space<hbm>>
          %dma_wait3A_294 = arith.constant 0 : i32
          %dma_wait3A_295 = tpu.memref_slice %arg4[%mul3A_10, %dma_wait3A_294] : memref<20480x128xf32, #tpu.memory_space<hbm>> -> memref<16x128xf32, #tpu.memory_space<hbm>>
          %dma_wait3A_296 = arith.constant 0 : i32
          %dma_wait3A_297 = arith.constant 0 : i32
          %dma_wait3A_298 = tpu.memref_slice %arg7[%dma_wait3A_287, %dma_wait3A_296, %dma_wait3A_297] : memref<2x16x128xf32, #tpu.memory_space<vmem>> -> memref<1x16x128xf32, #tpu.memory_space<vmem>>
          %dma_wait3A_299 = tpu.memref_squeeze %dma_wait3A_298 : memref<1x16x128xf32, #tpu.memory_space<vmem>> -> memref<16x128xf32, #tpu.memory_space<vmem>>
          tpu.wait_dma2 semaphore(%arg13 : memref<!tpu.dma_semaphore, #tpu.memory_space<semaphore_mem>>) src(%dma_wait3A_299 : memref<16x128xf32, #tpu.memory_space<vmem>>) dst(%dma_wait3A_295 : memref<16x128xf32, #tpu.memory_space<hbm>>)
        } else {
        }
        %scan3A_158 = arith.constant 0 : i32
        %scan3A_159 = arith.constant 0 : i32
        %scan3A_160 = arith.constant 16 : i32
        %scan3A_161 = arith.addi %scan3A_159, %scan3A_160 : i32
        %scan3A_162 = arith.constant 1 : i32
        scf.for %scan3A_287 = %scan3A_159 to %scan3A_161 step %scan3A_162  : i32 {
          %mul3A_288 = arith.constant 8 : i32
          %mul3A_289 = arith.muli %mul3A_288, %scan3A_287 : i32
          %add3A_290 = arith.constant 0 : i32
          %add3A_291 = arith.addi %mul3A_289, %add3A_290 : i32
          %get3A = arith.constant 1 : i32
          %get3A_292 = arith.index_cast %get3A : i32 to index
          %get3A_293 = arith.index_cast %add3A_291 : i32 to index
          %get3A_294 = arith.constant 0 : index
          %get3A_295 = tpu.vector_load %arg6[%get3A_292, %get3A_293, %get3A_294] {strides = array<i32>} : memref<4x128x128xf32, #tpu.memory_space<vmem>>, vector<1x1x16xf32>,
          %get3A_296 = vector.shape_cast %get3A_295 : vector<1x1x16xf32> to vector<16xf32>
          %swap3A = arith.constant 1 : i32
          %swap3A_297 = arith.index_cast %swap3A : i32 to index
          %swap3A_298 = arith.index_cast %scan3A_287 : i32 to index
          %swap3A_299 = arith.constant 0 : index
          %swap3A_300 = tpu.vector_load %arg7[%swap3A_297, %swap3A_298, %swap3A_299] {strides = array<i32>} : memref<2x16x128xf32, #tpu.memory_space<vmem>>, vector<1x1x16xf32>,
          %swap3A_301 = vector.shape_cast %swap3A_300 : vector<1x1x16xf32> to vector<16xf32>
          %swap3A_302 = vector.shape_cast %get3A_296 : vector<16xf32> to vector<1x1x16xf32>
          tpu.vector_store %arg7[%swap3A_297, %swap3A_298, %swap3A_299], %swap3A_302 {strides = array<i32>} : memref<2x16x128xf32, #tpu.memory_space<vmem>>, vector<1x1x16xf32>,
          %mul3A_303 = arith.constant 8 : i32
          %mul3A_304 = arith.muli %mul3A_303, %scan3A_287 : i32
          %add3A_305 = arith.constant 1 : i32
          %add3A_306 = arith.addi %mul3A_304, %add3A_305 : i32
          %get3A_307 = arith.constant 1 : i32
          %get3A_308 = arith.index_cast %get3A_307 : i32 to index
          %get3A_309 = arith.index_cast %add3A_306 : i32 to index
          %get3A_310 = arith.constant 0 : index
          %get3A_311 = tpu.vector_load %arg6[%get3A_308, %get3A_309, %get3A_310] {strides = array<i32>} : memref<4x128x128xf32, #tpu.memory_space<vmem>>, vector<1x1x16xf32>,
          %get3A_312 = vector.shape_cast %get3A_311 : vector<1x1x16xf32> to vector<16xf32>
          %swap3A_313 = arith.constant 1 : i32
          %swap3A_314 = arith.index_cast %swap3A_313 : i32 to index
          %swap3A_315 = arith.index_cast %scan3A_287 : i32 to index
          %swap3A_316 = arith.constant 16 : index
          %swap3A_317 = tpu.vector_load %arg7[%swap3A_314, %swap3A_315, %swap3A_316] {strides = array<i32>} : memref<2x16x128xf32, #tpu.memory_space<vmem>>, vector<1x1x16xf32>,
          %swap3A_318 = vector.shape_cast %swap3A_317 : vector<1x1x16xf32> to vector<16xf32>
          %swap3A_319 = vector.shape_cast %get3A_312 : vector<16xf32> to vector<1x1x16xf32>
          tpu.vector_store %arg7[%swap3A_314, %swap3A_315, %swap3A_316], %swap3A_319 {strides = array<i32>} : memref<2x16x128xf32, #tpu.memory_space<vmem>>, vector<1x1x16xf32>,
          %mul3A_320 = arith.constant 8 : i32
          %mul3A_321 = arith.muli %mul3A_320, %scan3A_287 : i32
          %add3A_322 = arith.constant 2 : i32
          %add3A_323 = arith.addi %mul3A_321, %add3A_322 : i32
          %get3A_324 = arith.constant 1 : i32
          %get3A_325 = arith.index_cast %get3A_324 : i32 to index
          %get3A_326 = arith.index_cast %add3A_323 : i32 to index
          %get3A_327 = arith.constant 0 : index
          %get3A_328 = tpu.vector_load %arg6[%get3A_325, %get3A_326, %get3A_327] {strides = array<i32>} : memref<4x128x128xf32, #tpu.memory_space<vmem>>, vector<1x1x16xf32>,
          %get3A_329 = vector.shape_cast %get3A_328 : vector<1x1x16xf32> to vector<16xf32>
          %swap3A_330 = arith.constant 1 : i32
          %swap3A_331 = arith.index_cast %swap3A_330 : i32 to index
          %swap3A_332 = arith.index_cast %scan3A_287 : i32 to index
          %swap3A_333 = arith.constant 32 : index
          %swap3A_334 = tpu.vector_load %arg7[%swap3A_331, %swap3A_332, %swap3A_333] {strides = array<i32>} : memref<2x16x128xf32, #tpu.memory_space<vmem>>, vector<1x1x16xf32>,
          %swap3A_335 = vector.shape_cast %swap3A_334 : vector<1x1x16xf32> to vector<16xf32>
          %swap3A_336 = vector.shape_cast %get3A_329 : vector<16xf32> to vector<1x1x16xf32>
          tpu.vector_store %arg7[%swap3A_331, %swap3A_332, %swap3A_333], %swap3A_336 {strides = array<i32>} : memref<2x16x128xf32, #tpu.memory_space<vmem>>, vector<1x1x16xf32>,
          %mul3A_337 = arith.constant 8 : i32
          %mul3A_338 = arith.muli %mul3A_337, %scan3A_287 : i32
          %add3A_339 = arith.constant 3 : i32
          %add3A_340 = arith.addi %mul3A_338, %add3A_339 : i32
          %get3A_341 = arith.constant 1 : i32
          %get3A_342 = arith.index_cast %get3A_341 : i32 to index
          %get3A_343 = arith.index_cast %add3A_340 : i32 to index
          %get3A_344 = arith.constant 0 : index
          %get3A_345 = tpu.vector_load %arg6[%get3A_342, %get3A_343, %get3A_344] {strides = array<i32>} : memref<4x128x128xf32, #tpu.memory_space<vmem>>, vector<1x1x16xf32>,
          %get3A_346 = vector.shape_cast %get3A_345 : vector<1x1x16xf32> to vector<16xf32>
          %swap3A_347 = arith.constant 1 : i32
          %swap3A_348 = arith.index_cast %swap3A_347 : i32 to index
          %swap3A_349 = arith.index_cast %scan3A_287 : i32 to index
          %swap3A_350 = arith.constant 48 : index
          %swap3A_351 = tpu.vector_load %arg7[%swap3A_348, %swap3A_349, %swap3A_350] {strides = array<i32>} : memref<2x16x128xf32, #tpu.memory_space<vmem>>, vector<1x1x16xf32>,
          %swap3A_352 = vector.shape_cast %swap3A_351 : vector<1x1x16xf32> to vector<16xf32>
          %swap3A_353 = vector.shape_cast %get3A_346 : vector<16xf32> to vector<1x1x16xf32>
          tpu.vector_store %arg7[%swap3A_348, %swap3A_349, %swap3A_350], %swap3A_353 {strides = array<i32>} : memref<2x16x128xf32, #tpu.memory_space<vmem>>, vector<1x1x16xf32>,
          %mul3A_354 = arith.constant 8 : i32
          %mul3A_355 = arith.muli %mul3A_354, %scan3A_287 : i32
          %add3A_356 = arith.constant 4 : i32
          %add3A_357 = arith.addi %mul3A_355, %add3A_356 : i32
          %get3A_358 = arith.constant 1 : i32
          %get3A_359 = arith.index_cast %get3A_358 : i32 to index
          %get3A_360 = arith.index_cast %add3A_357 : i32 to index
          %get3A_361 = arith.constant 0 : index
          %get3A_362 = tpu.vector_load %arg6[%get3A_359, %get3A_360, %get3A_361] {strides = array<i32>} : memref<4x128x128xf32, #tpu.memory_space<vmem>>, vector<1x1x16xf32>,
          %get3A_363 = vector.shape_cast %get3A_362 : vector<1x1x16xf32> to vector<16xf32>
          %swap3A_364 = arith.constant 1 : i32
          %swap3A_365 = arith.index_cast %swap3A_364 : i32 to index
          %swap3A_366 = arith.index_cast %scan3A_287 : i32 to index
          %swap3A_367 = arith.constant 64 : index
          %swap3A_368 = tpu.vector_load %arg7[%swap3A_365, %swap3A_366, %swap3A_367] {strides = array<i32>} : memref<2x16x128xf32, #tpu.memory_space<vmem>>, vector<1x1x16xf32>,
          %swap3A_369 = vector.shape_cast %swap3A_368 : vector<1x1x16xf32> to vector<16xf32>
          %swap3A_370 = vector.shape_cast %get3A_363 : vector<16xf32> to vector<1x1x16xf32>
          tpu.vector_store %arg7[%swap3A_365, %swap3A_366, %swap3A_367], %swap3A_370 {strides = array<i32>} : memref<2x16x128xf32, #tpu.memory_space<vmem>>, vector<1x1x16xf32>,
          %mul3A_371 = arith.constant 8 : i32
          %mul3A_372 = arith.muli %mul3A_371, %scan3A_287 : i32
          %add3A_373 = arith.constant 5 : i32
          %add3A_374 = arith.addi %mul3A_372, %add3A_373 : i32
          %get3A_375 = arith.constant 1 : i32
          %get3A_376 = arith.index_cast %get3A_375 : i32 to index
          %get3A_377 = arith.index_cast %add3A_374 : i32 to index
          %get3A_378 = arith.constant 0 : index
          %get3A_379 = tpu.vector_load %arg6[%get3A_376, %get3A_377, %get3A_378] {strides = array<i32>} : memref<4x128x128xf32, #tpu.memory_space<vmem>>, vector<1x1x16xf32>,
          %get3A_380 = vector.shape_cast %get3A_379 : vector<1x1x16xf32> to vector<16xf32>
          %swap3A_381 = arith.constant 1 : i32
          %swap3A_382 = arith.index_cast %swap3A_381 : i32 to index
          %swap3A_383 = arith.index_cast %scan3A_287 : i32 to index
          %swap3A_384 = arith.constant 80 : index
          %swap3A_385 = tpu.vector_load %arg7[%swap3A_382, %swap3A_383, %swap3A_384] {strides = array<i32>} : memref<2x16x128xf32, #tpu.memory_space<vmem>>, vector<1x1x16xf32>,
          %swap3A_386 = vector.shape_cast %swap3A_385 : vector<1x1x16xf32> to vector<16xf32>
          %swap3A_387 = vector.shape_cast %get3A_380 : vector<16xf32> to vector<1x1x16xf32>
          tpu.vector_store %arg7[%swap3A_382, %swap3A_383, %swap3A_384], %swap3A_387 {strides = array<i32>} : memref<2x16x128xf32, #tpu.memory_space<vmem>>, vector<1x1x16xf32>,
          %mul3A_388 = arith.constant 8 : i32
          %mul3A_389 = arith.muli %mul3A_388, %scan3A_287 : i32
          %add3A_390 = arith.constant 6 : i32
          %add3A_391 = arith.addi %mul3A_389, %add3A_390 : i32
          %get3A_392 = arith.constant 1 : i32
          %get3A_393 = arith.index_cast %get3A_392 : i32 to index
          %get3A_394 = arith.index_cast %add3A_391 : i32 to index
          %get3A_395 = arith.constant 0 : index
          %get3A_396 = tpu.vector_load %arg6[%get3A_393, %get3A_394, %get3A_395] {strides = array<i32>} : memref<4x128x128xf32, #tpu.memory_space<vmem>>, vector<1x1x16xf32>,
          %get3A_397 = vector.shape_cast %get3A_396 : vector<1x1x16xf32> to vector<16xf32>
          %swap3A_398 = arith.constant 1 : i32
          %swap3A_399 = arith.index_cast %swap3A_398 : i32 to index
          %swap3A_400 = arith.index_cast %scan3A_287 : i32 to index
          %swap3A_401 = arith.constant 96 : index
          %swap3A_402 = tpu.vector_load %arg7[%swap3A_399, %swap3A_400, %swap3A_401] {strides = array<i32>} : memref<2x16x128xf32, #tpu.memory_space<vmem>>, vector<1x1x16xf32>,
          %swap3A_403 = vector.shape_cast %swap3A_402 : vector<1x1x16xf32> to vector<16xf32>
          %swap3A_404 = vector.shape_cast %get3A_397 : vector<16xf32> to vector<1x1x16xf32>
          tpu.vector_store %arg7[%swap3A_399, %swap3A_400, %swap3A_401], %swap3A_404 {strides = array<i32>} : memref<2x16x128xf32, #tpu.memory_space<vmem>>, vector<1x1x16xf32>,
          %mul3A_405 = arith.constant 8 : i32
          %mul3A_406 = arith.muli %mul3A_405, %scan3A_287 : i32
          %add3A_407 = arith.constant 7 : i32
          %add3A_408 = arith.addi %mul3A_406, %add3A_407 : i32
          %get3A_409 = arith.constant 1 : i32
          %get3A_410 = arith.index_cast %get3A_409 : i32 to index
          %get3A_411 = arith.index_cast %add3A_408 : i32 to index
          %get3A_412 = arith.constant 0 : index
          %get3A_413 = tpu.vector_load %arg6[%get3A_410, %get3A_411, %get3A_412] {strides = array<i32>} : memref<4x128x128xf32, #tpu.memory_space<vmem>>, vector<1x1x16xf32>,
          %get3A_414 = vector.shape_cast %get3A_413 : vector<1x1x16xf32> to vector<16xf32>
          %swap3A_415 = arith.constant 1 : i32
          %swap3A_416 = arith.index_cast %swap3A_415 : i32 to index
          %swap3A_417 = arith.index_cast %scan3A_287 : i32 to index
          %swap3A_418 = arith.constant 112 : index
          %swap3A_419 = tpu.vector_load %arg7[%swap3A_416, %swap3A_417, %swap3A_418] {strides = array<i32>} : memref<2x16x128xf32, #tpu.memory_space<vmem>>, vector<1x1x16xf32>,
          %swap3A_420 = vector.shape_cast %swap3A_419 : vector<1x1x16xf32> to vector<16xf32>
          %swap3A_421 = vector.shape_cast %get3A_414 : vector<16xf32> to vector<1x1x16xf32>
          tpu.vector_store %arg7[%swap3A_416, %swap3A_417, %swap3A_418], %swap3A_421 {strides = array<i32>} : memref<2x16x128xf32, #tpu.memory_space<vmem>>, vector<1x1x16xf32>,
        }
        %scan3A_163 = arith.constant 16 : i32
        %mul3A_164 = arith.constant 16 : i32
        %mul3A_165 = arith.muli %add3A_140, %mul3A_164 : i32
        %add3A_166 = arith.addi %mul3A_10, %mul3A_165 : i32
        %dma_start3A_167 = arith.constant 1 : i32
        %dma_start3A_168 = arith.constant 0 : i32
        %dma_start3A_169 = arith.constant 0 : i32
        %dma_start3A_170 = tpu.memref_slice %arg7[%dma_start3A_167, %dma_start3A_168, %dma_start3A_169] : memref<2x16x128xf32, #tpu.memory_space<vmem>> -> memref<1x16x128xf32, #tpu.memory_space<vmem>>
        %dma_start3A_171 = tpu.memref_squeeze %dma_start3A_170 : memref<1x16x128xf32, #tpu.memory_space<vmem>> -> memref<16x128xf32, #tpu.memory_space<vmem>>
        %dma_start3A_172 = arith.constant 0 : i32
        %dma_start3A_173 = tpu.memref_slice %arg4[%add3A_166, %dma_start3A_172] : memref<20480x128xf32, #tpu.memory_space<hbm>> -> memref<16x128xf32, #tpu.memory_space<hbm>>
        %dma_start3A_174 = arith.constant 0 : i32
        %dma_start3A_175 = tpu.memref_slice %arg4[%add3A_166, %dma_start3A_174] : memref<20480x128xf32, #tpu.memory_space<hbm>> -> memref<16x128xf32, #tpu.memory_space<hbm>>
        %dma_start3A_176 = arith.constant 0 : i32
        %dma_start3A_177 = arith.constant 0 : i32
        %dma_start3A_178 = tpu.memref_slice %arg7[%dma_start3A_167, %dma_start3A_176, %dma_start3A_177] : memref<2x16x128xf32, #tpu.memory_space<vmem>> -> memref<1x16x128xf32, #tpu.memory_space<vmem>>
        %dma_start3A_179 = tpu.memref_squeeze %dma_start3A_178 : memref<1x16x128xf32, #tpu.memory_space<vmem>> -> memref<16x128xf32, #tpu.memory_space<vmem>>
        tpu.enqueue_dma source(%dma_start3A_179 : memref<16x128xf32, #tpu.memory_space<vmem>>) target(%dma_start3A_175 : memref<16x128xf32, #tpu.memory_space<hbm>>) target_semaphore(%arg13 : memref<!tpu.dma_semaphore, #tpu.memory_space<semaphore_mem>>)
        %add3A_180 = arith.constant 4 : i32
        %add3A_181 = arith.addi %add3A_140, %add3A_180 : i32
        %lt3A_182 = arith.constant 40 : i32
        %lt3A_183 = arith.cmpi slt, %add3A_181, %lt3A_182 : i32
        %convert_element_type3A_184 = arith.extui %lt3A_183 : i1 to i32
        %cond3A_185 = arith.constant 0 : i32
        %cond3A_186 = arith.cmpi ne, %convert_element_type3A_184, %cond3A_185 : i32
        scf.if %cond3A_186 {
          %add3A_287 = arith.constant 4 : i32
          %add3A_288 = arith.addi %add3A_140, %add3A_287 : i32
          %dma_start3A_289 = arith.constant 1 : i32
          %dma_start3A_290 = arith.constant 0 : i32
          %dma_start3A_291 = arith.constant 0 : i32
          %dma_start3A_292 = tpu.memref_slice %arg6[%dma_start3A_289, %dma_start3A_290, %dma_start3A_291] : memref<4x128x128xf32, #tpu.memory_space<vmem>> -> memref<1x128x128xf32, #tpu.memory_space<vmem>>
          %dma_start3A_293 = tpu.memref_squeeze %dma_start3A_292 : memref<1x128x128xf32, #tpu.memory_space<vmem>> -> memref<128x128xf32, #tpu.memory_space<vmem>>
          %dma_start3A_294 = arith.constant 0 : i32
          %dma_start3A_295 = tpu.memref_slice %arg5[%add3A_288, %dma_start3A_294] : memref<40x128xi32, #tpu.memory_space<vmem>> -> memref<1x128xi32, #tpu.memory_space<vmem>>
          %dma_start3A_296 = tpu.memref_squeeze %dma_start3A_295 : memref<1x128xi32, #tpu.memory_space<vmem>> -> memref<128xi32, #tpu.memory_space<vmem>>
          %dma_start3A_297 = arith.constant 0 : i32
          %dma_start3A_298 = arith.constant 0 : i32
          %dma_start3A_299 = tpu.memref_slice %arg2[%dma_start3A_297, %dma_start3A_298] : memref<10240x128xf32, #tpu.memory_space<hbm>> -> memref<10240x128xf32, #tpu.memory_space<hbm>>
          tpu.enqueue_indirect_dma source(%dma_start3A_299 : memref<10240x128xf32, #tpu.memory_space<hbm>>) target(%dma_start3A_293 : memref<128x128xf32, #tpu.memory_space<vmem>>) offsets(%dma_start3A_296 : memref<128xi32, #tpu.memory_space<vmem>>) semaphore(%arg9 : memref<!tpu.dma_semaphore, #tpu.memory_space<semaphore_mem>>)
        } else {
        }
        %mul3A_187 = arith.constant 4 : i32
        %mul3A_188 = arith.muli %mul3A_187, %scan3A_88 : i32
        %add3A_189 = arith.constant 2 : i32
        %add3A_190 = arith.addi %mul3A_188, %add3A_189 : i32
        %dma_wait3A_191 = arith.constant 0 : i32
        %dma_wait3A_192 = arith.constant 2 : i32
        %dma_wait3A_193 = arith.constant 0 : i32
        %dma_wait3A_194 = arith.constant 0 : i32
        %dma_wait3A_195 = tpu.memref_slice %arg6[%dma_wait3A_192, %dma_wait3A_193, %dma_wait3A_194] : memref<4x128x128xf32, #tpu.memory_space<vmem>> -> memref<1x128x128xf32, #tpu.memory_space<vmem>>
        %dma_wait3A_196 = tpu.memref_squeeze %dma_wait3A_195 : memref<1x128x128xf32, #tpu.memory_space<vmem>> -> memref<128x128xf32, #tpu.memory_space<vmem>>
        %dma_wait3A_197 = arith.constant 0 : i32
        %dma_wait3A_198 = tpu.memref_slice %arg5[%dma_wait3A_191, %dma_wait3A_197] : memref<40x128xi32, #tpu.memory_space<vmem>> -> memref<1x128xi32, #tpu.memory_space<vmem>>
        %dma_wait3A_199 = tpu.memref_squeeze %dma_wait3A_198 : memref<1x128xi32, #tpu.memory_space<vmem>> -> memref<128xi32, #tpu.memory_space<vmem>>
        %dma_wait3A_200 = arith.constant 0 : i32
        %dma_wait3A_201 = arith.constant 0 : i32
        %dma_wait3A_202 = tpu.memref_slice %arg2[%dma_wait3A_200, %dma_wait3A_201] : memref<10240x128xf32, #tpu.memory_space<hbm>> -> memref<10240x128xf32, #tpu.memory_space<hbm>>
        tpu.wait_indirect_dma semaphore(%arg10 : memref<!tpu.dma_semaphore, #tpu.memory_space<semaphore_mem>>) src(%dma_wait3A_202 : memref<10240x128xf32, #tpu.memory_space<hbm>>) dst(%dma_wait3A_196 : memref<128x128xf32, #tpu.memory_space<vmem>>)
        %ge3A_203 = arith.constant 2 : i32
        %ge3A_204 = arith.cmpi sge, %add3A_190, %ge3A_203 : i32
        %convert_element_type3A_205 = arith.extui %ge3A_204 : i1 to i32
        %cond3A_206 = arith.constant 0 : i32
        %cond3A_207 = arith.cmpi ne, %convert_element_type3A_205, %cond3A_206 : i32
        scf.if %cond3A_207 {
          %dma_wait3A_287 = arith.constant 0 : i32
          %dma_wait3A_288 = arith.constant 0 : i32
          %dma_wait3A_289 = arith.constant 0 : i32
          %dma_wait3A_290 = tpu.memref_slice %arg7[%dma_wait3A_287, %dma_wait3A_288, %dma_wait3A_289] : memref<2x16x128xf32, #tpu.memory_space<vmem>> -> memref<1x16x128xf32, #tpu.memory_space<vmem>>
          %dma_wait3A_291 = tpu.memref_squeeze %dma_wait3A_290 : memref<1x16x128xf32, #tpu.memory_space<vmem>> -> memref<16x128xf32, #tpu.memory_space<vmem>>
          %dma_wait3A_292 = arith.constant 0 : i32
          %dma_wait3A_293 = tpu.memref_slice %arg4[%mul3A_10, %dma_wait3A_292] : memref<20480x128xf32, #tpu.memory_space<hbm>> -> memref<16x128xf32, #tpu.memory_space<hbm>>
          %dma_wait3A_294 = arith.constant 0 : i32
          %dma_wait3A_295 = tpu.memref_slice %arg4[%mul3A_10, %dma_wait3A_294] : memref<20480x128xf32, #tpu.memory_space<hbm>> -> memref<16x128xf32, #tpu.memory_space<hbm>>
          %dma_wait3A_296 = arith.constant 0 : i32
          %dma_wait3A_297 = arith.constant 0 : i32
          %dma_wait3A_298 = tpu.memref_slice %arg7[%dma_wait3A_287, %dma_wait3A_296, %dma_wait3A_297] : memref<2x16x128xf32, #tpu.memory_space<vmem>> -> memref<1x16x128xf32, #tpu.memory_space<vmem>>
          %dma_wait3A_299 = tpu.memref_squeeze %dma_wait3A_298 : memref<1x16x128xf32, #tpu.memory_space<vmem>> -> memref<16x128xf32, #tpu.memory_space<vmem>>
          tpu.wait_dma2 semaphore(%arg12 : memref<!tpu.dma_semaphore, #tpu.memory_space<semaphore_mem>>) src(%dma_wait3A_299 : memref<16x128xf32, #tpu.memory_space<vmem>>) dst(%dma_wait3A_295 : memref<16x128xf32, #tpu.memory_space<hbm>>)
        } else {
        }
        %scan3A_208 = arith.constant 0 : i32
        %scan3A_209 = arith.constant 0 : i32
        %scan3A_210 = arith.constant 16 : i32
        %scan3A_211 = arith.addi %scan3A_209, %scan3A_210 : i32
        %scan3A_212 = arith.constant 1 : i32
        scf.for %scan3A_287 = %scan3A_209 to %scan3A_211 step %scan3A_212  : i32 {
          %mul3A_288 = arith.constant 8 : i32
          %mul3A_289 = arith.muli %mul3A_288, %scan3A_287 : i32
          %add3A_290 = arith.constant 0 : i32
          %add3A_291 = arith.addi %mul3A_289, %add3A_290 : i32
          %get3A = arith.constant 2 : i32
          %get3A_292 = arith.index_cast %get3A : i32 to index
          %get3A_293 = arith.index_cast %add3A_291 : i32 to index
          %get3A_294 = arith.constant 0 : index
          %get3A_295 = tpu.vector_load %arg6[%get3A_292, %get3A_293, %get3A_294] {strides = array<i32>} : memref<4x128x128xf32, #tpu.memory_space<vmem>>, vector<1x1x16xf32>,
          %get3A_296 = vector.shape_cast %get3A_295 : vector<1x1x16xf32> to vector<16xf32>
          %swap3A = arith.constant 0 : i32
          %swap3A_297 = arith.index_cast %swap3A : i32 to index
          %swap3A_298 = arith.index_cast %scan3A_287 : i32 to index
          %swap3A_299 = arith.constant 0 : index
          %swap3A_300 = tpu.vector_load %arg7[%swap3A_297, %swap3A_298, %swap3A_299] {strides = array<i32>} : memref<2x16x128xf32, #tpu.memory_space<vmem>>, vector<1x1x16xf32>,
          %swap3A_301 = vector.shape_cast %swap3A_300 : vector<1x1x16xf32> to vector<16xf32>
          %swap3A_302 = vector.shape_cast %get3A_296 : vector<16xf32> to vector<1x1x16xf32>
          tpu.vector_store %arg7[%swap3A_297, %swap3A_298, %swap3A_299], %swap3A_302 {strides = array<i32>} : memref<2x16x128xf32, #tpu.memory_space<vmem>>, vector<1x1x16xf32>,
          %mul3A_303 = arith.constant 8 : i32
          %mul3A_304 = arith.muli %mul3A_303, %scan3A_287 : i32
          %add3A_305 = arith.constant 1 : i32
          %add3A_306 = arith.addi %mul3A_304, %add3A_305 : i32
          %get3A_307 = arith.constant 2 : i32
          %get3A_308 = arith.index_cast %get3A_307 : i32 to index
          %get3A_309 = arith.index_cast %add3A_306 : i32 to index
          %get3A_310 = arith.constant 0 : index
          %get3A_311 = tpu.vector_load %arg6[%get3A_308, %get3A_309, %get3A_310] {strides = array<i32>} : memref<4x128x128xf32, #tpu.memory_space<vmem>>, vector<1x1x16xf32>,
          %get3A_312 = vector.shape_cast %get3A_311 : vector<1x1x16xf32> to vector<16xf32>
          %swap3A_313 = arith.constant 0 : i32
          %swap3A_314 = arith.index_cast %swap3A_313 : i32 to index
          %swap3A_315 = arith.index_cast %scan3A_287 : i32 to index
          %swap3A_316 = arith.constant 16 : index
          %swap3A_317 = tpu.vector_load %arg7[%swap3A_314, %swap3A_315, %swap3A_316] {strides = array<i32>} : memref<2x16x128xf32, #tpu.memory_space<vmem>>, vector<1x1x16xf32>,
          %swap3A_318 = vector.shape_cast %swap3A_317 : vector<1x1x16xf32> to vector<16xf32>
          %swap3A_319 = vector.shape_cast %get3A_312 : vector<16xf32> to vector<1x1x16xf32>
          tpu.vector_store %arg7[%swap3A_314, %swap3A_315, %swap3A_316], %swap3A_319 {strides = array<i32>} : memref<2x16x128xf32, #tpu.memory_space<vmem>>, vector<1x1x16xf32>,
          %mul3A_320 = arith.constant 8 : i32
          %mul3A_321 = arith.muli %mul3A_320, %scan3A_287 : i32
          %add3A_322 = arith.constant 2 : i32
          %add3A_323 = arith.addi %mul3A_321, %add3A_322 : i32
          %get3A_324 = arith.constant 2 : i32
          %get3A_325 = arith.index_cast %get3A_324 : i32 to index
          %get3A_326 = arith.index_cast %add3A_323 : i32 to index
          %get3A_327 = arith.constant 0 : index
          %get3A_328 = tpu.vector_load %arg6[%get3A_325, %get3A_326, %get3A_327] {strides = array<i32>} : memref<4x128x128xf32, #tpu.memory_space<vmem>>, vector<1x1x16xf32>,
          %get3A_329 = vector.shape_cast %get3A_328 : vector<1x1x16xf32> to vector<16xf32>
          %swap3A_330 = arith.constant 0 : i32
          %swap3A_331 = arith.index_cast %swap3A_330 : i32 to index
          %swap3A_332 = arith.index_cast %scan3A_287 : i32 to index
          %swap3A_333 = arith.constant 32 : index
          %swap3A_334 = tpu.vector_load %arg7[%swap3A_331, %swap3A_332, %swap3A_333] {strides = array<i32>} : memref<2x16x128xf32, #tpu.memory_space<vmem>>, vector<1x1x16xf32>,
          %swap3A_335 = vector.shape_cast %swap3A_334 : vector<1x1x16xf32> to vector<16xf32>
          %swap3A_336 = vector.shape_cast %get3A_329 : vector<16xf32> to vector<1x1x16xf32>
          tpu.vector_store %arg7[%swap3A_331, %swap3A_332, %swap3A_333], %swap3A_336 {strides = array<i32>} : memref<2x16x128xf32, #tpu.memory_space<vmem>>, vector<1x1x16xf32>,
          %mul3A_337 = arith.constant 8 : i32
          %mul3A_338 = arith.muli %mul3A_337, %scan3A_287 : i32
          %add3A_339 = arith.constant 3 : i32
          %add3A_340 = arith.addi %mul3A_338, %add3A_339 : i32
          %get3A_341 = arith.constant 2 : i32
          %get3A_342 = arith.index_cast %get3A_341 : i32 to index
          %get3A_343 = arith.index_cast %add3A_340 : i32 to index
          %get3A_344 = arith.constant 0 : index
          %get3A_345 = tpu.vector_load %arg6[%get3A_342, %get3A_343, %get3A_344] {strides = array<i32>} : memref<4x128x128xf32, #tpu.memory_space<vmem>>, vector<1x1x16xf32>,
          %get3A_346 = vector.shape_cast %get3A_345 : vector<1x1x16xf32> to vector<16xf32>
          %swap3A_347 = arith.constant 0 : i32
          %swap3A_348 = arith.index_cast %swap3A_347 : i32 to index
          %swap3A_349 = arith.index_cast %scan3A_287 : i32 to index
          %swap3A_350 = arith.constant 48 : index
          %swap3A_351 = tpu.vector_load %arg7[%swap3A_348, %swap3A_349, %swap3A_350] {strides = array<i32>} : memref<2x16x128xf32, #tpu.memory_space<vmem>>, vector<1x1x16xf32>,
          %swap3A_352 = vector.shape_cast %swap3A_351 : vector<1x1x16xf32> to vector<16xf32>
          %swap3A_353 = vector.shape_cast %get3A_346 : vector<16xf32> to vector<1x1x16xf32>
          tpu.vector_store %arg7[%swap3A_348, %swap3A_349, %swap3A_350], %swap3A_353 {strides = array<i32>} : memref<2x16x128xf32, #tpu.memory_space<vmem>>, vector<1x1x16xf32>,
          %mul3A_354 = arith.constant 8 : i32
          %mul3A_355 = arith.muli %mul3A_354, %scan3A_287 : i32
          %add3A_356 = arith.constant 4 : i32
          %add3A_357 = arith.addi %mul3A_355, %add3A_356 : i32
          %get3A_358 = arith.constant 2 : i32
          %get3A_359 = arith.index_cast %get3A_358 : i32 to index
          %get3A_360 = arith.index_cast %add3A_357 : i32 to index
          %get3A_361 = arith.constant 0 : index
          %get3A_362 = tpu.vector_load %arg6[%get3A_359, %get3A_360, %get3A_361] {strides = array<i32>} : memref<4x128x128xf32, #tpu.memory_space<vmem>>, vector<1x1x16xf32>,
          %get3A_363 = vector.shape_cast %get3A_362 : vector<1x1x16xf32> to vector<16xf32>
          %swap3A_364 = arith.constant 0 : i32
          %swap3A_365 = arith.index_cast %swap3A_364 : i32 to index
          %swap3A_366 = arith.index_cast %scan3A_287 : i32 to index
          %swap3A_367 = arith.constant 64 : index
          %swap3A_368 = tpu.vector_load %arg7[%swap3A_365, %swap3A_366, %swap3A_367] {strides = array<i32>} : memref<2x16x128xf32, #tpu.memory_space<vmem>>, vector<1x1x16xf32>,
          %swap3A_369 = vector.shape_cast %swap3A_368 : vector<1x1x16xf32> to vector<16xf32>
          %swap3A_370 = vector.shape_cast %get3A_363 : vector<16xf32> to vector<1x1x16xf32>
          tpu.vector_store %arg7[%swap3A_365, %swap3A_366, %swap3A_367], %swap3A_370 {strides = array<i32>} : memref<2x16x128xf32, #tpu.memory_space<vmem>>, vector<1x1x16xf32>,
          %mul3A_371 = arith.constant 8 : i32
          %mul3A_372 = arith.muli %mul3A_371, %scan3A_287 : i32
          %add3A_373 = arith.constant 5 : i32
          %add3A_374 = arith.addi %mul3A_372, %add3A_373 : i32
          %get3A_375 = arith.constant 2 : i32
          %get3A_376 = arith.index_cast %get3A_375 : i32 to index
          %get3A_377 = arith.index_cast %add3A_374 : i32 to index
          %get3A_378 = arith.constant 0 : index
          %get3A_379 = tpu.vector_load %arg6[%get3A_376, %get3A_377, %get3A_378] {strides = array<i32>} : memref<4x128x128xf32, #tpu.memory_space<vmem>>, vector<1x1x16xf32>,
          %get3A_380 = vector.shape_cast %get3A_379 : vector<1x1x16xf32> to vector<16xf32>
          %swap3A_381 = arith.constant 0 : i32
          %swap3A_382 = arith.index_cast %swap3A_381 : i32 to index
          %swap3A_383 = arith.index_cast %scan3A_287 : i32 to index
          %swap3A_384 = arith.constant 80 : index
          %swap3A_385 = tpu.vector_load %arg7[%swap3A_382, %swap3A_383, %swap3A_384] {strides = array<i32>} : memref<2x16x128xf32, #tpu.memory_space<vmem>>, vector<1x1x16xf32>,
          %swap3A_386 = vector.shape_cast %swap3A_385 : vector<1x1x16xf32> to vector<16xf32>
          %swap3A_387 = vector.shape_cast %get3A_380 : vector<16xf32> to vector<1x1x16xf32>
          tpu.vector_store %arg7[%swap3A_382, %swap3A_383, %swap3A_384], %swap3A_387 {strides = array<i32>} : memref<2x16x128xf32, #tpu.memory_space<vmem>>, vector<1x1x16xf32>,
          %mul3A_388 = arith.constant 8 : i32
          %mul3A_389 = arith.muli %mul3A_388, %scan3A_287 : i32
          %add3A_390 = arith.constant 6 : i32
          %add3A_391 = arith.addi %mul3A_389, %add3A_390 : i32
          %get3A_392 = arith.constant 2 : i32
          %get3A_393 = arith.index_cast %get3A_392 : i32 to index
          %get3A_394 = arith.index_cast %add3A_391 : i32 to index
          %get3A_395 = arith.constant 0 : index
          %get3A_396 = tpu.vector_load %arg6[%get3A_393, %get3A_394, %get3A_395] {strides = array<i32>} : memref<4x128x128xf32, #tpu.memory_space<vmem>>, vector<1x1x16xf32>,
          %get3A_397 = vector.shape_cast %get3A_396 : vector<1x1x16xf32> to vector<16xf32>
          %swap3A_398 = arith.constant 0 : i32
          %swap3A_399 = arith.index_cast %swap3A_398 : i32 to index
          %swap3A_400 = arith.index_cast %scan3A_287 : i32 to index
          %swap3A_401 = arith.constant 96 : index
          %swap3A_402 = tpu.vector_load %arg7[%swap3A_399, %swap3A_400, %swap3A_401] {strides = array<i32>} : memref<2x16x128xf32, #tpu.memory_space<vmem>>, vector<1x1x16xf32>,
          %swap3A_403 = vector.shape_cast %swap3A_402 : vector<1x1x16xf32> to vector<16xf32>
          %swap3A_404 = vector.shape_cast %get3A_397 : vector<16xf32> to vector<1x1x16xf32>
          tpu.vector_store %arg7[%swap3A_399, %swap3A_400, %swap3A_401], %swap3A_404 {strides = array<i32>} : memref<2x16x128xf32, #tpu.memory_space<vmem>>, vector<1x1x16xf32>,
          %mul3A_405 = arith.constant 8 : i32
          %mul3A_406 = arith.muli %mul3A_405, %scan3A_287 : i32
          %add3A_407 = arith.constant 7 : i32
          %add3A_408 = arith.addi %mul3A_406, %add3A_407 : i32
          %get3A_409 = arith.constant 2 : i32
          %get3A_410 = arith.index_cast %get3A_409 : i32 to index
          %get3A_411 = arith.index_cast %add3A_408 : i32 to index
          %get3A_412 = arith.constant 0 : index
          %get3A_413 = tpu.vector_load %arg6[%get3A_410, %get3A_411, %get3A_412] {strides = array<i32>} : memref<4x128x128xf32, #tpu.memory_space<vmem>>, vector<1x1x16xf32>,
          %get3A_414 = vector.shape_cast %get3A_413 : vector<1x1x16xf32> to vector<16xf32>
          %swap3A_415 = arith.constant 0 : i32
          %swap3A_416 = arith.index_cast %swap3A_415 : i32 to index
          %swap3A_417 = arith.index_cast %scan3A_287 : i32 to index
          %swap3A_418 = arith.constant 112 : index
          %swap3A_419 = tpu.vector_load %arg7[%swap3A_416, %swap3A_417, %swap3A_418] {strides = array<i32>} : memref<2x16x128xf32, #tpu.memory_space<vmem>>, vector<1x1x16xf32>,
          %swap3A_420 = vector.shape_cast %swap3A_419 : vector<1x1x16xf32> to vector<16xf32>
          %swap3A_421 = vector.shape_cast %get3A_414 : vector<16xf32> to vector<1x1x16xf32>
          tpu.vector_store %arg7[%swap3A_416, %swap3A_417, %swap3A_418], %swap3A_421 {strides = array<i32>} : memref<2x16x128xf32, #tpu.memory_space<vmem>>, vector<1x1x16xf32>,
        }
        %scan3A_213 = arith.constant 16 : i32
        %mul3A_214 = arith.constant 16 : i32
        %mul3A_215 = arith.muli %add3A_190, %mul3A_214 : i32
        %add3A_216 = arith.addi %mul3A_10, %mul3A_215 : i32
        %dma_start3A_217 = arith.constant 0 : i32
        %dma_start3A_218 = arith.constant 0 : i32
        %dma_start3A_219 = arith.constant 0 : i32
        %dma_start3A_220 = tpu.memref_slice %arg7[%dma_start3A_217, %dma_start3A_218, %dma_start3A_219] : memref<2x16x128xf32, #tpu.memory_space<vmem>> -> memref<1x16x128xf32, #tpu.memory_space<vmem>>
        %dma_start3A_221 = tpu.memref_squeeze %dma_start3A_220 : memref<1x16x128xf32, #tpu.memory_space<vmem>> -> memref<16x128xf32, #tpu.memory_space<vmem>>
        %dma_start3A_222 = arith.constant 0 : i32
        %dma_start3A_223 = tpu.memref_slice %arg4[%add3A_216, %dma_start3A_222] : memref<20480x128xf32, #tpu.memory_space<hbm>> -> memref<16x128xf32, #tpu.memory_space<hbm>>
        %dma_start3A_224 = arith.constant 0 : i32
        %dma_start3A_225 = tpu.memref_slice %arg4[%add3A_216, %dma_start3A_224] : memref<20480x128xf32, #tpu.memory_space<hbm>> -> memref<16x128xf32, #tpu.memory_space<hbm>>
        %dma_start3A_226 = arith.constant 0 : i32
        %dma_start3A_227 = arith.constant 0 : i32
        %dma_start3A_228 = tpu.memref_slice %arg7[%dma_start3A_217, %dma_start3A_226, %dma_start3A_227] : memref<2x16x128xf32, #tpu.memory_space<vmem>> -> memref<1x16x128xf32, #tpu.memory_space<vmem>>
        %dma_start3A_229 = tpu.memref_squeeze %dma_start3A_228 : memref<1x16x128xf32, #tpu.memory_space<vmem>> -> memref<16x128xf32, #tpu.memory_space<vmem>>
        tpu.enqueue_dma source(%dma_start3A_229 : memref<16x128xf32, #tpu.memory_space<vmem>>) target(%dma_start3A_225 : memref<16x128xf32, #tpu.memory_space<hbm>>) target_semaphore(%arg12 : memref<!tpu.dma_semaphore, #tpu.memory_space<semaphore_mem>>)
        %add3A_230 = arith.constant 4 : i32
        %add3A_231 = arith.addi %add3A_190, %add3A_230 : i32
        %lt3A_232 = arith.constant 40 : i32
        %lt3A_233 = arith.cmpi slt, %add3A_231, %lt3A_232 : i32
        %convert_element_type3A_234 = arith.extui %lt3A_233 : i1 to i32
        %cond3A_235 = arith.constant 0 : i32
        %cond3A_236 = arith.cmpi ne, %convert_element_type3A_234, %cond3A_235 : i32
        scf.if %cond3A_236 {
          %add3A_287 = arith.constant 4 : i32
          %add3A_288 = arith.addi %add3A_190, %add3A_287 : i32
          %dma_start3A_289 = arith.constant 2 : i32
          %dma_start3A_290 = arith.constant 0 : i32
          %dma_start3A_291 = arith.constant 0 : i32
          %dma_start3A_292 = tpu.memref_slice %arg6[%dma_start3A_289, %dma_start3A_290, %dma_start3A_291] : memref<4x128x128xf32, #tpu.memory_space<vmem>> -> memref<1x128x128xf32, #tpu.memory_space<vmem>>
          %dma_start3A_293 = tpu.memref_squeeze %dma_start3A_292 : memref<1x128x128xf32, #tpu.memory_space<vmem>> -> memref<128x128xf32, #tpu.memory_space<vmem>>
          %dma_start3A_294 = arith.constant 0 : i32
          %dma_start3A_295 = tpu.memref_slice %arg5[%add3A_288, %dma_start3A_294] : memref<40x128xi32, #tpu.memory_space<vmem>> -> memref<1x128xi32, #tpu.memory_space<vmem>>
          %dma_start3A_296 = tpu.memref_squeeze %dma_start3A_295 : memref<1x128xi32, #tpu.memory_space<vmem>> -> memref<128xi32, #tpu.memory_space<vmem>>
          %dma_start3A_297 = arith.constant 0 : i32
          %dma_start3A_298 = arith.constant 0 : i32
          %dma_start3A_299 = tpu.memref_slice %arg2[%dma_start3A_297, %dma_start3A_298] : memref<10240x128xf32, #tpu.memory_space<hbm>> -> memref<10240x128xf32, #tpu.memory_space<hbm>>
          tpu.enqueue_indirect_dma source(%dma_start3A_299 : memref<10240x128xf32, #tpu.memory_space<hbm>>) target(%dma_start3A_293 : memref<128x128xf32, #tpu.memory_space<vmem>>) offsets(%dma_start3A_296 : memref<128xi32, #tpu.memory_space<vmem>>) semaphore(%arg10 : memref<!tpu.dma_semaphore, #tpu.memory_space<semaphore_mem>>)
        } else {
        }
        %mul3A_237 = arith.constant 4 : i32
        %mul3A_238 = arith.muli %mul3A_237, %scan3A_88 : i32
        %add3A_239 = arith.constant 3 : i32
        %add3A_240 = arith.addi %mul3A_238, %add3A_239 : i32
        %dma_wait3A_241 = arith.constant 0 : i32
        %dma_wait3A_242 = arith.constant 3 : i32
        %dma_wait3A_243 = arith.constant 0 : i32
        %dma_wait3A_244 = arith.constant 0 : i32
        %dma_wait3A_245 = tpu.memref_slice %arg6[%dma_wait3A_242, %dma_wait3A_243, %dma_wait3A_244] : memref<4x128x128xf32, #tpu.memory_space<vmem>> -> memref<1x128x128xf32, #tpu.memory_space<vmem>>
        %dma_wait3A_246 = tpu.memref_squeeze %dma_wait3A_245 : memref<1x128x128xf32, #tpu.memory_space<vmem>> -> memref<128x128xf32, #tpu.memory_space<vmem>>
        %dma_wait3A_247 = arith.constant 0 : i32
        %dma_wait3A_248 = tpu.memref_slice %arg5[%dma_wait3A_241, %dma_wait3A_247] : memref<40x128xi32, #tpu.memory_space<vmem>> -> memref<1x128xi32, #tpu.memory_space<vmem>>
        %dma_wait3A_249 = tpu.memref_squeeze %dma_wait3A_248 : memref<1x128xi32, #tpu.memory_space<vmem>> -> memref<128xi32, #tpu.memory_space<vmem>>
        %dma_wait3A_250 = arith.constant 0 : i32
        %dma_wait3A_251 = arith.constant 0 : i32
        %dma_wait3A_252 = tpu.memref_slice %arg2[%dma_wait3A_250, %dma_wait3A_251] : memref<10240x128xf32, #tpu.memory_space<hbm>> -> memref<10240x128xf32, #tpu.memory_space<hbm>>
        tpu.wait_indirect_dma semaphore(%arg11 : memref<!tpu.dma_semaphore, #tpu.memory_space<semaphore_mem>>) src(%dma_wait3A_252 : memref<10240x128xf32, #tpu.memory_space<hbm>>) dst(%dma_wait3A_246 : memref<128x128xf32, #tpu.memory_space<vmem>>)
        %ge3A_253 = arith.constant 2 : i32
        %ge3A_254 = arith.cmpi sge, %add3A_240, %ge3A_253 : i32
        %convert_element_type3A_255 = arith.extui %ge3A_254 : i1 to i32
        %cond3A_256 = arith.constant 0 : i32
        %cond3A_257 = arith.cmpi ne, %convert_element_type3A_255, %cond3A_256 : i32
        scf.if %cond3A_257 {
          %dma_wait3A_287 = arith.constant 1 : i32
          %dma_wait3A_288 = arith.constant 0 : i32
          %dma_wait3A_289 = arith.constant 0 : i32
          %dma_wait3A_290 = tpu.memref_slice %arg7[%dma_wait3A_287, %dma_wait3A_288, %dma_wait3A_289] : memref<2x16x128xf32, #tpu.memory_space<vmem>> -> memref<1x16x128xf32, #tpu.memory_space<vmem>>
          %dma_wait3A_291 = tpu.memref_squeeze %dma_wait3A_290 : memref<1x16x128xf32, #tpu.memory_space<vmem>> -> memref<16x128xf32, #tpu.memory_space<vmem>>
          %dma_wait3A_292 = arith.constant 0 : i32
          %dma_wait3A_293 = tpu.memref_slice %arg4[%mul3A_10, %dma_wait3A_292] : memref<20480x128xf32, #tpu.memory_space<hbm>> -> memref<16x128xf32, #tpu.memory_space<hbm>>
          %dma_wait3A_294 = arith.constant 0 : i32
          %dma_wait3A_295 = tpu.memref_slice %arg4[%mul3A_10, %dma_wait3A_294] : memref<20480x128xf32, #tpu.memory_space<hbm>> -> memref<16x128xf32, #tpu.memory_space<hbm>>
          %dma_wait3A_296 = arith.constant 0 : i32
          %dma_wait3A_297 = arith.constant 0 : i32
          %dma_wait3A_298 = tpu.memref_slice %arg7[%dma_wait3A_287, %dma_wait3A_296, %dma_wait3A_297] : memref<2x16x128xf32, #tpu.memory_space<vmem>> -> memref<1x16x128xf32, #tpu.memory_space<vmem>>
          %dma_wait3A_299 = tpu.memref_squeeze %dma_wait3A_298 : memref<1x16x128xf32, #tpu.memory_space<vmem>> -> memref<16x128xf32, #tpu.memory_space<vmem>>
          tpu.wait_dma2 semaphore(%arg13 : memref<!tpu.dma_semaphore, #tpu.memory_space<semaphore_mem>>) src(%dma_wait3A_299 : memref<16x128xf32, #tpu.memory_space<vmem>>) dst(%dma_wait3A_295 : memref<16x128xf32, #tpu.memory_space<hbm>>)
        } else {
        }
        %scan3A_258 = arith.constant 0 : i32
        %scan3A_259 = arith.constant 0 : i32
        %scan3A_260 = arith.constant 16 : i32
        %scan3A_261 = arith.addi %scan3A_259, %scan3A_260 : i32
        %scan3A_262 = arith.constant 1 : i32
        scf.for %scan3A_287 = %scan3A_259 to %scan3A_261 step %scan3A_262  : i32 {
          %mul3A_288 = arith.constant 8 : i32
          %mul3A_289 = arith.muli %mul3A_288, %scan3A_287 : i32
          %add3A_290 = arith.constant 0 : i32
          %add3A_291 = arith.addi %mul3A_289, %add3A_290 : i32
          %get3A = arith.constant 3 : i32
          %get3A_292 = arith.index_cast %get3A : i32 to index
          %get3A_293 = arith.index_cast %add3A_291 : i32 to index
          %get3A_294 = arith.constant 0 : index
          %get3A_295 = tpu.vector_load %arg6[%get3A_292, %get3A_293, %get3A_294] {strides = array<i32>} : memref<4x128x128xf32, #tpu.memory_space<vmem>>, vector<1x1x16xf32>,
          %get3A_296 = vector.shape_cast %get3A_295 : vector<1x1x16xf32> to vector<16xf32>
          %swap3A = arith.constant 1 : i32
          %swap3A_297 = arith.index_cast %swap3A : i32 to index
          %swap3A_298 = arith.index_cast %scan3A_287 : i32 to index
          %swap3A_299 = arith.constant 0 : index
          %swap3A_300 = tpu.vector_load %arg7[%swap3A_297, %swap3A_298, %swap3A_299] {strides = array<i32>} : memref<2x16x128xf32, #tpu.memory_space<vmem>>, vector<1x1x16xf32>,
          %swap3A_301 = vector.shape_cast %swap3A_300 : vector<1x1x16xf32> to vector<16xf32>
          %swap3A_302 = vector.shape_cast %get3A_296 : vector<16xf32> to vector<1x1x16xf32>
          tpu.vector_store %arg7[%swap3A_297, %swap3A_298, %swap3A_299], %swap3A_302 {strides = array<i32>} : memref<2x16x128xf32, #tpu.memory_space<vmem>>, vector<1x1x16xf32>,
          %mul3A_303 = arith.constant 8 : i32
          %mul3A_304 = arith.muli %mul3A_303, %scan3A_287 : i32
          %add3A_305 = arith.constant 1 : i32
          %add3A_306 = arith.addi %mul3A_304, %add3A_305 : i32
          %get3A_307 = arith.constant 3 : i32
          %get3A_308 = arith.index_cast %get3A_307 : i32 to index
          %get3A_309 = arith.index_cast %add3A_306 : i32 to index
          %get3A_310 = arith.constant 0 : index
          %get3A_311 = tpu.vector_load %arg6[%get3A_308, %get3A_309, %get3A_310] {strides = array<i32>} : memref<4x128x128xf32, #tpu.memory_space<vmem>>, vector<1x1x16xf32>,
          %get3A_312 = vector.shape_cast %get3A_311 : vector<1x1x16xf32> to vector<16xf32>
          %swap3A_313 = arith.constant 1 : i32
          %swap3A_314 = arith.index_cast %swap3A_313 : i32 to index
          %swap3A_315 = arith.index_cast %scan3A_287 : i32 to index
          %swap3A_316 = arith.constant 16 : index
          %swap3A_317 = tpu.vector_load %arg7[%swap3A_314, %swap3A_315, %swap3A_316] {strides = array<i32>} : memref<2x16x128xf32, #tpu.memory_space<vmem>>, vector<1x1x16xf32>,
          %swap3A_318 = vector.shape_cast %swap3A_317 : vector<1x1x16xf32> to vector<16xf32>
          %swap3A_319 = vector.shape_cast %get3A_312 : vector<16xf32> to vector<1x1x16xf32>
          tpu.vector_store %arg7[%swap3A_314, %swap3A_315, %swap3A_316], %swap3A_319 {strides = array<i32>} : memref<2x16x128xf32, #tpu.memory_space<vmem>>, vector<1x1x16xf32>,
          %mul3A_320 = arith.constant 8 : i32
          %mul3A_321 = arith.muli %mul3A_320, %scan3A_287 : i32
          %add3A_322 = arith.constant 2 : i32
          %add3A_323 = arith.addi %mul3A_321, %add3A_322 : i32
          %get3A_324 = arith.constant 3 : i32
          %get3A_325 = arith.index_cast %get3A_324 : i32 to index
          %get3A_326 = arith.index_cast %add3A_323 : i32 to index
          %get3A_327 = arith.constant 0 : index
          %get3A_328 = tpu.vector_load %arg6[%get3A_325, %get3A_326, %get3A_327] {strides = array<i32>} : memref<4x128x128xf32, #tpu.memory_space<vmem>>, vector<1x1x16xf32>,
          %get3A_329 = vector.shape_cast %get3A_328 : vector<1x1x16xf32> to vector<16xf32>
          %swap3A_330 = arith.constant 1 : i32
          %swap3A_331 = arith.index_cast %swap3A_330 : i32 to index
          %swap3A_332 = arith.index_cast %scan3A_287 : i32 to index
          %swap3A_333 = arith.constant 32 : index
          %swap3A_334 = tpu.vector_load %arg7[%swap3A_331, %swap3A_332, %swap3A_333] {strides = array<i32>} : memref<2x16x128xf32, #tpu.memory_space<vmem>>, vector<1x1x16xf32>,
          %swap3A_335 = vector.shape_cast %swap3A_334 : vector<1x1x16xf32> to vector<16xf32>
          %swap3A_336 = vector.shape_cast %get3A_329 : vector<16xf32> to vector<1x1x16xf32>
          tpu.vector_store %arg7[%swap3A_331, %swap3A_332, %swap3A_333], %swap3A_336 {strides = array<i32>} : memref<2x16x128xf32, #tpu.memory_space<vmem>>, vector<1x1x16xf32>,
          %mul3A_337 = arith.constant 8 : i32
          %mul3A_338 = arith.muli %mul3A_337, %scan3A_287 : i32
          %add3A_339 = arith.constant 3 : i32
          %add3A_340 = arith.addi %mul3A_338, %add3A_339 : i32
          %get3A_341 = arith.constant 3 : i32
          %get3A_342 = arith.index_cast %get3A_341 : i32 to index
          %get3A_343 = arith.index_cast %add3A_340 : i32 to index
          %get3A_344 = arith.constant 0 : index
          %get3A_345 = tpu.vector_load %arg6[%get3A_342, %get3A_343, %get3A_344] {strides = array<i32>} : memref<4x128x128xf32, #tpu.memory_space<vmem>>, vector<1x1x16xf32>,
          %get3A_346 = vector.shape_cast %get3A_345 : vector<1x1x16xf32> to vector<16xf32>
          %swap3A_347 = arith.constant 1 : i32
          %swap3A_348 = arith.index_cast %swap3A_347 : i32 to index
          %swap3A_349 = arith.index_cast %scan3A_287 : i32 to index
          %swap3A_350 = arith.constant 48 : index
          %swap3A_351 = tpu.vector_load %arg7[%swap3A_348, %swap3A_349, %swap3A_350] {strides = array<i32>} : memref<2x16x128xf32, #tpu.memory_space<vmem>>, vector<1x1x16xf32>,
          %swap3A_352 = vector.shape_cast %swap3A_351 : vector<1x1x16xf32> to vector<16xf32>
          %swap3A_353 = vector.shape_cast %get3A_346 : vector<16xf32> to vector<1x1x16xf32>
          tpu.vector_store %arg7[%swap3A_348, %swap3A_349, %swap3A_350], %swap3A_353 {strides = array<i32>} : memref<2x16x128xf32, #tpu.memory_space<vmem>>, vector<1x1x16xf32>,
          %mul3A_354 = arith.constant 8 : i32
          %mul3A_355 = arith.muli %mul3A_354, %scan3A_287 : i32
          %add3A_356 = arith.constant 4 : i32
          %add3A_357 = arith.addi %mul3A_355, %add3A_356 : i32
          %get3A_358 = arith.constant 3 : i32
          %get3A_359 = arith.index_cast %get3A_358 : i32 to index
          %get3A_360 = arith.index_cast %add3A_357 : i32 to index
          %get3A_361 = arith.constant 0 : index
          %get3A_362 = tpu.vector_load %arg6[%get3A_359, %get3A_360, %get3A_361] {strides = array<i32>} : memref<4x128x128xf32, #tpu.memory_space<vmem>>, vector<1x1x16xf32>,
          %get3A_363 = vector.shape_cast %get3A_362 : vector<1x1x16xf32> to vector<16xf32>
          %swap3A_364 = arith.constant 1 : i32
          %swap3A_365 = arith.index_cast %swap3A_364 : i32 to index
          %swap3A_366 = arith.index_cast %scan3A_287 : i32 to index
          %swap3A_367 = arith.constant 64 : index
          %swap3A_368 = tpu.vector_load %arg7[%swap3A_365, %swap3A_366, %swap3A_367] {strides = array<i32>} : memref<2x16x128xf32, #tpu.memory_space<vmem>>, vector<1x1x16xf32>,
          %swap3A_369 = vector.shape_cast %swap3A_368 : vector<1x1x16xf32> to vector<16xf32>
          %swap3A_370 = vector.shape_cast %get3A_363 : vector<16xf32> to vector<1x1x16xf32>
          tpu.vector_store %arg7[%swap3A_365, %swap3A_366, %swap3A_367], %swap3A_370 {strides = array<i32>} : memref<2x16x128xf32, #tpu.memory_space<vmem>>, vector<1x1x16xf32>,
          %mul3A_371 = arith.constant 8 : i32
          %mul3A_372 = arith.muli %mul3A_371, %scan3A_287 : i32
          %add3A_373 = arith.constant 5 : i32
          %add3A_374 = arith.addi %mul3A_372, %add3A_373 : i32
          %get3A_375 = arith.constant 3 : i32
          %get3A_376 = arith.index_cast %get3A_375 : i32 to index
          %get3A_377 = arith.index_cast %add3A_374 : i32 to index
          %get3A_378 = arith.constant 0 : index
          %get3A_379 = tpu.vector_load %arg6[%get3A_376, %get3A_377, %get3A_378] {strides = array<i32>} : memref<4x128x128xf32, #tpu.memory_space<vmem>>, vector<1x1x16xf32>,
          %get3A_380 = vector.shape_cast %get3A_379 : vector<1x1x16xf32> to vector<16xf32>
          %swap3A_381 = arith.constant 1 : i32
          %swap3A_382 = arith.index_cast %swap3A_381 : i32 to index
          %swap3A_383 = arith.index_cast %scan3A_287 : i32 to index
          %swap3A_384 = arith.constant 80 : index
          %swap3A_385 = tpu.vector_load %arg7[%swap3A_382, %swap3A_383, %swap3A_384] {strides = array<i32>} : memref<2x16x128xf32, #tpu.memory_space<vmem>>, vector<1x1x16xf32>,
          %swap3A_386 = vector.shape_cast %swap3A_385 : vector<1x1x16xf32> to vector<16xf32>
          %swap3A_387 = vector.shape_cast %get3A_380 : vector<16xf32> to vector<1x1x16xf32>
          tpu.vector_store %arg7[%swap3A_382, %swap3A_383, %swap3A_384], %swap3A_387 {strides = array<i32>} : memref<2x16x128xf32, #tpu.memory_space<vmem>>, vector<1x1x16xf32>,
          %mul3A_388 = arith.constant 8 : i32
          %mul3A_389 = arith.muli %mul3A_388, %scan3A_287 : i32
          %add3A_390 = arith.constant 6 : i32
          %add3A_391 = arith.addi %mul3A_389, %add3A_390 : i32
          %get3A_392 = arith.constant 3 : i32
          %get3A_393 = arith.index_cast %get3A_392 : i32 to index
          %get3A_394 = arith.index_cast %add3A_391 : i32 to index
          %get3A_395 = arith.constant 0 : index
          %get3A_396 = tpu.vector_load %arg6[%get3A_393, %get3A_394, %get3A_395] {strides = array<i32>} : memref<4x128x128xf32, #tpu.memory_space<vmem>>, vector<1x1x16xf32>,
          %get3A_397 = vector.shape_cast %get3A_396 : vector<1x1x16xf32> to vector<16xf32>
          %swap3A_398 = arith.constant 1 : i32
          %swap3A_399 = arith.index_cast %swap3A_398 : i32 to index
          %swap3A_400 = arith.index_cast %scan3A_287 : i32 to index
          %swap3A_401 = arith.constant 96 : index
          %swap3A_402 = tpu.vector_load %arg7[%swap3A_399, %swap3A_400, %swap3A_401] {strides = array<i32>} : memref<2x16x128xf32, #tpu.memory_space<vmem>>, vector<1x1x16xf32>,
          %swap3A_403 = vector.shape_cast %swap3A_402 : vector<1x1x16xf32> to vector<16xf32>
          %swap3A_404 = vector.shape_cast %get3A_397 : vector<16xf32> to vector<1x1x16xf32>
          tpu.vector_store %arg7[%swap3A_399, %swap3A_400, %swap3A_401], %swap3A_404 {strides = array<i32>} : memref<2x16x128xf32, #tpu.memory_space<vmem>>, vector<1x1x16xf32>,
          %mul3A_405 = arith.constant 8 : i32
          %mul3A_406 = arith.muli %mul3A_405, %scan3A_287 : i32
          %add3A_407 = arith.constant 7 : i32
          %add3A_408 = arith.addi %mul3A_406, %add3A_407 : i32
          %get3A_409 = arith.constant 3 : i32
          %get3A_410 = arith.index_cast %get3A_409 : i32 to index
          %get3A_411 = arith.index_cast %add3A_408 : i32 to index
          %get3A_412 = arith.constant 0 : index
          %get3A_413 = tpu.vector_load %arg6[%get3A_410, %get3A_411, %get3A_412] {strides = array<i32>} : memref<4x128x128xf32, #tpu.memory_space<vmem>>, vector<1x1x16xf32>,
          %get3A_414 = vector.shape_cast %get3A_413 : vector<1x1x16xf32> to vector<16xf32>
          %swap3A_415 = arith.constant 1 : i32
          %swap3A_416 = arith.index_cast %swap3A_415 : i32 to index
          %swap3A_417 = arith.index_cast %scan3A_287 : i32 to index
          %swap3A_418 = arith.constant 112 : index
          %swap3A_419 = tpu.vector_load %arg7[%swap3A_416, %swap3A_417, %swap3A_418] {strides = array<i32>} : memref<2x16x128xf32, #tpu.memory_space<vmem>>, vector<1x1x16xf32>,
          %swap3A_420 = vector.shape_cast %swap3A_419 : vector<1x1x16xf32> to vector<16xf32>
          %swap3A_421 = vector.shape_cast %get3A_414 : vector<16xf32> to vector<1x1x16xf32>
          tpu.vector_store %arg7[%swap3A_416, %swap3A_417, %swap3A_418], %swap3A_421 {strides = array<i32>} : memref<2x16x128xf32, #tpu.memory_space<vmem>>, vector<1x1x16xf32>,
        }
        %scan3A_263 = arith.constant 16 : i32
        %mul3A_264 = arith.constant 16 : i32
        %mul3A_265 = arith.muli %add3A_240, %mul3A_264 : i32
        %add3A_266 = arith.addi %mul3A_10, %mul3A_265 : i32
        %dma_start3A_267 = arith.constant 1 : i32
        %dma_start3A_268 = arith.constant 0 : i32
        %dma_start3A_269 = arith.constant 0 : i32
        %dma_start3A_270 = tpu.memref_slice %arg7[%dma_start3A_267, %dma_start3A_268, %dma_start3A_269] : memref<2x16x128xf32, #tpu.memory_space<vmem>> -> memref<1x16x128xf32, #tpu.memory_space<vmem>>
        %dma_start3A_271 = tpu.memref_squeeze %dma_start3A_270 : memref<1x16x128xf32, #tpu.memory_space<vmem>> -> memref<16x128xf32, #tpu.memory_space<vmem>>
        %dma_start3A_272 = arith.constant 0 : i32
        %dma_start3A_273 = tpu.memref_slice %arg4[%add3A_266, %dma_start3A_272] : memref<20480x128xf32, #tpu.memory_space<hbm>> -> memref<16x128xf32, #tpu.memory_space<hbm>>
        %dma_start3A_274 = arith.constant 0 : i32
        %dma_start3A_275 = tpu.memref_slice %arg4[%add3A_266, %dma_start3A_274] : memref<20480x128xf32, #tpu.memory_space<hbm>> -> memref<16x128xf32, #tpu.memory_space<hbm>>
        %dma_start3A_276 = arith.constant 0 : i32
        %dma_start3A_277 = arith.constant 0 : i32
        %dma_start3A_278 = tpu.memref_slice %arg7[%dma_start3A_267, %dma_start3A_276, %dma_start3A_277] : memref<2x16x128xf32, #tpu.memory_space<vmem>> -> memref<1x16x128xf32, #tpu.memory_space<vmem>>
        %dma_start3A_279 = tpu.memref_squeeze %dma_start3A_278 : memref<1x16x128xf32, #tpu.memory_space<vmem>> -> memref<16x128xf32, #tpu.memory_space<vmem>>
        tpu.enqueue_dma source(%dma_start3A_279 : memref<16x128xf32, #tpu.memory_space<vmem>>) target(%dma_start3A_275 : memref<16x128xf32, #tpu.memory_space<hbm>>) target_semaphore(%arg13 : memref<!tpu.dma_semaphore, #tpu.memory_space<semaphore_mem>>)
        %add3A_280 = arith.constant 4 : i32
        %add3A_281 = arith.addi %add3A_240, %add3A_280 : i32
        %lt3A_282 = arith.constant 40 : i32
        %lt3A_283 = arith.cmpi slt, %add3A_281, %lt3A_282 : i32
        %convert_element_type3A_284 = arith.extui %lt3A_283 : i1 to i32
        %cond3A_285 = arith.constant 0 : i32
        %cond3A_286 = arith.cmpi ne, %convert_element_type3A_284, %cond3A_285 : i32
        scf.if %cond3A_286 {
          %add3A_287 = arith.constant 4 : i32
          %add3A_288 = arith.addi %add3A_240, %add3A_287 : i32
          %dma_start3A_289 = arith.constant 3 : i32
          %dma_start3A_290 = arith.constant 0 : i32
          %dma_start3A_291 = arith.constant 0 : i32
          %dma_start3A_292 = tpu.memref_slice %arg6[%dma_start3A_289, %dma_start3A_290, %dma_start3A_291] : memref<4x128x128xf32, #tpu.memory_space<vmem>> -> memref<1x128x128xf32, #tpu.memory_space<vmem>>
          %dma_start3A_293 = tpu.memref_squeeze %dma_start3A_292 : memref<1x128x128xf32, #tpu.memory_space<vmem>> -> memref<128x128xf32, #tpu.memory_space<vmem>>
          %dma_start3A_294 = arith.constant 0 : i32
          %dma_start3A_295 = tpu.memref_slice %arg5[%add3A_288, %dma_start3A_294] : memref<40x128xi32, #tpu.memory_space<vmem>> -> memref<1x128xi32, #tpu.memory_space<vmem>>
          %dma_start3A_296 = tpu.memref_squeeze %dma_start3A_295 : memref<1x128xi32, #tpu.memory_space<vmem>> -> memref<128xi32, #tpu.memory_space<vmem>>
          %dma_start3A_297 = arith.constant 0 : i32
          %dma_start3A_298 = arith.constant 0 : i32
          %dma_start3A_299 = tpu.memref_slice %arg2[%dma_start3A_297, %dma_start3A_298] : memref<10240x128xf32, #tpu.memory_space<hbm>> -> memref<10240x128xf32, #tpu.memory_space<hbm>>
          tpu.enqueue_indirect_dma source(%dma_start3A_299 : memref<10240x128xf32, #tpu.memory_space<hbm>>) target(%dma_start3A_293 : memref<128x128xf32, #tpu.memory_space<vmem>>) offsets(%dma_start3A_296 : memref<128xi32, #tpu.memory_space<vmem>>) semaphore(%arg11 : memref<!tpu.dma_semaphore, #tpu.memory_space<semaphore_mem>>)
        } else {
        }
      }
      %scan3A_62 = arith.constant 10 : i32
      %dma_wait3A = arith.constant 0 : i32
      %dma_wait3A_63 = arith.constant 0 : i32
      %dma_wait3A_64 = arith.constant 0 : i32
      %dma_wait3A_65 = tpu.memref_slice %arg7[%dma_wait3A, %dma_wait3A_63, %dma_wait3A_64] : memref<2x16x128xf32, #tpu.memory_space<vmem>> -> memref<1x16x128xf32, #tpu.memory_space<vmem>>
      %dma_wait3A_66 = tpu.memref_squeeze %dma_wait3A_65 : memref<1x16x128xf32, #tpu.memory_space<vmem>> -> memref<16x128xf32, #tpu.memory_space<vmem>>
      %dma_wait3A_67 = arith.constant 0 : i32
      %dma_wait3A_68 = tpu.memref_slice %arg4[%mul3A_10, %dma_wait3A_67] : memref<20480x128xf32, #tpu.memory_space<hbm>> -> memref<16x128xf32, #tpu.memory_space<hbm>>
      %dma_wait3A_69 = arith.constant 0 : i32
      %dma_wait3A_70 = tpu.memref_slice %arg4[%mul3A_10, %dma_wait3A_69] : memref<20480x128xf32, #tpu.memory_space<hbm>> -> memref<16x128xf32, #tpu.memory_space<hbm>>
      %dma_wait3A_71 = arith.constant 0 : i32
      %dma_wait3A_72 = arith.constant 0 : i32
      %dma_wait3A_73 = tpu.memref_slice %arg7[%dma_wait3A, %dma_wait3A_71, %dma_wait3A_72] : memref<2x16x128xf32, #tpu.memory_space<vmem>> -> memref<1x16x128xf32, #tpu.memory_space<vmem>>
      %dma_wait3A_74 = tpu.memref_squeeze %dma_wait3A_73 : memref<1x16x128xf32, #tpu.memory_space<vmem>> -> memref<16x128xf32, #tpu.memory_space<vmem>>
      tpu.wait_dma2 semaphore(%arg12 : memref<!tpu.dma_semaphore, #tpu.memory_space<semaphore_mem>>) src(%dma_wait3A_74 : memref<16x128xf32, #tpu.memory_space<vmem>>) dst(%dma_wait3A_70 : memref<16x128xf32, #tpu.memory_space<hbm>>)
      %dma_wait3A_75 = arith.constant 1 : i32
      %dma_wait3A_76 = arith.constant 0 : i32
      %dma_wait3A_77 = arith.constant 0 : i32
      %dma_wait3A_78 = tpu.memref_slice %arg7[%dma_wait3A_75, %dma_wait3A_76, %dma_wait3A_77] : memref<2x16x128xf32, #tpu.memory_space<vmem>> -> memref<1x16x128xf32, #tpu.memory_space<vmem>>
      %dma_wait3A_79 = tpu.memref_squeeze %dma_wait3A_78 : memref<1x16x128xf32, #tpu.memory_space<vmem>> -> memref<16x128xf32, #tpu.memory_space<vmem>>
      %dma_wait3A_80 = arith.constant 0 : i32
      %dma_wait3A_81 = tpu.memref_slice %arg4[%mul3A_10, %dma_wait3A_80] : memref<20480x128xf32, #tpu.memory_space<hbm>> -> memref<16x128xf32, #tpu.memory_space<hbm>>
      %dma_wait3A_82 = arith.constant 0 : i32
      %dma_wait3A_83 = tpu.memref_slice %arg4[%mul3A_10, %dma_wait3A_82] : memref<20480x128xf32, #tpu.memory_space<hbm>> -> memref<16x128xf32, #tpu.memory_space<hbm>>
      %dma_wait3A_84 = arith.constant 0 : i32
      %dma_wait3A_85 = arith.constant 0 : i32
      %dma_wait3A_86 = tpu.memref_slice %arg7[%dma_wait3A_75, %dma_wait3A_84, %dma_wait3A_85] : memref<2x16x128xf32, #tpu.memory_space<vmem>> -> memref<1x16x128xf32, #tpu.memory_space<vmem>>
      %dma_wait3A_87 = tpu.memref_squeeze %dma_wait3A_86 : memref<1x16x128xf32, #tpu.memory_space<vmem>> -> memref<16x128xf32, #tpu.memory_space<vmem>>
      tpu.wait_dma2 semaphore(%arg13 : memref<!tpu.dma_semaphore, #tpu.memory_space<semaphore_mem>>) src(%dma_wait3A_87 : memref<16x128xf32, #tpu.memory_space<vmem>>) dst(%dma_wait3A_83 : memref<16x128xf32, #tpu.memory_space<hbm>>)
    } else {
    }
    return
  }
}

#map = affine_map<(d0, d1) -> (0, 0)>
module attributes {stable_mosaic.version = 14 : i64} {
  func.func @gk(%arg0: i32, %arg1: i32, %arg2: memref<10240x128xf32, #tpu.memory_space<hbm>>, %arg3: memref<1280x128xi32, #tpu.memory_space<hbm>>, %arg4: memref<81920x128xf32, #tpu.memory_space<hbm>>, %arg5: memref<40x128xi32, #tpu.memory_space<vmem>>, %arg6: memref<4x128x128xf32, #tpu.memory_space<vmem>>, %arg7: memref<2x64x128xf32, #tpu.memory_space<vmem>>, %arg8: memref<!tpu.dma_semaphore, #tpu.memory_space<semaphore_mem>>, %arg9: memref<!tpu.dma_semaphore, #tpu.memory_space<semaphore_mem>>, %arg10: memref<!tpu.dma_semaphore, #tpu.memory_space<semaphore_mem>>, %arg11: memref<!tpu.dma_semaphore, #tpu.memory_space<semaphore_mem>>, %arg12: memref<!tpu.dma_semaphore, #tpu.memory_space<semaphore_mem>>, %arg13: memref<!tpu.dma_semaphore, #tpu.memory_space<semaphore_mem>>) attributes {dimension_semantics = [#tpu.dimension_semantics<core_parallel>, #tpu.dimension_semantics<subcore_parallel>], iteration_bounds = array<i64: 2, 16>, scalar_prefetch = 0 : i64, scratch_operands = 9 : i64, tpu.core_type = #tpu.core_type<sc_vector_subcore>, window_params = [{transform_indices = #map}, {transform_indices = #map}, {transform_indices = #map}]} {
    %eq3A = arith.constant 0 : i32
    %eq3A_0 = arith.cmpi eq, %arg0, %eq3A : i32
    %convert_element_type3A = arith.extui %eq3A_0 : i1 to i32
    %cond3A = arith.constant 0 : i32
    %cond3A_1 = arith.cmpi ne, %convert_element_type3A, %cond3A : i32
    scf.if %cond3A_1 {
      %mul3A = arith.constant 40 : i32
      %mul3A_7 = arith.muli %arg1, %mul3A : i32
      %mul3A_8 = arith.constant 64 : i32
      %mul3A_9 = arith.muli %mul3A_7, %mul3A_8 : i32
      "tpu.region"() ({
        %run_scoped3A = tpu.sem_alloc : memref<!tpu.dma_semaphore, #tpu.memory_space<semaphore_mem>>
        %dma_start3A_87 = arith.constant 0 : i32
        %dma_start3A_88 = arith.constant 0 : i32
        %dma_start3A_89 = tpu.memref_slice %arg5[%dma_start3A_87, %dma_start3A_88] : memref<40x128xi32, #tpu.memory_space<vmem>> -> memref<40x128xi32, #tpu.memory_space<vmem>>
        %dma_start3A_90 = arith.constant 0 : i32
        %dma_start3A_91 = tpu.memref_slice %arg3[%mul3A_7, %dma_start3A_90] : memref<1280x128xi32, #tpu.memory_space<hbm>> -> memref<40x128xi32, #tpu.memory_space<hbm>>
        %dma_start3A_92 = arith.constant 0 : i32
        %dma_start3A_93 = arith.constant 0 : i32
        %dma_start3A_94 = tpu.memref_slice %arg5[%dma_start3A_92, %dma_start3A_93] : memref<40x128xi32, #tpu.memory_space<vmem>> -> memref<40x128xi32, #tpu.memory_space<vmem>>
        %dma_start3A_95 = arith.constant 0 : i32
        %dma_start3A_96 = tpu.memref_slice %arg3[%mul3A_7, %dma_start3A_95] : memref<1280x128xi32, #tpu.memory_space<hbm>> -> memref<40x128xi32, #tpu.memory_space<hbm>>
        tpu.enqueue_dma source(%dma_start3A_96 : memref<40x128xi32, #tpu.memory_space<hbm>>) target(%dma_start3A_94 : memref<40x128xi32, #tpu.memory_space<vmem>>) target_semaphore(%run_scoped3A : memref<!tpu.dma_semaphore, #tpu.memory_space<semaphore_mem>>)
        %dma_wait3A_97 = arith.constant 0 : i32
        %dma_wait3A_98 = arith.constant 0 : i32
        %dma_wait3A_99 = tpu.memref_slice %arg5[%dma_wait3A_97, %dma_wait3A_98] : memref<40x128xi32, #tpu.memory_space<vmem>> -> memref<40x128xi32, #tpu.memory_space<vmem>>
        %dma_wait3A_100 = arith.constant 0 : i32
        %dma_wait3A_101 = tpu.memref_slice %arg3[%mul3A_7, %dma_wait3A_100] : memref<1280x128xi32, #tpu.memory_space<hbm>> -> memref<40x128xi32, #tpu.memory_space<hbm>>
        %dma_wait3A_102 = arith.constant 0 : i32
        %dma_wait3A_103 = arith.constant 0 : i32
        %dma_wait3A_104 = tpu.memref_slice %arg5[%dma_wait3A_102, %dma_wait3A_103] : memref<40x128xi32, #tpu.memory_space<vmem>> -> memref<40x128xi32, #tpu.memory_space<vmem>>
        %dma_wait3A_105 = arith.constant 0 : i32
        %dma_wait3A_106 = tpu.memref_slice %arg3[%mul3A_7, %dma_wait3A_105] : memref<1280x128xi32, #tpu.memory_space<hbm>> -> memref<40x128xi32, #tpu.memory_space<hbm>>
        tpu.wait_dma2 semaphore(%run_scoped3A : memref<!tpu.dma_semaphore, #tpu.memory_space<semaphore_mem>>) src(%dma_wait3A_106 : memref<40x128xi32, #tpu.memory_space<hbm>>) dst(%dma_wait3A_104 : memref<40x128xi32, #tpu.memory_space<vmem>>)
        tpu.yield
      }) : () -> ()
      %dma_start3A = arith.constant 0 : i32
      %dma_start3A_10 = arith.constant 0 : i32
      %dma_start3A_11 = arith.constant 0 : i32
      %dma_start3A_12 = arith.constant 0 : i32
      %dma_start3A_13 = tpu.memref_slice %arg6[%dma_start3A_10, %dma_start3A_11, %dma_start3A_12] : memref<4x128x128xf32, #tpu.memory_space<vmem>> -> memref<1x128x128xf32, #tpu.memory_space<vmem>>
      %dma_start3A_14 = tpu.memref_squeeze %dma_start3A_13 : memref<1x128x128xf32, #tpu.memory_space<vmem>> -> memref<128x128xf32, #tpu.memory_space<vmem>>
      %dma_start3A_15 = arith.constant 0 : i32
      %dma_start3A_16 = tpu.memref_slice %arg5[%dma_start3A, %dma_start3A_15] : memref<40x128xi32, #tpu.memory_space<vmem>> -> memref<1x128xi32, #tpu.memory_space<vmem>>
      %dma_start3A_17 = tpu.memref_squeeze %dma_start3A_16 : memref<1x128xi32, #tpu.memory_space<vmem>> -> memref<128xi32, #tpu.memory_space<vmem>>
      %dma_start3A_18 = arith.constant 0 : i32
      %dma_start3A_19 = arith.constant 0 : i32
      %dma_start3A_20 = tpu.memref_slice %arg2[%dma_start3A_18, %dma_start3A_19] : memref<10240x128xf32, #tpu.memory_space<hbm>> -> memref<10240x128xf32, #tpu.memory_space<hbm>>
      tpu.enqueue_indirect_dma source(%dma_start3A_20 : memref<10240x128xf32, #tpu.memory_space<hbm>>) target(%dma_start3A_14 : memref<128x128xf32, #tpu.memory_space<vmem>>) offsets(%dma_start3A_17 : memref<128xi32, #tpu.memory_space<vmem>>) semaphore(%arg8 : memref<!tpu.dma_semaphore, #tpu.memory_space<semaphore_mem>>)
      %dma_start3A_21 = arith.constant 1 : i32
      %dma_start3A_22 = arith.constant 1 : i32
      %dma_start3A_23 = arith.constant 0 : i32
      %dma_start3A_24 = arith.constant 0 : i32
      %dma_start3A_25 = tpu.memref_slice %arg6[%dma_start3A_22, %dma_start3A_23, %dma_start3A_24] : memref<4x128x128xf32, #tpu.memory_space<vmem>> -> memref<1x128x128xf32, #tpu.memory_space<vmem>>
      %dma_start3A_26 = tpu.memref_squeeze %dma_start3A_25 : memref<1x128x128xf32, #tpu.memory_space<vmem>> -> memref<128x128xf32, #tpu.memory_space<vmem>>
      %dma_start3A_27 = arith.constant 0 : i32
      %dma_start3A_28 = tpu.memref_slice %arg5[%dma_start3A_21, %dma_start3A_27] : memref<40x128xi32, #tpu.memory_space<vmem>> -> memref<1x128xi32, #tpu.memory_space<vmem>>
      %dma_start3A_29 = tpu.memref_squeeze %dma_start3A_28 : memref<1x128xi32, #tpu.memory_space<vmem>> -> memref<128xi32, #tpu.memory_space<vmem>>
      %dma_start3A_30 = arith.constant 0 : i32
      %dma_start3A_31 = arith.constant 0 : i32
      %dma_start3A_32 = tpu.memref_slice %arg2[%dma_start3A_30, %dma_start3A_31] : memref<10240x128xf32, #tpu.memory_space<hbm>> -> memref<10240x128xf32, #tpu.memory_space<hbm>>
      tpu.enqueue_indirect_dma source(%dma_start3A_32 : memref<10240x128xf32, #tpu.memory_space<hbm>>) target(%dma_start3A_26 : memref<128x128xf32, #tpu.memory_space<vmem>>) offsets(%dma_start3A_29 : memref<128xi32, #tpu.memory_space<vmem>>) semaphore(%arg9 : memref<!tpu.dma_semaphore, #tpu.memory_space<semaphore_mem>>)
      %dma_start3A_33 = arith.constant 2 : i32
      %dma_start3A_34 = arith.constant 2 : i32
      %dma_start3A_35 = arith.constant 0 : i32
      %dma_start3A_36 = arith.constant 0 : i32
      %dma_start3A_37 = tpu.memref_slice %arg6[%dma_start3A_34, %dma_start3A_35, %dma_start3A_36] : memref<4x128x128xf32, #tpu.memory_space<vmem>> -> memref<1x128x128xf32, #tpu.memory_space<vmem>>
      %dma_start3A_38 = tpu.memref_squeeze %dma_start3A_37 : memref<1x128x128xf32, #tpu.memory_space<vmem>> -> memref<128x128xf32, #tpu.memory_space<vmem>>
      %dma_start3A_39 = arith.constant 0 : i32
      %dma_start3A_40 = tpu.memref_slice %arg5[%dma_start3A_33, %dma_start3A_39] : memref<40x128xi32, #tpu.memory_space<vmem>> -> memref<1x128xi32, #tpu.memory_space<vmem>>
      %dma_start3A_41 = tpu.memref_squeeze %dma_start3A_40 : memref<1x128xi32, #tpu.memory_space<vmem>> -> memref<128xi32, #tpu.memory_space<vmem>>
      %dma_start3A_42 = arith.constant 0 : i32
      %dma_start3A_43 = arith.constant 0 : i32
      %dma_start3A_44 = tpu.memref_slice %arg2[%dma_start3A_42, %dma_start3A_43] : memref<10240x128xf32, #tpu.memory_space<hbm>> -> memref<10240x128xf32, #tpu.memory_space<hbm>>
      tpu.enqueue_indirect_dma source(%dma_start3A_44 : memref<10240x128xf32, #tpu.memory_space<hbm>>) target(%dma_start3A_38 : memref<128x128xf32, #tpu.memory_space<vmem>>) offsets(%dma_start3A_41 : memref<128xi32, #tpu.memory_space<vmem>>) semaphore(%arg10 : memref<!tpu.dma_semaphore, #tpu.memory_space<semaphore_mem>>)
      %dma_start3A_45 = arith.constant 3 : i32
      %dma_start3A_46 = arith.constant 3 : i32
      %dma_start3A_47 = arith.constant 0 : i32
      %dma_start3A_48 = arith.constant 0 : i32
      %dma_start3A_49 = tpu.memref_slice %arg6[%dma_start3A_46, %dma_start3A_47, %dma_start3A_48] : memref<4x128x128xf32, #tpu.memory_space<vmem>> -> memref<1x128x128xf32, #tpu.memory_space<vmem>>
      %dma_start3A_50 = tpu.memref_squeeze %dma_start3A_49 : memref<1x128x128xf32, #tpu.memory_space<vmem>> -> memref<128x128xf32, #tpu.memory_space<vmem>>
      %dma_start3A_51 = arith.constant 0 : i32
      %dma_start3A_52 = tpu.memref_slice %arg5[%dma_start3A_45, %dma_start3A_51] : memref<40x128xi32, #tpu.memory_space<vmem>> -> memref<1x128xi32, #tpu.memory_space<vmem>>
      %dma_start3A_53 = tpu.memref_squeeze %dma_start3A_52 : memref<1x128xi32, #tpu.memory_space<vmem>> -> memref<128xi32, #tpu.memory_space<vmem>>
      %dma_start3A_54 = arith.constant 0 : i32
      %dma_start3A_55 = arith.constant 0 : i32
      %dma_start3A_56 = tpu.memref_slice %arg2[%dma_start3A_54, %dma_start3A_55] : memref<10240x128xf32, #tpu.memory_space<hbm>> -> memref<10240x128xf32, #tpu.memory_space<hbm>>
      tpu.enqueue_indirect_dma source(%dma_start3A_56 : memref<10240x128xf32, #tpu.memory_space<hbm>>) target(%dma_start3A_50 : memref<128x128xf32, #tpu.memory_space<vmem>>) offsets(%dma_start3A_53 : memref<128xi32, #tpu.memory_space<vmem>>) semaphore(%arg11 : memref<!tpu.dma_semaphore, #tpu.memory_space<semaphore_mem>>)
      %scan3A = arith.constant 0 : i32
      %scan3A_57 = arith.constant 0 : i32
      %scan3A_58 = arith.constant 10 : i32
      %scan3A_59 = arith.addi %scan3A_57, %scan3A_58 : i32
      %scan3A_60 = arith.constant 1 : i32
      scf.for %scan3A_87 = %scan3A_57 to %scan3A_59 step %scan3A_60  : i32 {
        %mul3A_88 = arith.constant 4 : i32
        %mul3A_89 = arith.muli %mul3A_88, %scan3A_87 : i32
        %add3A = arith.constant 0 : i32
        %add3A_90 = arith.addi %mul3A_89, %add3A : i32
        %dma_wait3A_91 = arith.constant 0 : i32
        %dma_wait3A_92 = arith.constant 0 : i32
        %dma_wait3A_93 = arith.constant 0 : i32
        %dma_wait3A_94 = arith.constant 0 : i32
        %dma_wait3A_95 = tpu.memref_slice %arg6[%dma_wait3A_92, %dma_wait3A_93, %dma_wait3A_94] : memref<4x128x128xf32, #tpu.memory_space<vmem>> -> memref<1x128x128xf32, #tpu.memory_space<vmem>>
        %dma_wait3A_96 = tpu.memref_squeeze %dma_wait3A_95 : memref<1x128x128xf32, #tpu.memory_space<vmem>> -> memref<128x128xf32, #tpu.memory_space<vmem>>
        %dma_wait3A_97 = arith.constant 0 : i32
        %dma_wait3A_98 = tpu.memref_slice %arg5[%dma_wait3A_91, %dma_wait3A_97] : memref<40x128xi32, #tpu.memory_space<vmem>> -> memref<1x128xi32, #tpu.memory_space<vmem>>
        %dma_wait3A_99 = tpu.memref_squeeze %dma_wait3A_98 : memref<1x128xi32, #tpu.memory_space<vmem>> -> memref<128xi32, #tpu.memory_space<vmem>>
        %dma_wait3A_100 = arith.constant 0 : i32
        %dma_wait3A_101 = arith.constant 0 : i32
        %dma_wait3A_102 = tpu.memref_slice %arg2[%dma_wait3A_100, %dma_wait3A_101] : memref<10240x128xf32, #tpu.memory_space<hbm>> -> memref<10240x128xf32, #tpu.memory_space<hbm>>
        tpu.wait_indirect_dma semaphore(%arg8 : memref<!tpu.dma_semaphore, #tpu.memory_space<semaphore_mem>>) src(%dma_wait3A_102 : memref<10240x128xf32, #tpu.memory_space<hbm>>) dst(%dma_wait3A_96 : memref<128x128xf32, #tpu.memory_space<vmem>>)
        %ge3A = arith.constant 2 : i32
        %ge3A_103 = arith.cmpi sge, %add3A_90, %ge3A : i32
        %convert_element_type3A_104 = arith.extui %ge3A_103 : i1 to i32
        %cond3A_105 = arith.constant 0 : i32
        %cond3A_106 = arith.cmpi ne, %convert_element_type3A_104, %cond3A_105 : i32
        scf.if %cond3A_106 {
          %dma_wait3A_285 = arith.constant 0 : i32
          %dma_wait3A_286 = arith.constant 0 : i32
          %dma_wait3A_287 = arith.constant 0 : i32
          %dma_wait3A_288 = tpu.memref_slice %arg7[%dma_wait3A_285, %dma_wait3A_286, %dma_wait3A_287] : memref<2x64x128xf32, #tpu.memory_space<vmem>> -> memref<1x64x128xf32, #tpu.memory_space<vmem>>
          %dma_wait3A_289 = tpu.memref_squeeze %dma_wait3A_288 : memref<1x64x128xf32, #tpu.memory_space<vmem>> -> memref<64x128xf32, #tpu.memory_space<vmem>>
          %dma_wait3A_290 = arith.constant 0 : i32
          %dma_wait3A_291 = tpu.memref_slice %arg4[%mul3A_9, %dma_wait3A_290] : memref<81920x128xf32, #tpu.memory_space<hbm>> -> memref<64x128xf32, #tpu.memory_space<hbm>>
          %dma_wait3A_292 = arith.constant 0 : i32
          %dma_wait3A_293 = tpu.memref_slice %arg4[%mul3A_9, %dma_wait3A_292] : memref<81920x128xf32, #tpu.memory_space<hbm>> -> memref<64x128xf32, #tpu.memory_space<hbm>>
          %dma_wait3A_294 = arith.constant 0 : i32
          %dma_wait3A_295 = arith.constant 0 : i32
          %dma_wait3A_296 = tpu.memref_slice %arg7[%dma_wait3A_285, %dma_wait3A_294, %dma_wait3A_295] : memref<2x64x128xf32, #tpu.memory_space<vmem>> -> memref<1x64x128xf32, #tpu.memory_space<vmem>>
          %dma_wait3A_297 = tpu.memref_squeeze %dma_wait3A_296 : memref<1x64x128xf32, #tpu.memory_space<vmem>> -> memref<64x128xf32, #tpu.memory_space<vmem>>
          tpu.wait_dma2 semaphore(%arg12 : memref<!tpu.dma_semaphore, #tpu.memory_space<semaphore_mem>>) src(%dma_wait3A_297 : memref<64x128xf32, #tpu.memory_space<vmem>>) dst(%dma_wait3A_293 : memref<64x128xf32, #tpu.memory_space<hbm>>)
        } else {
        }
        %scan3A_107 = arith.constant 0 : i32
        %scan3A_108 = arith.constant 0 : i32
        %scan3A_109 = arith.constant 64 : i32
        %scan3A_110 = arith.addi %scan3A_108, %scan3A_109 : i32
        %scan3A_111 = arith.constant 1 : i32
        scf.for %scan3A_285 = %scan3A_108 to %scan3A_110 step %scan3A_111  : i32 {
          %mul3A_286 = arith.constant 2 : i32
          %mul3A_287 = arith.muli %mul3A_286, %scan3A_285 : i32
          %add3A_288 = arith.constant 0 : i32
          %add3A_289 = arith.addi %mul3A_287, %add3A_288 : i32
          %get3A = arith.constant 0 : i32
          %get3A_290 = arith.index_cast %get3A : i32 to index
          %get3A_291 = arith.index_cast %add3A_289 : i32 to index
          %get3A_292 = arith.constant 0 : index
          %get3A_293 = tpu.vector_load %arg6[%get3A_290, %get3A_291, %get3A_292] {strides = array<i32>} : memref<4x128x128xf32, #tpu.memory_space<vmem>>, vector<1x1x16xf32>,
          %get3A_294 = vector.shape_cast %get3A_293 : vector<1x1x16xf32> to vector<16xf32>
          %swap3A = arith.constant 0 : i32
          %swap3A_295 = arith.index_cast %swap3A : i32 to index
          %swap3A_296 = arith.index_cast %scan3A_285 : i32 to index
          %swap3A_297 = arith.constant 0 : index
          %swap3A_298 = tpu.vector_load %arg7[%swap3A_295, %swap3A_296, %swap3A_297] {strides = array<i32>} : memref<2x64x128xf32, #tpu.memory_space<vmem>>, vector<1x1x16xf32>,
          %swap3A_299 = vector.shape_cast %swap3A_298 : vector<1x1x16xf32> to vector<16xf32>
          %swap3A_300 = vector.shape_cast %get3A_294 : vector<16xf32> to vector<1x1x16xf32>
          tpu.vector_store %arg7[%swap3A_295, %swap3A_296, %swap3A_297], %swap3A_300 {strides = array<i32>} : memref<2x64x128xf32, #tpu.memory_space<vmem>>, vector<1x1x16xf32>,
          %mul3A_301 = arith.constant 2 : i32
          %mul3A_302 = arith.muli %mul3A_301, %scan3A_285 : i32
          %add3A_303 = arith.constant 0 : i32
          %add3A_304 = arith.addi %mul3A_302, %add3A_303 : i32
          %get3A_305 = arith.constant 0 : i32
          %get3A_306 = arith.index_cast %get3A_305 : i32 to index
          %get3A_307 = arith.index_cast %add3A_304 : i32 to index
          %get3A_308 = arith.constant 16 : index
          %get3A_309 = tpu.vector_load %arg6[%get3A_306, %get3A_307, %get3A_308] {strides = array<i32>} : memref<4x128x128xf32, #tpu.memory_space<vmem>>, vector<1x1x16xf32>,
          %get3A_310 = vector.shape_cast %get3A_309 : vector<1x1x16xf32> to vector<16xf32>
          %swap3A_311 = arith.constant 0 : i32
          %swap3A_312 = arith.index_cast %swap3A_311 : i32 to index
          %swap3A_313 = arith.index_cast %scan3A_285 : i32 to index
          %swap3A_314 = arith.constant 16 : index
          %swap3A_315 = tpu.vector_load %arg7[%swap3A_312, %swap3A_313, %swap3A_314] {strides = array<i32>} : memref<2x64x128xf32, #tpu.memory_space<vmem>>, vector<1x1x16xf32>,
          %swap3A_316 = vector.shape_cast %swap3A_315 : vector<1x1x16xf32> to vector<16xf32>
          %swap3A_317 = vector.shape_cast %get3A_310 : vector<16xf32> to vector<1x1x16xf32>
          tpu.vector_store %arg7[%swap3A_312, %swap3A_313, %swap3A_314], %swap3A_317 {strides = array<i32>} : memref<2x64x128xf32, #tpu.memory_space<vmem>>, vector<1x1x16xf32>,
          %mul3A_318 = arith.constant 2 : i32
          %mul3A_319 = arith.muli %mul3A_318, %scan3A_285 : i32
          %add3A_320 = arith.constant 0 : i32
          %add3A_321 = arith.addi %mul3A_319, %add3A_320 : i32
          %get3A_322 = arith.constant 0 : i32
          %get3A_323 = arith.index_cast %get3A_322 : i32 to index
          %get3A_324 = arith.index_cast %add3A_321 : i32 to index
          %get3A_325 = arith.constant 32 : index
          %get3A_326 = tpu.vector_load %arg6[%get3A_323, %get3A_324, %get3A_325] {strides = array<i32>} : memref<4x128x128xf32, #tpu.memory_space<vmem>>, vector<1x1x16xf32>,
          %get3A_327 = vector.shape_cast %get3A_326 : vector<1x1x16xf32> to vector<16xf32>
          %swap3A_328 = arith.constant 0 : i32
          %swap3A_329 = arith.index_cast %swap3A_328 : i32 to index
          %swap3A_330 = arith.index_cast %scan3A_285 : i32 to index
          %swap3A_331 = arith.constant 32 : index
          %swap3A_332 = tpu.vector_load %arg7[%swap3A_329, %swap3A_330, %swap3A_331] {strides = array<i32>} : memref<2x64x128xf32, #tpu.memory_space<vmem>>, vector<1x1x16xf32>,
          %swap3A_333 = vector.shape_cast %swap3A_332 : vector<1x1x16xf32> to vector<16xf32>
          %swap3A_334 = vector.shape_cast %get3A_327 : vector<16xf32> to vector<1x1x16xf32>
          tpu.vector_store %arg7[%swap3A_329, %swap3A_330, %swap3A_331], %swap3A_334 {strides = array<i32>} : memref<2x64x128xf32, #tpu.memory_space<vmem>>, vector<1x1x16xf32>,
          %mul3A_335 = arith.constant 2 : i32
          %mul3A_336 = arith.muli %mul3A_335, %scan3A_285 : i32
          %add3A_337 = arith.constant 0 : i32
          %add3A_338 = arith.addi %mul3A_336, %add3A_337 : i32
          %get3A_339 = arith.constant 0 : i32
          %get3A_340 = arith.index_cast %get3A_339 : i32 to index
          %get3A_341 = arith.index_cast %add3A_338 : i32 to index
          %get3A_342 = arith.constant 48 : index
          %get3A_343 = tpu.vector_load %arg6[%get3A_340, %get3A_341, %get3A_342] {strides = array<i32>} : memref<4x128x128xf32, #tpu.memory_space<vmem>>, vector<1x1x16xf32>,
          %get3A_344 = vector.shape_cast %get3A_343 : vector<1x1x16xf32> to vector<16xf32>
          %swap3A_345 = arith.constant 0 : i32
          %swap3A_346 = arith.index_cast %swap3A_345 : i32 to index
          %swap3A_347 = arith.index_cast %scan3A_285 : i32 to index
          %swap3A_348 = arith.constant 48 : index
          %swap3A_349 = tpu.vector_load %arg7[%swap3A_346, %swap3A_347, %swap3A_348] {strides = array<i32>} : memref<2x64x128xf32, #tpu.memory_space<vmem>>, vector<1x1x16xf32>,
          %swap3A_350 = vector.shape_cast %swap3A_349 : vector<1x1x16xf32> to vector<16xf32>
          %swap3A_351 = vector.shape_cast %get3A_344 : vector<16xf32> to vector<1x1x16xf32>
          tpu.vector_store %arg7[%swap3A_346, %swap3A_347, %swap3A_348], %swap3A_351 {strides = array<i32>} : memref<2x64x128xf32, #tpu.memory_space<vmem>>, vector<1x1x16xf32>,
          %mul3A_352 = arith.constant 2 : i32
          %mul3A_353 = arith.muli %mul3A_352, %scan3A_285 : i32
          %add3A_354 = arith.constant 1 : i32
          %add3A_355 = arith.addi %mul3A_353, %add3A_354 : i32
          %get3A_356 = arith.constant 0 : i32
          %get3A_357 = arith.index_cast %get3A_356 : i32 to index
          %get3A_358 = arith.index_cast %add3A_355 : i32 to index
          %get3A_359 = arith.constant 0 : index
          %get3A_360 = tpu.vector_load %arg6[%get3A_357, %get3A_358, %get3A_359] {strides = array<i32>} : memref<4x128x128xf32, #tpu.memory_space<vmem>>, vector<1x1x16xf32>,
          %get3A_361 = vector.shape_cast %get3A_360 : vector<1x1x16xf32> to vector<16xf32>
          %swap3A_362 = arith.constant 0 : i32
          %swap3A_363 = arith.index_cast %swap3A_362 : i32 to index
          %swap3A_364 = arith.index_cast %scan3A_285 : i32 to index
          %swap3A_365 = arith.constant 64 : index
          %swap3A_366 = tpu.vector_load %arg7[%swap3A_363, %swap3A_364, %swap3A_365] {strides = array<i32>} : memref<2x64x128xf32, #tpu.memory_space<vmem>>, vector<1x1x16xf32>,
          %swap3A_367 = vector.shape_cast %swap3A_366 : vector<1x1x16xf32> to vector<16xf32>
          %swap3A_368 = vector.shape_cast %get3A_361 : vector<16xf32> to vector<1x1x16xf32>
          tpu.vector_store %arg7[%swap3A_363, %swap3A_364, %swap3A_365], %swap3A_368 {strides = array<i32>} : memref<2x64x128xf32, #tpu.memory_space<vmem>>, vector<1x1x16xf32>,
          %mul3A_369 = arith.constant 2 : i32
          %mul3A_370 = arith.muli %mul3A_369, %scan3A_285 : i32
          %add3A_371 = arith.constant 1 : i32
          %add3A_372 = arith.addi %mul3A_370, %add3A_371 : i32
          %get3A_373 = arith.constant 0 : i32
          %get3A_374 = arith.index_cast %get3A_373 : i32 to index
          %get3A_375 = arith.index_cast %add3A_372 : i32 to index
          %get3A_376 = arith.constant 16 : index
          %get3A_377 = tpu.vector_load %arg6[%get3A_374, %get3A_375, %get3A_376] {strides = array<i32>} : memref<4x128x128xf32, #tpu.memory_space<vmem>>, vector<1x1x16xf32>,
          %get3A_378 = vector.shape_cast %get3A_377 : vector<1x1x16xf32> to vector<16xf32>
          %swap3A_379 = arith.constant 0 : i32
          %swap3A_380 = arith.index_cast %swap3A_379 : i32 to index
          %swap3A_381 = arith.index_cast %scan3A_285 : i32 to index
          %swap3A_382 = arith.constant 80 : index
          %swap3A_383 = tpu.vector_load %arg7[%swap3A_380, %swap3A_381, %swap3A_382] {strides = array<i32>} : memref<2x64x128xf32, #tpu.memory_space<vmem>>, vector<1x1x16xf32>,
          %swap3A_384 = vector.shape_cast %swap3A_383 : vector<1x1x16xf32> to vector<16xf32>
          %swap3A_385 = vector.shape_cast %get3A_378 : vector<16xf32> to vector<1x1x16xf32>
          tpu.vector_store %arg7[%swap3A_380, %swap3A_381, %swap3A_382], %swap3A_385 {strides = array<i32>} : memref<2x64x128xf32, #tpu.memory_space<vmem>>, vector<1x1x16xf32>,
          %mul3A_386 = arith.constant 2 : i32
          %mul3A_387 = arith.muli %mul3A_386, %scan3A_285 : i32
          %add3A_388 = arith.constant 1 : i32
          %add3A_389 = arith.addi %mul3A_387, %add3A_388 : i32
          %get3A_390 = arith.constant 0 : i32
          %get3A_391 = arith.index_cast %get3A_390 : i32 to index
          %get3A_392 = arith.index_cast %add3A_389 : i32 to index
          %get3A_393 = arith.constant 32 : index
          %get3A_394 = tpu.vector_load %arg6[%get3A_391, %get3A_392, %get3A_393] {strides = array<i32>} : memref<4x128x128xf32, #tpu.memory_space<vmem>>, vector<1x1x16xf32>,
          %get3A_395 = vector.shape_cast %get3A_394 : vector<1x1x16xf32> to vector<16xf32>
          %swap3A_396 = arith.constant 0 : i32
          %swap3A_397 = arith.index_cast %swap3A_396 : i32 to index
          %swap3A_398 = arith.index_cast %scan3A_285 : i32 to index
          %swap3A_399 = arith.constant 96 : index
          %swap3A_400 = tpu.vector_load %arg7[%swap3A_397, %swap3A_398, %swap3A_399] {strides = array<i32>} : memref<2x64x128xf32, #tpu.memory_space<vmem>>, vector<1x1x16xf32>,
          %swap3A_401 = vector.shape_cast %swap3A_400 : vector<1x1x16xf32> to vector<16xf32>
          %swap3A_402 = vector.shape_cast %get3A_395 : vector<16xf32> to vector<1x1x16xf32>
          tpu.vector_store %arg7[%swap3A_397, %swap3A_398, %swap3A_399], %swap3A_402 {strides = array<i32>} : memref<2x64x128xf32, #tpu.memory_space<vmem>>, vector<1x1x16xf32>,
          %mul3A_403 = arith.constant 2 : i32
          %mul3A_404 = arith.muli %mul3A_403, %scan3A_285 : i32
          %add3A_405 = arith.constant 1 : i32
          %add3A_406 = arith.addi %mul3A_404, %add3A_405 : i32
          %get3A_407 = arith.constant 0 : i32
          %get3A_408 = arith.index_cast %get3A_407 : i32 to index
          %get3A_409 = arith.index_cast %add3A_406 : i32 to index
          %get3A_410 = arith.constant 48 : index
          %get3A_411 = tpu.vector_load %arg6[%get3A_408, %get3A_409, %get3A_410] {strides = array<i32>} : memref<4x128x128xf32, #tpu.memory_space<vmem>>, vector<1x1x16xf32>,
          %get3A_412 = vector.shape_cast %get3A_411 : vector<1x1x16xf32> to vector<16xf32>
          %swap3A_413 = arith.constant 0 : i32
          %swap3A_414 = arith.index_cast %swap3A_413 : i32 to index
          %swap3A_415 = arith.index_cast %scan3A_285 : i32 to index
          %swap3A_416 = arith.constant 112 : index
          %swap3A_417 = tpu.vector_load %arg7[%swap3A_414, %swap3A_415, %swap3A_416] {strides = array<i32>} : memref<2x64x128xf32, #tpu.memory_space<vmem>>, vector<1x1x16xf32>,
          %swap3A_418 = vector.shape_cast %swap3A_417 : vector<1x1x16xf32> to vector<16xf32>
          %swap3A_419 = vector.shape_cast %get3A_412 : vector<16xf32> to vector<1x1x16xf32>
          tpu.vector_store %arg7[%swap3A_414, %swap3A_415, %swap3A_416], %swap3A_419 {strides = array<i32>} : memref<2x64x128xf32, #tpu.memory_space<vmem>>, vector<1x1x16xf32>,
        }
        %scan3A_112 = arith.constant 64 : i32
        %mul3A_113 = arith.constant 64 : i32
        %mul3A_114 = arith.muli %add3A_90, %mul3A_113 : i32
        %add3A_115 = arith.addi %mul3A_9, %mul3A_114 : i32
        %dma_start3A_116 = arith.constant 0 : i32
        %dma_start3A_117 = arith.constant 0 : i32
        %dma_start3A_118 = arith.constant 0 : i32
        %dma_start3A_119 = tpu.memref_slice %arg7[%dma_start3A_116, %dma_start3A_117, %dma_start3A_118] : memref<2x64x128xf32, #tpu.memory_space<vmem>> -> memref<1x64x128xf32, #tpu.memory_space<vmem>>
        %dma_start3A_120 = tpu.memref_squeeze %dma_start3A_119 : memref<1x64x128xf32, #tpu.memory_space<vmem>> -> memref<64x128xf32, #tpu.memory_space<vmem>>
        %dma_start3A_121 = arith.constant 0 : i32
        %dma_start3A_122 = tpu.memref_slice %arg4[%add3A_115, %dma_start3A_121] : memref<81920x128xf32, #tpu.memory_space<hbm>> -> memref<64x128xf32, #tpu.memory_space<hbm>>
        %dma_start3A_123 = arith.constant 0 : i32
        %dma_start3A_124 = tpu.memref_slice %arg4[%add3A_115, %dma_start3A_123] : memref<81920x128xf32, #tpu.memory_space<hbm>> -> memref<64x128xf32, #tpu.memory_space<hbm>>
        %dma_start3A_125 = arith.constant 0 : i32
        %dma_start3A_126 = arith.constant 0 : i32
        %dma_start3A_127 = tpu.memref_slice %arg7[%dma_start3A_116, %dma_start3A_125, %dma_start3A_126] : memref<2x64x128xf32, #tpu.memory_space<vmem>> -> memref<1x64x128xf32, #tpu.memory_space<vmem>>
        %dma_start3A_128 = tpu.memref_squeeze %dma_start3A_127 : memref<1x64x128xf32, #tpu.memory_space<vmem>> -> memref<64x128xf32, #tpu.memory_space<vmem>>
        tpu.enqueue_dma source(%dma_start3A_128 : memref<64x128xf32, #tpu.memory_space<vmem>>) target(%dma_start3A_124 : memref<64x128xf32, #tpu.memory_space<hbm>>) target_semaphore(%arg12 : memref<!tpu.dma_semaphore, #tpu.memory_space<semaphore_mem>>)
        %add3A_129 = arith.constant 4 : i32
        %add3A_130 = arith.addi %add3A_90, %add3A_129 : i32
        %lt3A = arith.constant 40 : i32
        %lt3A_131 = arith.cmpi slt, %add3A_130, %lt3A : i32
        %convert_element_type3A_132 = arith.extui %lt3A_131 : i1 to i32
        %cond3A_133 = arith.constant 0 : i32
        %cond3A_134 = arith.cmpi ne, %convert_element_type3A_132, %cond3A_133 : i32
        scf.if %cond3A_134 {
          %add3A_285 = arith.constant 4 : i32
          %add3A_286 = arith.addi %add3A_90, %add3A_285 : i32
          %dma_start3A_287 = arith.constant 0 : i32
          %dma_start3A_288 = arith.constant 0 : i32
          %dma_start3A_289 = arith.constant 0 : i32
          %dma_start3A_290 = tpu.memref_slice %arg6[%dma_start3A_287, %dma_start3A_288, %dma_start3A_289] : memref<4x128x128xf32, #tpu.memory_space<vmem>> -> memref<1x128x128xf32, #tpu.memory_space<vmem>>
          %dma_start3A_291 = tpu.memref_squeeze %dma_start3A_290 : memref<1x128x128xf32, #tpu.memory_space<vmem>> -> memref<128x128xf32, #tpu.memory_space<vmem>>
          %dma_start3A_292 = arith.constant 0 : i32
          %dma_start3A_293 = tpu.memref_slice %arg5[%add3A_286, %dma_start3A_292] : memref<40x128xi32, #tpu.memory_space<vmem>> -> memref<1x128xi32, #tpu.memory_space<vmem>>
          %dma_start3A_294 = tpu.memref_squeeze %dma_start3A_293 : memref<1x128xi32, #tpu.memory_space<vmem>> -> memref<128xi32, #tpu.memory_space<vmem>>
          %dma_start3A_295 = arith.constant 0 : i32
          %dma_start3A_296 = arith.constant 0 : i32
          %dma_start3A_297 = tpu.memref_slice %arg2[%dma_start3A_295, %dma_start3A_296] : memref<10240x128xf32, #tpu.memory_space<hbm>> -> memref<10240x128xf32, #tpu.memory_space<hbm>>
          tpu.enqueue_indirect_dma source(%dma_start3A_297 : memref<10240x128xf32, #tpu.memory_space<hbm>>) target(%dma_start3A_291 : memref<128x128xf32, #tpu.memory_space<vmem>>) offsets(%dma_start3A_294 : memref<128xi32, #tpu.memory_space<vmem>>) semaphore(%arg8 : memref<!tpu.dma_semaphore, #tpu.memory_space<semaphore_mem>>)
        } else {
        }
        %mul3A_135 = arith.constant 4 : i32
        %mul3A_136 = arith.muli %mul3A_135, %scan3A_87 : i32
        %add3A_137 = arith.constant 1 : i32
        %add3A_138 = arith.addi %mul3A_136, %add3A_137 : i32
        %dma_wait3A_139 = arith.constant 0 : i32
        %dma_wait3A_140 = arith.constant 1 : i32
        %dma_wait3A_141 = arith.constant 0 : i32
        %dma_wait3A_142 = arith.constant 0 : i32
        %dma_wait3A_143 = tpu.memref_slice %arg6[%dma_wait3A_140, %dma_wait3A_141, %dma_wait3A_142] : memref<4x128x128xf32, #tpu.memory_space<vmem>> -> memref<1x128x128xf32, #tpu.memory_space<vmem>>
        %dma_wait3A_144 = tpu.memref_squeeze %dma_wait3A_143 : memref<1x128x128xf32, #tpu.memory_space<vmem>> -> memref<128x128xf32, #tpu.memory_space<vmem>>
        %dma_wait3A_145 = arith.constant 0 : i32
        %dma_wait3A_146 = tpu.memref_slice %arg5[%dma_wait3A_139, %dma_wait3A_145] : memref<40x128xi32, #tpu.memory_space<vmem>> -> memref<1x128xi32, #tpu.memory_space<vmem>>
        %dma_wait3A_147 = tpu.memref_squeeze %dma_wait3A_146 : memref<1x128xi32, #tpu.memory_space<vmem>> -> memref<128xi32, #tpu.memory_space<vmem>>
        %dma_wait3A_148 = arith.constant 0 : i32
        %dma_wait3A_149 = arith.constant 0 : i32
        %dma_wait3A_150 = tpu.memref_slice %arg2[%dma_wait3A_148, %dma_wait3A_149] : memref<10240x128xf32, #tpu.memory_space<hbm>> -> memref<10240x128xf32, #tpu.memory_space<hbm>>
        tpu.wait_indirect_dma semaphore(%arg9 : memref<!tpu.dma_semaphore, #tpu.memory_space<semaphore_mem>>) src(%dma_wait3A_150 : memref<10240x128xf32, #tpu.memory_space<hbm>>) dst(%dma_wait3A_144 : memref<128x128xf32, #tpu.memory_space<vmem>>)
        %ge3A_151 = arith.constant 2 : i32
        %ge3A_152 = arith.cmpi sge, %add3A_138, %ge3A_151 : i32
        %convert_element_type3A_153 = arith.extui %ge3A_152 : i1 to i32
        %cond3A_154 = arith.constant 0 : i32
        %cond3A_155 = arith.cmpi ne, %convert_element_type3A_153, %cond3A_154 : i32
        scf.if %cond3A_155 {
          %dma_wait3A_285 = arith.constant 1 : i32
          %dma_wait3A_286 = arith.constant 0 : i32
          %dma_wait3A_287 = arith.constant 0 : i32
          %dma_wait3A_288 = tpu.memref_slice %arg7[%dma_wait3A_285, %dma_wait3A_286, %dma_wait3A_287] : memref<2x64x128xf32, #tpu.memory_space<vmem>> -> memref<1x64x128xf32, #tpu.memory_space<vmem>>
          %dma_wait3A_289 = tpu.memref_squeeze %dma_wait3A_288 : memref<1x64x128xf32, #tpu.memory_space<vmem>> -> memref<64x128xf32, #tpu.memory_space<vmem>>
          %dma_wait3A_290 = arith.constant 0 : i32
          %dma_wait3A_291 = tpu.memref_slice %arg4[%mul3A_9, %dma_wait3A_290] : memref<81920x128xf32, #tpu.memory_space<hbm>> -> memref<64x128xf32, #tpu.memory_space<hbm>>
          %dma_wait3A_292 = arith.constant 0 : i32
          %dma_wait3A_293 = tpu.memref_slice %arg4[%mul3A_9, %dma_wait3A_292] : memref<81920x128xf32, #tpu.memory_space<hbm>> -> memref<64x128xf32, #tpu.memory_space<hbm>>
          %dma_wait3A_294 = arith.constant 0 : i32
          %dma_wait3A_295 = arith.constant 0 : i32
          %dma_wait3A_296 = tpu.memref_slice %arg7[%dma_wait3A_285, %dma_wait3A_294, %dma_wait3A_295] : memref<2x64x128xf32, #tpu.memory_space<vmem>> -> memref<1x64x128xf32, #tpu.memory_space<vmem>>
          %dma_wait3A_297 = tpu.memref_squeeze %dma_wait3A_296 : memref<1x64x128xf32, #tpu.memory_space<vmem>> -> memref<64x128xf32, #tpu.memory_space<vmem>>
          tpu.wait_dma2 semaphore(%arg13 : memref<!tpu.dma_semaphore, #tpu.memory_space<semaphore_mem>>) src(%dma_wait3A_297 : memref<64x128xf32, #tpu.memory_space<vmem>>) dst(%dma_wait3A_293 : memref<64x128xf32, #tpu.memory_space<hbm>>)
        } else {
        }
        %scan3A_156 = arith.constant 0 : i32
        %scan3A_157 = arith.constant 0 : i32
        %scan3A_158 = arith.constant 64 : i32
        %scan3A_159 = arith.addi %scan3A_157, %scan3A_158 : i32
        %scan3A_160 = arith.constant 1 : i32
        scf.for %scan3A_285 = %scan3A_157 to %scan3A_159 step %scan3A_160  : i32 {
          %mul3A_286 = arith.constant 2 : i32
          %mul3A_287 = arith.muli %mul3A_286, %scan3A_285 : i32
          %add3A_288 = arith.constant 0 : i32
          %add3A_289 = arith.addi %mul3A_287, %add3A_288 : i32
          %get3A = arith.constant 1 : i32
          %get3A_290 = arith.index_cast %get3A : i32 to index
          %get3A_291 = arith.index_cast %add3A_289 : i32 to index
          %get3A_292 = arith.constant 0 : index
          %get3A_293 = tpu.vector_load %arg6[%get3A_290, %get3A_291, %get3A_292] {strides = array<i32>} : memref<4x128x128xf32, #tpu.memory_space<vmem>>, vector<1x1x16xf32>,
          %get3A_294 = vector.shape_cast %get3A_293 : vector<1x1x16xf32> to vector<16xf32>
          %swap3A = arith.constant 1 : i32
          %swap3A_295 = arith.index_cast %swap3A : i32 to index
          %swap3A_296 = arith.index_cast %scan3A_285 : i32 to index
          %swap3A_297 = arith.constant 0 : index
          %swap3A_298 = tpu.vector_load %arg7[%swap3A_295, %swap3A_296, %swap3A_297] {strides = array<i32>} : memref<2x64x128xf32, #tpu.memory_space<vmem>>, vector<1x1x16xf32>,
          %swap3A_299 = vector.shape_cast %swap3A_298 : vector<1x1x16xf32> to vector<16xf32>
          %swap3A_300 = vector.shape_cast %get3A_294 : vector<16xf32> to vector<1x1x16xf32>
          tpu.vector_store %arg7[%swap3A_295, %swap3A_296, %swap3A_297], %swap3A_300 {strides = array<i32>} : memref<2x64x128xf32, #tpu.memory_space<vmem>>, vector<1x1x16xf32>,
          %mul3A_301 = arith.constant 2 : i32
          %mul3A_302 = arith.muli %mul3A_301, %scan3A_285 : i32
          %add3A_303 = arith.constant 0 : i32
          %add3A_304 = arith.addi %mul3A_302, %add3A_303 : i32
          %get3A_305 = arith.constant 1 : i32
          %get3A_306 = arith.index_cast %get3A_305 : i32 to index
          %get3A_307 = arith.index_cast %add3A_304 : i32 to index
          %get3A_308 = arith.constant 16 : index
          %get3A_309 = tpu.vector_load %arg6[%get3A_306, %get3A_307, %get3A_308] {strides = array<i32>} : memref<4x128x128xf32, #tpu.memory_space<vmem>>, vector<1x1x16xf32>,
          %get3A_310 = vector.shape_cast %get3A_309 : vector<1x1x16xf32> to vector<16xf32>
          %swap3A_311 = arith.constant 1 : i32
          %swap3A_312 = arith.index_cast %swap3A_311 : i32 to index
          %swap3A_313 = arith.index_cast %scan3A_285 : i32 to index
          %swap3A_314 = arith.constant 16 : index
          %swap3A_315 = tpu.vector_load %arg7[%swap3A_312, %swap3A_313, %swap3A_314] {strides = array<i32>} : memref<2x64x128xf32, #tpu.memory_space<vmem>>, vector<1x1x16xf32>,
          %swap3A_316 = vector.shape_cast %swap3A_315 : vector<1x1x16xf32> to vector<16xf32>
          %swap3A_317 = vector.shape_cast %get3A_310 : vector<16xf32> to vector<1x1x16xf32>
          tpu.vector_store %arg7[%swap3A_312, %swap3A_313, %swap3A_314], %swap3A_317 {strides = array<i32>} : memref<2x64x128xf32, #tpu.memory_space<vmem>>, vector<1x1x16xf32>,
          %mul3A_318 = arith.constant 2 : i32
          %mul3A_319 = arith.muli %mul3A_318, %scan3A_285 : i32
          %add3A_320 = arith.constant 0 : i32
          %add3A_321 = arith.addi %mul3A_319, %add3A_320 : i32
          %get3A_322 = arith.constant 1 : i32
          %get3A_323 = arith.index_cast %get3A_322 : i32 to index
          %get3A_324 = arith.index_cast %add3A_321 : i32 to index
          %get3A_325 = arith.constant 32 : index
          %get3A_326 = tpu.vector_load %arg6[%get3A_323, %get3A_324, %get3A_325] {strides = array<i32>} : memref<4x128x128xf32, #tpu.memory_space<vmem>>, vector<1x1x16xf32>,
          %get3A_327 = vector.shape_cast %get3A_326 : vector<1x1x16xf32> to vector<16xf32>
          %swap3A_328 = arith.constant 1 : i32
          %swap3A_329 = arith.index_cast %swap3A_328 : i32 to index
          %swap3A_330 = arith.index_cast %scan3A_285 : i32 to index
          %swap3A_331 = arith.constant 32 : index
          %swap3A_332 = tpu.vector_load %arg7[%swap3A_329, %swap3A_330, %swap3A_331] {strides = array<i32>} : memref<2x64x128xf32, #tpu.memory_space<vmem>>, vector<1x1x16xf32>,
          %swap3A_333 = vector.shape_cast %swap3A_332 : vector<1x1x16xf32> to vector<16xf32>
          %swap3A_334 = vector.shape_cast %get3A_327 : vector<16xf32> to vector<1x1x16xf32>
          tpu.vector_store %arg7[%swap3A_329, %swap3A_330, %swap3A_331], %swap3A_334 {strides = array<i32>} : memref<2x64x128xf32, #tpu.memory_space<vmem>>, vector<1x1x16xf32>,
          %mul3A_335 = arith.constant 2 : i32
          %mul3A_336 = arith.muli %mul3A_335, %scan3A_285 : i32
          %add3A_337 = arith.constant 0 : i32
          %add3A_338 = arith.addi %mul3A_336, %add3A_337 : i32
          %get3A_339 = arith.constant 1 : i32
          %get3A_340 = arith.index_cast %get3A_339 : i32 to index
          %get3A_341 = arith.index_cast %add3A_338 : i32 to index
          %get3A_342 = arith.constant 48 : index
          %get3A_343 = tpu.vector_load %arg6[%get3A_340, %get3A_341, %get3A_342] {strides = array<i32>} : memref<4x128x128xf32, #tpu.memory_space<vmem>>, vector<1x1x16xf32>,
          %get3A_344 = vector.shape_cast %get3A_343 : vector<1x1x16xf32> to vector<16xf32>
          %swap3A_345 = arith.constant 1 : i32
          %swap3A_346 = arith.index_cast %swap3A_345 : i32 to index
          %swap3A_347 = arith.index_cast %scan3A_285 : i32 to index
          %swap3A_348 = arith.constant 48 : index
          %swap3A_349 = tpu.vector_load %arg7[%swap3A_346, %swap3A_347, %swap3A_348] {strides = array<i32>} : memref<2x64x128xf32, #tpu.memory_space<vmem>>, vector<1x1x16xf32>,
          %swap3A_350 = vector.shape_cast %swap3A_349 : vector<1x1x16xf32> to vector<16xf32>
          %swap3A_351 = vector.shape_cast %get3A_344 : vector<16xf32> to vector<1x1x16xf32>
          tpu.vector_store %arg7[%swap3A_346, %swap3A_347, %swap3A_348], %swap3A_351 {strides = array<i32>} : memref<2x64x128xf32, #tpu.memory_space<vmem>>, vector<1x1x16xf32>,
          %mul3A_352 = arith.constant 2 : i32
          %mul3A_353 = arith.muli %mul3A_352, %scan3A_285 : i32
          %add3A_354 = arith.constant 1 : i32
          %add3A_355 = arith.addi %mul3A_353, %add3A_354 : i32
          %get3A_356 = arith.constant 1 : i32
          %get3A_357 = arith.index_cast %get3A_356 : i32 to index
          %get3A_358 = arith.index_cast %add3A_355 : i32 to index
          %get3A_359 = arith.constant 0 : index
          %get3A_360 = tpu.vector_load %arg6[%get3A_357, %get3A_358, %get3A_359] {strides = array<i32>} : memref<4x128x128xf32, #tpu.memory_space<vmem>>, vector<1x1x16xf32>,
          %get3A_361 = vector.shape_cast %get3A_360 : vector<1x1x16xf32> to vector<16xf32>
          %swap3A_362 = arith.constant 1 : i32
          %swap3A_363 = arith.index_cast %swap3A_362 : i32 to index
          %swap3A_364 = arith.index_cast %scan3A_285 : i32 to index
          %swap3A_365 = arith.constant 64 : index
          %swap3A_366 = tpu.vector_load %arg7[%swap3A_363, %swap3A_364, %swap3A_365] {strides = array<i32>} : memref<2x64x128xf32, #tpu.memory_space<vmem>>, vector<1x1x16xf32>,
          %swap3A_367 = vector.shape_cast %swap3A_366 : vector<1x1x16xf32> to vector<16xf32>
          %swap3A_368 = vector.shape_cast %get3A_361 : vector<16xf32> to vector<1x1x16xf32>
          tpu.vector_store %arg7[%swap3A_363, %swap3A_364, %swap3A_365], %swap3A_368 {strides = array<i32>} : memref<2x64x128xf32, #tpu.memory_space<vmem>>, vector<1x1x16xf32>,
          %mul3A_369 = arith.constant 2 : i32
          %mul3A_370 = arith.muli %mul3A_369, %scan3A_285 : i32
          %add3A_371 = arith.constant 1 : i32
          %add3A_372 = arith.addi %mul3A_370, %add3A_371 : i32
          %get3A_373 = arith.constant 1 : i32
          %get3A_374 = arith.index_cast %get3A_373 : i32 to index
          %get3A_375 = arith.index_cast %add3A_372 : i32 to index
          %get3A_376 = arith.constant 16 : index
          %get3A_377 = tpu.vector_load %arg6[%get3A_374, %get3A_375, %get3A_376] {strides = array<i32>} : memref<4x128x128xf32, #tpu.memory_space<vmem>>, vector<1x1x16xf32>,
          %get3A_378 = vector.shape_cast %get3A_377 : vector<1x1x16xf32> to vector<16xf32>
          %swap3A_379 = arith.constant 1 : i32
          %swap3A_380 = arith.index_cast %swap3A_379 : i32 to index
          %swap3A_381 = arith.index_cast %scan3A_285 : i32 to index
          %swap3A_382 = arith.constant 80 : index
          %swap3A_383 = tpu.vector_load %arg7[%swap3A_380, %swap3A_381, %swap3A_382] {strides = array<i32>} : memref<2x64x128xf32, #tpu.memory_space<vmem>>, vector<1x1x16xf32>,
          %swap3A_384 = vector.shape_cast %swap3A_383 : vector<1x1x16xf32> to vector<16xf32>
          %swap3A_385 = vector.shape_cast %get3A_378 : vector<16xf32> to vector<1x1x16xf32>
          tpu.vector_store %arg7[%swap3A_380, %swap3A_381, %swap3A_382], %swap3A_385 {strides = array<i32>} : memref<2x64x128xf32, #tpu.memory_space<vmem>>, vector<1x1x16xf32>,
          %mul3A_386 = arith.constant 2 : i32
          %mul3A_387 = arith.muli %mul3A_386, %scan3A_285 : i32
          %add3A_388 = arith.constant 1 : i32
          %add3A_389 = arith.addi %mul3A_387, %add3A_388 : i32
          %get3A_390 = arith.constant 1 : i32
          %get3A_391 = arith.index_cast %get3A_390 : i32 to index
          %get3A_392 = arith.index_cast %add3A_389 : i32 to index
          %get3A_393 = arith.constant 32 : index
          %get3A_394 = tpu.vector_load %arg6[%get3A_391, %get3A_392, %get3A_393] {strides = array<i32>} : memref<4x128x128xf32, #tpu.memory_space<vmem>>, vector<1x1x16xf32>,
          %get3A_395 = vector.shape_cast %get3A_394 : vector<1x1x16xf32> to vector<16xf32>
          %swap3A_396 = arith.constant 1 : i32
          %swap3A_397 = arith.index_cast %swap3A_396 : i32 to index
          %swap3A_398 = arith.index_cast %scan3A_285 : i32 to index
          %swap3A_399 = arith.constant 96 : index
          %swap3A_400 = tpu.vector_load %arg7[%swap3A_397, %swap3A_398, %swap3A_399] {strides = array<i32>} : memref<2x64x128xf32, #tpu.memory_space<vmem>>, vector<1x1x16xf32>,
          %swap3A_401 = vector.shape_cast %swap3A_400 : vector<1x1x16xf32> to vector<16xf32>
          %swap3A_402 = vector.shape_cast %get3A_395 : vector<16xf32> to vector<1x1x16xf32>
          tpu.vector_store %arg7[%swap3A_397, %swap3A_398, %swap3A_399], %swap3A_402 {strides = array<i32>} : memref<2x64x128xf32, #tpu.memory_space<vmem>>, vector<1x1x16xf32>,
          %mul3A_403 = arith.constant 2 : i32
          %mul3A_404 = arith.muli %mul3A_403, %scan3A_285 : i32
          %add3A_405 = arith.constant 1 : i32
          %add3A_406 = arith.addi %mul3A_404, %add3A_405 : i32
          %get3A_407 = arith.constant 1 : i32
          %get3A_408 = arith.index_cast %get3A_407 : i32 to index
          %get3A_409 = arith.index_cast %add3A_406 : i32 to index
          %get3A_410 = arith.constant 48 : index
          %get3A_411 = tpu.vector_load %arg6[%get3A_408, %get3A_409, %get3A_410] {strides = array<i32>} : memref<4x128x128xf32, #tpu.memory_space<vmem>>, vector<1x1x16xf32>,
          %get3A_412 = vector.shape_cast %get3A_411 : vector<1x1x16xf32> to vector<16xf32>
          %swap3A_413 = arith.constant 1 : i32
          %swap3A_414 = arith.index_cast %swap3A_413 : i32 to index
          %swap3A_415 = arith.index_cast %scan3A_285 : i32 to index
          %swap3A_416 = arith.constant 112 : index
          %swap3A_417 = tpu.vector_load %arg7[%swap3A_414, %swap3A_415, %swap3A_416] {strides = array<i32>} : memref<2x64x128xf32, #tpu.memory_space<vmem>>, vector<1x1x16xf32>,
          %swap3A_418 = vector.shape_cast %swap3A_417 : vector<1x1x16xf32> to vector<16xf32>
          %swap3A_419 = vector.shape_cast %get3A_412 : vector<16xf32> to vector<1x1x16xf32>
          tpu.vector_store %arg7[%swap3A_414, %swap3A_415, %swap3A_416], %swap3A_419 {strides = array<i32>} : memref<2x64x128xf32, #tpu.memory_space<vmem>>, vector<1x1x16xf32>,
        }
        %scan3A_161 = arith.constant 64 : i32
        %mul3A_162 = arith.constant 64 : i32
        %mul3A_163 = arith.muli %add3A_138, %mul3A_162 : i32
        %add3A_164 = arith.addi %mul3A_9, %mul3A_163 : i32
        %dma_start3A_165 = arith.constant 1 : i32
        %dma_start3A_166 = arith.constant 0 : i32
        %dma_start3A_167 = arith.constant 0 : i32
        %dma_start3A_168 = tpu.memref_slice %arg7[%dma_start3A_165, %dma_start3A_166, %dma_start3A_167] : memref<2x64x128xf32, #tpu.memory_space<vmem>> -> memref<1x64x128xf32, #tpu.memory_space<vmem>>
        %dma_start3A_169 = tpu.memref_squeeze %dma_start3A_168 : memref<1x64x128xf32, #tpu.memory_space<vmem>> -> memref<64x128xf32, #tpu.memory_space<vmem>>
        %dma_start3A_170 = arith.constant 0 : i32
        %dma_start3A_171 = tpu.memref_slice %arg4[%add3A_164, %dma_start3A_170] : memref<81920x128xf32, #tpu.memory_space<hbm>> -> memref<64x128xf32, #tpu.memory_space<hbm>>
        %dma_start3A_172 = arith.constant 0 : i32
        %dma_start3A_173 = tpu.memref_slice %arg4[%add3A_164, %dma_start3A_172] : memref<81920x128xf32, #tpu.memory_space<hbm>> -> memref<64x128xf32, #tpu.memory_space<hbm>>
        %dma_start3A_174 = arith.constant 0 : i32
        %dma_start3A_175 = arith.constant 0 : i32
        %dma_start3A_176 = tpu.memref_slice %arg7[%dma_start3A_165, %dma_start3A_174, %dma_start3A_175] : memref<2x64x128xf32, #tpu.memory_space<vmem>> -> memref<1x64x128xf32, #tpu.memory_space<vmem>>
        %dma_start3A_177 = tpu.memref_squeeze %dma_start3A_176 : memref<1x64x128xf32, #tpu.memory_space<vmem>> -> memref<64x128xf32, #tpu.memory_space<vmem>>
        tpu.enqueue_dma source(%dma_start3A_177 : memref<64x128xf32, #tpu.memory_space<vmem>>) target(%dma_start3A_173 : memref<64x128xf32, #tpu.memory_space<hbm>>) target_semaphore(%arg13 : memref<!tpu.dma_semaphore, #tpu.memory_space<semaphore_mem>>)
        %add3A_178 = arith.constant 4 : i32
        %add3A_179 = arith.addi %add3A_138, %add3A_178 : i32
        %lt3A_180 = arith.constant 40 : i32
        %lt3A_181 = arith.cmpi slt, %add3A_179, %lt3A_180 : i32
        %convert_element_type3A_182 = arith.extui %lt3A_181 : i1 to i32
        %cond3A_183 = arith.constant 0 : i32
        %cond3A_184 = arith.cmpi ne, %convert_element_type3A_182, %cond3A_183 : i32
        scf.if %cond3A_184 {
          %add3A_285 = arith.constant 4 : i32
          %add3A_286 = arith.addi %add3A_138, %add3A_285 : i32
          %dma_start3A_287 = arith.constant 1 : i32
          %dma_start3A_288 = arith.constant 0 : i32
          %dma_start3A_289 = arith.constant 0 : i32
          %dma_start3A_290 = tpu.memref_slice %arg6[%dma_start3A_287, %dma_start3A_288, %dma_start3A_289] : memref<4x128x128xf32, #tpu.memory_space<vmem>> -> memref<1x128x128xf32, #tpu.memory_space<vmem>>
          %dma_start3A_291 = tpu.memref_squeeze %dma_start3A_290 : memref<1x128x128xf32, #tpu.memory_space<vmem>> -> memref<128x128xf32, #tpu.memory_space<vmem>>
          %dma_start3A_292 = arith.constant 0 : i32
          %dma_start3A_293 = tpu.memref_slice %arg5[%add3A_286, %dma_start3A_292] : memref<40x128xi32, #tpu.memory_space<vmem>> -> memref<1x128xi32, #tpu.memory_space<vmem>>
          %dma_start3A_294 = tpu.memref_squeeze %dma_start3A_293 : memref<1x128xi32, #tpu.memory_space<vmem>> -> memref<128xi32, #tpu.memory_space<vmem>>
          %dma_start3A_295 = arith.constant 0 : i32
          %dma_start3A_296 = arith.constant 0 : i32
          %dma_start3A_297 = tpu.memref_slice %arg2[%dma_start3A_295, %dma_start3A_296] : memref<10240x128xf32, #tpu.memory_space<hbm>> -> memref<10240x128xf32, #tpu.memory_space<hbm>>
          tpu.enqueue_indirect_dma source(%dma_start3A_297 : memref<10240x128xf32, #tpu.memory_space<hbm>>) target(%dma_start3A_291 : memref<128x128xf32, #tpu.memory_space<vmem>>) offsets(%dma_start3A_294 : memref<128xi32, #tpu.memory_space<vmem>>) semaphore(%arg9 : memref<!tpu.dma_semaphore, #tpu.memory_space<semaphore_mem>>)
        } else {
        }
        %mul3A_185 = arith.constant 4 : i32
        %mul3A_186 = arith.muli %mul3A_185, %scan3A_87 : i32
        %add3A_187 = arith.constant 2 : i32
        %add3A_188 = arith.addi %mul3A_186, %add3A_187 : i32
        %dma_wait3A_189 = arith.constant 0 : i32
        %dma_wait3A_190 = arith.constant 2 : i32
        %dma_wait3A_191 = arith.constant 0 : i32
        %dma_wait3A_192 = arith.constant 0 : i32
        %dma_wait3A_193 = tpu.memref_slice %arg6[%dma_wait3A_190, %dma_wait3A_191, %dma_wait3A_192] : memref<4x128x128xf32, #tpu.memory_space<vmem>> -> memref<1x128x128xf32, #tpu.memory_space<vmem>>
        %dma_wait3A_194 = tpu.memref_squeeze %dma_wait3A_193 : memref<1x128x128xf32, #tpu.memory_space<vmem>> -> memref<128x128xf32, #tpu.memory_space<vmem>>
        %dma_wait3A_195 = arith.constant 0 : i32
        %dma_wait3A_196 = tpu.memref_slice %arg5[%dma_wait3A_189, %dma_wait3A_195] : memref<40x128xi32, #tpu.memory_space<vmem>> -> memref<1x128xi32, #tpu.memory_space<vmem>>
        %dma_wait3A_197 = tpu.memref_squeeze %dma_wait3A_196 : memref<1x128xi32, #tpu.memory_space<vmem>> -> memref<128xi32, #tpu.memory_space<vmem>>
        %dma_wait3A_198 = arith.constant 0 : i32
        %dma_wait3A_199 = arith.constant 0 : i32
        %dma_wait3A_200 = tpu.memref_slice %arg2[%dma_wait3A_198, %dma_wait3A_199] : memref<10240x128xf32, #tpu.memory_space<hbm>> -> memref<10240x128xf32, #tpu.memory_space<hbm>>
        tpu.wait_indirect_dma semaphore(%arg10 : memref<!tpu.dma_semaphore, #tpu.memory_space<semaphore_mem>>) src(%dma_wait3A_200 : memref<10240x128xf32, #tpu.memory_space<hbm>>) dst(%dma_wait3A_194 : memref<128x128xf32, #tpu.memory_space<vmem>>)
        %ge3A_201 = arith.constant 2 : i32
        %ge3A_202 = arith.cmpi sge, %add3A_188, %ge3A_201 : i32
        %convert_element_type3A_203 = arith.extui %ge3A_202 : i1 to i32
        %cond3A_204 = arith.constant 0 : i32
        %cond3A_205 = arith.cmpi ne, %convert_element_type3A_203, %cond3A_204 : i32
        scf.if %cond3A_205 {
          %dma_wait3A_285 = arith.constant 0 : i32
          %dma_wait3A_286 = arith.constant 0 : i32
          %dma_wait3A_287 = arith.constant 0 : i32
          %dma_wait3A_288 = tpu.memref_slice %arg7[%dma_wait3A_285, %dma_wait3A_286, %dma_wait3A_287] : memref<2x64x128xf32, #tpu.memory_space<vmem>> -> memref<1x64x128xf32, #tpu.memory_space<vmem>>
          %dma_wait3A_289 = tpu.memref_squeeze %dma_wait3A_288 : memref<1x64x128xf32, #tpu.memory_space<vmem>> -> memref<64x128xf32, #tpu.memory_space<vmem>>
          %dma_wait3A_290 = arith.constant 0 : i32
          %dma_wait3A_291 = tpu.memref_slice %arg4[%mul3A_9, %dma_wait3A_290] : memref<81920x128xf32, #tpu.memory_space<hbm>> -> memref<64x128xf32, #tpu.memory_space<hbm>>
          %dma_wait3A_292 = arith.constant 0 : i32
          %dma_wait3A_293 = tpu.memref_slice %arg4[%mul3A_9, %dma_wait3A_292] : memref<81920x128xf32, #tpu.memory_space<hbm>> -> memref<64x128xf32, #tpu.memory_space<hbm>>
          %dma_wait3A_294 = arith.constant 0 : i32
          %dma_wait3A_295 = arith.constant 0 : i32
          %dma_wait3A_296 = tpu.memref_slice %arg7[%dma_wait3A_285, %dma_wait3A_294, %dma_wait3A_295] : memref<2x64x128xf32, #tpu.memory_space<vmem>> -> memref<1x64x128xf32, #tpu.memory_space<vmem>>
          %dma_wait3A_297 = tpu.memref_squeeze %dma_wait3A_296 : memref<1x64x128xf32, #tpu.memory_space<vmem>> -> memref<64x128xf32, #tpu.memory_space<vmem>>
          tpu.wait_dma2 semaphore(%arg12 : memref<!tpu.dma_semaphore, #tpu.memory_space<semaphore_mem>>) src(%dma_wait3A_297 : memref<64x128xf32, #tpu.memory_space<vmem>>) dst(%dma_wait3A_293 : memref<64x128xf32, #tpu.memory_space<hbm>>)
        } else {
        }
        %scan3A_206 = arith.constant 0 : i32
        %scan3A_207 = arith.constant 0 : i32
        %scan3A_208 = arith.constant 64 : i32
        %scan3A_209 = arith.addi %scan3A_207, %scan3A_208 : i32
        %scan3A_210 = arith.constant 1 : i32
        scf.for %scan3A_285 = %scan3A_207 to %scan3A_209 step %scan3A_210  : i32 {
          %mul3A_286 = arith.constant 2 : i32
          %mul3A_287 = arith.muli %mul3A_286, %scan3A_285 : i32
          %add3A_288 = arith.constant 0 : i32
          %add3A_289 = arith.addi %mul3A_287, %add3A_288 : i32
          %get3A = arith.constant 2 : i32
          %get3A_290 = arith.index_cast %get3A : i32 to index
          %get3A_291 = arith.index_cast %add3A_289 : i32 to index
          %get3A_292 = arith.constant 0 : index
          %get3A_293 = tpu.vector_load %arg6[%get3A_290, %get3A_291, %get3A_292] {strides = array<i32>} : memref<4x128x128xf32, #tpu.memory_space<vmem>>, vector<1x1x16xf32>,
          %get3A_294 = vector.shape_cast %get3A_293 : vector<1x1x16xf32> to vector<16xf32>
          %swap3A = arith.constant 0 : i32
          %swap3A_295 = arith.index_cast %swap3A : i32 to index
          %swap3A_296 = arith.index_cast %scan3A_285 : i32 to index
          %swap3A_297 = arith.constant 0 : index
          %swap3A_298 = tpu.vector_load %arg7[%swap3A_295, %swap3A_296, %swap3A_297] {strides = array<i32>} : memref<2x64x128xf32, #tpu.memory_space<vmem>>, vector<1x1x16xf32>,
          %swap3A_299 = vector.shape_cast %swap3A_298 : vector<1x1x16xf32> to vector<16xf32>
          %swap3A_300 = vector.shape_cast %get3A_294 : vector<16xf32> to vector<1x1x16xf32>
          tpu.vector_store %arg7[%swap3A_295, %swap3A_296, %swap3A_297], %swap3A_300 {strides = array<i32>} : memref<2x64x128xf32, #tpu.memory_space<vmem>>, vector<1x1x16xf32>,
          %mul3A_301 = arith.constant 2 : i32
          %mul3A_302 = arith.muli %mul3A_301, %scan3A_285 : i32
          %add3A_303 = arith.constant 0 : i32
          %add3A_304 = arith.addi %mul3A_302, %add3A_303 : i32
          %get3A_305 = arith.constant 2 : i32
          %get3A_306 = arith.index_cast %get3A_305 : i32 to index
          %get3A_307 = arith.index_cast %add3A_304 : i32 to index
          %get3A_308 = arith.constant 16 : index
          %get3A_309 = tpu.vector_load %arg6[%get3A_306, %get3A_307, %get3A_308] {strides = array<i32>} : memref<4x128x128xf32, #tpu.memory_space<vmem>>, vector<1x1x16xf32>,
          %get3A_310 = vector.shape_cast %get3A_309 : vector<1x1x16xf32> to vector<16xf32>
          %swap3A_311 = arith.constant 0 : i32
          %swap3A_312 = arith.index_cast %swap3A_311 : i32 to index
          %swap3A_313 = arith.index_cast %scan3A_285 : i32 to index
          %swap3A_314 = arith.constant 16 : index
          %swap3A_315 = tpu.vector_load %arg7[%swap3A_312, %swap3A_313, %swap3A_314] {strides = array<i32>} : memref<2x64x128xf32, #tpu.memory_space<vmem>>, vector<1x1x16xf32>,
          %swap3A_316 = vector.shape_cast %swap3A_315 : vector<1x1x16xf32> to vector<16xf32>
          %swap3A_317 = vector.shape_cast %get3A_310 : vector<16xf32> to vector<1x1x16xf32>
          tpu.vector_store %arg7[%swap3A_312, %swap3A_313, %swap3A_314], %swap3A_317 {strides = array<i32>} : memref<2x64x128xf32, #tpu.memory_space<vmem>>, vector<1x1x16xf32>,
          %mul3A_318 = arith.constant 2 : i32
          %mul3A_319 = arith.muli %mul3A_318, %scan3A_285 : i32
          %add3A_320 = arith.constant 0 : i32
          %add3A_321 = arith.addi %mul3A_319, %add3A_320 : i32
          %get3A_322 = arith.constant 2 : i32
          %get3A_323 = arith.index_cast %get3A_322 : i32 to index
          %get3A_324 = arith.index_cast %add3A_321 : i32 to index
          %get3A_325 = arith.constant 32 : index
          %get3A_326 = tpu.vector_load %arg6[%get3A_323, %get3A_324, %get3A_325] {strides = array<i32>} : memref<4x128x128xf32, #tpu.memory_space<vmem>>, vector<1x1x16xf32>,
          %get3A_327 = vector.shape_cast %get3A_326 : vector<1x1x16xf32> to vector<16xf32>
          %swap3A_328 = arith.constant 0 : i32
          %swap3A_329 = arith.index_cast %swap3A_328 : i32 to index
          %swap3A_330 = arith.index_cast %scan3A_285 : i32 to index
          %swap3A_331 = arith.constant 32 : index
          %swap3A_332 = tpu.vector_load %arg7[%swap3A_329, %swap3A_330, %swap3A_331] {strides = array<i32>} : memref<2x64x128xf32, #tpu.memory_space<vmem>>, vector<1x1x16xf32>,
          %swap3A_333 = vector.shape_cast %swap3A_332 : vector<1x1x16xf32> to vector<16xf32>
          %swap3A_334 = vector.shape_cast %get3A_327 : vector<16xf32> to vector<1x1x16xf32>
          tpu.vector_store %arg7[%swap3A_329, %swap3A_330, %swap3A_331], %swap3A_334 {strides = array<i32>} : memref<2x64x128xf32, #tpu.memory_space<vmem>>, vector<1x1x16xf32>,
          %mul3A_335 = arith.constant 2 : i32
          %mul3A_336 = arith.muli %mul3A_335, %scan3A_285 : i32
          %add3A_337 = arith.constant 0 : i32
          %add3A_338 = arith.addi %mul3A_336, %add3A_337 : i32
          %get3A_339 = arith.constant 2 : i32
          %get3A_340 = arith.index_cast %get3A_339 : i32 to index
          %get3A_341 = arith.index_cast %add3A_338 : i32 to index
          %get3A_342 = arith.constant 48 : index
          %get3A_343 = tpu.vector_load %arg6[%get3A_340, %get3A_341, %get3A_342] {strides = array<i32>} : memref<4x128x128xf32, #tpu.memory_space<vmem>>, vector<1x1x16xf32>,
          %get3A_344 = vector.shape_cast %get3A_343 : vector<1x1x16xf32> to vector<16xf32>
          %swap3A_345 = arith.constant 0 : i32
          %swap3A_346 = arith.index_cast %swap3A_345 : i32 to index
          %swap3A_347 = arith.index_cast %scan3A_285 : i32 to index
          %swap3A_348 = arith.constant 48 : index
          %swap3A_349 = tpu.vector_load %arg7[%swap3A_346, %swap3A_347, %swap3A_348] {strides = array<i32>} : memref<2x64x128xf32, #tpu.memory_space<vmem>>, vector<1x1x16xf32>,
          %swap3A_350 = vector.shape_cast %swap3A_349 : vector<1x1x16xf32> to vector<16xf32>
          %swap3A_351 = vector.shape_cast %get3A_344 : vector<16xf32> to vector<1x1x16xf32>
          tpu.vector_store %arg7[%swap3A_346, %swap3A_347, %swap3A_348], %swap3A_351 {strides = array<i32>} : memref<2x64x128xf32, #tpu.memory_space<vmem>>, vector<1x1x16xf32>,
          %mul3A_352 = arith.constant 2 : i32
          %mul3A_353 = arith.muli %mul3A_352, %scan3A_285 : i32
          %add3A_354 = arith.constant 1 : i32
          %add3A_355 = arith.addi %mul3A_353, %add3A_354 : i32
          %get3A_356 = arith.constant 2 : i32
          %get3A_357 = arith.index_cast %get3A_356 : i32 to index
          %get3A_358 = arith.index_cast %add3A_355 : i32 to index
          %get3A_359 = arith.constant 0 : index
          %get3A_360 = tpu.vector_load %arg6[%get3A_357, %get3A_358, %get3A_359] {strides = array<i32>} : memref<4x128x128xf32, #tpu.memory_space<vmem>>, vector<1x1x16xf32>,
          %get3A_361 = vector.shape_cast %get3A_360 : vector<1x1x16xf32> to vector<16xf32>
          %swap3A_362 = arith.constant 0 : i32
          %swap3A_363 = arith.index_cast %swap3A_362 : i32 to index
          %swap3A_364 = arith.index_cast %scan3A_285 : i32 to index
          %swap3A_365 = arith.constant 64 : index
          %swap3A_366 = tpu.vector_load %arg7[%swap3A_363, %swap3A_364, %swap3A_365] {strides = array<i32>} : memref<2x64x128xf32, #tpu.memory_space<vmem>>, vector<1x1x16xf32>,
          %swap3A_367 = vector.shape_cast %swap3A_366 : vector<1x1x16xf32> to vector<16xf32>
          %swap3A_368 = vector.shape_cast %get3A_361 : vector<16xf32> to vector<1x1x16xf32>
          tpu.vector_store %arg7[%swap3A_363, %swap3A_364, %swap3A_365], %swap3A_368 {strides = array<i32>} : memref<2x64x128xf32, #tpu.memory_space<vmem>>, vector<1x1x16xf32>,
          %mul3A_369 = arith.constant 2 : i32
          %mul3A_370 = arith.muli %mul3A_369, %scan3A_285 : i32
          %add3A_371 = arith.constant 1 : i32
          %add3A_372 = arith.addi %mul3A_370, %add3A_371 : i32
          %get3A_373 = arith.constant 2 : i32
          %get3A_374 = arith.index_cast %get3A_373 : i32 to index
          %get3A_375 = arith.index_cast %add3A_372 : i32 to index
          %get3A_376 = arith.constant 16 : index
          %get3A_377 = tpu.vector_load %arg6[%get3A_374, %get3A_375, %get3A_376] {strides = array<i32>} : memref<4x128x128xf32, #tpu.memory_space<vmem>>, vector<1x1x16xf32>,
          %get3A_378 = vector.shape_cast %get3A_377 : vector<1x1x16xf32> to vector<16xf32>
          %swap3A_379 = arith.constant 0 : i32
          %swap3A_380 = arith.index_cast %swap3A_379 : i32 to index
          %swap3A_381 = arith.index_cast %scan3A_285 : i32 to index
          %swap3A_382 = arith.constant 80 : index
          %swap3A_383 = tpu.vector_load %arg7[%swap3A_380, %swap3A_381, %swap3A_382] {strides = array<i32>} : memref<2x64x128xf32, #tpu.memory_space<vmem>>, vector<1x1x16xf32>,
          %swap3A_384 = vector.shape_cast %swap3A_383 : vector<1x1x16xf32> to vector<16xf32>
          %swap3A_385 = vector.shape_cast %get3A_378 : vector<16xf32> to vector<1x1x16xf32>
          tpu.vector_store %arg7[%swap3A_380, %swap3A_381, %swap3A_382], %swap3A_385 {strides = array<i32>} : memref<2x64x128xf32, #tpu.memory_space<vmem>>, vector<1x1x16xf32>,
          %mul3A_386 = arith.constant 2 : i32
          %mul3A_387 = arith.muli %mul3A_386, %scan3A_285 : i32
          %add3A_388 = arith.constant 1 : i32
          %add3A_389 = arith.addi %mul3A_387, %add3A_388 : i32
          %get3A_390 = arith.constant 2 : i32
          %get3A_391 = arith.index_cast %get3A_390 : i32 to index
          %get3A_392 = arith.index_cast %add3A_389 : i32 to index
          %get3A_393 = arith.constant 32 : index
          %get3A_394 = tpu.vector_load %arg6[%get3A_391, %get3A_392, %get3A_393] {strides = array<i32>} : memref<4x128x128xf32, #tpu.memory_space<vmem>>, vector<1x1x16xf32>,
          %get3A_395 = vector.shape_cast %get3A_394 : vector<1x1x16xf32> to vector<16xf32>
          %swap3A_396 = arith.constant 0 : i32
          %swap3A_397 = arith.index_cast %swap3A_396 : i32 to index
          %swap3A_398 = arith.index_cast %scan3A_285 : i32 to index
          %swap3A_399 = arith.constant 96 : index
          %swap3A_400 = tpu.vector_load %arg7[%swap3A_397, %swap3A_398, %swap3A_399] {strides = array<i32>} : memref<2x64x128xf32, #tpu.memory_space<vmem>>, vector<1x1x16xf32>,
          %swap3A_401 = vector.shape_cast %swap3A_400 : vector<1x1x16xf32> to vector<16xf32>
          %swap3A_402 = vector.shape_cast %get3A_395 : vector<16xf32> to vector<1x1x16xf32>
          tpu.vector_store %arg7[%swap3A_397, %swap3A_398, %swap3A_399], %swap3A_402 {strides = array<i32>} : memref<2x64x128xf32, #tpu.memory_space<vmem>>, vector<1x1x16xf32>,
          %mul3A_403 = arith.constant 2 : i32
          %mul3A_404 = arith.muli %mul3A_403, %scan3A_285 : i32
          %add3A_405 = arith.constant 1 : i32
          %add3A_406 = arith.addi %mul3A_404, %add3A_405 : i32
          %get3A_407 = arith.constant 2 : i32
          %get3A_408 = arith.index_cast %get3A_407 : i32 to index
          %get3A_409 = arith.index_cast %add3A_406 : i32 to index
          %get3A_410 = arith.constant 48 : index
          %get3A_411 = tpu.vector_load %arg6[%get3A_408, %get3A_409, %get3A_410] {strides = array<i32>} : memref<4x128x128xf32, #tpu.memory_space<vmem>>, vector<1x1x16xf32>,
          %get3A_412 = vector.shape_cast %get3A_411 : vector<1x1x16xf32> to vector<16xf32>
          %swap3A_413 = arith.constant 0 : i32
          %swap3A_414 = arith.index_cast %swap3A_413 : i32 to index
          %swap3A_415 = arith.index_cast %scan3A_285 : i32 to index
          %swap3A_416 = arith.constant 112 : index
          %swap3A_417 = tpu.vector_load %arg7[%swap3A_414, %swap3A_415, %swap3A_416] {strides = array<i32>} : memref<2x64x128xf32, #tpu.memory_space<vmem>>, vector<1x1x16xf32>,
          %swap3A_418 = vector.shape_cast %swap3A_417 : vector<1x1x16xf32> to vector<16xf32>
          %swap3A_419 = vector.shape_cast %get3A_412 : vector<16xf32> to vector<1x1x16xf32>
          tpu.vector_store %arg7[%swap3A_414, %swap3A_415, %swap3A_416], %swap3A_419 {strides = array<i32>} : memref<2x64x128xf32, #tpu.memory_space<vmem>>, vector<1x1x16xf32>,
        }
        %scan3A_211 = arith.constant 64 : i32
        %mul3A_212 = arith.constant 64 : i32
        %mul3A_213 = arith.muli %add3A_188, %mul3A_212 : i32
        %add3A_214 = arith.addi %mul3A_9, %mul3A_213 : i32
        %dma_start3A_215 = arith.constant 0 : i32
        %dma_start3A_216 = arith.constant 0 : i32
        %dma_start3A_217 = arith.constant 0 : i32
        %dma_start3A_218 = tpu.memref_slice %arg7[%dma_start3A_215, %dma_start3A_216, %dma_start3A_217] : memref<2x64x128xf32, #tpu.memory_space<vmem>> -> memref<1x64x128xf32, #tpu.memory_space<vmem>>
        %dma_start3A_219 = tpu.memref_squeeze %dma_start3A_218 : memref<1x64x128xf32, #tpu.memory_space<vmem>> -> memref<64x128xf32, #tpu.memory_space<vmem>>
        %dma_start3A_220 = arith.constant 0 : i32
        %dma_start3A_221 = tpu.memref_slice %arg4[%add3A_214, %dma_start3A_220] : memref<81920x128xf32, #tpu.memory_space<hbm>> -> memref<64x128xf32, #tpu.memory_space<hbm>>
        %dma_start3A_222 = arith.constant 0 : i32
        %dma_start3A_223 = tpu.memref_slice %arg4[%add3A_214, %dma_start3A_222] : memref<81920x128xf32, #tpu.memory_space<hbm>> -> memref<64x128xf32, #tpu.memory_space<hbm>>
        %dma_start3A_224 = arith.constant 0 : i32
        %dma_start3A_225 = arith.constant 0 : i32
        %dma_start3A_226 = tpu.memref_slice %arg7[%dma_start3A_215, %dma_start3A_224, %dma_start3A_225] : memref<2x64x128xf32, #tpu.memory_space<vmem>> -> memref<1x64x128xf32, #tpu.memory_space<vmem>>
        %dma_start3A_227 = tpu.memref_squeeze %dma_start3A_226 : memref<1x64x128xf32, #tpu.memory_space<vmem>> -> memref<64x128xf32, #tpu.memory_space<vmem>>
        tpu.enqueue_dma source(%dma_start3A_227 : memref<64x128xf32, #tpu.memory_space<vmem>>) target(%dma_start3A_223 : memref<64x128xf32, #tpu.memory_space<hbm>>) target_semaphore(%arg12 : memref<!tpu.dma_semaphore, #tpu.memory_space<semaphore_mem>>)
        %add3A_228 = arith.constant 4 : i32
        %add3A_229 = arith.addi %add3A_188, %add3A_228 : i32
        %lt3A_230 = arith.constant 40 : i32
        %lt3A_231 = arith.cmpi slt, %add3A_229, %lt3A_230 : i32
        %convert_element_type3A_232 = arith.extui %lt3A_231 : i1 to i32
        %cond3A_233 = arith.constant 0 : i32
        %cond3A_234 = arith.cmpi ne, %convert_element_type3A_232, %cond3A_233 : i32
        scf.if %cond3A_234 {
          %add3A_285 = arith.constant 4 : i32
          %add3A_286 = arith.addi %add3A_188, %add3A_285 : i32
          %dma_start3A_287 = arith.constant 2 : i32
          %dma_start3A_288 = arith.constant 0 : i32
          %dma_start3A_289 = arith.constant 0 : i32
          %dma_start3A_290 = tpu.memref_slice %arg6[%dma_start3A_287, %dma_start3A_288, %dma_start3A_289] : memref<4x128x128xf32, #tpu.memory_space<vmem>> -> memref<1x128x128xf32, #tpu.memory_space<vmem>>
          %dma_start3A_291 = tpu.memref_squeeze %dma_start3A_290 : memref<1x128x128xf32, #tpu.memory_space<vmem>> -> memref<128x128xf32, #tpu.memory_space<vmem>>
          %dma_start3A_292 = arith.constant 0 : i32
          %dma_start3A_293 = tpu.memref_slice %arg5[%add3A_286, %dma_start3A_292] : memref<40x128xi32, #tpu.memory_space<vmem>> -> memref<1x128xi32, #tpu.memory_space<vmem>>
          %dma_start3A_294 = tpu.memref_squeeze %dma_start3A_293 : memref<1x128xi32, #tpu.memory_space<vmem>> -> memref<128xi32, #tpu.memory_space<vmem>>
          %dma_start3A_295 = arith.constant 0 : i32
          %dma_start3A_296 = arith.constant 0 : i32
          %dma_start3A_297 = tpu.memref_slice %arg2[%dma_start3A_295, %dma_start3A_296] : memref<10240x128xf32, #tpu.memory_space<hbm>> -> memref<10240x128xf32, #tpu.memory_space<hbm>>
          tpu.enqueue_indirect_dma source(%dma_start3A_297 : memref<10240x128xf32, #tpu.memory_space<hbm>>) target(%dma_start3A_291 : memref<128x128xf32, #tpu.memory_space<vmem>>) offsets(%dma_start3A_294 : memref<128xi32, #tpu.memory_space<vmem>>) semaphore(%arg10 : memref<!tpu.dma_semaphore, #tpu.memory_space<semaphore_mem>>)
        } else {
        }
        %mul3A_235 = arith.constant 4 : i32
        %mul3A_236 = arith.muli %mul3A_235, %scan3A_87 : i32
        %add3A_237 = arith.constant 3 : i32
        %add3A_238 = arith.addi %mul3A_236, %add3A_237 : i32
        %dma_wait3A_239 = arith.constant 0 : i32
        %dma_wait3A_240 = arith.constant 3 : i32
        %dma_wait3A_241 = arith.constant 0 : i32
        %dma_wait3A_242 = arith.constant 0 : i32
        %dma_wait3A_243 = tpu.memref_slice %arg6[%dma_wait3A_240, %dma_wait3A_241, %dma_wait3A_242] : memref<4x128x128xf32, #tpu.memory_space<vmem>> -> memref<1x128x128xf32, #tpu.memory_space<vmem>>
        %dma_wait3A_244 = tpu.memref_squeeze %dma_wait3A_243 : memref<1x128x128xf32, #tpu.memory_space<vmem>> -> memref<128x128xf32, #tpu.memory_space<vmem>>
        %dma_wait3A_245 = arith.constant 0 : i32
        %dma_wait3A_246 = tpu.memref_slice %arg5[%dma_wait3A_239, %dma_wait3A_245] : memref<40x128xi32, #tpu.memory_space<vmem>> -> memref<1x128xi32, #tpu.memory_space<vmem>>
        %dma_wait3A_247 = tpu.memref_squeeze %dma_wait3A_246 : memref<1x128xi32, #tpu.memory_space<vmem>> -> memref<128xi32, #tpu.memory_space<vmem>>
        %dma_wait3A_248 = arith.constant 0 : i32
        %dma_wait3A_249 = arith.constant 0 : i32
        %dma_wait3A_250 = tpu.memref_slice %arg2[%dma_wait3A_248, %dma_wait3A_249] : memref<10240x128xf32, #tpu.memory_space<hbm>> -> memref<10240x128xf32, #tpu.memory_space<hbm>>
        tpu.wait_indirect_dma semaphore(%arg11 : memref<!tpu.dma_semaphore, #tpu.memory_space<semaphore_mem>>) src(%dma_wait3A_250 : memref<10240x128xf32, #tpu.memory_space<hbm>>) dst(%dma_wait3A_244 : memref<128x128xf32, #tpu.memory_space<vmem>>)
        %ge3A_251 = arith.constant 2 : i32
        %ge3A_252 = arith.cmpi sge, %add3A_238, %ge3A_251 : i32
        %convert_element_type3A_253 = arith.extui %ge3A_252 : i1 to i32
        %cond3A_254 = arith.constant 0 : i32
        %cond3A_255 = arith.cmpi ne, %convert_element_type3A_253, %cond3A_254 : i32
        scf.if %cond3A_255 {
          %dma_wait3A_285 = arith.constant 1 : i32
          %dma_wait3A_286 = arith.constant 0 : i32
          %dma_wait3A_287 = arith.constant 0 : i32
          %dma_wait3A_288 = tpu.memref_slice %arg7[%dma_wait3A_285, %dma_wait3A_286, %dma_wait3A_287] : memref<2x64x128xf32, #tpu.memory_space<vmem>> -> memref<1x64x128xf32, #tpu.memory_space<vmem>>
          %dma_wait3A_289 = tpu.memref_squeeze %dma_wait3A_288 : memref<1x64x128xf32, #tpu.memory_space<vmem>> -> memref<64x128xf32, #tpu.memory_space<vmem>>
          %dma_wait3A_290 = arith.constant 0 : i32
          %dma_wait3A_291 = tpu.memref_slice %arg4[%mul3A_9, %dma_wait3A_290] : memref<81920x128xf32, #tpu.memory_space<hbm>> -> memref<64x128xf32, #tpu.memory_space<hbm>>
          %dma_wait3A_292 = arith.constant 0 : i32
          %dma_wait3A_293 = tpu.memref_slice %arg4[%mul3A_9, %dma_wait3A_292] : memref<81920x128xf32, #tpu.memory_space<hbm>> -> memref<64x128xf32, #tpu.memory_space<hbm>>
          %dma_wait3A_294 = arith.constant 0 : i32
          %dma_wait3A_295 = arith.constant 0 : i32
          %dma_wait3A_296 = tpu.memref_slice %arg7[%dma_wait3A_285, %dma_wait3A_294, %dma_wait3A_295] : memref<2x64x128xf32, #tpu.memory_space<vmem>> -> memref<1x64x128xf32, #tpu.memory_space<vmem>>
          %dma_wait3A_297 = tpu.memref_squeeze %dma_wait3A_296 : memref<1x64x128xf32, #tpu.memory_space<vmem>> -> memref<64x128xf32, #tpu.memory_space<vmem>>
          tpu.wait_dma2 semaphore(%arg13 : memref<!tpu.dma_semaphore, #tpu.memory_space<semaphore_mem>>) src(%dma_wait3A_297 : memref<64x128xf32, #tpu.memory_space<vmem>>) dst(%dma_wait3A_293 : memref<64x128xf32, #tpu.memory_space<hbm>>)
        } else {
        }
        %scan3A_256 = arith.constant 0 : i32
        %scan3A_257 = arith.constant 0 : i32
        %scan3A_258 = arith.constant 64 : i32
        %scan3A_259 = arith.addi %scan3A_257, %scan3A_258 : i32
        %scan3A_260 = arith.constant 1 : i32
        scf.for %scan3A_285 = %scan3A_257 to %scan3A_259 step %scan3A_260  : i32 {
          %mul3A_286 = arith.constant 2 : i32
          %mul3A_287 = arith.muli %mul3A_286, %scan3A_285 : i32
          %add3A_288 = arith.constant 0 : i32
          %add3A_289 = arith.addi %mul3A_287, %add3A_288 : i32
          %get3A = arith.constant 3 : i32
          %get3A_290 = arith.index_cast %get3A : i32 to index
          %get3A_291 = arith.index_cast %add3A_289 : i32 to index
          %get3A_292 = arith.constant 0 : index
          %get3A_293 = tpu.vector_load %arg6[%get3A_290, %get3A_291, %get3A_292] {strides = array<i32>} : memref<4x128x128xf32, #tpu.memory_space<vmem>>, vector<1x1x16xf32>,
          %get3A_294 = vector.shape_cast %get3A_293 : vector<1x1x16xf32> to vector<16xf32>
          %swap3A = arith.constant 1 : i32
          %swap3A_295 = arith.index_cast %swap3A : i32 to index
          %swap3A_296 = arith.index_cast %scan3A_285 : i32 to index
          %swap3A_297 = arith.constant 0 : index
          %swap3A_298 = tpu.vector_load %arg7[%swap3A_295, %swap3A_296, %swap3A_297] {strides = array<i32>} : memref<2x64x128xf32, #tpu.memory_space<vmem>>, vector<1x1x16xf32>,
          %swap3A_299 = vector.shape_cast %swap3A_298 : vector<1x1x16xf32> to vector<16xf32>
          %swap3A_300 = vector.shape_cast %get3A_294 : vector<16xf32> to vector<1x1x16xf32>
          tpu.vector_store %arg7[%swap3A_295, %swap3A_296, %swap3A_297], %swap3A_300 {strides = array<i32>} : memref<2x64x128xf32, #tpu.memory_space<vmem>>, vector<1x1x16xf32>,
          %mul3A_301 = arith.constant 2 : i32
          %mul3A_302 = arith.muli %mul3A_301, %scan3A_285 : i32
          %add3A_303 = arith.constant 0 : i32
          %add3A_304 = arith.addi %mul3A_302, %add3A_303 : i32
          %get3A_305 = arith.constant 3 : i32
          %get3A_306 = arith.index_cast %get3A_305 : i32 to index
          %get3A_307 = arith.index_cast %add3A_304 : i32 to index
          %get3A_308 = arith.constant 16 : index
          %get3A_309 = tpu.vector_load %arg6[%get3A_306, %get3A_307, %get3A_308] {strides = array<i32>} : memref<4x128x128xf32, #tpu.memory_space<vmem>>, vector<1x1x16xf32>,
          %get3A_310 = vector.shape_cast %get3A_309 : vector<1x1x16xf32> to vector<16xf32>
          %swap3A_311 = arith.constant 1 : i32
          %swap3A_312 = arith.index_cast %swap3A_311 : i32 to index
          %swap3A_313 = arith.index_cast %scan3A_285 : i32 to index
          %swap3A_314 = arith.constant 16 : index
          %swap3A_315 = tpu.vector_load %arg7[%swap3A_312, %swap3A_313, %swap3A_314] {strides = array<i32>} : memref<2x64x128xf32, #tpu.memory_space<vmem>>, vector<1x1x16xf32>,
          %swap3A_316 = vector.shape_cast %swap3A_315 : vector<1x1x16xf32> to vector<16xf32>
          %swap3A_317 = vector.shape_cast %get3A_310 : vector<16xf32> to vector<1x1x16xf32>
          tpu.vector_store %arg7[%swap3A_312, %swap3A_313, %swap3A_314], %swap3A_317 {strides = array<i32>} : memref<2x64x128xf32, #tpu.memory_space<vmem>>, vector<1x1x16xf32>,
          %mul3A_318 = arith.constant 2 : i32
          %mul3A_319 = arith.muli %mul3A_318, %scan3A_285 : i32
          %add3A_320 = arith.constant 0 : i32
          %add3A_321 = arith.addi %mul3A_319, %add3A_320 : i32
          %get3A_322 = arith.constant 3 : i32
          %get3A_323 = arith.index_cast %get3A_322 : i32 to index
          %get3A_324 = arith.index_cast %add3A_321 : i32 to index
          %get3A_325 = arith.constant 32 : index
          %get3A_326 = tpu.vector_load %arg6[%get3A_323, %get3A_324, %get3A_325] {strides = array<i32>} : memref<4x128x128xf32, #tpu.memory_space<vmem>>, vector<1x1x16xf32>,
          %get3A_327 = vector.shape_cast %get3A_326 : vector<1x1x16xf32> to vector<16xf32>
          %swap3A_328 = arith.constant 1 : i32
          %swap3A_329 = arith.index_cast %swap3A_328 : i32 to index
          %swap3A_330 = arith.index_cast %scan3A_285 : i32 to index
          %swap3A_331 = arith.constant 32 : index
          %swap3A_332 = tpu.vector_load %arg7[%swap3A_329, %swap3A_330, %swap3A_331] {strides = array<i32>} : memref<2x64x128xf32, #tpu.memory_space<vmem>>, vector<1x1x16xf32>,
          %swap3A_333 = vector.shape_cast %swap3A_332 : vector<1x1x16xf32> to vector<16xf32>
          %swap3A_334 = vector.shape_cast %get3A_327 : vector<16xf32> to vector<1x1x16xf32>
          tpu.vector_store %arg7[%swap3A_329, %swap3A_330, %swap3A_331], %swap3A_334 {strides = array<i32>} : memref<2x64x128xf32, #tpu.memory_space<vmem>>, vector<1x1x16xf32>,
          %mul3A_335 = arith.constant 2 : i32
          %mul3A_336 = arith.muli %mul3A_335, %scan3A_285 : i32
          %add3A_337 = arith.constant 0 : i32
          %add3A_338 = arith.addi %mul3A_336, %add3A_337 : i32
          %get3A_339 = arith.constant 3 : i32
          %get3A_340 = arith.index_cast %get3A_339 : i32 to index
          %get3A_341 = arith.index_cast %add3A_338 : i32 to index
          %get3A_342 = arith.constant 48 : index
          %get3A_343 = tpu.vector_load %arg6[%get3A_340, %get3A_341, %get3A_342] {strides = array<i32>} : memref<4x128x128xf32, #tpu.memory_space<vmem>>, vector<1x1x16xf32>,
          %get3A_344 = vector.shape_cast %get3A_343 : vector<1x1x16xf32> to vector<16xf32>
          %swap3A_345 = arith.constant 1 : i32
          %swap3A_346 = arith.index_cast %swap3A_345 : i32 to index
          %swap3A_347 = arith.index_cast %scan3A_285 : i32 to index
          %swap3A_348 = arith.constant 48 : index
          %swap3A_349 = tpu.vector_load %arg7[%swap3A_346, %swap3A_347, %swap3A_348] {strides = array<i32>} : memref<2x64x128xf32, #tpu.memory_space<vmem>>, vector<1x1x16xf32>,
          %swap3A_350 = vector.shape_cast %swap3A_349 : vector<1x1x16xf32> to vector<16xf32>
          %swap3A_351 = vector.shape_cast %get3A_344 : vector<16xf32> to vector<1x1x16xf32>
          tpu.vector_store %arg7[%swap3A_346, %swap3A_347, %swap3A_348], %swap3A_351 {strides = array<i32>} : memref<2x64x128xf32, #tpu.memory_space<vmem>>, vector<1x1x16xf32>,
          %mul3A_352 = arith.constant 2 : i32
          %mul3A_353 = arith.muli %mul3A_352, %scan3A_285 : i32
          %add3A_354 = arith.constant 1 : i32
          %add3A_355 = arith.addi %mul3A_353, %add3A_354 : i32
          %get3A_356 = arith.constant 3 : i32
          %get3A_357 = arith.index_cast %get3A_356 : i32 to index
          %get3A_358 = arith.index_cast %add3A_355 : i32 to index
          %get3A_359 = arith.constant 0 : index
          %get3A_360 = tpu.vector_load %arg6[%get3A_357, %get3A_358, %get3A_359] {strides = array<i32>} : memref<4x128x128xf32, #tpu.memory_space<vmem>>, vector<1x1x16xf32>,
          %get3A_361 = vector.shape_cast %get3A_360 : vector<1x1x16xf32> to vector<16xf32>
          %swap3A_362 = arith.constant 1 : i32
          %swap3A_363 = arith.index_cast %swap3A_362 : i32 to index
          %swap3A_364 = arith.index_cast %scan3A_285 : i32 to index
          %swap3A_365 = arith.constant 64 : index
          %swap3A_366 = tpu.vector_load %arg7[%swap3A_363, %swap3A_364, %swap3A_365] {strides = array<i32>} : memref<2x64x128xf32, #tpu.memory_space<vmem>>, vector<1x1x16xf32>,
          %swap3A_367 = vector.shape_cast %swap3A_366 : vector<1x1x16xf32> to vector<16xf32>
          %swap3A_368 = vector.shape_cast %get3A_361 : vector<16xf32> to vector<1x1x16xf32>
          tpu.vector_store %arg7[%swap3A_363, %swap3A_364, %swap3A_365], %swap3A_368 {strides = array<i32>} : memref<2x64x128xf32, #tpu.memory_space<vmem>>, vector<1x1x16xf32>,
          %mul3A_369 = arith.constant 2 : i32
          %mul3A_370 = arith.muli %mul3A_369, %scan3A_285 : i32
          %add3A_371 = arith.constant 1 : i32
          %add3A_372 = arith.addi %mul3A_370, %add3A_371 : i32
          %get3A_373 = arith.constant 3 : i32
          %get3A_374 = arith.index_cast %get3A_373 : i32 to index
          %get3A_375 = arith.index_cast %add3A_372 : i32 to index
          %get3A_376 = arith.constant 16 : index
          %get3A_377 = tpu.vector_load %arg6[%get3A_374, %get3A_375, %get3A_376] {strides = array<i32>} : memref<4x128x128xf32, #tpu.memory_space<vmem>>, vector<1x1x16xf32>,
          %get3A_378 = vector.shape_cast %get3A_377 : vector<1x1x16xf32> to vector<16xf32>
          %swap3A_379 = arith.constant 1 : i32
          %swap3A_380 = arith.index_cast %swap3A_379 : i32 to index
          %swap3A_381 = arith.index_cast %scan3A_285 : i32 to index
          %swap3A_382 = arith.constant 80 : index
          %swap3A_383 = tpu.vector_load %arg7[%swap3A_380, %swap3A_381, %swap3A_382] {strides = array<i32>} : memref<2x64x128xf32, #tpu.memory_space<vmem>>, vector<1x1x16xf32>,
          %swap3A_384 = vector.shape_cast %swap3A_383 : vector<1x1x16xf32> to vector<16xf32>
          %swap3A_385 = vector.shape_cast %get3A_378 : vector<16xf32> to vector<1x1x16xf32>
          tpu.vector_store %arg7[%swap3A_380, %swap3A_381, %swap3A_382], %swap3A_385 {strides = array<i32>} : memref<2x64x128xf32, #tpu.memory_space<vmem>>, vector<1x1x16xf32>,
          %mul3A_386 = arith.constant 2 : i32
          %mul3A_387 = arith.muli %mul3A_386, %scan3A_285 : i32
          %add3A_388 = arith.constant 1 : i32
          %add3A_389 = arith.addi %mul3A_387, %add3A_388 : i32
          %get3A_390 = arith.constant 3 : i32
          %get3A_391 = arith.index_cast %get3A_390 : i32 to index
          %get3A_392 = arith.index_cast %add3A_389 : i32 to index
          %get3A_393 = arith.constant 32 : index
          %get3A_394 = tpu.vector_load %arg6[%get3A_391, %get3A_392, %get3A_393] {strides = array<i32>} : memref<4x128x128xf32, #tpu.memory_space<vmem>>, vector<1x1x16xf32>,
          %get3A_395 = vector.shape_cast %get3A_394 : vector<1x1x16xf32> to vector<16xf32>
          %swap3A_396 = arith.constant 1 : i32
          %swap3A_397 = arith.index_cast %swap3A_396 : i32 to index
          %swap3A_398 = arith.index_cast %scan3A_285 : i32 to index
          %swap3A_399 = arith.constant 96 : index
          %swap3A_400 = tpu.vector_load %arg7[%swap3A_397, %swap3A_398, %swap3A_399] {strides = array<i32>} : memref<2x64x128xf32, #tpu.memory_space<vmem>>, vector<1x1x16xf32>,
          %swap3A_401 = vector.shape_cast %swap3A_400 : vector<1x1x16xf32> to vector<16xf32>
          %swap3A_402 = vector.shape_cast %get3A_395 : vector<16xf32> to vector<1x1x16xf32>
          tpu.vector_store %arg7[%swap3A_397, %swap3A_398, %swap3A_399], %swap3A_402 {strides = array<i32>} : memref<2x64x128xf32, #tpu.memory_space<vmem>>, vector<1x1x16xf32>,
          %mul3A_403 = arith.constant 2 : i32
          %mul3A_404 = arith.muli %mul3A_403, %scan3A_285 : i32
          %add3A_405 = arith.constant 1 : i32
          %add3A_406 = arith.addi %mul3A_404, %add3A_405 : i32
          %get3A_407 = arith.constant 3 : i32
          %get3A_408 = arith.index_cast %get3A_407 : i32 to index
          %get3A_409 = arith.index_cast %add3A_406 : i32 to index
          %get3A_410 = arith.constant 48 : index
          %get3A_411 = tpu.vector_load %arg6[%get3A_408, %get3A_409, %get3A_410] {strides = array<i32>} : memref<4x128x128xf32, #tpu.memory_space<vmem>>, vector<1x1x16xf32>,
          %get3A_412 = vector.shape_cast %get3A_411 : vector<1x1x16xf32> to vector<16xf32>
          %swap3A_413 = arith.constant 1 : i32
          %swap3A_414 = arith.index_cast %swap3A_413 : i32 to index
          %swap3A_415 = arith.index_cast %scan3A_285 : i32 to index
          %swap3A_416 = arith.constant 112 : index
          %swap3A_417 = tpu.vector_load %arg7[%swap3A_414, %swap3A_415, %swap3A_416] {strides = array<i32>} : memref<2x64x128xf32, #tpu.memory_space<vmem>>, vector<1x1x16xf32>,
          %swap3A_418 = vector.shape_cast %swap3A_417 : vector<1x1x16xf32> to vector<16xf32>
          %swap3A_419 = vector.shape_cast %get3A_412 : vector<16xf32> to vector<1x1x16xf32>
          tpu.vector_store %arg7[%swap3A_414, %swap3A_415, %swap3A_416], %swap3A_419 {strides = array<i32>} : memref<2x64x128xf32, #tpu.memory_space<vmem>>, vector<1x1x16xf32>,
        }
        %scan3A_261 = arith.constant 64 : i32
        %mul3A_262 = arith.constant 64 : i32
        %mul3A_263 = arith.muli %add3A_238, %mul3A_262 : i32
        %add3A_264 = arith.addi %mul3A_9, %mul3A_263 : i32
        %dma_start3A_265 = arith.constant 1 : i32
        %dma_start3A_266 = arith.constant 0 : i32
        %dma_start3A_267 = arith.constant 0 : i32
        %dma_start3A_268 = tpu.memref_slice %arg7[%dma_start3A_265, %dma_start3A_266, %dma_start3A_267] : memref<2x64x128xf32, #tpu.memory_space<vmem>> -> memref<1x64x128xf32, #tpu.memory_space<vmem>>
        %dma_start3A_269 = tpu.memref_squeeze %dma_start3A_268 : memref<1x64x128xf32, #tpu.memory_space<vmem>> -> memref<64x128xf32, #tpu.memory_space<vmem>>
        %dma_start3A_270 = arith.constant 0 : i32
        %dma_start3A_271 = tpu.memref_slice %arg4[%add3A_264, %dma_start3A_270] : memref<81920x128xf32, #tpu.memory_space<hbm>> -> memref<64x128xf32, #tpu.memory_space<hbm>>
        %dma_start3A_272 = arith.constant 0 : i32
        %dma_start3A_273 = tpu.memref_slice %arg4[%add3A_264, %dma_start3A_272] : memref<81920x128xf32, #tpu.memory_space<hbm>> -> memref<64x128xf32, #tpu.memory_space<hbm>>
        %dma_start3A_274 = arith.constant 0 : i32
        %dma_start3A_275 = arith.constant 0 : i32
        %dma_start3A_276 = tpu.memref_slice %arg7[%dma_start3A_265, %dma_start3A_274, %dma_start3A_275] : memref<2x64x128xf32, #tpu.memory_space<vmem>> -> memref<1x64x128xf32, #tpu.memory_space<vmem>>
        %dma_start3A_277 = tpu.memref_squeeze %dma_start3A_276 : memref<1x64x128xf32, #tpu.memory_space<vmem>> -> memref<64x128xf32, #tpu.memory_space<vmem>>
        tpu.enqueue_dma source(%dma_start3A_277 : memref<64x128xf32, #tpu.memory_space<vmem>>) target(%dma_start3A_273 : memref<64x128xf32, #tpu.memory_space<hbm>>) target_semaphore(%arg13 : memref<!tpu.dma_semaphore, #tpu.memory_space<semaphore_mem>>)
        %add3A_278 = arith.constant 4 : i32
        %add3A_279 = arith.addi %add3A_238, %add3A_278 : i32
        %lt3A_280 = arith.constant 40 : i32
        %lt3A_281 = arith.cmpi slt, %add3A_279, %lt3A_280 : i32
        %convert_element_type3A_282 = arith.extui %lt3A_281 : i1 to i32
        %cond3A_283 = arith.constant 0 : i32
        %cond3A_284 = arith.cmpi ne, %convert_element_type3A_282, %cond3A_283 : i32
        scf.if %cond3A_284 {
          %add3A_285 = arith.constant 4 : i32
          %add3A_286 = arith.addi %add3A_238, %add3A_285 : i32
          %dma_start3A_287 = arith.constant 3 : i32
          %dma_start3A_288 = arith.constant 0 : i32
          %dma_start3A_289 = arith.constant 0 : i32
          %dma_start3A_290 = tpu.memref_slice %arg6[%dma_start3A_287, %dma_start3A_288, %dma_start3A_289] : memref<4x128x128xf32, #tpu.memory_space<vmem>> -> memref<1x128x128xf32, #tpu.memory_space<vmem>>
          %dma_start3A_291 = tpu.memref_squeeze %dma_start3A_290 : memref<1x128x128xf32, #tpu.memory_space<vmem>> -> memref<128x128xf32, #tpu.memory_space<vmem>>
          %dma_start3A_292 = arith.constant 0 : i32
          %dma_start3A_293 = tpu.memref_slice %arg5[%add3A_286, %dma_start3A_292] : memref<40x128xi32, #tpu.memory_space<vmem>> -> memref<1x128xi32, #tpu.memory_space<vmem>>
          %dma_start3A_294 = tpu.memref_squeeze %dma_start3A_293 : memref<1x128xi32, #tpu.memory_space<vmem>> -> memref<128xi32, #tpu.memory_space<vmem>>
          %dma_start3A_295 = arith.constant 0 : i32
          %dma_start3A_296 = arith.constant 0 : i32
          %dma_start3A_297 = tpu.memref_slice %arg2[%dma_start3A_295, %dma_start3A_296] : memref<10240x128xf32, #tpu.memory_space<hbm>> -> memref<10240x128xf32, #tpu.memory_space<hbm>>
          tpu.enqueue_indirect_dma source(%dma_start3A_297 : memref<10240x128xf32, #tpu.memory_space<hbm>>) target(%dma_start3A_291 : memref<128x128xf32, #tpu.memory_space<vmem>>) offsets(%dma_start3A_294 : memref<128xi32, #tpu.memory_space<vmem>>) semaphore(%arg11 : memref<!tpu.dma_semaphore, #tpu.memory_space<semaphore_mem>>)
        } else {
        }
      }
      %scan3A_61 = arith.constant 10 : i32
      %dma_wait3A = arith.constant 0 : i32
      %dma_wait3A_62 = arith.constant 0 : i32
      %dma_wait3A_63 = arith.constant 0 : i32
      %dma_wait3A_64 = tpu.memref_slice %arg7[%dma_wait3A, %dma_wait3A_62, %dma_wait3A_63] : memref<2x64x128xf32, #tpu.memory_space<vmem>> -> memref<1x64x128xf32, #tpu.memory_space<vmem>>
      %dma_wait3A_65 = tpu.memref_squeeze %dma_wait3A_64 : memref<1x64x128xf32, #tpu.memory_space<vmem>> -> memref<64x128xf32, #tpu.memory_space<vmem>>
      %dma_wait3A_66 = arith.constant 0 : i32
      %dma_wait3A_67 = tpu.memref_slice %arg4[%mul3A_9, %dma_wait3A_66] : memref<81920x128xf32, #tpu.memory_space<hbm>> -> memref<64x128xf32, #tpu.memory_space<hbm>>
      %dma_wait3A_68 = arith.constant 0 : i32
      %dma_wait3A_69 = tpu.memref_slice %arg4[%mul3A_9, %dma_wait3A_68] : memref<81920x128xf32, #tpu.memory_space<hbm>> -> memref<64x128xf32, #tpu.memory_space<hbm>>
      %dma_wait3A_70 = arith.constant 0 : i32
      %dma_wait3A_71 = arith.constant 0 : i32
      %dma_wait3A_72 = tpu.memref_slice %arg7[%dma_wait3A, %dma_wait3A_70, %dma_wait3A_71] : memref<2x64x128xf32, #tpu.memory_space<vmem>> -> memref<1x64x128xf32, #tpu.memory_space<vmem>>
      %dma_wait3A_73 = tpu.memref_squeeze %dma_wait3A_72 : memref<1x64x128xf32, #tpu.memory_space<vmem>> -> memref<64x128xf32, #tpu.memory_space<vmem>>
      tpu.wait_dma2 semaphore(%arg12 : memref<!tpu.dma_semaphore, #tpu.memory_space<semaphore_mem>>) src(%dma_wait3A_73 : memref<64x128xf32, #tpu.memory_space<vmem>>) dst(%dma_wait3A_69 : memref<64x128xf32, #tpu.memory_space<hbm>>)
      %dma_wait3A_74 = arith.constant 1 : i32
      %dma_wait3A_75 = arith.constant 0 : i32
      %dma_wait3A_76 = arith.constant 0 : i32
      %dma_wait3A_77 = tpu.memref_slice %arg7[%dma_wait3A_74, %dma_wait3A_75, %dma_wait3A_76] : memref<2x64x128xf32, #tpu.memory_space<vmem>> -> memref<1x64x128xf32, #tpu.memory_space<vmem>>
      %dma_wait3A_78 = tpu.memref_squeeze %dma_wait3A_77 : memref<1x64x128xf32, #tpu.memory_space<vmem>> -> memref<64x128xf32, #tpu.memory_space<vmem>>
      %dma_wait3A_79 = arith.constant 0 : i32
      %dma_wait3A_80 = tpu.memref_slice %arg4[%mul3A_9, %dma_wait3A_79] : memref<81920x128xf32, #tpu.memory_space<hbm>> -> memref<64x128xf32, #tpu.memory_space<hbm>>
      %dma_wait3A_81 = arith.constant 0 : i32
      %dma_wait3A_82 = tpu.memref_slice %arg4[%mul3A_9, %dma_wait3A_81] : memref<81920x128xf32, #tpu.memory_space<hbm>> -> memref<64x128xf32, #tpu.memory_space<hbm>>
      %dma_wait3A_83 = arith.constant 0 : i32
      %dma_wait3A_84 = arith.constant 0 : i32
      %dma_wait3A_85 = tpu.memref_slice %arg7[%dma_wait3A_74, %dma_wait3A_83, %dma_wait3A_84] : memref<2x64x128xf32, #tpu.memory_space<vmem>> -> memref<1x64x128xf32, #tpu.memory_space<vmem>>
      %dma_wait3A_86 = tpu.memref_squeeze %dma_wait3A_85 : memref<1x64x128xf32, #tpu.memory_space<vmem>> -> memref<64x128xf32, #tpu.memory_space<vmem>>
      tpu.wait_dma2 semaphore(%arg13 : memref<!tpu.dma_semaphore, #tpu.memory_space<semaphore_mem>>) src(%dma_wait3A_86 : memref<64x128xf32, #tpu.memory_space<vmem>>) dst(%dma_wait3A_82 : memref<64x128xf32, #tpu.memory_space<hbm>>)
    } else {
    }
    %eq3A_2 = arith.constant 1 : i32
    %eq3A_3 = arith.cmpi eq, %arg0, %eq3A_2 : i32
    %convert_element_type3A_4 = arith.extui %eq3A_3 : i1 to i32
    %cond3A_5 = arith.constant 0 : i32
    %cond3A_6 = arith.cmpi ne, %convert_element_type3A_4, %cond3A_5 : i32
    scf.if %cond3A_6 {
      %mul3A = arith.constant 40 : i32
      %mul3A_7 = arith.muli %arg1, %mul3A : i32
      %add3A = arith.constant 640 : i32
      %add3A_8 = arith.addi %add3A, %mul3A_7 : i32
      %mul3A_9 = arith.constant 64 : i32
      %mul3A_10 = arith.muli %add3A_8, %mul3A_9 : i32
      "tpu.region"() ({
        %run_scoped3A = tpu.sem_alloc : memref<!tpu.dma_semaphore, #tpu.memory_space<semaphore_mem>>
        %dma_start3A_88 = arith.constant 0 : i32
        %dma_start3A_89 = arith.constant 0 : i32
        %dma_start3A_90 = tpu.memref_slice %arg5[%dma_start3A_88, %dma_start3A_89] : memref<40x128xi32, #tpu.memory_space<vmem>> -> memref<40x128xi32, #tpu.memory_space<vmem>>
        %dma_start3A_91 = arith.constant 0 : i32
        %dma_start3A_92 = tpu.memref_slice %arg3[%add3A_8, %dma_start3A_91] : memref<1280x128xi32, #tpu.memory_space<hbm>> -> memref<40x128xi32, #tpu.memory_space<hbm>>
        %dma_start3A_93 = arith.constant 0 : i32
        %dma_start3A_94 = arith.constant 0 : i32
        %dma_start3A_95 = tpu.memref_slice %arg5[%dma_start3A_93, %dma_start3A_94] : memref<40x128xi32, #tpu.memory_space<vmem>> -> memref<40x128xi32, #tpu.memory_space<vmem>>
        %dma_start3A_96 = arith.constant 0 : i32
        %dma_start3A_97 = tpu.memref_slice %arg3[%add3A_8, %dma_start3A_96] : memref<1280x128xi32, #tpu.memory_space<hbm>> -> memref<40x128xi32, #tpu.memory_space<hbm>>
        tpu.enqueue_dma source(%dma_start3A_97 : memref<40x128xi32, #tpu.memory_space<hbm>>) target(%dma_start3A_95 : memref<40x128xi32, #tpu.memory_space<vmem>>) target_semaphore(%run_scoped3A : memref<!tpu.dma_semaphore, #tpu.memory_space<semaphore_mem>>)
        %dma_wait3A_98 = arith.constant 0 : i32
        %dma_wait3A_99 = arith.constant 0 : i32
        %dma_wait3A_100 = tpu.memref_slice %arg5[%dma_wait3A_98, %dma_wait3A_99] : memref<40x128xi32, #tpu.memory_space<vmem>> -> memref<40x128xi32, #tpu.memory_space<vmem>>
        %dma_wait3A_101 = arith.constant 0 : i32
        %dma_wait3A_102 = tpu.memref_slice %arg3[%add3A_8, %dma_wait3A_101] : memref<1280x128xi32, #tpu.memory_space<hbm>> -> memref<40x128xi32, #tpu.memory_space<hbm>>
        %dma_wait3A_103 = arith.constant 0 : i32
        %dma_wait3A_104 = arith.constant 0 : i32
        %dma_wait3A_105 = tpu.memref_slice %arg5[%dma_wait3A_103, %dma_wait3A_104] : memref<40x128xi32, #tpu.memory_space<vmem>> -> memref<40x128xi32, #tpu.memory_space<vmem>>
        %dma_wait3A_106 = arith.constant 0 : i32
        %dma_wait3A_107 = tpu.memref_slice %arg3[%add3A_8, %dma_wait3A_106] : memref<1280x128xi32, #tpu.memory_space<hbm>> -> memref<40x128xi32, #tpu.memory_space<hbm>>
        tpu.wait_dma2 semaphore(%run_scoped3A : memref<!tpu.dma_semaphore, #tpu.memory_space<semaphore_mem>>) src(%dma_wait3A_107 : memref<40x128xi32, #tpu.memory_space<hbm>>) dst(%dma_wait3A_105 : memref<40x128xi32, #tpu.memory_space<vmem>>)
        tpu.yield
      }) : () -> ()
      %dma_start3A = arith.constant 0 : i32
      %dma_start3A_11 = arith.constant 0 : i32
      %dma_start3A_12 = arith.constant 0 : i32
      %dma_start3A_13 = arith.constant 0 : i32
      %dma_start3A_14 = tpu.memref_slice %arg6[%dma_start3A_11, %dma_start3A_12, %dma_start3A_13] : memref<4x128x128xf32, #tpu.memory_space<vmem>> -> memref<1x128x128xf32, #tpu.memory_space<vmem>>
      %dma_start3A_15 = tpu.memref_squeeze %dma_start3A_14 : memref<1x128x128xf32, #tpu.memory_space<vmem>> -> memref<128x128xf32, #tpu.memory_space<vmem>>
      %dma_start3A_16 = arith.constant 0 : i32
      %dma_start3A_17 = tpu.memref_slice %arg5[%dma_start3A, %dma_start3A_16] : memref<40x128xi32, #tpu.memory_space<vmem>> -> memref<1x128xi32, #tpu.memory_space<vmem>>
      %dma_start3A_18 = tpu.memref_squeeze %dma_start3A_17 : memref<1x128xi32, #tpu.memory_space<vmem>> -> memref<128xi32, #tpu.memory_space<vmem>>
      %dma_start3A_19 = arith.constant 0 : i32
      %dma_start3A_20 = arith.constant 0 : i32
      %dma_start3A_21 = tpu.memref_slice %arg2[%dma_start3A_19, %dma_start3A_20] : memref<10240x128xf32, #tpu.memory_space<hbm>> -> memref<10240x128xf32, #tpu.memory_space<hbm>>
      tpu.enqueue_indirect_dma source(%dma_start3A_21 : memref<10240x128xf32, #tpu.memory_space<hbm>>) target(%dma_start3A_15 : memref<128x128xf32, #tpu.memory_space<vmem>>) offsets(%dma_start3A_18 : memref<128xi32, #tpu.memory_space<vmem>>) semaphore(%arg8 : memref<!tpu.dma_semaphore, #tpu.memory_space<semaphore_mem>>)
      %dma_start3A_22 = arith.constant 1 : i32
      %dma_start3A_23 = arith.constant 1 : i32
      %dma_start3A_24 = arith.constant 0 : i32
      %dma_start3A_25 = arith.constant 0 : i32
      %dma_start3A_26 = tpu.memref_slice %arg6[%dma_start3A_23, %dma_start3A_24, %dma_start3A_25] : memref<4x128x128xf32, #tpu.memory_space<vmem>> -> memref<1x128x128xf32, #tpu.memory_space<vmem>>
      %dma_start3A_27 = tpu.memref_squeeze %dma_start3A_26 : memref<1x128x128xf32, #tpu.memory_space<vmem>> -> memref<128x128xf32, #tpu.memory_space<vmem>>
      %dma_start3A_28 = arith.constant 0 : i32
      %dma_start3A_29 = tpu.memref_slice %arg5[%dma_start3A_22, %dma_start3A_28] : memref<40x128xi32, #tpu.memory_space<vmem>> -> memref<1x128xi32, #tpu.memory_space<vmem>>
      %dma_start3A_30 = tpu.memref_squeeze %dma_start3A_29 : memref<1x128xi32, #tpu.memory_space<vmem>> -> memref<128xi32, #tpu.memory_space<vmem>>
      %dma_start3A_31 = arith.constant 0 : i32
      %dma_start3A_32 = arith.constant 0 : i32
      %dma_start3A_33 = tpu.memref_slice %arg2[%dma_start3A_31, %dma_start3A_32] : memref<10240x128xf32, #tpu.memory_space<hbm>> -> memref<10240x128xf32, #tpu.memory_space<hbm>>
      tpu.enqueue_indirect_dma source(%dma_start3A_33 : memref<10240x128xf32, #tpu.memory_space<hbm>>) target(%dma_start3A_27 : memref<128x128xf32, #tpu.memory_space<vmem>>) offsets(%dma_start3A_30 : memref<128xi32, #tpu.memory_space<vmem>>) semaphore(%arg9 : memref<!tpu.dma_semaphore, #tpu.memory_space<semaphore_mem>>)
      %dma_start3A_34 = arith.constant 2 : i32
      %dma_start3A_35 = arith.constant 2 : i32
      %dma_start3A_36 = arith.constant 0 : i32
      %dma_start3A_37 = arith.constant 0 : i32
      %dma_start3A_38 = tpu.memref_slice %arg6[%dma_start3A_35, %dma_start3A_36, %dma_start3A_37] : memref<4x128x128xf32, #tpu.memory_space<vmem>> -> memref<1x128x128xf32, #tpu.memory_space<vmem>>
      %dma_start3A_39 = tpu.memref_squeeze %dma_start3A_38 : memref<1x128x128xf32, #tpu.memory_space<vmem>> -> memref<128x128xf32, #tpu.memory_space<vmem>>
      %dma_start3A_40 = arith.constant 0 : i32
      %dma_start3A_41 = tpu.memref_slice %arg5[%dma_start3A_34, %dma_start3A_40] : memref<40x128xi32, #tpu.memory_space<vmem>> -> memref<1x128xi32, #tpu.memory_space<vmem>>
      %dma_start3A_42 = tpu.memref_squeeze %dma_start3A_41 : memref<1x128xi32, #tpu.memory_space<vmem>> -> memref<128xi32, #tpu.memory_space<vmem>>
      %dma_start3A_43 = arith.constant 0 : i32
      %dma_start3A_44 = arith.constant 0 : i32
      %dma_start3A_45 = tpu.memref_slice %arg2[%dma_start3A_43, %dma_start3A_44] : memref<10240x128xf32, #tpu.memory_space<hbm>> -> memref<10240x128xf32, #tpu.memory_space<hbm>>
      tpu.enqueue_indirect_dma source(%dma_start3A_45 : memref<10240x128xf32, #tpu.memory_space<hbm>>) target(%dma_start3A_39 : memref<128x128xf32, #tpu.memory_space<vmem>>) offsets(%dma_start3A_42 : memref<128xi32, #tpu.memory_space<vmem>>) semaphore(%arg10 : memref<!tpu.dma_semaphore, #tpu.memory_space<semaphore_mem>>)
      %dma_start3A_46 = arith.constant 3 : i32
      %dma_start3A_47 = arith.constant 3 : i32
      %dma_start3A_48 = arith.constant 0 : i32
      %dma_start3A_49 = arith.constant 0 : i32
      %dma_start3A_50 = tpu.memref_slice %arg6[%dma_start3A_47, %dma_start3A_48, %dma_start3A_49] : memref<4x128x128xf32, #tpu.memory_space<vmem>> -> memref<1x128x128xf32, #tpu.memory_space<vmem>>
      %dma_start3A_51 = tpu.memref_squeeze %dma_start3A_50 : memref<1x128x128xf32, #tpu.memory_space<vmem>> -> memref<128x128xf32, #tpu.memory_space<vmem>>
      %dma_start3A_52 = arith.constant 0 : i32
      %dma_start3A_53 = tpu.memref_slice %arg5[%dma_start3A_46, %dma_start3A_52] : memref<40x128xi32, #tpu.memory_space<vmem>> -> memref<1x128xi32, #tpu.memory_space<vmem>>
      %dma_start3A_54 = tpu.memref_squeeze %dma_start3A_53 : memref<1x128xi32, #tpu.memory_space<vmem>> -> memref<128xi32, #tpu.memory_space<vmem>>
      %dma_start3A_55 = arith.constant 0 : i32
      %dma_start3A_56 = arith.constant 0 : i32
      %dma_start3A_57 = tpu.memref_slice %arg2[%dma_start3A_55, %dma_start3A_56] : memref<10240x128xf32, #tpu.memory_space<hbm>> -> memref<10240x128xf32, #tpu.memory_space<hbm>>
      tpu.enqueue_indirect_dma source(%dma_start3A_57 : memref<10240x128xf32, #tpu.memory_space<hbm>>) target(%dma_start3A_51 : memref<128x128xf32, #tpu.memory_space<vmem>>) offsets(%dma_start3A_54 : memref<128xi32, #tpu.memory_space<vmem>>) semaphore(%arg11 : memref<!tpu.dma_semaphore, #tpu.memory_space<semaphore_mem>>)
      %scan3A = arith.constant 0 : i32
      %scan3A_58 = arith.constant 0 : i32
      %scan3A_59 = arith.constant 10 : i32
      %scan3A_60 = arith.addi %scan3A_58, %scan3A_59 : i32
      %scan3A_61 = arith.constant 1 : i32
      scf.for %scan3A_88 = %scan3A_58 to %scan3A_60 step %scan3A_61  : i32 {
        %mul3A_89 = arith.constant 4 : i32
        %mul3A_90 = arith.muli %mul3A_89, %scan3A_88 : i32
        %add3A_91 = arith.constant 0 : i32
        %add3A_92 = arith.addi %mul3A_90, %add3A_91 : i32
        %dma_wait3A_93 = arith.constant 0 : i32
        %dma_wait3A_94 = arith.constant 0 : i32
        %dma_wait3A_95 = arith.constant 0 : i32
        %dma_wait3A_96 = arith.constant 0 : i32
        %dma_wait3A_97 = tpu.memref_slice %arg6[%dma_wait3A_94, %dma_wait3A_95, %dma_wait3A_96] : memref<4x128x128xf32, #tpu.memory_space<vmem>> -> memref<1x128x128xf32, #tpu.memory_space<vmem>>
        %dma_wait3A_98 = tpu.memref_squeeze %dma_wait3A_97 : memref<1x128x128xf32, #tpu.memory_space<vmem>> -> memref<128x128xf32, #tpu.memory_space<vmem>>
        %dma_wait3A_99 = arith.constant 0 : i32
        %dma_wait3A_100 = tpu.memref_slice %arg5[%dma_wait3A_93, %dma_wait3A_99] : memref<40x128xi32, #tpu.memory_space<vmem>> -> memref<1x128xi32, #tpu.memory_space<vmem>>
        %dma_wait3A_101 = tpu.memref_squeeze %dma_wait3A_100 : memref<1x128xi32, #tpu.memory_space<vmem>> -> memref<128xi32, #tpu.memory_space<vmem>>
        %dma_wait3A_102 = arith.constant 0 : i32
        %dma_wait3A_103 = arith.constant 0 : i32
        %dma_wait3A_104 = tpu.memref_slice %arg2[%dma_wait3A_102, %dma_wait3A_103] : memref<10240x128xf32, #tpu.memory_space<hbm>> -> memref<10240x128xf32, #tpu.memory_space<hbm>>
        tpu.wait_indirect_dma semaphore(%arg8 : memref<!tpu.dma_semaphore, #tpu.memory_space<semaphore_mem>>) src(%dma_wait3A_104 : memref<10240x128xf32, #tpu.memory_space<hbm>>) dst(%dma_wait3A_98 : memref<128x128xf32, #tpu.memory_space<vmem>>)
        %ge3A = arith.constant 2 : i32
        %ge3A_105 = arith.cmpi sge, %add3A_92, %ge3A : i32
        %convert_element_type3A_106 = arith.extui %ge3A_105 : i1 to i32
        %cond3A_107 = arith.constant 0 : i32
        %cond3A_108 = arith.cmpi ne, %convert_element_type3A_106, %cond3A_107 : i32
        scf.if %cond3A_108 {
          %dma_wait3A_287 = arith.constant 0 : i32
          %dma_wait3A_288 = arith.constant 0 : i32
          %dma_wait3A_289 = arith.constant 0 : i32
          %dma_wait3A_290 = tpu.memref_slice %arg7[%dma_wait3A_287, %dma_wait3A_288, %dma_wait3A_289] : memref<2x64x128xf32, #tpu.memory_space<vmem>> -> memref<1x64x128xf32, #tpu.memory_space<vmem>>
          %dma_wait3A_291 = tpu.memref_squeeze %dma_wait3A_290 : memref<1x64x128xf32, #tpu.memory_space<vmem>> -> memref<64x128xf32, #tpu.memory_space<vmem>>
          %dma_wait3A_292 = arith.constant 0 : i32
          %dma_wait3A_293 = tpu.memref_slice %arg4[%mul3A_10, %dma_wait3A_292] : memref<81920x128xf32, #tpu.memory_space<hbm>> -> memref<64x128xf32, #tpu.memory_space<hbm>>
          %dma_wait3A_294 = arith.constant 0 : i32
          %dma_wait3A_295 = tpu.memref_slice %arg4[%mul3A_10, %dma_wait3A_294] : memref<81920x128xf32, #tpu.memory_space<hbm>> -> memref<64x128xf32, #tpu.memory_space<hbm>>
          %dma_wait3A_296 = arith.constant 0 : i32
          %dma_wait3A_297 = arith.constant 0 : i32
          %dma_wait3A_298 = tpu.memref_slice %arg7[%dma_wait3A_287, %dma_wait3A_296, %dma_wait3A_297] : memref<2x64x128xf32, #tpu.memory_space<vmem>> -> memref<1x64x128xf32, #tpu.memory_space<vmem>>
          %dma_wait3A_299 = tpu.memref_squeeze %dma_wait3A_298 : memref<1x64x128xf32, #tpu.memory_space<vmem>> -> memref<64x128xf32, #tpu.memory_space<vmem>>
          tpu.wait_dma2 semaphore(%arg12 : memref<!tpu.dma_semaphore, #tpu.memory_space<semaphore_mem>>) src(%dma_wait3A_299 : memref<64x128xf32, #tpu.memory_space<vmem>>) dst(%dma_wait3A_295 : memref<64x128xf32, #tpu.memory_space<hbm>>)
        } else {
        }
        %scan3A_109 = arith.constant 0 : i32
        %scan3A_110 = arith.constant 0 : i32
        %scan3A_111 = arith.constant 64 : i32
        %scan3A_112 = arith.addi %scan3A_110, %scan3A_111 : i32
        %scan3A_113 = arith.constant 1 : i32
        scf.for %scan3A_287 = %scan3A_110 to %scan3A_112 step %scan3A_113  : i32 {
          %mul3A_288 = arith.constant 2 : i32
          %mul3A_289 = arith.muli %mul3A_288, %scan3A_287 : i32
          %add3A_290 = arith.constant 0 : i32
          %add3A_291 = arith.addi %mul3A_289, %add3A_290 : i32
          %get3A = arith.constant 0 : i32
          %get3A_292 = arith.index_cast %get3A : i32 to index
          %get3A_293 = arith.index_cast %add3A_291 : i32 to index
          %get3A_294 = arith.constant 0 : index
          %get3A_295 = tpu.vector_load %arg6[%get3A_292, %get3A_293, %get3A_294] {strides = array<i32>} : memref<4x128x128xf32, #tpu.memory_space<vmem>>, vector<1x1x16xf32>,
          %get3A_296 = vector.shape_cast %get3A_295 : vector<1x1x16xf32> to vector<16xf32>
          %swap3A = arith.constant 0 : i32
          %swap3A_297 = arith.index_cast %swap3A : i32 to index
          %swap3A_298 = arith.index_cast %scan3A_287 : i32 to index
          %swap3A_299 = arith.constant 0 : index
          %swap3A_300 = tpu.vector_load %arg7[%swap3A_297, %swap3A_298, %swap3A_299] {strides = array<i32>} : memref<2x64x128xf32, #tpu.memory_space<vmem>>, vector<1x1x16xf32>,
          %swap3A_301 = vector.shape_cast %swap3A_300 : vector<1x1x16xf32> to vector<16xf32>
          %swap3A_302 = vector.shape_cast %get3A_296 : vector<16xf32> to vector<1x1x16xf32>
          tpu.vector_store %arg7[%swap3A_297, %swap3A_298, %swap3A_299], %swap3A_302 {strides = array<i32>} : memref<2x64x128xf32, #tpu.memory_space<vmem>>, vector<1x1x16xf32>,
          %mul3A_303 = arith.constant 2 : i32
          %mul3A_304 = arith.muli %mul3A_303, %scan3A_287 : i32
          %add3A_305 = arith.constant 0 : i32
          %add3A_306 = arith.addi %mul3A_304, %add3A_305 : i32
          %get3A_307 = arith.constant 0 : i32
          %get3A_308 = arith.index_cast %get3A_307 : i32 to index
          %get3A_309 = arith.index_cast %add3A_306 : i32 to index
          %get3A_310 = arith.constant 16 : index
          %get3A_311 = tpu.vector_load %arg6[%get3A_308, %get3A_309, %get3A_310] {strides = array<i32>} : memref<4x128x128xf32, #tpu.memory_space<vmem>>, vector<1x1x16xf32>,
          %get3A_312 = vector.shape_cast %get3A_311 : vector<1x1x16xf32> to vector<16xf32>
          %swap3A_313 = arith.constant 0 : i32
          %swap3A_314 = arith.index_cast %swap3A_313 : i32 to index
          %swap3A_315 = arith.index_cast %scan3A_287 : i32 to index
          %swap3A_316 = arith.constant 16 : index
          %swap3A_317 = tpu.vector_load %arg7[%swap3A_314, %swap3A_315, %swap3A_316] {strides = array<i32>} : memref<2x64x128xf32, #tpu.memory_space<vmem>>, vector<1x1x16xf32>,
          %swap3A_318 = vector.shape_cast %swap3A_317 : vector<1x1x16xf32> to vector<16xf32>
          %swap3A_319 = vector.shape_cast %get3A_312 : vector<16xf32> to vector<1x1x16xf32>
          tpu.vector_store %arg7[%swap3A_314, %swap3A_315, %swap3A_316], %swap3A_319 {strides = array<i32>} : memref<2x64x128xf32, #tpu.memory_space<vmem>>, vector<1x1x16xf32>,
          %mul3A_320 = arith.constant 2 : i32
          %mul3A_321 = arith.muli %mul3A_320, %scan3A_287 : i32
          %add3A_322 = arith.constant 0 : i32
          %add3A_323 = arith.addi %mul3A_321, %add3A_322 : i32
          %get3A_324 = arith.constant 0 : i32
          %get3A_325 = arith.index_cast %get3A_324 : i32 to index
          %get3A_326 = arith.index_cast %add3A_323 : i32 to index
          %get3A_327 = arith.constant 32 : index
          %get3A_328 = tpu.vector_load %arg6[%get3A_325, %get3A_326, %get3A_327] {strides = array<i32>} : memref<4x128x128xf32, #tpu.memory_space<vmem>>, vector<1x1x16xf32>,
          %get3A_329 = vector.shape_cast %get3A_328 : vector<1x1x16xf32> to vector<16xf32>
          %swap3A_330 = arith.constant 0 : i32
          %swap3A_331 = arith.index_cast %swap3A_330 : i32 to index
          %swap3A_332 = arith.index_cast %scan3A_287 : i32 to index
          %swap3A_333 = arith.constant 32 : index
          %swap3A_334 = tpu.vector_load %arg7[%swap3A_331, %swap3A_332, %swap3A_333] {strides = array<i32>} : memref<2x64x128xf32, #tpu.memory_space<vmem>>, vector<1x1x16xf32>,
          %swap3A_335 = vector.shape_cast %swap3A_334 : vector<1x1x16xf32> to vector<16xf32>
          %swap3A_336 = vector.shape_cast %get3A_329 : vector<16xf32> to vector<1x1x16xf32>
          tpu.vector_store %arg7[%swap3A_331, %swap3A_332, %swap3A_333], %swap3A_336 {strides = array<i32>} : memref<2x64x128xf32, #tpu.memory_space<vmem>>, vector<1x1x16xf32>,
          %mul3A_337 = arith.constant 2 : i32
          %mul3A_338 = arith.muli %mul3A_337, %scan3A_287 : i32
          %add3A_339 = arith.constant 0 : i32
          %add3A_340 = arith.addi %mul3A_338, %add3A_339 : i32
          %get3A_341 = arith.constant 0 : i32
          %get3A_342 = arith.index_cast %get3A_341 : i32 to index
          %get3A_343 = arith.index_cast %add3A_340 : i32 to index
          %get3A_344 = arith.constant 48 : index
          %get3A_345 = tpu.vector_load %arg6[%get3A_342, %get3A_343, %get3A_344] {strides = array<i32>} : memref<4x128x128xf32, #tpu.memory_space<vmem>>, vector<1x1x16xf32>,
          %get3A_346 = vector.shape_cast %get3A_345 : vector<1x1x16xf32> to vector<16xf32>
          %swap3A_347 = arith.constant 0 : i32
          %swap3A_348 = arith.index_cast %swap3A_347 : i32 to index
          %swap3A_349 = arith.index_cast %scan3A_287 : i32 to index
          %swap3A_350 = arith.constant 48 : index
          %swap3A_351 = tpu.vector_load %arg7[%swap3A_348, %swap3A_349, %swap3A_350] {strides = array<i32>} : memref<2x64x128xf32, #tpu.memory_space<vmem>>, vector<1x1x16xf32>,
          %swap3A_352 = vector.shape_cast %swap3A_351 : vector<1x1x16xf32> to vector<16xf32>
          %swap3A_353 = vector.shape_cast %get3A_346 : vector<16xf32> to vector<1x1x16xf32>
          tpu.vector_store %arg7[%swap3A_348, %swap3A_349, %swap3A_350], %swap3A_353 {strides = array<i32>} : memref<2x64x128xf32, #tpu.memory_space<vmem>>, vector<1x1x16xf32>,
          %mul3A_354 = arith.constant 2 : i32
          %mul3A_355 = arith.muli %mul3A_354, %scan3A_287 : i32
          %add3A_356 = arith.constant 1 : i32
          %add3A_357 = arith.addi %mul3A_355, %add3A_356 : i32
          %get3A_358 = arith.constant 0 : i32
          %get3A_359 = arith.index_cast %get3A_358 : i32 to index
          %get3A_360 = arith.index_cast %add3A_357 : i32 to index
          %get3A_361 = arith.constant 0 : index
          %get3A_362 = tpu.vector_load %arg6[%get3A_359, %get3A_360, %get3A_361] {strides = array<i32>} : memref<4x128x128xf32, #tpu.memory_space<vmem>>, vector<1x1x16xf32>,
          %get3A_363 = vector.shape_cast %get3A_362 : vector<1x1x16xf32> to vector<16xf32>
          %swap3A_364 = arith.constant 0 : i32
          %swap3A_365 = arith.index_cast %swap3A_364 : i32 to index
          %swap3A_366 = arith.index_cast %scan3A_287 : i32 to index
          %swap3A_367 = arith.constant 64 : index
          %swap3A_368 = tpu.vector_load %arg7[%swap3A_365, %swap3A_366, %swap3A_367] {strides = array<i32>} : memref<2x64x128xf32, #tpu.memory_space<vmem>>, vector<1x1x16xf32>,
          %swap3A_369 = vector.shape_cast %swap3A_368 : vector<1x1x16xf32> to vector<16xf32>
          %swap3A_370 = vector.shape_cast %get3A_363 : vector<16xf32> to vector<1x1x16xf32>
          tpu.vector_store %arg7[%swap3A_365, %swap3A_366, %swap3A_367], %swap3A_370 {strides = array<i32>} : memref<2x64x128xf32, #tpu.memory_space<vmem>>, vector<1x1x16xf32>,
          %mul3A_371 = arith.constant 2 : i32
          %mul3A_372 = arith.muli %mul3A_371, %scan3A_287 : i32
          %add3A_373 = arith.constant 1 : i32
          %add3A_374 = arith.addi %mul3A_372, %add3A_373 : i32
          %get3A_375 = arith.constant 0 : i32
          %get3A_376 = arith.index_cast %get3A_375 : i32 to index
          %get3A_377 = arith.index_cast %add3A_374 : i32 to index
          %get3A_378 = arith.constant 16 : index
          %get3A_379 = tpu.vector_load %arg6[%get3A_376, %get3A_377, %get3A_378] {strides = array<i32>} : memref<4x128x128xf32, #tpu.memory_space<vmem>>, vector<1x1x16xf32>,
          %get3A_380 = vector.shape_cast %get3A_379 : vector<1x1x16xf32> to vector<16xf32>
          %swap3A_381 = arith.constant 0 : i32
          %swap3A_382 = arith.index_cast %swap3A_381 : i32 to index
          %swap3A_383 = arith.index_cast %scan3A_287 : i32 to index
          %swap3A_384 = arith.constant 80 : index
          %swap3A_385 = tpu.vector_load %arg7[%swap3A_382, %swap3A_383, %swap3A_384] {strides = array<i32>} : memref<2x64x128xf32, #tpu.memory_space<vmem>>, vector<1x1x16xf32>,
          %swap3A_386 = vector.shape_cast %swap3A_385 : vector<1x1x16xf32> to vector<16xf32>
          %swap3A_387 = vector.shape_cast %get3A_380 : vector<16xf32> to vector<1x1x16xf32>
          tpu.vector_store %arg7[%swap3A_382, %swap3A_383, %swap3A_384], %swap3A_387 {strides = array<i32>} : memref<2x64x128xf32, #tpu.memory_space<vmem>>, vector<1x1x16xf32>,
          %mul3A_388 = arith.constant 2 : i32
          %mul3A_389 = arith.muli %mul3A_388, %scan3A_287 : i32
          %add3A_390 = arith.constant 1 : i32
          %add3A_391 = arith.addi %mul3A_389, %add3A_390 : i32
          %get3A_392 = arith.constant 0 : i32
          %get3A_393 = arith.index_cast %get3A_392 : i32 to index
          %get3A_394 = arith.index_cast %add3A_391 : i32 to index
          %get3A_395 = arith.constant 32 : index
          %get3A_396 = tpu.vector_load %arg6[%get3A_393, %get3A_394, %get3A_395] {strides = array<i32>} : memref<4x128x128xf32, #tpu.memory_space<vmem>>, vector<1x1x16xf32>,
          %get3A_397 = vector.shape_cast %get3A_396 : vector<1x1x16xf32> to vector<16xf32>
          %swap3A_398 = arith.constant 0 : i32
          %swap3A_399 = arith.index_cast %swap3A_398 : i32 to index
          %swap3A_400 = arith.index_cast %scan3A_287 : i32 to index
          %swap3A_401 = arith.constant 96 : index
          %swap3A_402 = tpu.vector_load %arg7[%swap3A_399, %swap3A_400, %swap3A_401] {strides = array<i32>} : memref<2x64x128xf32, #tpu.memory_space<vmem>>, vector<1x1x16xf32>,
          %swap3A_403 = vector.shape_cast %swap3A_402 : vector<1x1x16xf32> to vector<16xf32>
          %swap3A_404 = vector.shape_cast %get3A_397 : vector<16xf32> to vector<1x1x16xf32>
          tpu.vector_store %arg7[%swap3A_399, %swap3A_400, %swap3A_401], %swap3A_404 {strides = array<i32>} : memref<2x64x128xf32, #tpu.memory_space<vmem>>, vector<1x1x16xf32>,
          %mul3A_405 = arith.constant 2 : i32
          %mul3A_406 = arith.muli %mul3A_405, %scan3A_287 : i32
          %add3A_407 = arith.constant 1 : i32
          %add3A_408 = arith.addi %mul3A_406, %add3A_407 : i32
          %get3A_409 = arith.constant 0 : i32
          %get3A_410 = arith.index_cast %get3A_409 : i32 to index
          %get3A_411 = arith.index_cast %add3A_408 : i32 to index
          %get3A_412 = arith.constant 48 : index
          %get3A_413 = tpu.vector_load %arg6[%get3A_410, %get3A_411, %get3A_412] {strides = array<i32>} : memref<4x128x128xf32, #tpu.memory_space<vmem>>, vector<1x1x16xf32>,
          %get3A_414 = vector.shape_cast %get3A_413 : vector<1x1x16xf32> to vector<16xf32>
          %swap3A_415 = arith.constant 0 : i32
          %swap3A_416 = arith.index_cast %swap3A_415 : i32 to index
          %swap3A_417 = arith.index_cast %scan3A_287 : i32 to index
          %swap3A_418 = arith.constant 112 : index
          %swap3A_419 = tpu.vector_load %arg7[%swap3A_416, %swap3A_417, %swap3A_418] {strides = array<i32>} : memref<2x64x128xf32, #tpu.memory_space<vmem>>, vector<1x1x16xf32>,
          %swap3A_420 = vector.shape_cast %swap3A_419 : vector<1x1x16xf32> to vector<16xf32>
          %swap3A_421 = vector.shape_cast %get3A_414 : vector<16xf32> to vector<1x1x16xf32>
          tpu.vector_store %arg7[%swap3A_416, %swap3A_417, %swap3A_418], %swap3A_421 {strides = array<i32>} : memref<2x64x128xf32, #tpu.memory_space<vmem>>, vector<1x1x16xf32>,
        }
        %scan3A_114 = arith.constant 64 : i32
        %mul3A_115 = arith.constant 64 : i32
        %mul3A_116 = arith.muli %add3A_92, %mul3A_115 : i32
        %add3A_117 = arith.addi %mul3A_10, %mul3A_116 : i32
        %dma_start3A_118 = arith.constant 0 : i32
        %dma_start3A_119 = arith.constant 0 : i32
        %dma_start3A_120 = arith.constant 0 : i32
        %dma_start3A_121 = tpu.memref_slice %arg7[%dma_start3A_118, %dma_start3A_119, %dma_start3A_120] : memref<2x64x128xf32, #tpu.memory_space<vmem>> -> memref<1x64x128xf32, #tpu.memory_space<vmem>>
        %dma_start3A_122 = tpu.memref_squeeze %dma_start3A_121 : memref<1x64x128xf32, #tpu.memory_space<vmem>> -> memref<64x128xf32, #tpu.memory_space<vmem>>
        %dma_start3A_123 = arith.constant 0 : i32
        %dma_start3A_124 = tpu.memref_slice %arg4[%add3A_117, %dma_start3A_123] : memref<81920x128xf32, #tpu.memory_space<hbm>> -> memref<64x128xf32, #tpu.memory_space<hbm>>
        %dma_start3A_125 = arith.constant 0 : i32
        %dma_start3A_126 = tpu.memref_slice %arg4[%add3A_117, %dma_start3A_125] : memref<81920x128xf32, #tpu.memory_space<hbm>> -> memref<64x128xf32, #tpu.memory_space<hbm>>
        %dma_start3A_127 = arith.constant 0 : i32
        %dma_start3A_128 = arith.constant 0 : i32
        %dma_start3A_129 = tpu.memref_slice %arg7[%dma_start3A_118, %dma_start3A_127, %dma_start3A_128] : memref<2x64x128xf32, #tpu.memory_space<vmem>> -> memref<1x64x128xf32, #tpu.memory_space<vmem>>
        %dma_start3A_130 = tpu.memref_squeeze %dma_start3A_129 : memref<1x64x128xf32, #tpu.memory_space<vmem>> -> memref<64x128xf32, #tpu.memory_space<vmem>>
        tpu.enqueue_dma source(%dma_start3A_130 : memref<64x128xf32, #tpu.memory_space<vmem>>) target(%dma_start3A_126 : memref<64x128xf32, #tpu.memory_space<hbm>>) target_semaphore(%arg12 : memref<!tpu.dma_semaphore, #tpu.memory_space<semaphore_mem>>)
        %add3A_131 = arith.constant 4 : i32
        %add3A_132 = arith.addi %add3A_92, %add3A_131 : i32
        %lt3A = arith.constant 40 : i32
        %lt3A_133 = arith.cmpi slt, %add3A_132, %lt3A : i32
        %convert_element_type3A_134 = arith.extui %lt3A_133 : i1 to i32
        %cond3A_135 = arith.constant 0 : i32
        %cond3A_136 = arith.cmpi ne, %convert_element_type3A_134, %cond3A_135 : i32
        scf.if %cond3A_136 {
          %add3A_287 = arith.constant 4 : i32
          %add3A_288 = arith.addi %add3A_92, %add3A_287 : i32
          %dma_start3A_289 = arith.constant 0 : i32
          %dma_start3A_290 = arith.constant 0 : i32
          %dma_start3A_291 = arith.constant 0 : i32
          %dma_start3A_292 = tpu.memref_slice %arg6[%dma_start3A_289, %dma_start3A_290, %dma_start3A_291] : memref<4x128x128xf32, #tpu.memory_space<vmem>> -> memref<1x128x128xf32, #tpu.memory_space<vmem>>
          %dma_start3A_293 = tpu.memref_squeeze %dma_start3A_292 : memref<1x128x128xf32, #tpu.memory_space<vmem>> -> memref<128x128xf32, #tpu.memory_space<vmem>>
          %dma_start3A_294 = arith.constant 0 : i32
          %dma_start3A_295 = tpu.memref_slice %arg5[%add3A_288, %dma_start3A_294] : memref<40x128xi32, #tpu.memory_space<vmem>> -> memref<1x128xi32, #tpu.memory_space<vmem>>
          %dma_start3A_296 = tpu.memref_squeeze %dma_start3A_295 : memref<1x128xi32, #tpu.memory_space<vmem>> -> memref<128xi32, #tpu.memory_space<vmem>>
          %dma_start3A_297 = arith.constant 0 : i32
          %dma_start3A_298 = arith.constant 0 : i32
          %dma_start3A_299 = tpu.memref_slice %arg2[%dma_start3A_297, %dma_start3A_298] : memref<10240x128xf32, #tpu.memory_space<hbm>> -> memref<10240x128xf32, #tpu.memory_space<hbm>>
          tpu.enqueue_indirect_dma source(%dma_start3A_299 : memref<10240x128xf32, #tpu.memory_space<hbm>>) target(%dma_start3A_293 : memref<128x128xf32, #tpu.memory_space<vmem>>) offsets(%dma_start3A_296 : memref<128xi32, #tpu.memory_space<vmem>>) semaphore(%arg8 : memref<!tpu.dma_semaphore, #tpu.memory_space<semaphore_mem>>)
        } else {
        }
        %mul3A_137 = arith.constant 4 : i32
        %mul3A_138 = arith.muli %mul3A_137, %scan3A_88 : i32
        %add3A_139 = arith.constant 1 : i32
        %add3A_140 = arith.addi %mul3A_138, %add3A_139 : i32
        %dma_wait3A_141 = arith.constant 0 : i32
        %dma_wait3A_142 = arith.constant 1 : i32
        %dma_wait3A_143 = arith.constant 0 : i32
        %dma_wait3A_144 = arith.constant 0 : i32
        %dma_wait3A_145 = tpu.memref_slice %arg6[%dma_wait3A_142, %dma_wait3A_143, %dma_wait3A_144] : memref<4x128x128xf32, #tpu.memory_space<vmem>> -> memref<1x128x128xf32, #tpu.memory_space<vmem>>
        %dma_wait3A_146 = tpu.memref_squeeze %dma_wait3A_145 : memref<1x128x128xf32, #tpu.memory_space<vmem>> -> memref<128x128xf32, #tpu.memory_space<vmem>>
        %dma_wait3A_147 = arith.constant 0 : i32
        %dma_wait3A_148 = tpu.memref_slice %arg5[%dma_wait3A_141, %dma_wait3A_147] : memref<40x128xi32, #tpu.memory_space<vmem>> -> memref<1x128xi32, #tpu.memory_space<vmem>>
        %dma_wait3A_149 = tpu.memref_squeeze %dma_wait3A_148 : memref<1x128xi32, #tpu.memory_space<vmem>> -> memref<128xi32, #tpu.memory_space<vmem>>
        %dma_wait3A_150 = arith.constant 0 : i32
        %dma_wait3A_151 = arith.constant 0 : i32
        %dma_wait3A_152 = tpu.memref_slice %arg2[%dma_wait3A_150, %dma_wait3A_151] : memref<10240x128xf32, #tpu.memory_space<hbm>> -> memref<10240x128xf32, #tpu.memory_space<hbm>>
        tpu.wait_indirect_dma semaphore(%arg9 : memref<!tpu.dma_semaphore, #tpu.memory_space<semaphore_mem>>) src(%dma_wait3A_152 : memref<10240x128xf32, #tpu.memory_space<hbm>>) dst(%dma_wait3A_146 : memref<128x128xf32, #tpu.memory_space<vmem>>)
        %ge3A_153 = arith.constant 2 : i32
        %ge3A_154 = arith.cmpi sge, %add3A_140, %ge3A_153 : i32
        %convert_element_type3A_155 = arith.extui %ge3A_154 : i1 to i32
        %cond3A_156 = arith.constant 0 : i32
        %cond3A_157 = arith.cmpi ne, %convert_element_type3A_155, %cond3A_156 : i32
        scf.if %cond3A_157 {
          %dma_wait3A_287 = arith.constant 1 : i32
          %dma_wait3A_288 = arith.constant 0 : i32
          %dma_wait3A_289 = arith.constant 0 : i32
          %dma_wait3A_290 = tpu.memref_slice %arg7[%dma_wait3A_287, %dma_wait3A_288, %dma_wait3A_289] : memref<2x64x128xf32, #tpu.memory_space<vmem>> -> memref<1x64x128xf32, #tpu.memory_space<vmem>>
          %dma_wait3A_291 = tpu.memref_squeeze %dma_wait3A_290 : memref<1x64x128xf32, #tpu.memory_space<vmem>> -> memref<64x128xf32, #tpu.memory_space<vmem>>
          %dma_wait3A_292 = arith.constant 0 : i32
          %dma_wait3A_293 = tpu.memref_slice %arg4[%mul3A_10, %dma_wait3A_292] : memref<81920x128xf32, #tpu.memory_space<hbm>> -> memref<64x128xf32, #tpu.memory_space<hbm>>
          %dma_wait3A_294 = arith.constant 0 : i32
          %dma_wait3A_295 = tpu.memref_slice %arg4[%mul3A_10, %dma_wait3A_294] : memref<81920x128xf32, #tpu.memory_space<hbm>> -> memref<64x128xf32, #tpu.memory_space<hbm>>
          %dma_wait3A_296 = arith.constant 0 : i32
          %dma_wait3A_297 = arith.constant 0 : i32
          %dma_wait3A_298 = tpu.memref_slice %arg7[%dma_wait3A_287, %dma_wait3A_296, %dma_wait3A_297] : memref<2x64x128xf32, #tpu.memory_space<vmem>> -> memref<1x64x128xf32, #tpu.memory_space<vmem>>
          %dma_wait3A_299 = tpu.memref_squeeze %dma_wait3A_298 : memref<1x64x128xf32, #tpu.memory_space<vmem>> -> memref<64x128xf32, #tpu.memory_space<vmem>>
          tpu.wait_dma2 semaphore(%arg13 : memref<!tpu.dma_semaphore, #tpu.memory_space<semaphore_mem>>) src(%dma_wait3A_299 : memref<64x128xf32, #tpu.memory_space<vmem>>) dst(%dma_wait3A_295 : memref<64x128xf32, #tpu.memory_space<hbm>>)
        } else {
        }
        %scan3A_158 = arith.constant 0 : i32
        %scan3A_159 = arith.constant 0 : i32
        %scan3A_160 = arith.constant 64 : i32
        %scan3A_161 = arith.addi %scan3A_159, %scan3A_160 : i32
        %scan3A_162 = arith.constant 1 : i32
        scf.for %scan3A_287 = %scan3A_159 to %scan3A_161 step %scan3A_162  : i32 {
          %mul3A_288 = arith.constant 2 : i32
          %mul3A_289 = arith.muli %mul3A_288, %scan3A_287 : i32
          %add3A_290 = arith.constant 0 : i32
          %add3A_291 = arith.addi %mul3A_289, %add3A_290 : i32
          %get3A = arith.constant 1 : i32
          %get3A_292 = arith.index_cast %get3A : i32 to index
          %get3A_293 = arith.index_cast %add3A_291 : i32 to index
          %get3A_294 = arith.constant 0 : index
          %get3A_295 = tpu.vector_load %arg6[%get3A_292, %get3A_293, %get3A_294] {strides = array<i32>} : memref<4x128x128xf32, #tpu.memory_space<vmem>>, vector<1x1x16xf32>,
          %get3A_296 = vector.shape_cast %get3A_295 : vector<1x1x16xf32> to vector<16xf32>
          %swap3A = arith.constant 1 : i32
          %swap3A_297 = arith.index_cast %swap3A : i32 to index
          %swap3A_298 = arith.index_cast %scan3A_287 : i32 to index
          %swap3A_299 = arith.constant 0 : index
          %swap3A_300 = tpu.vector_load %arg7[%swap3A_297, %swap3A_298, %swap3A_299] {strides = array<i32>} : memref<2x64x128xf32, #tpu.memory_space<vmem>>, vector<1x1x16xf32>,
          %swap3A_301 = vector.shape_cast %swap3A_300 : vector<1x1x16xf32> to vector<16xf32>
          %swap3A_302 = vector.shape_cast %get3A_296 : vector<16xf32> to vector<1x1x16xf32>
          tpu.vector_store %arg7[%swap3A_297, %swap3A_298, %swap3A_299], %swap3A_302 {strides = array<i32>} : memref<2x64x128xf32, #tpu.memory_space<vmem>>, vector<1x1x16xf32>,
          %mul3A_303 = arith.constant 2 : i32
          %mul3A_304 = arith.muli %mul3A_303, %scan3A_287 : i32
          %add3A_305 = arith.constant 0 : i32
          %add3A_306 = arith.addi %mul3A_304, %add3A_305 : i32
          %get3A_307 = arith.constant 1 : i32
          %get3A_308 = arith.index_cast %get3A_307 : i32 to index
          %get3A_309 = arith.index_cast %add3A_306 : i32 to index
          %get3A_310 = arith.constant 16 : index
          %get3A_311 = tpu.vector_load %arg6[%get3A_308, %get3A_309, %get3A_310] {strides = array<i32>} : memref<4x128x128xf32, #tpu.memory_space<vmem>>, vector<1x1x16xf32>,
          %get3A_312 = vector.shape_cast %get3A_311 : vector<1x1x16xf32> to vector<16xf32>
          %swap3A_313 = arith.constant 1 : i32
          %swap3A_314 = arith.index_cast %swap3A_313 : i32 to index
          %swap3A_315 = arith.index_cast %scan3A_287 : i32 to index
          %swap3A_316 = arith.constant 16 : index
          %swap3A_317 = tpu.vector_load %arg7[%swap3A_314, %swap3A_315, %swap3A_316] {strides = array<i32>} : memref<2x64x128xf32, #tpu.memory_space<vmem>>, vector<1x1x16xf32>,
          %swap3A_318 = vector.shape_cast %swap3A_317 : vector<1x1x16xf32> to vector<16xf32>
          %swap3A_319 = vector.shape_cast %get3A_312 : vector<16xf32> to vector<1x1x16xf32>
          tpu.vector_store %arg7[%swap3A_314, %swap3A_315, %swap3A_316], %swap3A_319 {strides = array<i32>} : memref<2x64x128xf32, #tpu.memory_space<vmem>>, vector<1x1x16xf32>,
          %mul3A_320 = arith.constant 2 : i32
          %mul3A_321 = arith.muli %mul3A_320, %scan3A_287 : i32
          %add3A_322 = arith.constant 0 : i32
          %add3A_323 = arith.addi %mul3A_321, %add3A_322 : i32
          %get3A_324 = arith.constant 1 : i32
          %get3A_325 = arith.index_cast %get3A_324 : i32 to index
          %get3A_326 = arith.index_cast %add3A_323 : i32 to index
          %get3A_327 = arith.constant 32 : index
          %get3A_328 = tpu.vector_load %arg6[%get3A_325, %get3A_326, %get3A_327] {strides = array<i32>} : memref<4x128x128xf32, #tpu.memory_space<vmem>>, vector<1x1x16xf32>,
          %get3A_329 = vector.shape_cast %get3A_328 : vector<1x1x16xf32> to vector<16xf32>
          %swap3A_330 = arith.constant 1 : i32
          %swap3A_331 = arith.index_cast %swap3A_330 : i32 to index
          %swap3A_332 = arith.index_cast %scan3A_287 : i32 to index
          %swap3A_333 = arith.constant 32 : index
          %swap3A_334 = tpu.vector_load %arg7[%swap3A_331, %swap3A_332, %swap3A_333] {strides = array<i32>} : memref<2x64x128xf32, #tpu.memory_space<vmem>>, vector<1x1x16xf32>,
          %swap3A_335 = vector.shape_cast %swap3A_334 : vector<1x1x16xf32> to vector<16xf32>
          %swap3A_336 = vector.shape_cast %get3A_329 : vector<16xf32> to vector<1x1x16xf32>
          tpu.vector_store %arg7[%swap3A_331, %swap3A_332, %swap3A_333], %swap3A_336 {strides = array<i32>} : memref<2x64x128xf32, #tpu.memory_space<vmem>>, vector<1x1x16xf32>,
          %mul3A_337 = arith.constant 2 : i32
          %mul3A_338 = arith.muli %mul3A_337, %scan3A_287 : i32
          %add3A_339 = arith.constant 0 : i32
          %add3A_340 = arith.addi %mul3A_338, %add3A_339 : i32
          %get3A_341 = arith.constant 1 : i32
          %get3A_342 = arith.index_cast %get3A_341 : i32 to index
          %get3A_343 = arith.index_cast %add3A_340 : i32 to index
          %get3A_344 = arith.constant 48 : index
          %get3A_345 = tpu.vector_load %arg6[%get3A_342, %get3A_343, %get3A_344] {strides = array<i32>} : memref<4x128x128xf32, #tpu.memory_space<vmem>>, vector<1x1x16xf32>,
          %get3A_346 = vector.shape_cast %get3A_345 : vector<1x1x16xf32> to vector<16xf32>
          %swap3A_347 = arith.constant 1 : i32
          %swap3A_348 = arith.index_cast %swap3A_347 : i32 to index
          %swap3A_349 = arith.index_cast %scan3A_287 : i32 to index
          %swap3A_350 = arith.constant 48 : index
          %swap3A_351 = tpu.vector_load %arg7[%swap3A_348, %swap3A_349, %swap3A_350] {strides = array<i32>} : memref<2x64x128xf32, #tpu.memory_space<vmem>>, vector<1x1x16xf32>,
          %swap3A_352 = vector.shape_cast %swap3A_351 : vector<1x1x16xf32> to vector<16xf32>
          %swap3A_353 = vector.shape_cast %get3A_346 : vector<16xf32> to vector<1x1x16xf32>
          tpu.vector_store %arg7[%swap3A_348, %swap3A_349, %swap3A_350], %swap3A_353 {strides = array<i32>} : memref<2x64x128xf32, #tpu.memory_space<vmem>>, vector<1x1x16xf32>,
          %mul3A_354 = arith.constant 2 : i32
          %mul3A_355 = arith.muli %mul3A_354, %scan3A_287 : i32
          %add3A_356 = arith.constant 1 : i32
          %add3A_357 = arith.addi %mul3A_355, %add3A_356 : i32
          %get3A_358 = arith.constant 1 : i32
          %get3A_359 = arith.index_cast %get3A_358 : i32 to index
          %get3A_360 = arith.index_cast %add3A_357 : i32 to index
          %get3A_361 = arith.constant 0 : index
          %get3A_362 = tpu.vector_load %arg6[%get3A_359, %get3A_360, %get3A_361] {strides = array<i32>} : memref<4x128x128xf32, #tpu.memory_space<vmem>>, vector<1x1x16xf32>,
          %get3A_363 = vector.shape_cast %get3A_362 : vector<1x1x16xf32> to vector<16xf32>
          %swap3A_364 = arith.constant 1 : i32
          %swap3A_365 = arith.index_cast %swap3A_364 : i32 to index
          %swap3A_366 = arith.index_cast %scan3A_287 : i32 to index
          %swap3A_367 = arith.constant 64 : index
          %swap3A_368 = tpu.vector_load %arg7[%swap3A_365, %swap3A_366, %swap3A_367] {strides = array<i32>} : memref<2x64x128xf32, #tpu.memory_space<vmem>>, vector<1x1x16xf32>,
          %swap3A_369 = vector.shape_cast %swap3A_368 : vector<1x1x16xf32> to vector<16xf32>
          %swap3A_370 = vector.shape_cast %get3A_363 : vector<16xf32> to vector<1x1x16xf32>
          tpu.vector_store %arg7[%swap3A_365, %swap3A_366, %swap3A_367], %swap3A_370 {strides = array<i32>} : memref<2x64x128xf32, #tpu.memory_space<vmem>>, vector<1x1x16xf32>,
          %mul3A_371 = arith.constant 2 : i32
          %mul3A_372 = arith.muli %mul3A_371, %scan3A_287 : i32
          %add3A_373 = arith.constant 1 : i32
          %add3A_374 = arith.addi %mul3A_372, %add3A_373 : i32
          %get3A_375 = arith.constant 1 : i32
          %get3A_376 = arith.index_cast %get3A_375 : i32 to index
          %get3A_377 = arith.index_cast %add3A_374 : i32 to index
          %get3A_378 = arith.constant 16 : index
          %get3A_379 = tpu.vector_load %arg6[%get3A_376, %get3A_377, %get3A_378] {strides = array<i32>} : memref<4x128x128xf32, #tpu.memory_space<vmem>>, vector<1x1x16xf32>,
          %get3A_380 = vector.shape_cast %get3A_379 : vector<1x1x16xf32> to vector<16xf32>
          %swap3A_381 = arith.constant 1 : i32
          %swap3A_382 = arith.index_cast %swap3A_381 : i32 to index
          %swap3A_383 = arith.index_cast %scan3A_287 : i32 to index
          %swap3A_384 = arith.constant 80 : index
          %swap3A_385 = tpu.vector_load %arg7[%swap3A_382, %swap3A_383, %swap3A_384] {strides = array<i32>} : memref<2x64x128xf32, #tpu.memory_space<vmem>>, vector<1x1x16xf32>,
          %swap3A_386 = vector.shape_cast %swap3A_385 : vector<1x1x16xf32> to vector<16xf32>
          %swap3A_387 = vector.shape_cast %get3A_380 : vector<16xf32> to vector<1x1x16xf32>
          tpu.vector_store %arg7[%swap3A_382, %swap3A_383, %swap3A_384], %swap3A_387 {strides = array<i32>} : memref<2x64x128xf32, #tpu.memory_space<vmem>>, vector<1x1x16xf32>,
          %mul3A_388 = arith.constant 2 : i32
          %mul3A_389 = arith.muli %mul3A_388, %scan3A_287 : i32
          %add3A_390 = arith.constant 1 : i32
          %add3A_391 = arith.addi %mul3A_389, %add3A_390 : i32
          %get3A_392 = arith.constant 1 : i32
          %get3A_393 = arith.index_cast %get3A_392 : i32 to index
          %get3A_394 = arith.index_cast %add3A_391 : i32 to index
          %get3A_395 = arith.constant 32 : index
          %get3A_396 = tpu.vector_load %arg6[%get3A_393, %get3A_394, %get3A_395] {strides = array<i32>} : memref<4x128x128xf32, #tpu.memory_space<vmem>>, vector<1x1x16xf32>,
          %get3A_397 = vector.shape_cast %get3A_396 : vector<1x1x16xf32> to vector<16xf32>
          %swap3A_398 = arith.constant 1 : i32
          %swap3A_399 = arith.index_cast %swap3A_398 : i32 to index
          %swap3A_400 = arith.index_cast %scan3A_287 : i32 to index
          %swap3A_401 = arith.constant 96 : index
          %swap3A_402 = tpu.vector_load %arg7[%swap3A_399, %swap3A_400, %swap3A_401] {strides = array<i32>} : memref<2x64x128xf32, #tpu.memory_space<vmem>>, vector<1x1x16xf32>,
          %swap3A_403 = vector.shape_cast %swap3A_402 : vector<1x1x16xf32> to vector<16xf32>
          %swap3A_404 = vector.shape_cast %get3A_397 : vector<16xf32> to vector<1x1x16xf32>
          tpu.vector_store %arg7[%swap3A_399, %swap3A_400, %swap3A_401], %swap3A_404 {strides = array<i32>} : memref<2x64x128xf32, #tpu.memory_space<vmem>>, vector<1x1x16xf32>,
          %mul3A_405 = arith.constant 2 : i32
          %mul3A_406 = arith.muli %mul3A_405, %scan3A_287 : i32
          %add3A_407 = arith.constant 1 : i32
          %add3A_408 = arith.addi %mul3A_406, %add3A_407 : i32
          %get3A_409 = arith.constant 1 : i32
          %get3A_410 = arith.index_cast %get3A_409 : i32 to index
          %get3A_411 = arith.index_cast %add3A_408 : i32 to index
          %get3A_412 = arith.constant 48 : index
          %get3A_413 = tpu.vector_load %arg6[%get3A_410, %get3A_411, %get3A_412] {strides = array<i32>} : memref<4x128x128xf32, #tpu.memory_space<vmem>>, vector<1x1x16xf32>,
          %get3A_414 = vector.shape_cast %get3A_413 : vector<1x1x16xf32> to vector<16xf32>
          %swap3A_415 = arith.constant 1 : i32
          %swap3A_416 = arith.index_cast %swap3A_415 : i32 to index
          %swap3A_417 = arith.index_cast %scan3A_287 : i32 to index
          %swap3A_418 = arith.constant 112 : index
          %swap3A_419 = tpu.vector_load %arg7[%swap3A_416, %swap3A_417, %swap3A_418] {strides = array<i32>} : memref<2x64x128xf32, #tpu.memory_space<vmem>>, vector<1x1x16xf32>,
          %swap3A_420 = vector.shape_cast %swap3A_419 : vector<1x1x16xf32> to vector<16xf32>
          %swap3A_421 = vector.shape_cast %get3A_414 : vector<16xf32> to vector<1x1x16xf32>
          tpu.vector_store %arg7[%swap3A_416, %swap3A_417, %swap3A_418], %swap3A_421 {strides = array<i32>} : memref<2x64x128xf32, #tpu.memory_space<vmem>>, vector<1x1x16xf32>,
        }
        %scan3A_163 = arith.constant 64 : i32
        %mul3A_164 = arith.constant 64 : i32
        %mul3A_165 = arith.muli %add3A_140, %mul3A_164 : i32
        %add3A_166 = arith.addi %mul3A_10, %mul3A_165 : i32
        %dma_start3A_167 = arith.constant 1 : i32
        %dma_start3A_168 = arith.constant 0 : i32
        %dma_start3A_169 = arith.constant 0 : i32
        %dma_start3A_170 = tpu.memref_slice %arg7[%dma_start3A_167, %dma_start3A_168, %dma_start3A_169] : memref<2x64x128xf32, #tpu.memory_space<vmem>> -> memref<1x64x128xf32, #tpu.memory_space<vmem>>
        %dma_start3A_171 = tpu.memref_squeeze %dma_start3A_170 : memref<1x64x128xf32, #tpu.memory_space<vmem>> -> memref<64x128xf32, #tpu.memory_space<vmem>>
        %dma_start3A_172 = arith.constant 0 : i32
        %dma_start3A_173 = tpu.memref_slice %arg4[%add3A_166, %dma_start3A_172] : memref<81920x128xf32, #tpu.memory_space<hbm>> -> memref<64x128xf32, #tpu.memory_space<hbm>>
        %dma_start3A_174 = arith.constant 0 : i32
        %dma_start3A_175 = tpu.memref_slice %arg4[%add3A_166, %dma_start3A_174] : memref<81920x128xf32, #tpu.memory_space<hbm>> -> memref<64x128xf32, #tpu.memory_space<hbm>>
        %dma_start3A_176 = arith.constant 0 : i32
        %dma_start3A_177 = arith.constant 0 : i32
        %dma_start3A_178 = tpu.memref_slice %arg7[%dma_start3A_167, %dma_start3A_176, %dma_start3A_177] : memref<2x64x128xf32, #tpu.memory_space<vmem>> -> memref<1x64x128xf32, #tpu.memory_space<vmem>>
        %dma_start3A_179 = tpu.memref_squeeze %dma_start3A_178 : memref<1x64x128xf32, #tpu.memory_space<vmem>> -> memref<64x128xf32, #tpu.memory_space<vmem>>
        tpu.enqueue_dma source(%dma_start3A_179 : memref<64x128xf32, #tpu.memory_space<vmem>>) target(%dma_start3A_175 : memref<64x128xf32, #tpu.memory_space<hbm>>) target_semaphore(%arg13 : memref<!tpu.dma_semaphore, #tpu.memory_space<semaphore_mem>>)
        %add3A_180 = arith.constant 4 : i32
        %add3A_181 = arith.addi %add3A_140, %add3A_180 : i32
        %lt3A_182 = arith.constant 40 : i32
        %lt3A_183 = arith.cmpi slt, %add3A_181, %lt3A_182 : i32
        %convert_element_type3A_184 = arith.extui %lt3A_183 : i1 to i32
        %cond3A_185 = arith.constant 0 : i32
        %cond3A_186 = arith.cmpi ne, %convert_element_type3A_184, %cond3A_185 : i32
        scf.if %cond3A_186 {
          %add3A_287 = arith.constant 4 : i32
          %add3A_288 = arith.addi %add3A_140, %add3A_287 : i32
          %dma_start3A_289 = arith.constant 1 : i32
          %dma_start3A_290 = arith.constant 0 : i32
          %dma_start3A_291 = arith.constant 0 : i32
          %dma_start3A_292 = tpu.memref_slice %arg6[%dma_start3A_289, %dma_start3A_290, %dma_start3A_291] : memref<4x128x128xf32, #tpu.memory_space<vmem>> -> memref<1x128x128xf32, #tpu.memory_space<vmem>>
          %dma_start3A_293 = tpu.memref_squeeze %dma_start3A_292 : memref<1x128x128xf32, #tpu.memory_space<vmem>> -> memref<128x128xf32, #tpu.memory_space<vmem>>
          %dma_start3A_294 = arith.constant 0 : i32
          %dma_start3A_295 = tpu.memref_slice %arg5[%add3A_288, %dma_start3A_294] : memref<40x128xi32, #tpu.memory_space<vmem>> -> memref<1x128xi32, #tpu.memory_space<vmem>>
          %dma_start3A_296 = tpu.memref_squeeze %dma_start3A_295 : memref<1x128xi32, #tpu.memory_space<vmem>> -> memref<128xi32, #tpu.memory_space<vmem>>
          %dma_start3A_297 = arith.constant 0 : i32
          %dma_start3A_298 = arith.constant 0 : i32
          %dma_start3A_299 = tpu.memref_slice %arg2[%dma_start3A_297, %dma_start3A_298] : memref<10240x128xf32, #tpu.memory_space<hbm>> -> memref<10240x128xf32, #tpu.memory_space<hbm>>
          tpu.enqueue_indirect_dma source(%dma_start3A_299 : memref<10240x128xf32, #tpu.memory_space<hbm>>) target(%dma_start3A_293 : memref<128x128xf32, #tpu.memory_space<vmem>>) offsets(%dma_start3A_296 : memref<128xi32, #tpu.memory_space<vmem>>) semaphore(%arg9 : memref<!tpu.dma_semaphore, #tpu.memory_space<semaphore_mem>>)
        } else {
        }
        %mul3A_187 = arith.constant 4 : i32
        %mul3A_188 = arith.muli %mul3A_187, %scan3A_88 : i32
        %add3A_189 = arith.constant 2 : i32
        %add3A_190 = arith.addi %mul3A_188, %add3A_189 : i32
        %dma_wait3A_191 = arith.constant 0 : i32
        %dma_wait3A_192 = arith.constant 2 : i32
        %dma_wait3A_193 = arith.constant 0 : i32
        %dma_wait3A_194 = arith.constant 0 : i32
        %dma_wait3A_195 = tpu.memref_slice %arg6[%dma_wait3A_192, %dma_wait3A_193, %dma_wait3A_194] : memref<4x128x128xf32, #tpu.memory_space<vmem>> -> memref<1x128x128xf32, #tpu.memory_space<vmem>>
        %dma_wait3A_196 = tpu.memref_squeeze %dma_wait3A_195 : memref<1x128x128xf32, #tpu.memory_space<vmem>> -> memref<128x128xf32, #tpu.memory_space<vmem>>
        %dma_wait3A_197 = arith.constant 0 : i32
        %dma_wait3A_198 = tpu.memref_slice %arg5[%dma_wait3A_191, %dma_wait3A_197] : memref<40x128xi32, #tpu.memory_space<vmem>> -> memref<1x128xi32, #tpu.memory_space<vmem>>
        %dma_wait3A_199 = tpu.memref_squeeze %dma_wait3A_198 : memref<1x128xi32, #tpu.memory_space<vmem>> -> memref<128xi32, #tpu.memory_space<vmem>>
        %dma_wait3A_200 = arith.constant 0 : i32
        %dma_wait3A_201 = arith.constant 0 : i32
        %dma_wait3A_202 = tpu.memref_slice %arg2[%dma_wait3A_200, %dma_wait3A_201] : memref<10240x128xf32, #tpu.memory_space<hbm>> -> memref<10240x128xf32, #tpu.memory_space<hbm>>
        tpu.wait_indirect_dma semaphore(%arg10 : memref<!tpu.dma_semaphore, #tpu.memory_space<semaphore_mem>>) src(%dma_wait3A_202 : memref<10240x128xf32, #tpu.memory_space<hbm>>) dst(%dma_wait3A_196 : memref<128x128xf32, #tpu.memory_space<vmem>>)
        %ge3A_203 = arith.constant 2 : i32
        %ge3A_204 = arith.cmpi sge, %add3A_190, %ge3A_203 : i32
        %convert_element_type3A_205 = arith.extui %ge3A_204 : i1 to i32
        %cond3A_206 = arith.constant 0 : i32
        %cond3A_207 = arith.cmpi ne, %convert_element_type3A_205, %cond3A_206 : i32
        scf.if %cond3A_207 {
          %dma_wait3A_287 = arith.constant 0 : i32
          %dma_wait3A_288 = arith.constant 0 : i32
          %dma_wait3A_289 = arith.constant 0 : i32
          %dma_wait3A_290 = tpu.memref_slice %arg7[%dma_wait3A_287, %dma_wait3A_288, %dma_wait3A_289] : memref<2x64x128xf32, #tpu.memory_space<vmem>> -> memref<1x64x128xf32, #tpu.memory_space<vmem>>
          %dma_wait3A_291 = tpu.memref_squeeze %dma_wait3A_290 : memref<1x64x128xf32, #tpu.memory_space<vmem>> -> memref<64x128xf32, #tpu.memory_space<vmem>>
          %dma_wait3A_292 = arith.constant 0 : i32
          %dma_wait3A_293 = tpu.memref_slice %arg4[%mul3A_10, %dma_wait3A_292] : memref<81920x128xf32, #tpu.memory_space<hbm>> -> memref<64x128xf32, #tpu.memory_space<hbm>>
          %dma_wait3A_294 = arith.constant 0 : i32
          %dma_wait3A_295 = tpu.memref_slice %arg4[%mul3A_10, %dma_wait3A_294] : memref<81920x128xf32, #tpu.memory_space<hbm>> -> memref<64x128xf32, #tpu.memory_space<hbm>>
          %dma_wait3A_296 = arith.constant 0 : i32
          %dma_wait3A_297 = arith.constant 0 : i32
          %dma_wait3A_298 = tpu.memref_slice %arg7[%dma_wait3A_287, %dma_wait3A_296, %dma_wait3A_297] : memref<2x64x128xf32, #tpu.memory_space<vmem>> -> memref<1x64x128xf32, #tpu.memory_space<vmem>>
          %dma_wait3A_299 = tpu.memref_squeeze %dma_wait3A_298 : memref<1x64x128xf32, #tpu.memory_space<vmem>> -> memref<64x128xf32, #tpu.memory_space<vmem>>
          tpu.wait_dma2 semaphore(%arg12 : memref<!tpu.dma_semaphore, #tpu.memory_space<semaphore_mem>>) src(%dma_wait3A_299 : memref<64x128xf32, #tpu.memory_space<vmem>>) dst(%dma_wait3A_295 : memref<64x128xf32, #tpu.memory_space<hbm>>)
        } else {
        }
        %scan3A_208 = arith.constant 0 : i32
        %scan3A_209 = arith.constant 0 : i32
        %scan3A_210 = arith.constant 64 : i32
        %scan3A_211 = arith.addi %scan3A_209, %scan3A_210 : i32
        %scan3A_212 = arith.constant 1 : i32
        scf.for %scan3A_287 = %scan3A_209 to %scan3A_211 step %scan3A_212  : i32 {
          %mul3A_288 = arith.constant 2 : i32
          %mul3A_289 = arith.muli %mul3A_288, %scan3A_287 : i32
          %add3A_290 = arith.constant 0 : i32
          %add3A_291 = arith.addi %mul3A_289, %add3A_290 : i32
          %get3A = arith.constant 2 : i32
          %get3A_292 = arith.index_cast %get3A : i32 to index
          %get3A_293 = arith.index_cast %add3A_291 : i32 to index
          %get3A_294 = arith.constant 0 : index
          %get3A_295 = tpu.vector_load %arg6[%get3A_292, %get3A_293, %get3A_294] {strides = array<i32>} : memref<4x128x128xf32, #tpu.memory_space<vmem>>, vector<1x1x16xf32>,
          %get3A_296 = vector.shape_cast %get3A_295 : vector<1x1x16xf32> to vector<16xf32>
          %swap3A = arith.constant 0 : i32
          %swap3A_297 = arith.index_cast %swap3A : i32 to index
          %swap3A_298 = arith.index_cast %scan3A_287 : i32 to index
          %swap3A_299 = arith.constant 0 : index
          %swap3A_300 = tpu.vector_load %arg7[%swap3A_297, %swap3A_298, %swap3A_299] {strides = array<i32>} : memref<2x64x128xf32, #tpu.memory_space<vmem>>, vector<1x1x16xf32>,
          %swap3A_301 = vector.shape_cast %swap3A_300 : vector<1x1x16xf32> to vector<16xf32>
          %swap3A_302 = vector.shape_cast %get3A_296 : vector<16xf32> to vector<1x1x16xf32>
          tpu.vector_store %arg7[%swap3A_297, %swap3A_298, %swap3A_299], %swap3A_302 {strides = array<i32>} : memref<2x64x128xf32, #tpu.memory_space<vmem>>, vector<1x1x16xf32>,
          %mul3A_303 = arith.constant 2 : i32
          %mul3A_304 = arith.muli %mul3A_303, %scan3A_287 : i32
          %add3A_305 = arith.constant 0 : i32
          %add3A_306 = arith.addi %mul3A_304, %add3A_305 : i32
          %get3A_307 = arith.constant 2 : i32
          %get3A_308 = arith.index_cast %get3A_307 : i32 to index
          %get3A_309 = arith.index_cast %add3A_306 : i32 to index
          %get3A_310 = arith.constant 16 : index
          %get3A_311 = tpu.vector_load %arg6[%get3A_308, %get3A_309, %get3A_310] {strides = array<i32>} : memref<4x128x128xf32, #tpu.memory_space<vmem>>, vector<1x1x16xf32>,
          %get3A_312 = vector.shape_cast %get3A_311 : vector<1x1x16xf32> to vector<16xf32>
          %swap3A_313 = arith.constant 0 : i32
          %swap3A_314 = arith.index_cast %swap3A_313 : i32 to index
          %swap3A_315 = arith.index_cast %scan3A_287 : i32 to index
          %swap3A_316 = arith.constant 16 : index
          %swap3A_317 = tpu.vector_load %arg7[%swap3A_314, %swap3A_315, %swap3A_316] {strides = array<i32>} : memref<2x64x128xf32, #tpu.memory_space<vmem>>, vector<1x1x16xf32>,
          %swap3A_318 = vector.shape_cast %swap3A_317 : vector<1x1x16xf32> to vector<16xf32>
          %swap3A_319 = vector.shape_cast %get3A_312 : vector<16xf32> to vector<1x1x16xf32>
          tpu.vector_store %arg7[%swap3A_314, %swap3A_315, %swap3A_316], %swap3A_319 {strides = array<i32>} : memref<2x64x128xf32, #tpu.memory_space<vmem>>, vector<1x1x16xf32>,
          %mul3A_320 = arith.constant 2 : i32
          %mul3A_321 = arith.muli %mul3A_320, %scan3A_287 : i32
          %add3A_322 = arith.constant 0 : i32
          %add3A_323 = arith.addi %mul3A_321, %add3A_322 : i32
          %get3A_324 = arith.constant 2 : i32
          %get3A_325 = arith.index_cast %get3A_324 : i32 to index
          %get3A_326 = arith.index_cast %add3A_323 : i32 to index
          %get3A_327 = arith.constant 32 : index
          %get3A_328 = tpu.vector_load %arg6[%get3A_325, %get3A_326, %get3A_327] {strides = array<i32>} : memref<4x128x128xf32, #tpu.memory_space<vmem>>, vector<1x1x16xf32>,
          %get3A_329 = vector.shape_cast %get3A_328 : vector<1x1x16xf32> to vector<16xf32>
          %swap3A_330 = arith.constant 0 : i32
          %swap3A_331 = arith.index_cast %swap3A_330 : i32 to index
          %swap3A_332 = arith.index_cast %scan3A_287 : i32 to index
          %swap3A_333 = arith.constant 32 : index
          %swap3A_334 = tpu.vector_load %arg7[%swap3A_331, %swap3A_332, %swap3A_333] {strides = array<i32>} : memref<2x64x128xf32, #tpu.memory_space<vmem>>, vector<1x1x16xf32>,
          %swap3A_335 = vector.shape_cast %swap3A_334 : vector<1x1x16xf32> to vector<16xf32>
          %swap3A_336 = vector.shape_cast %get3A_329 : vector<16xf32> to vector<1x1x16xf32>
          tpu.vector_store %arg7[%swap3A_331, %swap3A_332, %swap3A_333], %swap3A_336 {strides = array<i32>} : memref<2x64x128xf32, #tpu.memory_space<vmem>>, vector<1x1x16xf32>,
          %mul3A_337 = arith.constant 2 : i32
          %mul3A_338 = arith.muli %mul3A_337, %scan3A_287 : i32
          %add3A_339 = arith.constant 0 : i32
          %add3A_340 = arith.addi %mul3A_338, %add3A_339 : i32
          %get3A_341 = arith.constant 2 : i32
          %get3A_342 = arith.index_cast %get3A_341 : i32 to index
          %get3A_343 = arith.index_cast %add3A_340 : i32 to index
          %get3A_344 = arith.constant 48 : index
          %get3A_345 = tpu.vector_load %arg6[%get3A_342, %get3A_343, %get3A_344] {strides = array<i32>} : memref<4x128x128xf32, #tpu.memory_space<vmem>>, vector<1x1x16xf32>,
          %get3A_346 = vector.shape_cast %get3A_345 : vector<1x1x16xf32> to vector<16xf32>
          %swap3A_347 = arith.constant 0 : i32
          %swap3A_348 = arith.index_cast %swap3A_347 : i32 to index
          %swap3A_349 = arith.index_cast %scan3A_287 : i32 to index
          %swap3A_350 = arith.constant 48 : index
          %swap3A_351 = tpu.vector_load %arg7[%swap3A_348, %swap3A_349, %swap3A_350] {strides = array<i32>} : memref<2x64x128xf32, #tpu.memory_space<vmem>>, vector<1x1x16xf32>,
          %swap3A_352 = vector.shape_cast %swap3A_351 : vector<1x1x16xf32> to vector<16xf32>
          %swap3A_353 = vector.shape_cast %get3A_346 : vector<16xf32> to vector<1x1x16xf32>
          tpu.vector_store %arg7[%swap3A_348, %swap3A_349, %swap3A_350], %swap3A_353 {strides = array<i32>} : memref<2x64x128xf32, #tpu.memory_space<vmem>>, vector<1x1x16xf32>,
          %mul3A_354 = arith.constant 2 : i32
          %mul3A_355 = arith.muli %mul3A_354, %scan3A_287 : i32
          %add3A_356 = arith.constant 1 : i32
          %add3A_357 = arith.addi %mul3A_355, %add3A_356 : i32
          %get3A_358 = arith.constant 2 : i32
          %get3A_359 = arith.index_cast %get3A_358 : i32 to index
          %get3A_360 = arith.index_cast %add3A_357 : i32 to index
          %get3A_361 = arith.constant 0 : index
          %get3A_362 = tpu.vector_load %arg6[%get3A_359, %get3A_360, %get3A_361] {strides = array<i32>} : memref<4x128x128xf32, #tpu.memory_space<vmem>>, vector<1x1x16xf32>,
          %get3A_363 = vector.shape_cast %get3A_362 : vector<1x1x16xf32> to vector<16xf32>
          %swap3A_364 = arith.constant 0 : i32
          %swap3A_365 = arith.index_cast %swap3A_364 : i32 to index
          %swap3A_366 = arith.index_cast %scan3A_287 : i32 to index
          %swap3A_367 = arith.constant 64 : index
          %swap3A_368 = tpu.vector_load %arg7[%swap3A_365, %swap3A_366, %swap3A_367] {strides = array<i32>} : memref<2x64x128xf32, #tpu.memory_space<vmem>>, vector<1x1x16xf32>,
          %swap3A_369 = vector.shape_cast %swap3A_368 : vector<1x1x16xf32> to vector<16xf32>
          %swap3A_370 = vector.shape_cast %get3A_363 : vector<16xf32> to vector<1x1x16xf32>
          tpu.vector_store %arg7[%swap3A_365, %swap3A_366, %swap3A_367], %swap3A_370 {strides = array<i32>} : memref<2x64x128xf32, #tpu.memory_space<vmem>>, vector<1x1x16xf32>,
          %mul3A_371 = arith.constant 2 : i32
          %mul3A_372 = arith.muli %mul3A_371, %scan3A_287 : i32
          %add3A_373 = arith.constant 1 : i32
          %add3A_374 = arith.addi %mul3A_372, %add3A_373 : i32
          %get3A_375 = arith.constant 2 : i32
          %get3A_376 = arith.index_cast %get3A_375 : i32 to index
          %get3A_377 = arith.index_cast %add3A_374 : i32 to index
          %get3A_378 = arith.constant 16 : index
          %get3A_379 = tpu.vector_load %arg6[%get3A_376, %get3A_377, %get3A_378] {strides = array<i32>} : memref<4x128x128xf32, #tpu.memory_space<vmem>>, vector<1x1x16xf32>,
          %get3A_380 = vector.shape_cast %get3A_379 : vector<1x1x16xf32> to vector<16xf32>
          %swap3A_381 = arith.constant 0 : i32
          %swap3A_382 = arith.index_cast %swap3A_381 : i32 to index
          %swap3A_383 = arith.index_cast %scan3A_287 : i32 to index
          %swap3A_384 = arith.constant 80 : index
          %swap3A_385 = tpu.vector_load %arg7[%swap3A_382, %swap3A_383, %swap3A_384] {strides = array<i32>} : memref<2x64x128xf32, #tpu.memory_space<vmem>>, vector<1x1x16xf32>,
          %swap3A_386 = vector.shape_cast %swap3A_385 : vector<1x1x16xf32> to vector<16xf32>
          %swap3A_387 = vector.shape_cast %get3A_380 : vector<16xf32> to vector<1x1x16xf32>
          tpu.vector_store %arg7[%swap3A_382, %swap3A_383, %swap3A_384], %swap3A_387 {strides = array<i32>} : memref<2x64x128xf32, #tpu.memory_space<vmem>>, vector<1x1x16xf32>,
          %mul3A_388 = arith.constant 2 : i32
          %mul3A_389 = arith.muli %mul3A_388, %scan3A_287 : i32
          %add3A_390 = arith.constant 1 : i32
          %add3A_391 = arith.addi %mul3A_389, %add3A_390 : i32
          %get3A_392 = arith.constant 2 : i32
          %get3A_393 = arith.index_cast %get3A_392 : i32 to index
          %get3A_394 = arith.index_cast %add3A_391 : i32 to index
          %get3A_395 = arith.constant 32 : index
          %get3A_396 = tpu.vector_load %arg6[%get3A_393, %get3A_394, %get3A_395] {strides = array<i32>} : memref<4x128x128xf32, #tpu.memory_space<vmem>>, vector<1x1x16xf32>,
          %get3A_397 = vector.shape_cast %get3A_396 : vector<1x1x16xf32> to vector<16xf32>
          %swap3A_398 = arith.constant 0 : i32
          %swap3A_399 = arith.index_cast %swap3A_398 : i32 to index
          %swap3A_400 = arith.index_cast %scan3A_287 : i32 to index
          %swap3A_401 = arith.constant 96 : index
          %swap3A_402 = tpu.vector_load %arg7[%swap3A_399, %swap3A_400, %swap3A_401] {strides = array<i32>} : memref<2x64x128xf32, #tpu.memory_space<vmem>>, vector<1x1x16xf32>,
          %swap3A_403 = vector.shape_cast %swap3A_402 : vector<1x1x16xf32> to vector<16xf32>
          %swap3A_404 = vector.shape_cast %get3A_397 : vector<16xf32> to vector<1x1x16xf32>
          tpu.vector_store %arg7[%swap3A_399, %swap3A_400, %swap3A_401], %swap3A_404 {strides = array<i32>} : memref<2x64x128xf32, #tpu.memory_space<vmem>>, vector<1x1x16xf32>,
          %mul3A_405 = arith.constant 2 : i32
          %mul3A_406 = arith.muli %mul3A_405, %scan3A_287 : i32
          %add3A_407 = arith.constant 1 : i32
          %add3A_408 = arith.addi %mul3A_406, %add3A_407 : i32
          %get3A_409 = arith.constant 2 : i32
          %get3A_410 = arith.index_cast %get3A_409 : i32 to index
          %get3A_411 = arith.index_cast %add3A_408 : i32 to index
          %get3A_412 = arith.constant 48 : index
          %get3A_413 = tpu.vector_load %arg6[%get3A_410, %get3A_411, %get3A_412] {strides = array<i32>} : memref<4x128x128xf32, #tpu.memory_space<vmem>>, vector<1x1x16xf32>,
          %get3A_414 = vector.shape_cast %get3A_413 : vector<1x1x16xf32> to vector<16xf32>
          %swap3A_415 = arith.constant 0 : i32
          %swap3A_416 = arith.index_cast %swap3A_415 : i32 to index
          %swap3A_417 = arith.index_cast %scan3A_287 : i32 to index
          %swap3A_418 = arith.constant 112 : index
          %swap3A_419 = tpu.vector_load %arg7[%swap3A_416, %swap3A_417, %swap3A_418] {strides = array<i32>} : memref<2x64x128xf32, #tpu.memory_space<vmem>>, vector<1x1x16xf32>,
          %swap3A_420 = vector.shape_cast %swap3A_419 : vector<1x1x16xf32> to vector<16xf32>
          %swap3A_421 = vector.shape_cast %get3A_414 : vector<16xf32> to vector<1x1x16xf32>
          tpu.vector_store %arg7[%swap3A_416, %swap3A_417, %swap3A_418], %swap3A_421 {strides = array<i32>} : memref<2x64x128xf32, #tpu.memory_space<vmem>>, vector<1x1x16xf32>,
        }
        %scan3A_213 = arith.constant 64 : i32
        %mul3A_214 = arith.constant 64 : i32
        %mul3A_215 = arith.muli %add3A_190, %mul3A_214 : i32
        %add3A_216 = arith.addi %mul3A_10, %mul3A_215 : i32
        %dma_start3A_217 = arith.constant 0 : i32
        %dma_start3A_218 = arith.constant 0 : i32
        %dma_start3A_219 = arith.constant 0 : i32
        %dma_start3A_220 = tpu.memref_slice %arg7[%dma_start3A_217, %dma_start3A_218, %dma_start3A_219] : memref<2x64x128xf32, #tpu.memory_space<vmem>> -> memref<1x64x128xf32, #tpu.memory_space<vmem>>
        %dma_start3A_221 = tpu.memref_squeeze %dma_start3A_220 : memref<1x64x128xf32, #tpu.memory_space<vmem>> -> memref<64x128xf32, #tpu.memory_space<vmem>>
        %dma_start3A_222 = arith.constant 0 : i32
        %dma_start3A_223 = tpu.memref_slice %arg4[%add3A_216, %dma_start3A_222] : memref<81920x128xf32, #tpu.memory_space<hbm>> -> memref<64x128xf32, #tpu.memory_space<hbm>>
        %dma_start3A_224 = arith.constant 0 : i32
        %dma_start3A_225 = tpu.memref_slice %arg4[%add3A_216, %dma_start3A_224] : memref<81920x128xf32, #tpu.memory_space<hbm>> -> memref<64x128xf32, #tpu.memory_space<hbm>>
        %dma_start3A_226 = arith.constant 0 : i32
        %dma_start3A_227 = arith.constant 0 : i32
        %dma_start3A_228 = tpu.memref_slice %arg7[%dma_start3A_217, %dma_start3A_226, %dma_start3A_227] : memref<2x64x128xf32, #tpu.memory_space<vmem>> -> memref<1x64x128xf32, #tpu.memory_space<vmem>>
        %dma_start3A_229 = tpu.memref_squeeze %dma_start3A_228 : memref<1x64x128xf32, #tpu.memory_space<vmem>> -> memref<64x128xf32, #tpu.memory_space<vmem>>
        tpu.enqueue_dma source(%dma_start3A_229 : memref<64x128xf32, #tpu.memory_space<vmem>>) target(%dma_start3A_225 : memref<64x128xf32, #tpu.memory_space<hbm>>) target_semaphore(%arg12 : memref<!tpu.dma_semaphore, #tpu.memory_space<semaphore_mem>>)
        %add3A_230 = arith.constant 4 : i32
        %add3A_231 = arith.addi %add3A_190, %add3A_230 : i32
        %lt3A_232 = arith.constant 40 : i32
        %lt3A_233 = arith.cmpi slt, %add3A_231, %lt3A_232 : i32
        %convert_element_type3A_234 = arith.extui %lt3A_233 : i1 to i32
        %cond3A_235 = arith.constant 0 : i32
        %cond3A_236 = arith.cmpi ne, %convert_element_type3A_234, %cond3A_235 : i32
        scf.if %cond3A_236 {
          %add3A_287 = arith.constant 4 : i32
          %add3A_288 = arith.addi %add3A_190, %add3A_287 : i32
          %dma_start3A_289 = arith.constant 2 : i32
          %dma_start3A_290 = arith.constant 0 : i32
          %dma_start3A_291 = arith.constant 0 : i32
          %dma_start3A_292 = tpu.memref_slice %arg6[%dma_start3A_289, %dma_start3A_290, %dma_start3A_291] : memref<4x128x128xf32, #tpu.memory_space<vmem>> -> memref<1x128x128xf32, #tpu.memory_space<vmem>>
          %dma_start3A_293 = tpu.memref_squeeze %dma_start3A_292 : memref<1x128x128xf32, #tpu.memory_space<vmem>> -> memref<128x128xf32, #tpu.memory_space<vmem>>
          %dma_start3A_294 = arith.constant 0 : i32
          %dma_start3A_295 = tpu.memref_slice %arg5[%add3A_288, %dma_start3A_294] : memref<40x128xi32, #tpu.memory_space<vmem>> -> memref<1x128xi32, #tpu.memory_space<vmem>>
          %dma_start3A_296 = tpu.memref_squeeze %dma_start3A_295 : memref<1x128xi32, #tpu.memory_space<vmem>> -> memref<128xi32, #tpu.memory_space<vmem>>
          %dma_start3A_297 = arith.constant 0 : i32
          %dma_start3A_298 = arith.constant 0 : i32
          %dma_start3A_299 = tpu.memref_slice %arg2[%dma_start3A_297, %dma_start3A_298] : memref<10240x128xf32, #tpu.memory_space<hbm>> -> memref<10240x128xf32, #tpu.memory_space<hbm>>
          tpu.enqueue_indirect_dma source(%dma_start3A_299 : memref<10240x128xf32, #tpu.memory_space<hbm>>) target(%dma_start3A_293 : memref<128x128xf32, #tpu.memory_space<vmem>>) offsets(%dma_start3A_296 : memref<128xi32, #tpu.memory_space<vmem>>) semaphore(%arg10 : memref<!tpu.dma_semaphore, #tpu.memory_space<semaphore_mem>>)
        } else {
        }
        %mul3A_237 = arith.constant 4 : i32
        %mul3A_238 = arith.muli %mul3A_237, %scan3A_88 : i32
        %add3A_239 = arith.constant 3 : i32
        %add3A_240 = arith.addi %mul3A_238, %add3A_239 : i32
        %dma_wait3A_241 = arith.constant 0 : i32
        %dma_wait3A_242 = arith.constant 3 : i32
        %dma_wait3A_243 = arith.constant 0 : i32
        %dma_wait3A_244 = arith.constant 0 : i32
        %dma_wait3A_245 = tpu.memref_slice %arg6[%dma_wait3A_242, %dma_wait3A_243, %dma_wait3A_244] : memref<4x128x128xf32, #tpu.memory_space<vmem>> -> memref<1x128x128xf32, #tpu.memory_space<vmem>>
        %dma_wait3A_246 = tpu.memref_squeeze %dma_wait3A_245 : memref<1x128x128xf32, #tpu.memory_space<vmem>> -> memref<128x128xf32, #tpu.memory_space<vmem>>
        %dma_wait3A_247 = arith.constant 0 : i32
        %dma_wait3A_248 = tpu.memref_slice %arg5[%dma_wait3A_241, %dma_wait3A_247] : memref<40x128xi32, #tpu.memory_space<vmem>> -> memref<1x128xi32, #tpu.memory_space<vmem>>
        %dma_wait3A_249 = tpu.memref_squeeze %dma_wait3A_248 : memref<1x128xi32, #tpu.memory_space<vmem>> -> memref<128xi32, #tpu.memory_space<vmem>>
        %dma_wait3A_250 = arith.constant 0 : i32
        %dma_wait3A_251 = arith.constant 0 : i32
        %dma_wait3A_252 = tpu.memref_slice %arg2[%dma_wait3A_250, %dma_wait3A_251] : memref<10240x128xf32, #tpu.memory_space<hbm>> -> memref<10240x128xf32, #tpu.memory_space<hbm>>
        tpu.wait_indirect_dma semaphore(%arg11 : memref<!tpu.dma_semaphore, #tpu.memory_space<semaphore_mem>>) src(%dma_wait3A_252 : memref<10240x128xf32, #tpu.memory_space<hbm>>) dst(%dma_wait3A_246 : memref<128x128xf32, #tpu.memory_space<vmem>>)
        %ge3A_253 = arith.constant 2 : i32
        %ge3A_254 = arith.cmpi sge, %add3A_240, %ge3A_253 : i32
        %convert_element_type3A_255 = arith.extui %ge3A_254 : i1 to i32
        %cond3A_256 = arith.constant 0 : i32
        %cond3A_257 = arith.cmpi ne, %convert_element_type3A_255, %cond3A_256 : i32
        scf.if %cond3A_257 {
          %dma_wait3A_287 = arith.constant 1 : i32
          %dma_wait3A_288 = arith.constant 0 : i32
          %dma_wait3A_289 = arith.constant 0 : i32
          %dma_wait3A_290 = tpu.memref_slice %arg7[%dma_wait3A_287, %dma_wait3A_288, %dma_wait3A_289] : memref<2x64x128xf32, #tpu.memory_space<vmem>> -> memref<1x64x128xf32, #tpu.memory_space<vmem>>
          %dma_wait3A_291 = tpu.memref_squeeze %dma_wait3A_290 : memref<1x64x128xf32, #tpu.memory_space<vmem>> -> memref<64x128xf32, #tpu.memory_space<vmem>>
          %dma_wait3A_292 = arith.constant 0 : i32
          %dma_wait3A_293 = tpu.memref_slice %arg4[%mul3A_10, %dma_wait3A_292] : memref<81920x128xf32, #tpu.memory_space<hbm>> -> memref<64x128xf32, #tpu.memory_space<hbm>>
          %dma_wait3A_294 = arith.constant 0 : i32
          %dma_wait3A_295 = tpu.memref_slice %arg4[%mul3A_10, %dma_wait3A_294] : memref<81920x128xf32, #tpu.memory_space<hbm>> -> memref<64x128xf32, #tpu.memory_space<hbm>>
          %dma_wait3A_296 = arith.constant 0 : i32
          %dma_wait3A_297 = arith.constant 0 : i32
          %dma_wait3A_298 = tpu.memref_slice %arg7[%dma_wait3A_287, %dma_wait3A_296, %dma_wait3A_297] : memref<2x64x128xf32, #tpu.memory_space<vmem>> -> memref<1x64x128xf32, #tpu.memory_space<vmem>>
          %dma_wait3A_299 = tpu.memref_squeeze %dma_wait3A_298 : memref<1x64x128xf32, #tpu.memory_space<vmem>> -> memref<64x128xf32, #tpu.memory_space<vmem>>
          tpu.wait_dma2 semaphore(%arg13 : memref<!tpu.dma_semaphore, #tpu.memory_space<semaphore_mem>>) src(%dma_wait3A_299 : memref<64x128xf32, #tpu.memory_space<vmem>>) dst(%dma_wait3A_295 : memref<64x128xf32, #tpu.memory_space<hbm>>)
        } else {
        }
        %scan3A_258 = arith.constant 0 : i32
        %scan3A_259 = arith.constant 0 : i32
        %scan3A_260 = arith.constant 64 : i32
        %scan3A_261 = arith.addi %scan3A_259, %scan3A_260 : i32
        %scan3A_262 = arith.constant 1 : i32
        scf.for %scan3A_287 = %scan3A_259 to %scan3A_261 step %scan3A_262  : i32 {
          %mul3A_288 = arith.constant 2 : i32
          %mul3A_289 = arith.muli %mul3A_288, %scan3A_287 : i32
          %add3A_290 = arith.constant 0 : i32
          %add3A_291 = arith.addi %mul3A_289, %add3A_290 : i32
          %get3A = arith.constant 3 : i32
          %get3A_292 = arith.index_cast %get3A : i32 to index
          %get3A_293 = arith.index_cast %add3A_291 : i32 to index
          %get3A_294 = arith.constant 0 : index
          %get3A_295 = tpu.vector_load %arg6[%get3A_292, %get3A_293, %get3A_294] {strides = array<i32>} : memref<4x128x128xf32, #tpu.memory_space<vmem>>, vector<1x1x16xf32>,
          %get3A_296 = vector.shape_cast %get3A_295 : vector<1x1x16xf32> to vector<16xf32>
          %swap3A = arith.constant 1 : i32
          %swap3A_297 = arith.index_cast %swap3A : i32 to index
          %swap3A_298 = arith.index_cast %scan3A_287 : i32 to index
          %swap3A_299 = arith.constant 0 : index
          %swap3A_300 = tpu.vector_load %arg7[%swap3A_297, %swap3A_298, %swap3A_299] {strides = array<i32>} : memref<2x64x128xf32, #tpu.memory_space<vmem>>, vector<1x1x16xf32>,
          %swap3A_301 = vector.shape_cast %swap3A_300 : vector<1x1x16xf32> to vector<16xf32>
          %swap3A_302 = vector.shape_cast %get3A_296 : vector<16xf32> to vector<1x1x16xf32>
          tpu.vector_store %arg7[%swap3A_297, %swap3A_298, %swap3A_299], %swap3A_302 {strides = array<i32>} : memref<2x64x128xf32, #tpu.memory_space<vmem>>, vector<1x1x16xf32>,
          %mul3A_303 = arith.constant 2 : i32
          %mul3A_304 = arith.muli %mul3A_303, %scan3A_287 : i32
          %add3A_305 = arith.constant 0 : i32
          %add3A_306 = arith.addi %mul3A_304, %add3A_305 : i32
          %get3A_307 = arith.constant 3 : i32
          %get3A_308 = arith.index_cast %get3A_307 : i32 to index
          %get3A_309 = arith.index_cast %add3A_306 : i32 to index
          %get3A_310 = arith.constant 16 : index
          %get3A_311 = tpu.vector_load %arg6[%get3A_308, %get3A_309, %get3A_310] {strides = array<i32>} : memref<4x128x128xf32, #tpu.memory_space<vmem>>, vector<1x1x16xf32>,
          %get3A_312 = vector.shape_cast %get3A_311 : vector<1x1x16xf32> to vector<16xf32>
          %swap3A_313 = arith.constant 1 : i32
          %swap3A_314 = arith.index_cast %swap3A_313 : i32 to index
          %swap3A_315 = arith.index_cast %scan3A_287 : i32 to index
          %swap3A_316 = arith.constant 16 : index
          %swap3A_317 = tpu.vector_load %arg7[%swap3A_314, %swap3A_315, %swap3A_316] {strides = array<i32>} : memref<2x64x128xf32, #tpu.memory_space<vmem>>, vector<1x1x16xf32>,
          %swap3A_318 = vector.shape_cast %swap3A_317 : vector<1x1x16xf32> to vector<16xf32>
          %swap3A_319 = vector.shape_cast %get3A_312 : vector<16xf32> to vector<1x1x16xf32>
          tpu.vector_store %arg7[%swap3A_314, %swap3A_315, %swap3A_316], %swap3A_319 {strides = array<i32>} : memref<2x64x128xf32, #tpu.memory_space<vmem>>, vector<1x1x16xf32>,
          %mul3A_320 = arith.constant 2 : i32
          %mul3A_321 = arith.muli %mul3A_320, %scan3A_287 : i32
          %add3A_322 = arith.constant 0 : i32
          %add3A_323 = arith.addi %mul3A_321, %add3A_322 : i32
          %get3A_324 = arith.constant 3 : i32
          %get3A_325 = arith.index_cast %get3A_324 : i32 to index
          %get3A_326 = arith.index_cast %add3A_323 : i32 to index
          %get3A_327 = arith.constant 32 : index
          %get3A_328 = tpu.vector_load %arg6[%get3A_325, %get3A_326, %get3A_327] {strides = array<i32>} : memref<4x128x128xf32, #tpu.memory_space<vmem>>, vector<1x1x16xf32>,
          %get3A_329 = vector.shape_cast %get3A_328 : vector<1x1x16xf32> to vector<16xf32>
          %swap3A_330 = arith.constant 1 : i32
          %swap3A_331 = arith.index_cast %swap3A_330 : i32 to index
          %swap3A_332 = arith.index_cast %scan3A_287 : i32 to index
          %swap3A_333 = arith.constant 32 : index
          %swap3A_334 = tpu.vector_load %arg7[%swap3A_331, %swap3A_332, %swap3A_333] {strides = array<i32>} : memref<2x64x128xf32, #tpu.memory_space<vmem>>, vector<1x1x16xf32>,
          %swap3A_335 = vector.shape_cast %swap3A_334 : vector<1x1x16xf32> to vector<16xf32>
          %swap3A_336 = vector.shape_cast %get3A_329 : vector<16xf32> to vector<1x1x16xf32>
          tpu.vector_store %arg7[%swap3A_331, %swap3A_332, %swap3A_333], %swap3A_336 {strides = array<i32>} : memref<2x64x128xf32, #tpu.memory_space<vmem>>, vector<1x1x16xf32>,
          %mul3A_337 = arith.constant 2 : i32
          %mul3A_338 = arith.muli %mul3A_337, %scan3A_287 : i32
          %add3A_339 = arith.constant 0 : i32
          %add3A_340 = arith.addi %mul3A_338, %add3A_339 : i32
          %get3A_341 = arith.constant 3 : i32
          %get3A_342 = arith.index_cast %get3A_341 : i32 to index
          %get3A_343 = arith.index_cast %add3A_340 : i32 to index
          %get3A_344 = arith.constant 48 : index
          %get3A_345 = tpu.vector_load %arg6[%get3A_342, %get3A_343, %get3A_344] {strides = array<i32>} : memref<4x128x128xf32, #tpu.memory_space<vmem>>, vector<1x1x16xf32>,
          %get3A_346 = vector.shape_cast %get3A_345 : vector<1x1x16xf32> to vector<16xf32>
          %swap3A_347 = arith.constant 1 : i32
          %swap3A_348 = arith.index_cast %swap3A_347 : i32 to index
          %swap3A_349 = arith.index_cast %scan3A_287 : i32 to index
          %swap3A_350 = arith.constant 48 : index
          %swap3A_351 = tpu.vector_load %arg7[%swap3A_348, %swap3A_349, %swap3A_350] {strides = array<i32>} : memref<2x64x128xf32, #tpu.memory_space<vmem>>, vector<1x1x16xf32>,
          %swap3A_352 = vector.shape_cast %swap3A_351 : vector<1x1x16xf32> to vector<16xf32>
          %swap3A_353 = vector.shape_cast %get3A_346 : vector<16xf32> to vector<1x1x16xf32>
          tpu.vector_store %arg7[%swap3A_348, %swap3A_349, %swap3A_350], %swap3A_353 {strides = array<i32>} : memref<2x64x128xf32, #tpu.memory_space<vmem>>, vector<1x1x16xf32>,
          %mul3A_354 = arith.constant 2 : i32
          %mul3A_355 = arith.muli %mul3A_354, %scan3A_287 : i32
          %add3A_356 = arith.constant 1 : i32
          %add3A_357 = arith.addi %mul3A_355, %add3A_356 : i32
          %get3A_358 = arith.constant 3 : i32
          %get3A_359 = arith.index_cast %get3A_358 : i32 to index
          %get3A_360 = arith.index_cast %add3A_357 : i32 to index
          %get3A_361 = arith.constant 0 : index
          %get3A_362 = tpu.vector_load %arg6[%get3A_359, %get3A_360, %get3A_361] {strides = array<i32>} : memref<4x128x128xf32, #tpu.memory_space<vmem>>, vector<1x1x16xf32>,
          %get3A_363 = vector.shape_cast %get3A_362 : vector<1x1x16xf32> to vector<16xf32>
          %swap3A_364 = arith.constant 1 : i32
          %swap3A_365 = arith.index_cast %swap3A_364 : i32 to index
          %swap3A_366 = arith.index_cast %scan3A_287 : i32 to index
          %swap3A_367 = arith.constant 64 : index
          %swap3A_368 = tpu.vector_load %arg7[%swap3A_365, %swap3A_366, %swap3A_367] {strides = array<i32>} : memref<2x64x128xf32, #tpu.memory_space<vmem>>, vector<1x1x16xf32>,
          %swap3A_369 = vector.shape_cast %swap3A_368 : vector<1x1x16xf32> to vector<16xf32>
          %swap3A_370 = vector.shape_cast %get3A_363 : vector<16xf32> to vector<1x1x16xf32>
          tpu.vector_store %arg7[%swap3A_365, %swap3A_366, %swap3A_367], %swap3A_370 {strides = array<i32>} : memref<2x64x128xf32, #tpu.memory_space<vmem>>, vector<1x1x16xf32>,
          %mul3A_371 = arith.constant 2 : i32
          %mul3A_372 = arith.muli %mul3A_371, %scan3A_287 : i32
          %add3A_373 = arith.constant 1 : i32
          %add3A_374 = arith.addi %mul3A_372, %add3A_373 : i32
          %get3A_375 = arith.constant 3 : i32
          %get3A_376 = arith.index_cast %get3A_375 : i32 to index
          %get3A_377 = arith.index_cast %add3A_374 : i32 to index
          %get3A_378 = arith.constant 16 : index
          %get3A_379 = tpu.vector_load %arg6[%get3A_376, %get3A_377, %get3A_378] {strides = array<i32>} : memref<4x128x128xf32, #tpu.memory_space<vmem>>, vector<1x1x16xf32>,
          %get3A_380 = vector.shape_cast %get3A_379 : vector<1x1x16xf32> to vector<16xf32>
          %swap3A_381 = arith.constant 1 : i32
          %swap3A_382 = arith.index_cast %swap3A_381 : i32 to index
          %swap3A_383 = arith.index_cast %scan3A_287 : i32 to index
          %swap3A_384 = arith.constant 80 : index
          %swap3A_385 = tpu.vector_load %arg7[%swap3A_382, %swap3A_383, %swap3A_384] {strides = array<i32>} : memref<2x64x128xf32, #tpu.memory_space<vmem>>, vector<1x1x16xf32>,
          %swap3A_386 = vector.shape_cast %swap3A_385 : vector<1x1x16xf32> to vector<16xf32>
          %swap3A_387 = vector.shape_cast %get3A_380 : vector<16xf32> to vector<1x1x16xf32>
          tpu.vector_store %arg7[%swap3A_382, %swap3A_383, %swap3A_384], %swap3A_387 {strides = array<i32>} : memref<2x64x128xf32, #tpu.memory_space<vmem>>, vector<1x1x16xf32>,
          %mul3A_388 = arith.constant 2 : i32
          %mul3A_389 = arith.muli %mul3A_388, %scan3A_287 : i32
          %add3A_390 = arith.constant 1 : i32
          %add3A_391 = arith.addi %mul3A_389, %add3A_390 : i32
          %get3A_392 = arith.constant 3 : i32
          %get3A_393 = arith.index_cast %get3A_392 : i32 to index
          %get3A_394 = arith.index_cast %add3A_391 : i32 to index
          %get3A_395 = arith.constant 32 : index
          %get3A_396 = tpu.vector_load %arg6[%get3A_393, %get3A_394, %get3A_395] {strides = array<i32>} : memref<4x128x128xf32, #tpu.memory_space<vmem>>, vector<1x1x16xf32>,
          %get3A_397 = vector.shape_cast %get3A_396 : vector<1x1x16xf32> to vector<16xf32>
          %swap3A_398 = arith.constant 1 : i32
          %swap3A_399 = arith.index_cast %swap3A_398 : i32 to index
          %swap3A_400 = arith.index_cast %scan3A_287 : i32 to index
          %swap3A_401 = arith.constant 96 : index
          %swap3A_402 = tpu.vector_load %arg7[%swap3A_399, %swap3A_400, %swap3A_401] {strides = array<i32>} : memref<2x64x128xf32, #tpu.memory_space<vmem>>, vector<1x1x16xf32>,
          %swap3A_403 = vector.shape_cast %swap3A_402 : vector<1x1x16xf32> to vector<16xf32>
          %swap3A_404 = vector.shape_cast %get3A_397 : vector<16xf32> to vector<1x1x16xf32>
          tpu.vector_store %arg7[%swap3A_399, %swap3A_400, %swap3A_401], %swap3A_404 {strides = array<i32>} : memref<2x64x128xf32, #tpu.memory_space<vmem>>, vector<1x1x16xf32>,
          %mul3A_405 = arith.constant 2 : i32
          %mul3A_406 = arith.muli %mul3A_405, %scan3A_287 : i32
          %add3A_407 = arith.constant 1 : i32
          %add3A_408 = arith.addi %mul3A_406, %add3A_407 : i32
          %get3A_409 = arith.constant 3 : i32
          %get3A_410 = arith.index_cast %get3A_409 : i32 to index
          %get3A_411 = arith.index_cast %add3A_408 : i32 to index
          %get3A_412 = arith.constant 48 : index
          %get3A_413 = tpu.vector_load %arg6[%get3A_410, %get3A_411, %get3A_412] {strides = array<i32>} : memref<4x128x128xf32, #tpu.memory_space<vmem>>, vector<1x1x16xf32>,
          %get3A_414 = vector.shape_cast %get3A_413 : vector<1x1x16xf32> to vector<16xf32>
          %swap3A_415 = arith.constant 1 : i32
          %swap3A_416 = arith.index_cast %swap3A_415 : i32 to index
          %swap3A_417 = arith.index_cast %scan3A_287 : i32 to index
          %swap3A_418 = arith.constant 112 : index
          %swap3A_419 = tpu.vector_load %arg7[%swap3A_416, %swap3A_417, %swap3A_418] {strides = array<i32>} : memref<2x64x128xf32, #tpu.memory_space<vmem>>, vector<1x1x16xf32>,
          %swap3A_420 = vector.shape_cast %swap3A_419 : vector<1x1x16xf32> to vector<16xf32>
          %swap3A_421 = vector.shape_cast %get3A_414 : vector<16xf32> to vector<1x1x16xf32>
          tpu.vector_store %arg7[%swap3A_416, %swap3A_417, %swap3A_418], %swap3A_421 {strides = array<i32>} : memref<2x64x128xf32, #tpu.memory_space<vmem>>, vector<1x1x16xf32>,
        }
        %scan3A_263 = arith.constant 64 : i32
        %mul3A_264 = arith.constant 64 : i32
        %mul3A_265 = arith.muli %add3A_240, %mul3A_264 : i32
        %add3A_266 = arith.addi %mul3A_10, %mul3A_265 : i32
        %dma_start3A_267 = arith.constant 1 : i32
        %dma_start3A_268 = arith.constant 0 : i32
        %dma_start3A_269 = arith.constant 0 : i32
        %dma_start3A_270 = tpu.memref_slice %arg7[%dma_start3A_267, %dma_start3A_268, %dma_start3A_269] : memref<2x64x128xf32, #tpu.memory_space<vmem>> -> memref<1x64x128xf32, #tpu.memory_space<vmem>>
        %dma_start3A_271 = tpu.memref_squeeze %dma_start3A_270 : memref<1x64x128xf32, #tpu.memory_space<vmem>> -> memref<64x128xf32, #tpu.memory_space<vmem>>
        %dma_start3A_272 = arith.constant 0 : i32
        %dma_start3A_273 = tpu.memref_slice %arg4[%add3A_266, %dma_start3A_272] : memref<81920x128xf32, #tpu.memory_space<hbm>> -> memref<64x128xf32, #tpu.memory_space<hbm>>
        %dma_start3A_274 = arith.constant 0 : i32
        %dma_start3A_275 = tpu.memref_slice %arg4[%add3A_266, %dma_start3A_274] : memref<81920x128xf32, #tpu.memory_space<hbm>> -> memref<64x128xf32, #tpu.memory_space<hbm>>
        %dma_start3A_276 = arith.constant 0 : i32
        %dma_start3A_277 = arith.constant 0 : i32
        %dma_start3A_278 = tpu.memref_slice %arg7[%dma_start3A_267, %dma_start3A_276, %dma_start3A_277] : memref<2x64x128xf32, #tpu.memory_space<vmem>> -> memref<1x64x128xf32, #tpu.memory_space<vmem>>
        %dma_start3A_279 = tpu.memref_squeeze %dma_start3A_278 : memref<1x64x128xf32, #tpu.memory_space<vmem>> -> memref<64x128xf32, #tpu.memory_space<vmem>>
        tpu.enqueue_dma source(%dma_start3A_279 : memref<64x128xf32, #tpu.memory_space<vmem>>) target(%dma_start3A_275 : memref<64x128xf32, #tpu.memory_space<hbm>>) target_semaphore(%arg13 : memref<!tpu.dma_semaphore, #tpu.memory_space<semaphore_mem>>)
        %add3A_280 = arith.constant 4 : i32
        %add3A_281 = arith.addi %add3A_240, %add3A_280 : i32
        %lt3A_282 = arith.constant 40 : i32
        %lt3A_283 = arith.cmpi slt, %add3A_281, %lt3A_282 : i32
        %convert_element_type3A_284 = arith.extui %lt3A_283 : i1 to i32
        %cond3A_285 = arith.constant 0 : i32
        %cond3A_286 = arith.cmpi ne, %convert_element_type3A_284, %cond3A_285 : i32
        scf.if %cond3A_286 {
          %add3A_287 = arith.constant 4 : i32
          %add3A_288 = arith.addi %add3A_240, %add3A_287 : i32
          %dma_start3A_289 = arith.constant 3 : i32
          %dma_start3A_290 = arith.constant 0 : i32
          %dma_start3A_291 = arith.constant 0 : i32
          %dma_start3A_292 = tpu.memref_slice %arg6[%dma_start3A_289, %dma_start3A_290, %dma_start3A_291] : memref<4x128x128xf32, #tpu.memory_space<vmem>> -> memref<1x128x128xf32, #tpu.memory_space<vmem>>
          %dma_start3A_293 = tpu.memref_squeeze %dma_start3A_292 : memref<1x128x128xf32, #tpu.memory_space<vmem>> -> memref<128x128xf32, #tpu.memory_space<vmem>>
          %dma_start3A_294 = arith.constant 0 : i32
          %dma_start3A_295 = tpu.memref_slice %arg5[%add3A_288, %dma_start3A_294] : memref<40x128xi32, #tpu.memory_space<vmem>> -> memref<1x128xi32, #tpu.memory_space<vmem>>
          %dma_start3A_296 = tpu.memref_squeeze %dma_start3A_295 : memref<1x128xi32, #tpu.memory_space<vmem>> -> memref<128xi32, #tpu.memory_space<vmem>>
          %dma_start3A_297 = arith.constant 0 : i32
          %dma_start3A_298 = arith.constant 0 : i32
          %dma_start3A_299 = tpu.memref_slice %arg2[%dma_start3A_297, %dma_start3A_298] : memref<10240x128xf32, #tpu.memory_space<hbm>> -> memref<10240x128xf32, #tpu.memory_space<hbm>>
          tpu.enqueue_indirect_dma source(%dma_start3A_299 : memref<10240x128xf32, #tpu.memory_space<hbm>>) target(%dma_start3A_293 : memref<128x128xf32, #tpu.memory_space<vmem>>) offsets(%dma_start3A_296 : memref<128xi32, #tpu.memory_space<vmem>>) semaphore(%arg11 : memref<!tpu.dma_semaphore, #tpu.memory_space<semaphore_mem>>)
        } else {
        }
      }
      %scan3A_62 = arith.constant 10 : i32
      %dma_wait3A = arith.constant 0 : i32
      %dma_wait3A_63 = arith.constant 0 : i32
      %dma_wait3A_64 = arith.constant 0 : i32
      %dma_wait3A_65 = tpu.memref_slice %arg7[%dma_wait3A, %dma_wait3A_63, %dma_wait3A_64] : memref<2x64x128xf32, #tpu.memory_space<vmem>> -> memref<1x64x128xf32, #tpu.memory_space<vmem>>
      %dma_wait3A_66 = tpu.memref_squeeze %dma_wait3A_65 : memref<1x64x128xf32, #tpu.memory_space<vmem>> -> memref<64x128xf32, #tpu.memory_space<vmem>>
      %dma_wait3A_67 = arith.constant 0 : i32
      %dma_wait3A_68 = tpu.memref_slice %arg4[%mul3A_10, %dma_wait3A_67] : memref<81920x128xf32, #tpu.memory_space<hbm>> -> memref<64x128xf32, #tpu.memory_space<hbm>>
      %dma_wait3A_69 = arith.constant 0 : i32
      %dma_wait3A_70 = tpu.memref_slice %arg4[%mul3A_10, %dma_wait3A_69] : memref<81920x128xf32, #tpu.memory_space<hbm>> -> memref<64x128xf32, #tpu.memory_space<hbm>>
      %dma_wait3A_71 = arith.constant 0 : i32
      %dma_wait3A_72 = arith.constant 0 : i32
      %dma_wait3A_73 = tpu.memref_slice %arg7[%dma_wait3A, %dma_wait3A_71, %dma_wait3A_72] : memref<2x64x128xf32, #tpu.memory_space<vmem>> -> memref<1x64x128xf32, #tpu.memory_space<vmem>>
      %dma_wait3A_74 = tpu.memref_squeeze %dma_wait3A_73 : memref<1x64x128xf32, #tpu.memory_space<vmem>> -> memref<64x128xf32, #tpu.memory_space<vmem>>
      tpu.wait_dma2 semaphore(%arg12 : memref<!tpu.dma_semaphore, #tpu.memory_space<semaphore_mem>>) src(%dma_wait3A_74 : memref<64x128xf32, #tpu.memory_space<vmem>>) dst(%dma_wait3A_70 : memref<64x128xf32, #tpu.memory_space<hbm>>)
      %dma_wait3A_75 = arith.constant 1 : i32
      %dma_wait3A_76 = arith.constant 0 : i32
      %dma_wait3A_77 = arith.constant 0 : i32
      %dma_wait3A_78 = tpu.memref_slice %arg7[%dma_wait3A_75, %dma_wait3A_76, %dma_wait3A_77] : memref<2x64x128xf32, #tpu.memory_space<vmem>> -> memref<1x64x128xf32, #tpu.memory_space<vmem>>
      %dma_wait3A_79 = tpu.memref_squeeze %dma_wait3A_78 : memref<1x64x128xf32, #tpu.memory_space<vmem>> -> memref<64x128xf32, #tpu.memory_space<vmem>>
      %dma_wait3A_80 = arith.constant 0 : i32
      %dma_wait3A_81 = tpu.memref_slice %arg4[%mul3A_10, %dma_wait3A_80] : memref<81920x128xf32, #tpu.memory_space<hbm>> -> memref<64x128xf32, #tpu.memory_space<hbm>>
      %dma_wait3A_82 = arith.constant 0 : i32
      %dma_wait3A_83 = tpu.memref_slice %arg4[%mul3A_10, %dma_wait3A_82] : memref<81920x128xf32, #tpu.memory_space<hbm>> -> memref<64x128xf32, #tpu.memory_space<hbm>>
      %dma_wait3A_84 = arith.constant 0 : i32
      %dma_wait3A_85 = arith.constant 0 : i32
      %dma_wait3A_86 = tpu.memref_slice %arg7[%dma_wait3A_75, %dma_wait3A_84, %dma_wait3A_85] : memref<2x64x128xf32, #tpu.memory_space<vmem>> -> memref<1x64x128xf32, #tpu.memory_space<vmem>>
      %dma_wait3A_87 = tpu.memref_squeeze %dma_wait3A_86 : memref<1x64x128xf32, #tpu.memory_space<vmem>> -> memref<64x128xf32, #tpu.memory_space<vmem>>
      tpu.wait_dma2 semaphore(%arg13 : memref<!tpu.dma_semaphore, #tpu.memory_space<semaphore_mem>>) src(%dma_wait3A_87 : memref<64x128xf32, #tpu.memory_space<vmem>>) dst(%dma_wait3A_83 : memref<64x128xf32, #tpu.memory_space<hbm>>)
    } else {
    }
    return
  }
}

module attributes {stable_mosaic.version = 14 : i64} {
  func.func @_tc1_body(%arg0: i32, %arg1: memref<128x256xf32, #tpu.memory_space<vmem>>, %arg2: memref<256x16xf32, #tpu.memory_space<vmem>>, %arg3: memref<512x128xf32, #tpu.memory_space<vmem>>, %arg4: memref<16x128xf32, #tpu.memory_space<vmem>>, %arg5: memref<128x128xf32, #tpu.memory_space<vmem>>, %arg6: memref<1x128xf32, #tpu.memory_space<vmem>>, %arg7: memref<128x128xf32, #tpu.memory_space<vmem>>, %arg8: memref<128x128xf32, #tpu.memory_space<vmem>>, %arg9: memref<128x128xf32, #tpu.memory_space<vmem>>, %arg10: memref<128x128xf32, #tpu.memory_space<vmem>>, %arg11: memref<128x64xf32, #tpu.memory_space<vmem>>, %arg12: memref<1x64xf32, #tpu.memory_space<vmem>>, %arg13: memref<16x16xf32, #tpu.memory_space<vmem>>, %arg14: memref<1x16xf32, #tpu.memory_space<vmem>>, %arg15: memref<16x64xf32, #tpu.memory_space<vmem>>, %arg16: memref<64x64xf32, #tpu.memory_space<vmem>>, %arg17: memref<1x64xf32, #tpu.memory_space<vmem>>, %arg18: memref<16x128xf32, #tpu.memory_space<vmem>>, %arg19: memref<64x128xf32, #tpu.memory_space<vmem>>, %arg20: memref<256x64xf32, #tpu.memory_space<vmem>>, %arg21: memref<256x128xf32, #tpu.memory_space<vmem>>, %arg22: memref<256x16xf32, #tpu.memory_space<vmem>>) attributes {dimension_semantics = [#tpu.dimension_semantics<arbitrary>], iteration_bounds = array<i64: 40>, scalar_prefetch = 0 : i64, scratch_operands = 0 : i64, tpu.core_type = #tpu.core_type<tc>, window_params = [{transform_indices = @transform_0, window_bounds = array<i64: 128, 256>}, {transform_indices = @transform_1, window_bounds = array<i64: 256, 16>}, {transform_indices = @transform_2, window_bounds = array<i64: 512, 128>}, {pipeline_mode = #tpu.pipeline_mode<synchronous>, transform_indices = @transform_3, window_bounds = array<i64: 16, 128>}, {pipeline_mode = #tpu.pipeline_mode<synchronous>, transform_indices = @transform_4, window_bounds = array<i64: 128, 128>}, {pipeline_mode = #tpu.pipeline_mode<synchronous>, transform_indices = @transform_5, window_bounds = array<i64: 1, 128>}, {pipeline_mode = #tpu.pipeline_mode<synchronous>, transform_indices = @transform_6, window_bounds = array<i64: 128, 128>}, {pipeline_mode = #tpu.pipeline_mode<synchronous>, transform_indices = @transform_7, window_bounds = array<i64: 128, 128>}, {pipeline_mode = #tpu.pipeline_mode<synchronous>, transform_indices = @transform_8, window_bounds = array<i64: 128, 128>}, {pipeline_mode = #tpu.pipeline_mode<synchronous>, transform_indices = @transform_9, window_bounds = array<i64: 128, 128>}, {pipeline_mode = #tpu.pipeline_mode<synchronous>, transform_indices = @transform_10, window_bounds = array<i64: 128, 64>}, {pipeline_mode = #tpu.pipeline_mode<synchronous>, transform_indices = @transform_11, window_bounds = array<i64: 1, 64>}, {pipeline_mode = #tpu.pipeline_mode<synchronous>, transform_indices = @transform_12, window_bounds = array<i64: 16, 16>}, {pipeline_mode = #tpu.pipeline_mode<synchronous>, transform_indices = @transform_13, window_bounds = array<i64: 1, 16>}, {pipeline_mode = #tpu.pipeline_mode<synchronous>, transform_indices = @transform_14, window_bounds = array<i64: 16, 64>}, {pipeline_mode = #tpu.pipeline_mode<synchronous>, transform_indices = @transform_15, window_bounds = array<i64: 64, 64>}, {pipeline_mode = #tpu.pipeline_mode<synchronous>, transform_indices = @transform_16, window_bounds = array<i64: 1, 64>}, {pipeline_mode = #tpu.pipeline_mode<synchronous>, transform_indices = @transform_17, window_bounds = array<i64: 16, 128>}, {pipeline_mode = #tpu.pipeline_mode<synchronous>, transform_indices = @transform_18, window_bounds = array<i64: 64, 128>}, {transform_indices = @transform_19, window_bounds = array<i64: 256, 64>}, {transform_indices = @transform_20, window_bounds = array<i64: 256, 128>}, {transform_indices = @transform_21, window_bounds = array<i64: 256, 16>}]} {
    %get3A = arith.constant 0 : index
    %get3A_0 = arith.constant 0 : index
    %get3A_1 = vector.load %arg2[%get3A, %get3A_0] : memref<256x16xf32, #tpu.memory_space<vmem>>, vector<256x16xf32>
    %get3A_2 = arith.constant 0 : index
    %get3A_3 = arith.constant 0 : index
    %get3A_4 = vector.load %arg3[%get3A_2, %get3A_3] : memref<512x128xf32, #tpu.memory_space<vmem>>, vector<512x128xf32>
    %get3A_5 = arith.constant 0 : index
    %get3A_6 = arith.constant 0 : index
    %get3A_7 = vector.load %arg4[%get3A_5, %get3A_6] : memref<16x128xf32, #tpu.memory_space<vmem>>, vector<16x128xf32>
    %dot_general3A = arith.constant dense<0.000000e+00> : vector<256x128xf32>
    %dot_general3A_8 = tpu.matmul %get3A_1, %get3A_7, %dot_general3A {dimension_numbers = #tpu.dot_dimension_numbers<[1], [0], [0], [1], [0, 0, 1, 1], [], []>, transpose_lhs_hint = false} : vector<256x16xf32>, vector<16x128xf32>, vector<256x128xf32> -> vector<256x128xf32>
    %broadcast_in_dim3A = vector.shape_cast %dot_general3A_8 : vector<256x128xf32> to vector<256x1x128xf32>
    %broadcast_in_dim3A_9 = vector.shape_cast %broadcast_in_dim3A : vector<256x1x128xf32> to vector<256x1x128xf32>
    %broadcast_in_dim3A_10 = vector.broadcast %broadcast_in_dim3A_9 : vector<256x1x128xf32> to vector<256x2x128xf32>
    %reshape3A = vector.shape_cast %broadcast_in_dim3A_10 : vector<256x2x128xf32> to vector<512x128xf32>
    %sub3A = arith.subf %reshape3A, %get3A_4 : vector<512x128xf32>
    %mul3A = arith.mulf %sub3A, %sub3A : vector<512x128xf32>
    %get3A_11 = arith.constant 0 : index
    %get3A_12 = arith.constant 0 : index
    %get3A_13 = vector.load %arg5[%get3A_11, %get3A_12] : memref<128x128xf32, #tpu.memory_space<vmem>>, vector<128x128xf32>
    %dot_general3A_14 = arith.constant dense<0.000000e+00> : vector<512x128xf32>
    %dot_general3A_15 = tpu.matmul %mul3A, %get3A_13, %dot_general3A_14 {dimension_numbers = #tpu.dot_dimension_numbers<[1], [0], [0], [1], [0, 0, 1, 1], [], []>, transpose_lhs_hint = false} : vector<512x128xf32>, vector<128x128xf32>, vector<512x128xf32> -> vector<512x128xf32>
    %add3A = arith.constant 9.99999996E-13 : f32
    %add3A_16 = vector.broadcast %add3A : f32 to vector<512x128xf32>
    %add3A_17 = arith.addf %dot_general3A_15, %add3A_16 : vector<512x128xf32>
    %sqrt3A = math.sqrt %add3A_17 : vector<512x128xf32>
    %get3A_18 = arith.constant 0 : index
    %get3A_19 = arith.constant 0 : index
    %get3A_20 = vector.load %arg6[%get3A_18, %get3A_19] : memref<1x128xf32, #tpu.memory_space<vmem>>, vector<1x128xf32>
    %mul3A_21 = vector.broadcast %get3A_20 : vector<1x128xf32> to vector<512x128xf32>
    %mul3A_22 = arith.mulf %sqrt3A, %mul3A_21 : vector<512x128xf32>
    %get3A_23 = arith.constant 0 : index
    %get3A_24 = arith.constant 0 : index
    %get3A_25 = vector.load %arg7[%get3A_23, %get3A_24] : memref<128x128xf32, #tpu.memory_space<vmem>>, vector<128x128xf32>
    %dot_general3A_26 = arith.constant dense<0.000000e+00> : vector<512x128xf32>
    %dot_general3A_27 = tpu.matmul %reshape3A, %get3A_25, %dot_general3A_26 {dimension_numbers = #tpu.dot_dimension_numbers<[1], [0], [0], [1], [0, 0, 1, 1], [], []>, transpose_lhs_hint = false} : vector<512x128xf32>, vector<128x128xf32>, vector<512x128xf32> -> vector<512x128xf32>
    %add3A_28 = arith.addf %mul3A_22, %dot_general3A_27 : vector<512x128xf32>
    %get3A_29 = arith.constant 0 : index
    %get3A_30 = arith.constant 0 : index
    %get3A_31 = vector.load %arg8[%get3A_29, %get3A_30] : memref<128x128xf32, #tpu.memory_space<vmem>>, vector<128x128xf32>
    %dot_general3A_32 = arith.constant dense<0.000000e+00> : vector<512x128xf32>
    %dot_general3A_33 = tpu.matmul %get3A_4, %get3A_31, %dot_general3A_32 {dimension_numbers = #tpu.dot_dimension_numbers<[1], [0], [0], [1], [0, 0, 1, 1], [], []>, transpose_lhs_hint = false} : vector<512x128xf32>, vector<128x128xf32>, vector<512x128xf32> -> vector<512x128xf32>
    %add3A_34 = arith.addf %add3A_28, %dot_general3A_33 : vector<512x128xf32>
    %get3A_35 = arith.constant 0 : index
    %get3A_36 = arith.constant 0 : index
    %get3A_37 = vector.load %arg9[%get3A_35, %get3A_36] : memref<128x128xf32, #tpu.memory_space<vmem>>, vector<128x128xf32>
    %dot_general3A_38 = arith.constant dense<0.000000e+00> : vector<512x128xf32>
    %dot_general3A_39 = tpu.matmul %add3A_34, %get3A_37, %dot_general3A_38 {dimension_numbers = #tpu.dot_dimension_numbers<[1], [0], [0], [1], [0, 0, 1, 1], [], []>, transpose_lhs_hint = false} : vector<512x128xf32>, vector<128x128xf32>, vector<512x128xf32> -> vector<512x128xf32>
    %exp3A = math.exp %dot_general3A_39 : vector<512x128xf32>
    %reshape3A_40 = vector.shape_cast %exp3A : vector<512x128xf32> to vector<256x2x128xf32>
    %reduce_sum3A = arith.constant dense<0.000000e+00> : vector<256x128xf32>
    %reduce_sum3A_41 = vector.multi_reduction <add>, %reshape3A_40, %reduce_sum3A [1] : vector<256x2x128xf32> to vector<256x128xf32>
    %get3A_42 = arith.constant 0 : index
    %get3A_43 = arith.constant 0 : index
    %get3A_44 = vector.load %arg10[%get3A_42, %get3A_43] : memref<128x128xf32, #tpu.memory_space<vmem>>, vector<128x128xf32>
    %dot_general3A_45 = arith.constant dense<0.000000e+00> : vector<256x128xf32>
    %dot_general3A_46 = tpu.matmul %reduce_sum3A_41, %get3A_44, %dot_general3A_45 {dimension_numbers = #tpu.dot_dimension_numbers<[1], [0], [0], [1], [0, 0, 1, 1], [], []>, transpose_lhs_hint = false} : vector<256x128xf32>, vector<128x128xf32>, vector<256x128xf32> -> vector<256x128xf32>
    %broadcast_in_dim3A_47 = vector.shape_cast %dot_general3A_46 : vector<256x128xf32> to vector<256x1x128xf32>
    %broadcast_in_dim3A_48 = vector.shape_cast %broadcast_in_dim3A_47 : vector<256x1x128xf32> to vector<256x1x128xf32>
    %broadcast_in_dim3A_49 = vector.broadcast %broadcast_in_dim3A_48 : vector<256x1x128xf32> to vector<256x2x128xf32>
    %reshape3A_50 = vector.shape_cast %broadcast_in_dim3A_49 : vector<256x2x128xf32> to vector<512x128xf32>
    %div3A = arith.divf %exp3A, %reshape3A_50 : vector<512x128xf32>
    %mul3A_51 = arith.mulf %add3A_34, %div3A : vector<512x128xf32>
    %reshape3A_52 = vector.shape_cast %mul3A_51 : vector<512x128xf32> to vector<256x2x128xf32>
    %reduce_sum3A_53 = arith.constant dense<0.000000e+00> : vector<256x128xf32>
    %reduce_sum3A_54 = vector.multi_reduction <add>, %reshape3A_52, %reduce_sum3A_53 [1] : vector<256x2x128xf32> to vector<256x128xf32>
    %get3A_55 = arith.constant 0 : index
    %get3A_56 = arith.constant 0 : index
    %get3A_57 = vector.load %arg10[%get3A_55, %get3A_56] : memref<128x128xf32, #tpu.memory_space<vmem>>, vector<128x128xf32>
    %dot_general3A_58 = arith.constant dense<0.000000e+00> : vector<256x128xf32>
    %dot_general3A_59 = tpu.matmul %reduce_sum3A_54, %get3A_57, %dot_general3A_58 {dimension_numbers = #tpu.dot_dimension_numbers<[1], [0], [0], [1], [0, 0, 1, 1], [], []>, transpose_lhs_hint = false} : vector<256x128xf32>, vector<128x128xf32>, vector<256x128xf32> -> vector<256x128xf32>
    %slice3A = vector.extract_strided_slice %dot_general3A_59 {offsets = [0, 0], sizes = [256, 16], strides = [1, 1]} : vector<256x128xf32> to vector<256x16xf32>
    %get3A_60 = arith.constant 0 : index
    %get3A_61 = arith.constant 0 : index
    %get3A_62 = vector.load %arg13[%get3A_60, %get3A_61] : memref<16x16xf32, #tpu.memory_space<vmem>>, vector<16x16xf32>
    %dot_general3A_63 = arith.constant dense<0.000000e+00> : vector<256x16xf32>
    %dot_general3A_64 = tpu.matmul %slice3A, %get3A_62, %dot_general3A_63 {dimension_numbers = #tpu.dot_dimension_numbers<[1], [0], [0], [1], [0, 0, 1, 1], [], []>, transpose_lhs_hint = false} : vector<256x16xf32>, vector<16x16xf32>, vector<256x16xf32> -> vector<256x16xf32>
    %get3A_65 = arith.constant 0 : index
    %get3A_66 = arith.constant 0 : index
    %get3A_67 = vector.load %arg14[%get3A_65, %get3A_66] : memref<1x16xf32, #tpu.memory_space<vmem>>, vector<1x16xf32>
    %add3A_68 = vector.broadcast %get3A_67 : vector<1x16xf32> to vector<256x16xf32>
    %add3A_69 = arith.addf %dot_general3A_64, %add3A_68 : vector<256x16xf32>
    %max3A = arith.constant 0.000000e+00 : f32
    %max3A_70 = vector.broadcast %max3A : f32 to vector<256x16xf32>
    %max3A_71 = arith.maximumf %add3A_69, %max3A_70 : vector<256x16xf32>
    %get3A_72 = arith.constant 0 : index
    %get3A_73 = arith.constant 0 : index
    %get3A_74 = vector.load %arg1[%get3A_72, %get3A_73] : memref<128x256xf32, #tpu.memory_space<vmem>>, vector<128x256xf32>
    %get3A_75 = arith.constant 0 : index
    %get3A_76 = arith.constant 0 : index
    %get3A_77 = vector.load %arg11[%get3A_75, %get3A_76] : memref<128x64xf32, #tpu.memory_space<vmem>>, vector<128x64xf32>
    %dot_general3A_78 = arith.constant dense<0.000000e+00> : vector<256x64xf32>
    %dot_general3A_79 = tpu.matmul %get3A_74, %get3A_77, %dot_general3A_78 {dimension_numbers = #tpu.dot_dimension_numbers<[0], [0], [1], [1], [0, 1, 1, 1], [], []>, transpose_lhs_hint = false} : vector<128x256xf32>, vector<128x64xf32>, vector<256x64xf32> -> vector<256x64xf32>
    %get3A_80 = arith.constant 0 : index
    %get3A_81 = arith.constant 0 : index
    %get3A_82 = vector.load %arg12[%get3A_80, %get3A_81] : memref<1x64xf32, #tpu.memory_space<vmem>>, vector<1x64xf32>
    %add3A_83 = vector.broadcast %get3A_82 : vector<1x64xf32> to vector<256x64xf32>
    %add3A_84 = arith.addf %dot_general3A_79, %add3A_83 : vector<256x64xf32>
    %max3A_85 = arith.constant 0.000000e+00 : f32
    %max3A_86 = vector.broadcast %max3A_85 : f32 to vector<256x64xf32>
    %max3A_87 = arith.maximumf %add3A_84, %max3A_86 : vector<256x64xf32>
    %get3A_88 = arith.constant 0 : index
    %get3A_89 = arith.constant 0 : index
    %get3A_90 = vector.load %arg15[%get3A_88, %get3A_89] : memref<16x64xf32, #tpu.memory_space<vmem>>, vector<16x64xf32>
    %dot_general3A_91 = arith.constant dense<0.000000e+00> : vector<256x64xf32>
    %dot_general3A_92 = tpu.matmul %max3A_71, %get3A_90, %dot_general3A_91 {dimension_numbers = #tpu.dot_dimension_numbers<[1], [0], [0], [1], [0, 0, 1, 1], [], []>, transpose_lhs_hint = false} : vector<256x16xf32>, vector<16x64xf32>, vector<256x64xf32> -> vector<256x64xf32>
    %get3A_93 = arith.constant 0 : index
    %get3A_94 = arith.constant 0 : index
    %get3A_95 = vector.load %arg16[%get3A_93, %get3A_94] : memref<64x64xf32, #tpu.memory_space<vmem>>, vector<64x64xf32>
    %dot_general3A_96 = arith.constant dense<0.000000e+00> : vector<256x64xf32>
    %dot_general3A_97 = tpu.matmul %max3A_87, %get3A_95, %dot_general3A_96 {dimension_numbers = #tpu.dot_dimension_numbers<[1], [0], [0], [1], [0, 0, 1, 1], [], []>, transpose_lhs_hint = false} : vector<256x64xf32>, vector<64x64xf32>, vector<256x64xf32> -> vector<256x64xf32>
    %add3A_98 = arith.addf %dot_general3A_92, %dot_general3A_97 : vector<256x64xf32>
    %get3A_99 = arith.constant 0 : index
    %get3A_100 = arith.constant 0 : index
    %get3A_101 = vector.load %arg17[%get3A_99, %get3A_100] : memref<1x64xf32, #tpu.memory_space<vmem>>, vector<1x64xf32>
    %add3A_102 = vector.broadcast %get3A_101 : vector<1x64xf32> to vector<256x64xf32>
    %add3A_103 = arith.addf %add3A_98, %add3A_102 : vector<256x64xf32>
    %swap3A = arith.constant 0 : index
    %swap3A_104 = arith.constant 0 : index
    %swap3A_105 = vector.load %arg20[%swap3A, %swap3A_104] : memref<256x64xf32, #tpu.memory_space<vmem>>, vector<256x64xf32>
    tpu.vector_store %arg20[%swap3A, %swap3A_104], %add3A_103 {strides = array<i32>} : memref<256x64xf32, #tpu.memory_space<vmem>>, vector<256x64xf32>,
    %get3A_106 = arith.constant 0 : index
    %get3A_107 = arith.constant 0 : index
    %get3A_108 = vector.load %arg18[%get3A_106, %get3A_107] : memref<16x128xf32, #tpu.memory_space<vmem>>, vector<16x128xf32>
    %dot_general3A_109 = arith.constant dense<0.000000e+00> : vector<256x128xf32>
    %dot_general3A_110 = tpu.matmul %max3A_71, %get3A_108, %dot_general3A_109 {dimension_numbers = #tpu.dot_dimension_numbers<[1], [0], [0], [1], [0, 0, 1, 1], [], []>, transpose_lhs_hint = false} : vector<256x16xf32>, vector<16x128xf32>, vector<256x128xf32> -> vector<256x128xf32>
    %get3A_111 = arith.constant 0 : index
    %get3A_112 = arith.constant 0 : index
    %get3A_113 = vector.load %arg19[%get3A_111, %get3A_112] : memref<64x128xf32, #tpu.memory_space<vmem>>, vector<64x128xf32>
    %dot_general3A_114 = arith.constant dense<0.000000e+00> : vector<256x128xf32>
    %dot_general3A_115 = tpu.matmul %max3A_87, %get3A_113, %dot_general3A_114 {dimension_numbers = #tpu.dot_dimension_numbers<[1], [0], [0], [1], [0, 0, 1, 1], [], []>, transpose_lhs_hint = false} : vector<256x64xf32>, vector<64x128xf32>, vector<256x128xf32> -> vector<256x128xf32>
    %add3A_116 = arith.addf %dot_general3A_110, %dot_general3A_115 : vector<256x128xf32>
    %swap3A_117 = arith.constant 0 : index
    %swap3A_118 = arith.constant 0 : index
    %swap3A_119 = vector.load %arg21[%swap3A_117, %swap3A_118] : memref<256x128xf32, #tpu.memory_space<vmem>>, vector<256x128xf32>
    tpu.vector_store %arg21[%swap3A_117, %swap3A_118], %add3A_116 {strides = array<i32>} : memref<256x128xf32, #tpu.memory_space<vmem>>, vector<256x128xf32>,
    %swap3A_120 = arith.constant 0 : index
    %swap3A_121 = arith.constant 0 : index
    %swap3A_122 = vector.load %arg22[%swap3A_120, %swap3A_121] : memref<256x16xf32, #tpu.memory_space<vmem>>, vector<256x16xf32>
    tpu.vector_store %arg22[%swap3A_120, %swap3A_121], %max3A_71 {strides = array<i32>} : memref<256x16xf32, #tpu.memory_space<vmem>>, vector<256x16xf32>,
    return
  }
  func.func @transform_0(%arg0: i32) -> (i32, i32) {
    %c0_i32 = arith.constant 0 : i32
    %c0_i32_0 = arith.constant 0 : i32
    return %c0_i32, %arg0 : i32, i32
  }
  func.func @transform_1(%arg0: i32) -> (i32, i32) {
    %c0_i32 = arith.constant 0 : i32
    %c0_i32_0 = arith.constant 0 : i32
    return %arg0, %c0_i32 : i32, i32
  }
  func.func @transform_2(%arg0: i32) -> (i32, i32) {
    %c0_i32 = arith.constant 0 : i32
    %c0_i32_0 = arith.constant 0 : i32
    return %arg0, %c0_i32 : i32, i32
  }
  func.func @transform_3(%arg0: i32) -> (i32, i32) {
    %c0_i32 = arith.constant 0 : i32
    %c0_i32_0 = arith.constant 0 : i32
    %c0_i32_1 = arith.constant 0 : i32
    return %c0_i32, %c0_i32_0 : i32, i32
  }
  func.func @transform_4(%arg0: i32) -> (i32, i32) {
    %c0_i32 = arith.constant 0 : i32
    %c0_i32_0 = arith.constant 0 : i32
    %c0_i32_1 = arith.constant 0 : i32
    return %c0_i32, %c0_i32_0 : i32, i32
  }
  func.func @transform_5(%arg0: i32) -> (i32, i32) {
    %c0_i32 = arith.constant 0 : i32
    %c0_i32_0 = arith.constant 0 : i32
    %c0_i32_1 = arith.constant 0 : i32
    return %c0_i32, %c0_i32_0 : i32, i32
  }
  func.func @transform_6(%arg0: i32) -> (i32, i32) {
    %c0_i32 = arith.constant 0 : i32
    %c0_i32_0 = arith.constant 0 : i32
    %c0_i32_1 = arith.constant 0 : i32
    return %c0_i32, %c0_i32_0 : i32, i32
  }
  func.func @transform_7(%arg0: i32) -> (i32, i32) {
    %c0_i32 = arith.constant 0 : i32
    %c0_i32_0 = arith.constant 0 : i32
    %c0_i32_1 = arith.constant 0 : i32
    return %c0_i32, %c0_i32_0 : i32, i32
  }
  func.func @transform_8(%arg0: i32) -> (i32, i32) {
    %c0_i32 = arith.constant 0 : i32
    %c0_i32_0 = arith.constant 0 : i32
    %c0_i32_1 = arith.constant 0 : i32
    return %c0_i32, %c0_i32_0 : i32, i32
  }
  func.func @transform_9(%arg0: i32) -> (i32, i32) {
    %c0_i32 = arith.constant 0 : i32
    %c0_i32_0 = arith.constant 0 : i32
    %c0_i32_1 = arith.constant 0 : i32
    return %c0_i32, %c0_i32_0 : i32, i32
  }
  func.func @transform_10(%arg0: i32) -> (i32, i32) {
    %c0_i32 = arith.constant 0 : i32
    %c0_i32_0 = arith.constant 0 : i32
    %c0_i32_1 = arith.constant 0 : i32
    return %c0_i32, %c0_i32_0 : i32, i32
  }
  func.func @transform_11(%arg0: i32) -> (i32, i32) {
    %c0_i32 = arith.constant 0 : i32
    %c0_i32_0 = arith.constant 0 : i32
    %c0_i32_1 = arith.constant 0 : i32
    return %c0_i32, %c0_i32_0 : i32, i32
  }
  func.func @transform_12(%arg0: i32) -> (i32, i32) {
    %c0_i32 = arith.constant 0 : i32
    %c0_i32_0 = arith.constant 0 : i32
    %c0_i32_1 = arith.constant 0 : i32
    return %c0_i32, %c0_i32_0 : i32, i32
  }
  func.func @transform_13(%arg0: i32) -> (i32, i32) {
    %c0_i32 = arith.constant 0 : i32
    %c0_i32_0 = arith.constant 0 : i32
    %c0_i32_1 = arith.constant 0 : i32
    return %c0_i32, %c0_i32_0 : i32, i32
  }
  func.func @transform_14(%arg0: i32) -> (i32, i32) {
    %c0_i32 = arith.constant 0 : i32
    %c0_i32_0 = arith.constant 0 : i32
    %c0_i32_1 = arith.constant 0 : i32
    return %c0_i32, %c0_i32_0 : i32, i32
  }
  func.func @transform_15(%arg0: i32) -> (i32, i32) {
    %c0_i32 = arith.constant 0 : i32
    %c0_i32_0 = arith.constant 0 : i32
    %c0_i32_1 = arith.constant 0 : i32
    return %c0_i32, %c0_i32_0 : i32, i32
  }
  func.func @transform_16(%arg0: i32) -> (i32, i32) {
    %c0_i32 = arith.constant 0 : i32
    %c0_i32_0 = arith.constant 0 : i32
    %c0_i32_1 = arith.constant 0 : i32
    return %c0_i32, %c0_i32_0 : i32, i32
  }
  func.func @transform_17(%arg0: i32) -> (i32, i32) {
    %c0_i32 = arith.constant 0 : i32
    %c0_i32_0 = arith.constant 0 : i32
    %c0_i32_1 = arith.constant 0 : i32
    return %c0_i32, %c0_i32_0 : i32, i32
  }
  func.func @transform_18(%arg0: i32) -> (i32, i32) {
    %c0_i32 = arith.constant 0 : i32
    %c0_i32_0 = arith.constant 0 : i32
    %c0_i32_1 = arith.constant 0 : i32
    return %c0_i32, %c0_i32_0 : i32, i32
  }
  func.func @transform_19(%arg0: i32) -> (i32, i32) {
    %c0_i32 = arith.constant 0 : i32
    %c0_i32_0 = arith.constant 0 : i32
    return %arg0, %c0_i32 : i32, i32
  }
  func.func @transform_20(%arg0: i32) -> (i32, i32) {
    %c0_i32 = arith.constant 0 : i32
    %c0_i32_0 = arith.constant 0 : i32
    return %arg0, %c0_i32 : i32, i32
  }
  func.func @transform_21(%arg0: i32) -> (i32, i32) {
    %c0_i32 = arith.constant 0 : i32
    %c0_i32_0 = arith.constant 0 : i32
    return %arg0, %c0_i32 : i32, i32
  }
}

module attributes {stable_mosaic.version = 14 : i64} {
  func.func @_tc2_body(%arg0: i32, %arg1: memref<2048x128xf32, #tpu.memory_space<vmem>>, %arg2: memref<256x64xf32, #tpu.memory_space<vmem>>, %arg3: memref<128x256xf32, #tpu.memory_space<vmem>>, %arg4: memref<64x128xf32, #tpu.memory_space<vmem>>, %arg5: memref<128x256xf32, #tpu.memory_space<vmem>>, %arg6: memref<1x128xf32, #tpu.memory_space<vmem>>, %arg7: memref<256x128xf32, #tpu.memory_space<vmem>>, %arg8: memref<256x128xf32, #tpu.memory_space<vmem>>, %arg9: memref<1x256xf32, #tpu.memory_space<vmem>>, %arg10: memref<256x256xf32, #tpu.memory_space<vmem>>) attributes {dimension_semantics = [#tpu.dimension_semantics<arbitrary>], iteration_bounds = array<i64: 40>, scalar_prefetch = 0 : i64, scratch_operands = 0 : i64, tpu.core_type = #tpu.core_type<tc>, window_params = [{transform_indices = @transform_0, window_bounds = array<i64: 2048, 128>}, {transform_indices = @transform_1, window_bounds = array<i64: 256, 64>}, {transform_indices = @transform_2, window_bounds = array<i64: 128, 256>}, {pipeline_mode = #tpu.pipeline_mode<synchronous>, transform_indices = @transform_3, window_bounds = array<i64: 64, 128>}, {pipeline_mode = #tpu.pipeline_mode<synchronous>, transform_indices = @transform_4, window_bounds = array<i64: 128, 256>}, {pipeline_mode = #tpu.pipeline_mode<synchronous>, transform_indices = @transform_5, window_bounds = array<i64: 1, 128>}, {pipeline_mode = #tpu.pipeline_mode<synchronous>, transform_indices = @transform_6, window_bounds = array<i64: 256, 128>}, {pipeline_mode = #tpu.pipeline_mode<synchronous>, transform_indices = @transform_7, window_bounds = array<i64: 256, 128>}, {pipeline_mode = #tpu.pipeline_mode<synchronous>, transform_indices = @transform_8, window_bounds = array<i64: 1, 256>}, {transform_indices = @transform_9, window_bounds = array<i64: 256, 256>}]} {
    %get3A = arith.constant 0 : index
    %get3A_0 = arith.constant 0 : index
    %get3A_1 = vector.load %arg1[%get3A, %get3A_0] : memref<2048x128xf32, #tpu.memory_space<vmem>>, vector<2048x128xf32>
    %get3A_2 = arith.constant 0 : index
    %get3A_3 = arith.constant 0 : index
    %get3A_4 = vector.load %arg2[%get3A_2, %get3A_3] : memref<256x64xf32, #tpu.memory_space<vmem>>, vector<256x64xf32>
    %get3A_5 = arith.constant 0 : index
    %get3A_6 = arith.constant 0 : index
    %get3A_7 = vector.load %arg4[%get3A_5, %get3A_6] : memref<64x128xf32, #tpu.memory_space<vmem>>, vector<64x128xf32>
    %dot_general3A = arith.constant dense<0.000000e+00> : vector<256x128xf32>
    %dot_general3A_8 = tpu.matmul %get3A_4, %get3A_7, %dot_general3A {dimension_numbers = #tpu.dot_dimension_numbers<[1], [0], [0], [1], [0, 0, 1, 1], [], []>, transpose_lhs_hint = false} : vector<256x64xf32>, vector<64x128xf32>, vector<256x128xf32> -> vector<256x128xf32>
    %broadcast_in_dim3A = vector.shape_cast %dot_general3A_8 : vector<256x128xf32> to vector<256x1x128xf32>
    %broadcast_in_dim3A_9 = vector.shape_cast %broadcast_in_dim3A : vector<256x1x128xf32> to vector<256x1x128xf32>
    %broadcast_in_dim3A_10 = vector.broadcast %broadcast_in_dim3A_9 : vector<256x1x128xf32> to vector<256x8x128xf32>
    %reshape3A = vector.shape_cast %broadcast_in_dim3A_10 : vector<256x8x128xf32> to vector<2048x128xf32>
    %add3A = arith.addf %get3A_1, %reshape3A : vector<2048x128xf32>
    %max3A = arith.constant 0.000000e+00 : f32
    %max3A_11 = vector.broadcast %max3A : f32 to vector<2048x128xf32>
    %max3A_12 = arith.maximumf %add3A, %max3A_11 : vector<2048x128xf32>
    %get3A_13 = arith.constant 0 : index
    %get3A_14 = arith.constant 0 : index
    %get3A_15 = vector.load %arg5[%get3A_13, %get3A_14] : memref<128x256xf32, #tpu.memory_space<vmem>>, vector<128x256xf32>
    %dot_general3A_16 = arith.constant dense<0.000000e+00> : vector<2048x256xf32>
    %dot_general3A_17 = tpu.matmul %max3A_12, %get3A_15, %dot_general3A_16 {dimension_numbers = #tpu.dot_dimension_numbers<[1], [0], [0], [1], [0, 0, 1, 1], [], []>, precision = #tpu.contract_precision<fp32>, transpose_lhs_hint = false} : vector<2048x128xf32>, vector<128x256xf32>, vector<2048x256xf32> -> vector<2048x256xf32>
    %reshape3A_18 = vector.shape_cast %dot_general3A_17 : vector<2048x256xf32> to vector<256x8x256xf32>
    %reduce_max3A = arith.constant dense<0xFF800000> : vector<256x256xf32>
    %reduce_max3A_19 = vector.multi_reduction <maximumf>, %reshape3A_18, %reduce_max3A [1] : vector<256x8x256xf32> to vector<256x256xf32>
    %slice3A = vector.extract_strided_slice %reduce_max3A_19 {offsets = [0, 0], sizes = [256, 128], strides = [1, 1]} : vector<256x256xf32> to vector<256x128xf32>
    %slice3A_20 = vector.extract_strided_slice %reduce_max3A_19 {offsets = [0, 128], sizes = [256, 128], strides = [1, 1]} : vector<256x256xf32> to vector<256x128xf32>
    %max3A_21 = arith.maximumf %slice3A, %slice3A_20 : vector<256x128xf32>
    %get3A_22 = arith.constant 0 : index
    %get3A_23 = arith.constant 0 : index
    %get3A_24 = vector.load %arg6[%get3A_22, %get3A_23] : memref<1x128xf32, #tpu.memory_space<vmem>>, vector<1x128xf32>
    %add3A_25 = vector.broadcast %get3A_24 : vector<1x128xf32> to vector<256x128xf32>
    %add3A_26 = arith.addf %max3A_21, %add3A_25 : vector<256x128xf32>
    %max3A_27 = arith.constant 0.000000e+00 : f32
    %max3A_28 = vector.broadcast %max3A_27 : f32 to vector<256x128xf32>
    %max3A_29 = arith.maximumf %add3A_26, %max3A_28 : vector<256x128xf32>
    %get3A_30 = arith.constant 0 : index
    %get3A_31 = arith.constant 0 : index
    %get3A_32 = vector.load %arg7[%get3A_30, %get3A_31] : memref<256x128xf32, #tpu.memory_space<vmem>>, vector<256x128xf32>
    %dot_general3A_33 = arith.constant dense<0.000000e+00> : vector<256x256xf32>
    %dot_general3A_34 = tpu.matmul %max3A_29, %get3A_32, %dot_general3A_33 {dimension_numbers = #tpu.dot_dimension_numbers<[1], [1], [0], [0], [0, 0, 1, 0], [], []>, transpose_lhs_hint = false} : vector<256x128xf32>, vector<256x128xf32>, vector<256x256xf32> -> vector<256x256xf32>
    %get3A_35 = arith.constant 0 : index
    %get3A_36 = arith.constant 0 : index
    %get3A_37 = vector.load %arg3[%get3A_35, %get3A_36] : memref<128x256xf32, #tpu.memory_space<vmem>>, vector<128x256xf32>
    %get3A_38 = arith.constant 0 : index
    %get3A_39 = arith.constant 0 : index
    %get3A_40 = vector.load %arg8[%get3A_38, %get3A_39] : memref<256x128xf32, #tpu.memory_space<vmem>>, vector<256x128xf32>
    %dot_general3A_41 = arith.constant dense<0.000000e+00> : vector<256x256xf32>
    %dot_general3A_42 = tpu.matmul %get3A_37, %get3A_40, %dot_general3A_41 {dimension_numbers = #tpu.dot_dimension_numbers<[0], [1], [1], [0], [0, 1, 1, 0], [], []>, transpose_lhs_hint = false} : vector<128x256xf32>, vector<256x128xf32>, vector<256x256xf32> -> vector<256x256xf32>
    %add3A_43 = arith.addf %dot_general3A_34, %dot_general3A_42 : vector<256x256xf32>
    %get3A_44 = arith.constant 0 : index
    %get3A_45 = arith.constant 0 : index
    %get3A_46 = vector.load %arg9[%get3A_44, %get3A_45] : memref<1x256xf32, #tpu.memory_space<vmem>>, vector<1x256xf32>
    %add3A_47 = vector.broadcast %get3A_46 : vector<1x256xf32> to vector<256x256xf32>
    %add3A_48 = arith.addf %add3A_43, %add3A_47 : vector<256x256xf32>
    %mul3A = arith.constant 2.000000e-01 : f32
    %mul3A_49 = vector.broadcast %mul3A : f32 to vector<256x256xf32>
    %mul3A_50 = arith.mulf %mul3A_49, %add3A_48 : vector<256x256xf32>
    %max3A_51 = arith.maximumf %add3A_48, %mul3A_50 : vector<256x256xf32>
    %swap3A = arith.constant 0 : index
    %swap3A_52 = arith.constant 0 : index
    %swap3A_53 = vector.load %arg10[%swap3A, %swap3A_52] : memref<256x256xf32, #tpu.memory_space<vmem>>, vector<256x256xf32>
    tpu.vector_store %arg10[%swap3A, %swap3A_52], %max3A_51 {strides = array<i32>} : memref<256x256xf32, #tpu.memory_space<vmem>>, vector<256x256xf32>,
    return
  }
  func.func @transform_0(%arg0: i32) -> (i32, i32) {
    %c0_i32 = arith.constant 0 : i32
    %c0_i32_0 = arith.constant 0 : i32
    return %arg0, %c0_i32 : i32, i32
  }
  func.func @transform_1(%arg0: i32) -> (i32, i32) {
    %c0_i32 = arith.constant 0 : i32
    %c0_i32_0 = arith.constant 0 : i32
    return %arg0, %c0_i32 : i32, i32
  }
  func.func @transform_2(%arg0: i32) -> (i32, i32) {
    %c0_i32 = arith.constant 0 : i32
    %c0_i32_0 = arith.constant 0 : i32
    return %c0_i32, %arg0 : i32, i32
  }
  func.func @transform_3(%arg0: i32) -> (i32, i32) {
    %c0_i32 = arith.constant 0 : i32
    %c0_i32_0 = arith.constant 0 : i32
    %c0_i32_1 = arith.constant 0 : i32
    return %c0_i32, %c0_i32_0 : i32, i32
  }
  func.func @transform_4(%arg0: i32) -> (i32, i32) {
    %c0_i32 = arith.constant 0 : i32
    %c0_i32_0 = arith.constant 0 : i32
    %c0_i32_1 = arith.constant 0 : i32
    return %c0_i32, %c0_i32_0 : i32, i32
  }
  func.func @transform_5(%arg0: i32) -> (i32, i32) {
    %c0_i32 = arith.constant 0 : i32
    %c0_i32_0 = arith.constant 0 : i32
    %c0_i32_1 = arith.constant 0 : i32
    return %c0_i32, %c0_i32_0 : i32, i32
  }
  func.func @transform_6(%arg0: i32) -> (i32, i32) {
    %c0_i32 = arith.constant 0 : i32
    %c0_i32_0 = arith.constant 0 : i32
    %c0_i32_1 = arith.constant 0 : i32
    return %c0_i32, %c0_i32_0 : i32, i32
  }
  func.func @transform_7(%arg0: i32) -> (i32, i32) {
    %c0_i32 = arith.constant 0 : i32
    %c0_i32_0 = arith.constant 0 : i32
    %c0_i32_1 = arith.constant 0 : i32
    return %c0_i32, %c0_i32_0 : i32, i32
  }
  func.func @transform_8(%arg0: i32) -> (i32, i32) {
    %c0_i32 = arith.constant 0 : i32
    %c0_i32_0 = arith.constant 0 : i32
    %c0_i32_1 = arith.constant 0 : i32
    return %c0_i32, %c0_i32_0 : i32, i32
  }
  func.func @transform_9(%arg0: i32) -> (i32, i32) {
    %c0_i32 = arith.constant 0 : i32
    %c0_i32_0 = arith.constant 0 : i32
    return %arg0, %c0_i32 : i32, i32
  }
}

</mosaic_0001>

<sc_bundles>
// kernel: kernel.6.cloned.1.call-start
scs
__scs_entry_jumppad:
0x0: {  	(pc) =	sbr.rel $0x88, $3  }
0x1: {  	(tag) =	ssettag $0x0;
	lr =	simm.s32 $0x1  }
0x2: {  	[smem:$0x3F8B] =	sst lr;
	_ =	strace $0xD0000000  }
0x3: {  	_ = 	snop  }
0x4: {  	_ = 	snop  }
0x5: {  	_ = 	snop  }
0x6: {  	_ = 	snop  }
0x7: {  	_ = 	snop  }
__scs_overlays_trampoline_lowered:
0x8: {  	[smem:$0x3F9A] =	sst s0  }
0x9: {  	[smem:$0x3F9B] =	sst s1  }
0xa: {  	[smem:$0x3F9C] =	sst s2  }
0xb: {  	[smem:$0x3F9D] =	sst s3  }
0xc: {  	[smem:$0x3F9E] =	sst s4  }
0xd: {  	[smem:$0x3F9F] =	sst s5  }
0xe: {  	[smem:$0x3FA0] =	sst s6  }
0xf: {  	[smem:$0x3FA1] =	sst s7  }
0x10: {  	[smem:$0x3FA2] =	sst s8  }
0x11: {  	[smem:$0x3FA3] =	sst s9;
	s0 =	simm.s32 @!p0 $0x0  }
0x12: {  	s1 =	sld [smem:$0x3F89];
	s0 =	simm.s32 @p0 $0x1  }
0x13: {  	[smem:$0x3FA4] =	sst s0;
	s0 =	simm.s32 @!p1 $0x0  }
0x14: {  	s2 =	sld [smem:$0x3F88];
	s0 =	simm.s32 @p1 $0x1  }
0x15: {  	[smem:$0x3FA5] =	sst s0;
	s0 =	simm.s32 @!p2 $0x0  }
0x16: {  	s3 =	sld [smem:$0x3FDB];
	s0 =	simm.s32 @p2 $0x1  }
0x17: {  	s4 =	simm.s32 $0x1BF5;
	[smem:$0x3FA7] =	sst s0  }
0x18: {  	s0 =	sld [smem:$0x3F8A];
	_ =	swait.ge [sflag:s4], $0x0  }
0x19: {  	s7 =	sld [smem:$0x3F8B]  }
0x1a: {  	s8 =	sadd.s32 $0xFFFFE003, lr  }
0x1b: {  	s9 =	sadd.s32 $0xFFFFFEF7, lr;
	s5 =	simm.s32 $0xFFFFFFFF;
	p2 =	slt.u32 s8, $0xFFFFF086  }
0x1c: {  	p1 =	slt.u32 s9, $0xF7A;
	s5 =	simm.s32 @!p2 $0x0  }
0x1d: {  	s5 =	simm.s32 @p1 $0x1;
	p0 =	seq.s32 s7, s2  }
0x1e: {  	s7 =	smul.u32 @!p0 $0xF7A, s2;
	p2 =	seq.s32 @!p0 s5, $0x0  }
0x1f: {  	s9 =	smul.u32 $0xF7A, s1;
	s8 =	simm.s32 @!p0 $0x1BF5;
	p2 =	por !p2, p0  }
0x20: {  	[sflag:s8] =	ssyncset.s32 @!p0 $0xFFFFF086;
	s6 =	sadd.s32 @!p0 s3, s7;
	s7 =	simm.s32 @!p0 $0x108  }
0x21: {  	s3 =	sadd.s32 s3, s9;
	s6 =	sadd.s32 @!p0 $0x88, s6;
	s7 =	simm.s32 @p2 $0x1082  }
0x22: {  	[simem:s7], [sflag:s8] =	dma.local @!p0 [hbm:s6], $0xF7A  }
0x23: {  	s9 =	sor.u32 $0xD0000000, s2;
	s6 =	simm.s32 $0x108;
	_ =	swait.ge @!p0 [sflag:s8], $0x0  }
0x24: {  	s3 =	sadd.s32 $0x88, s3;
	s6 =	simm.s32 @!p1 $0x1082;
	[sflag:s4] =	ssyncset.s32 $0xFFFFF086  }
0x25: {  	[simem:s6], [sflag:s4] =	dma.local [hbm:s3], $0xF7A  }
0x26: {  	[smem:$0x3F8B] =	sst s1;
	(tag) =	ssettag s2;
	_ =	strace s9  }
0x27: {  	s1 =	sld [smem:$0x3F9B]  }
0x28: {  	s2 =	sld [smem:$0x3F9C]  }
0x29: {  	s4 =	sld [smem:$0x3F9E]  }
0x2a: {  	p0 =	seq.s32 s5, $0x0;
	s5 =	sld [smem:$0x3F9F]  }
0x2b: {  	s6 =	sld [smem:$0x3FA0]  }
0x2c: {  	s7 =	sld [smem:$0x3FA1]  }
0x2d: {  	s3 =	simm.s32 $0x108;
	s8 =	sld [smem:$0x3FA2]  }
0x2e: {  	s3 =	simm.s32 @!p0 $0x1082;
	s9 =	sld [smem:$0x3FA3]  }
0x2f: {  	lr =	sadd.s32 s0, s3;
	s0 =	sld [smem:$0x3F9A]  }
0x30: {  	s3 =	sld [smem:$0x3F9D]  }
0x31: {  	[smem:$0x3FA6] =	sst s10  }
0x32: {  	s10 =	sld [smem:$0x3FA4];
	_ =	sdelay $0x3  }
0x33: {  	p0 =	seq.s32 s10, $0x1;
	s10 =	sld [smem:$0x3FA6];
	_ =	sdelay $0x3  }
0x34: {  	[smem:$0x3FA6] =	sst s10  }
0x35: {  	s10 =	sld [smem:$0x3FA5];
	_ =	sdelay $0x3  }
0x36: {  	p1 =	seq.s32 s10, $0x1;
	s10 =	sld [smem:$0x3FA6];
	_ =	sdelay $0x3  }
0x37: {  	[smem:$0x3FA6] =	sst s10  }
0x38: {  	s10 =	sld [smem:$0x3FA7]  }
0x39: {  	_ = 	snop;
	(pc) =	sbr.ind lr, $3  }
0x3a: {  	_ = 	snop  }
0x3b: {  	_ = 	snop  }
0x3c: {  	p2 =	seq.s32 s10, $0x1;
	s10 =	sld [smem:$0x3FA6]  }
0x3d: {  	_ =	shalt  }
0x3e: {  	_ =	shalt  }
0x3f: {  	_ =	shalt  }
0x40: {  	_ =	shalt  }
0x41: {  	_ =	shalt  }
0x42: {  	_ =	shalt  }
0x43: {  	_ =	shalt  }
0x44: {  	_ =	shalt  }
0x45: {  	_ =	shalt  }
0x46: {  	_ =	shalt  }
0x47: {  	_ =	shalt  }
0x48: {  	_ =	shalt  }
0x49: {  	_ =	shalt  }
0x4a: {  	_ =	shalt  }
0x4b: {  	_ =	shalt  }
0x4c: {  	_ =	shalt  }
0x4d: {  	_ =	shalt  }
0x4e: {  	_ =	shalt  }
0x4f: {  	_ =	shalt  }
0x50: {  	_ =	shalt  }
0x51: {  	_ =	shalt  }
0x52: {  	_ =	shalt  }
0x53: {  	_ =	shalt  }
0x54: {  	_ =	shalt  }
0x55: {  	_ =	shalt  }
0x56: {  	_ =	shalt  }
0x57: {  	_ =	shalt  }
0x58: {  	_ =	shalt  }
0x59: {  	_ =	shalt  }
0x5a: {  	_ =	shalt  }
0x5b: {  	_ =	shalt  }
0x5c: {  	_ =	shalt  }
0x5d: {  	_ =	shalt  }
0x5e: {  	_ =	shalt  }
0x5f: {  	_ =	shalt  }
0x60: {  	_ =	shalt  }
0x61: {  	_ =	shalt  }
0x62: {  	_ =	shalt  }
0x63: {  	_ =	shalt  }
0x64: {  	_ =	shalt  }
0x65: {  	_ =	shalt  }
0x66: {  	_ =	shalt  }
0x67: {  	_ =	shalt  }
0x68: {  	_ =	shalt  }
0x69: {  	_ =	shalt  }
0x6a: {  	_ =	shalt  }
0x6b: {  	_ =	shalt  }
0x6c: {  	_ =	shalt  }
0x6d: {  	_ =	shalt  }
0x6e: {  	_ =	shalt  }
0x6f: {  	_ =	shalt  }
0x70: {  	_ =	shalt  }
0x71: {  	_ =	shalt  }
0x72: {  	_ =	shalt  }
0x73: {  	_ =	shalt  }
0x74: {  	_ =	shalt  }
0x75: {  	_ =	shalt  }
0x76: {  	_ =	shalt  }
0x77: {  	_ =	shalt  }
0x78: {  	_ =	shalt  }
0x79: {  	_ =	shalt  }
0x7a: {  	_ =	shalt  }
0x7b: {  	_ =	shalt  }
0x7c: {  	_ =	shalt  }
0x7d: {  	_ =	shalt  }
0x7e: {  	_ =	shalt  }
0x7f: {  	_ =	shalt  }
0x80: {  	_ =	shalt  }
0x81: {  	_ =	shalt  }
0x82: {  	_ =	shalt  }
0x83: {  	_ =	shalt  }
0x84: {  	_ =	shalt  }
0x85: {  	_ =	shalt  }
0x86: {  	_ =	shalt  }
0x87: {  	_ =	shalt  }
.Lfunc_end0:
.L_simem_size_0:
called_computation_lowered:
.L_overlay_start_0:
0x88: {  	s2 =	sld [smem:$0x3FD9]  }
0x89: {  	s3 =	sld [smem:$0x3FFE];
	_ =	sdelay $0x1  }
0x8a: {  	s1 =	srdreg.scid  }
0x8b: {  	s0 =	sand.u32 $0x1, s1  }
0x8c: {  	s16 =	sshll.u32 s0, $0xA;
	s2 =	sadd.s32 s3, s2  }
0x8d: {  	s2 =	sadd.s32 s2, s16  }
0x8e: {  	[smem:$0x3FB2] =	sst s2  }
0x8f: {  	_ = 	snop  }
0x90: {  	(tm) =	ssettm $0x1  }
0x91: {  	s17 =	sld [smem:$0x3FFB];
	_ =	sdelay $0x3  }
0x92: {  	_ =	strace s17  }
0x93: {  	s2 =	sld [smem:$0x3FFC];
	_ =	sdelay $0x3  }
0x94: {  	_ =	strace s2  }
0x95: {  	s2 =	sld [smem:$0x3FFD];
	_ =	sdelay $0x3  }
0x96: {  	_ =	strace s2  }
0x97: {  	_ =	strace $0x8FFFFFFF  }
0x98: {  	s18 =	sld [smem:$0x3FDB];
	_ =	sdelay $0x1  }
0x99: {  	s19 =	simm.s32 $_scs_section_size  }
0x9a: {  	s4 =	simm.s32 $_size__tile_overlayer_lowered;
	s5 =	simm.s32 $_tile_overlayer_lowered  }
0x9b: {  	s22 =	simm.s32 $0x1BFF;
	s21 =	sshll.u32 s5, $0x1;
	s2 =	sadd.s32 s19, s18  }
0x9c: {  	s6 =	simm.s32 $0x0;
	s20 =	sshll.u32 s4, $0x1;
	s4 =	sadd.s32 s21, s2  }
0x9d: {  	[timem:s6], [sflag:s22] =	dma.local [hbm:s4], s20  }
0x9e: {  	_ =	swait.ge [sflag:s22], s20  }
0x9f: {  	s3 =	ssub.s32 $0x0, s20;
	[sflag:s22] =	ssyncset.done $0x0  }
0xa0: {  	[sflag:s22] =	ssyncadd.s32 s3;
	_ =	sdelay $0x1  }
0xa1: {  	s23 =	simm.s32 $0x1B8B  }
0xa2: {  	_ =	swait.ge [sflag:s23], $0x1  }
0xa3: {  	[sflag:s23] =	ssyncset.done $0x0  }
0xa4: {  	s25 =	simm.s32 $0x1B8E;
	s24 =	sld [smem:$0x3FFE];
	[sflag:s23] =	ssyncadd.s32 $0xFFFFFFFF  }
0xa5: {  	s26 =	simm.s32 $execute0_lowered;
	[smem:$0x3FD2] =	sst s25  }
0xa6: {  	s4 =	sshll.u32 s26, $0x1;
	_ =	strace $0x80000046;
	[dreg:$0x1] =	wrdreg $0xFFFFFFFF  }
0xa7: {  	s28 =	simm.s32 $_size_execute0_lowered;
	s2 =	sadd.s32 s2, s4;
	[dreg:$0x0] =	wrdreg $0x0  }
0xa8: {  	s4 =	sshll.u32 s28, $0x1;
	[dreg:$0x2] =	wrdreg s2  }
0xa9: {  	[dreg:$0x3] =	wrdreg s4  }
0xaa: {  	[dreg:$0x4] =	wrdreg $0xC0  }
0xab: {  	_ =	task [dreg:s6], $0x5FFFF  }
0xac: {  	[dreg:$0x1] =	wrdreg $0xFFFFFFFF  }
0xad: {  	[dreg:$0x0] =	wrdreg $0x60  }
0xae: {  	[dreg:$0x2] =	wrdreg s24  }
0xaf: {  	[dreg:$0x3] =	wrdreg $0x9  }
0xb0: {  	_ =	task.clear_ibuf [dreg:s6], $0x4FFFF;
	_ =	strace $0x90000046  }
0xb1: {  	s29 =	simm.s32 $0x9;
	_ =	strace $0x80000048  }
0xb2: {  	_ =	swait.ge [sflag:s29], $0x1  }
0xb3: {  	[sflag:s29] =	ssyncadd.s32 $0xFFFFFFFF  }
0xb4: {  	_ =	strace $0x90000048  }
0xb5: {  	_ =	sfence  }
0xb6: {  	s30 =	sld [smem:$0x0];
	_ =	sdelay $0x2  }
0xb7: {  	s31 =	sshll.u32 s1, $0xD;
	s1 =	sshrl.u32 s1, $0x2  }
0xb8: {  	s3 =	sand.u32 $0x4000, s31;
	s1 =	sadd.s32 s1, s30  }
0xb9: {  	s0 =	sor.u32 s3, s0;
	s1 =	sshll.u32 s1, $0x11  }
0xba: {  	s0 =	sor.u32 s1, s0  }
0xbb: {  	s0 =	sadd.s32 $0x8F2B, s0  }
0xbc: {  	[sflag:s0] =	ssyncadd.remote.s32 $0x1  }
0xbd: {  	_ =	sfence.sel $0xFFFF  }
0xbe: {  	[dreg:$0x0] =	wrdreg $0xFFFFFFFF;
	(pc) =	sbr.abs _section_cstart, $3  }
0xbf: {  	[dreg:$0x1] =	wrdreg $0xFFFFFFFF  }
0xc0: {  	_ =	task.clear_ibuf [dreg:s6], $0x2FFFF;
	_ =	strace $0x9FFFFFFF  }
0xc1: {  	(tm) =	ssettm $0x7FFFFFFF  }
tec
execute0_lowered:
.L_overlay_start_1:
0x0: {  	(tag) =	ssettag $0x1  }
0x1: {  	s0 =	rddreg [dreg:$0x0];
	s1 =	simm.s32 $0x0  }
0x2: {  	s2 =	srdreg.scid;
	s7 =	stileid.u32;
	s16 =	simm.s32 $0x7  }
0x3: {  	s17 =	simm.s32 $0x80;
	s18 =	simm.s32 $0x1400;
	s23 =	simm.s32 $0xD400  }
0x4: {  	s28 =	simm.s32 $0x6;
	s29 =	simm.s32 $0x11C00;
	s30 =	simm.s32 $0x3  }
0x5: {  	s31 =	simm.s32 $0x5;
	[smem:$0x7FF] =	sst s1;
	s3 =	sadd.s32 $0x9200, s0  }
0x6: {  	s2 =	sand.u32 $0x1, s2;
	s5 =	sadd.s32 $0x4200, s0;
	s9 =	smul.u32 $0x280, s7  }
0x7: {  	s4 =	sadd.s32 $0x31200, s0;
	s8 =	smul.u32 $0x28, s7;
	s6 =	ssub.s32 $0x2, s2  }
0x8: {  	_ =	strace $0x80000047;
	p0 =	seq.s32 s2, $0x1;
	s24 =	sshrl.u32 s6, $0x1  }
0x9: {  	s25 =	sadd.s32 s5, s9;
	s26 =	sadd.s32 $0x280, s8;
	s8 =	sor.u32 $0x20, s9  }
0xa: {  	s0 =	ssub.s32 s6, s24;
	[dreg:$0x2] =	wrdreg s25;
	s6 =	smul.u32 $0x14000, s7  }
0xb: {  	s7 =	sor.u32 $0x10, s9;
	s10 =	sshll.u32 s26, $0x4;
	s2 =	sshll.u32 s26, $0x8  }
.Ltmp0:
0xc: {  	s9 =	sor.u32 $0x30, s9;
	s24 =	simm.s32 $0x1;
	(pc) =	sbr.rel .LBB2_1-.Ltmp0, $4  }
0xd: {  	s25 =	simm.s32 $0x11400;
	s26 =	simm.s32 $0x2;
	s5 =	sadd.s32 s5, s10  }
0xe: {  	s11 =	sadd.s32 s4, s2;
	s12 =	sor.u32 $0x10, s10;
	s13 =	sor.u32 $0x20, s10  }
0xf: {  	s14 =	sor.u32 $0x30, s10;
	s0 =	smax.u32 s0, $0x1;
	[dreg:$0x3] =	wrdreg s5  }
0x10: {  	s2 =	simm.s32 $0x0;
	[dreg:$0x4] =	wrdreg s0;
	s0 =	simm.s32 $0x4  }
.LBB2_32:
0x11: {  	_ =	swait.ge [sflag:s31], $0x800  }
0x12: {  	[sflag:s31] =	ssyncset.done $0x0  }
0x13: {  	[sflag:s31] =	ssyncadd.s32 $0xFFFFF800  }
0x14: {  	_ =	swait.ge [sflag:s28], $0x800  }
0x15: {  	s2 =	sadd.s32 $0x1, s2;
	s5 =	rddreg [dreg:$0x4]  }
0x16: {  	p1 =	sne.s32 s2, s5  }
.Ltmp1:
0x17: {  	_ = 	snop;
	(pc) =	sbr.rel @!p1 .LBB2_33-.Ltmp1, $3  }
0x18: {  	_ =	sdelay $0x1  }
0x19: {  	[sflag:s28] =	ssyncset.done $0x0  }
0x1a: {  	[sflag:s28] =	ssyncadd.s32 $0xFFFFF800  }
.LBB2_1:
.Ltmp2:
0x1b: {  	(pc) =	sbr.rel @!p0 .LBB2_2-.Ltmp2, $2  }
0x1c: {  	_ =	sdelay $0x2  }
0x1d: {  	s19 =	simm.s32 $0x0  }
0x1e: {  	s5 =	rddreg [dreg:$0x3]  }
0x1f: {  	[tilespmem:s19], [sflag:$0x7] =	stream.linear.gather [hbm4b:s5+s19], $0x1400, $0x38;
	[tilespmem:$0x12400] =	vst v63  }
0x20: {  	_ =	swait.ge [sflag:s16], $0x1400  }
0x21: {  	[sflag:s16] =	ssyncset.done $0x0  }
0x22: {  	[sflag:s16] =	ssyncadd.s32 $0xFFFFEC00  }
0x23: {  	[tilespmem:s18], [sflag:$0x1] =	stream.indirect.gather [hbm4b:s3+s17], $0x80, s19, s17, $0xb8;
	[tilespmem:$0x12400] =	vst v63  }
0x24: {  	s20 =	simm.s32 $0x5400  }
0x25: {  	[tilespmem:s20], [sflag:$0x2] =	stream.indirect.gather [hbm4b:s3+s17], $0x80, s17, s17, $0xb8;
	[tilespmem:$0x12400] =	vst v63  }
0x26: {  	s21 =	simm.s32 $0x100;
	s10 =	simm.s32 $0x9400  }
0x27: {  	[tilespmem:s10], [sflag:$0x3] =	stream.indirect.gather [hbm4b:s3+s17], $0x80, s21, s17, $0xb8;
	[tilespmem:$0x12400] =	vst v63  }
0x28: {  	s22 =	simm.s32 $0x180  }
0x29: {  	[tilespmem:s23], [sflag:$0x4] =	stream.indirect.gather [hbm4b:s3+s17], $0x80, s22, s17, $0xb8;
	[tilespmem:$0x12400] =	vst v63  }
.LBB2_18:
0x2a: {  	_ =	swait.ge [sflag:s24], $0x4000  }
0x2b: {  	p1 =	seq.s32 s19, $0x0;
	[sflag:s24] =	ssyncset.done $0x0  }
0x2c: {  	s5 =	simm.s32 @!p1 $0x5;
	[sflag:s24] =	ssyncadd.s32 $0xFFFFC000  }
0x2d: {  	_ =	swait.ge @!p1 [sflag:s5], $0x800  }
0x2e: {  	[sflag:s5] =	ssyncset.done @!p1 $0x0  }
0x2f: {  	s22 =	simm.s32 $0x0;
	[sflag:s5] =	ssyncadd.s32 @!p1 $0xFFFFF800  }
0x30: {  	v0 =	vld [tilespmem:s22+$0x1400];
	_ =	sdelay $0x3  }
0x31: {  	s21 =	simm.s32 $0x11440  }
0x32: {  	[tilespmem:s21+$0xFFFFFFC0] =	vst v0  }
0x33: {  	v0 =	vld [tilespmem:s22+$0x1480];
	_ =	sdelay $0x4  }
0x34: {  	[tilespmem:s21+$0xFFFFFFD0] =	vst v0  }
0x35: {  	v0 =	vld [tilespmem:s22+$0x1500];
	_ =	sdelay $0x4  }
0x36: {  	[tilespmem:s21+$0xFFFFFFE0] =	vst v0  }
0x37: {  	v0 =	vld [tilespmem:s22+$0x1580];
	_ =	sdelay $0x4  }
0x38: {  	[tilespmem:s21+$0xFFFFFFF0] =	vst v0  }
0x39: {  	v0 =	vld [tilespmem:s22+$0x1600];
	_ =	sdelay $0x4  }
0x3a: {  	[tilespmem:s21+$0x0] =	vst v0  }
0x3b: {  	v0 =	vld [tilespmem:s22+$0x1680];
	_ =	sdelay $0x4  }
0x3c: {  	[tilespmem:s21+$0x10] =	vst v0  }
0x3d: {  	v0 =	vld [tilespmem:s22+$0x1700];
	_ =	sdelay $0x4  }
0x3e: {  	[tilespmem:s21+$0x20] =	vst v0  }
0x3f: {  	v0 =	vld [tilespmem:s22+$0x1780];
	_ =	sdelay $0x4  }
0x40: {  	s20 =	sshll.u32 s19, $0xB;
	s10 =	simm.s32 $0x2000;
	s5 =	simm.s32 $0x400;
	[tilespmem:s21+$0x30] =	vst v0  }
.LBB2_19:
0x41: {  	p2 =	sne.s32 s10, $0xF000;
	v0 =	vld [tilespmem:s5+$0x1400];
	_ =	sdelay $0x3  }
0x42: {  	s21 =	sadd.s32 $0x80, s21  }
0x43: {  	[tilespmem:s21+$0xFFFFFFC0] =	vst v0  }
0x44: {  	v0 =	vld [tilespmem:s5+$0x1480];
	_ =	sdelay $0x4  }
0x45: {  	[tilespmem:s21+$0xFFFFFFD0] =	vst v0  }
0x46: {  	v0 =	vld [tilespmem:s5+$0x1500];
	_ =	sdelay $0x4  }
0x47: {  	[tilespmem:s21+$0xFFFFFFE0] =	vst v0  }
0x48: {  	v0 =	vld [tilespmem:s5+$0x1580];
	_ =	sdelay $0x4  }
0x49: {  	[tilespmem:s21+$0xFFFFFFF0] =	vst v0  }
0x4a: {  	v0 =	vld [tilespmem:s5+$0x1600];
	_ =	sdelay $0x4  }
0x4b: {  	[tilespmem:s21+$0x0] =	vst v0  }
0x4c: {  	v0 =	vld [tilespmem:s5+$0x1680];
	_ =	sdelay $0x4  }
0x4d: {  	[tilespmem:s21+$0x10] =	vst v0  }
0x4e: {  	v0 =	vld [tilespmem:s5+$0x1700];
	_ =	sdelay $0x4  }
0x4f: {  	[tilespmem:s21+$0x20] =	vst v0  }
0x50: {  	v0 =	vld [tilespmem:s5+$0x1780]  }
.Ltmp3:
0x51: {  	(pc) =	sbr.rel @p2 .LBB2_19-.Ltmp3, $2  }
0x52: {  	_ =	sdelay $0x2  }
0x53: {  	s5 =	sshra.s32 s10, $0x2;
	s10 =	sadd.s32 $0x1000, s10;
	[tilespmem:s21+$0x30] =	vst v0  }
0x54: {  	v0 =	vld [tilespmem:s5+$0x1400];
	_ =	sdelay $0x3  }
0x55: {  	s10 =	sadd.s32 $0x80, s21  }
0x56: {  	[tilespmem:s10+$0xFFFFFFC0] =	vst v0  }
0x57: {  	v0 =	vld [tilespmem:s5+$0x1480];
	_ =	sdelay $0x4  }
0x58: {  	[tilespmem:s10+$0xFFFFFFD0] =	vst v0  }
0x59: {  	v0 =	vld [tilespmem:s5+$0x1500];
	_ =	sdelay $0x4  }
0x5a: {  	[tilespmem:s10+$0xFFFFFFE0] =	vst v0  }
0x5b: {  	v0 =	vld [tilespmem:s5+$0x1580];
	_ =	sdelay $0x4  }
0x5c: {  	[tilespmem:s10+$0xFFFFFFF0] =	vst v0  }
0x5d: {  	v0 =	vld [tilespmem:s5+$0x1600];
	_ =	sdelay $0x4  }
0x5e: {  	[tilespmem:s10+$0x0] =	vst v0  }
0x5f: {  	v0 =	vld [tilespmem:s5+$0x1680];
	_ =	sdelay $0x4  }
0x60: {  	[tilespmem:s10+$0x10] =	vst v0  }
0x61: {  	v0 =	vld [tilespmem:s5+$0x1700];
	_ =	sdelay $0x4  }
0x62: {  	[tilespmem:s10+$0x20] =	vst v0  }
0x63: {  	v0 =	vld [tilespmem:s5+$0x1780]  }
0x64: {  	p2 =	sne.s32 s19, $0x9  }
.Ltmp4:
0x65: {  	_ = 	snop;
	(pc) =	sbr.rel @p2 .LBB2_22-.Ltmp4, $4  }
0x66: {  	_ = 	snop  }
0x67: {  	s22 =	sshll.u32 s19, $0xA  }
0x68: {  	s5 =	sadd.s32 s22, s11;
	[tilespmem:s10+$0x30] =	vst v0  }
0x69: {  	[hbm4b:s5+s1] =	stream.linear.scatter [tilespmem:s25], [sflag:$0x5], $0x800, $0x38;
	[tilespmem:$0x12400] =	vst v63  }
.Ltmp5:
0x6a: {  	(pc) =	sbr.rel .LBB2_23-.Ltmp5, $4  }
0x6b: {  	_ = 	snop  }
0x6c: {  	_ =	swait.ge [sflag:s26], $0x4000  }
0x6d: {  	[sflag:s26] =	ssyncset.done $0x0  }
0x6e: {  	[sflag:s26] =	ssyncadd.s32 $0xFFFFC000  }
.LBB2_22:
0x6f: {  	s5 =	sshrl.u32 s20, $0x2  }
.Ltmp6:
0x70: {  	s5 =	sadd.s32 $0x200, s5;
	(pc) =	sbr.rel @p1 .LBB2_24-.Ltmp6, $4  }
0x71: {  	[tilespmem:s18], [sflag:$0x1] =	stream.indirect.gather [hbm4b:s3+s17], $0x80, s5, s17, $0xb8;
	[tilespmem:$0x12400] =	vst v63  }
0x72: {  	_ =	swait.ge [sflag:s26], $0x4000  }
0x73: {  	[sflag:s26] =	ssyncset.done $0x0  }
0x74: {  	[sflag:s26] =	ssyncadd.s32 $0xFFFFC000  }
.LBB2_23:
0x75: {  	_ =	swait.ge [sflag:s28], $0x800  }
0x76: {  	[sflag:s28] =	ssyncset.done $0x0  }
0x77: {  	[sflag:s28] =	ssyncadd.s32 $0xFFFFF800  }
.LBB2_24:
0x78: {  	s10 =	simm.s32 $0x0  }
0x79: {  	v0 =	vld [tilespmem:s10+$0x5400];
	_ =	sdelay $0x3  }
0x7a: {  	s5 =	simm.s32 $0x11C70  }
0x7b: {  	[tilespmem:s5+$0xFFFFFF90] =	vst v0  }
0x7c: {  	v0 =	vld [tilespmem:s10+$0x5480];
	_ =	sdelay $0x4  }
0x7d: {  	[tilespmem:s5+$0xFFFFFFA0] =	vst v0  }
0x7e: {  	v0 =	vld [tilespmem:s10+$0x5500];
	_ =	sdelay $0x4  }
0x7f: {  	[tilespmem:s5+$0xFFFFFFB0] =	vst v0  }
0x80: {  	v0 =	vld [tilespmem:s10+$0x5580];
	_ =	sdelay $0x4  }
0x81: {  	[tilespmem:s5+$0xFFFFFFC0] =	vst v0  }
0x82: {  	v0 =	vld [tilespmem:s10+$0x5600];
	_ =	sdelay $0x4  }
0x83: {  	[tilespmem:s5+$0xFFFFFFD0] =	vst v0  }
0x84: {  	v0 =	vld [tilespmem:s10+$0x5680];
	_ =	sdelay $0x4  }
0x85: {  	[tilespmem:s5+$0xFFFFFFE0] =	vst v0  }
0x86: {  	v0 =	vld [tilespmem:s10+$0x5700];
	_ =	sdelay $0x4  }
0x87: {  	[tilespmem:s5+$0xFFFFFFF0] =	vst v0  }
0x88: {  	v0 =	vld [tilespmem:s10+$0x5780];
	_ =	sdelay $0x4  }
0x89: {  	s15 =	simm.s32 $0x2000;
	s10 =	simm.s32 $0x400;
	[tilespmem:s5+$0x0] =	vst v0  }
.LBB2_25:
0x8a: {  	p1 =	sne.s32 s15, $0xF000;
	v0 =	vld [tilespmem:s10+$0x5400];
	_ =	sdelay $0x3  }
0x8b: {  	s5 =	sadd.s32 $0x80, s5  }
0x8c: {  	[tilespmem:s5+$0xFFFFFF90] =	vst v0  }
0x8d: {  	v0 =	vld [tilespmem:s10+$0x5480];
	_ =	sdelay $0x4  }
0x8e: {  	[tilespmem:s5+$0xFFFFFFA0] =	vst v0  }
0x8f: {  	v0 =	vld [tilespmem:s10+$0x5500];
	_ =	sdelay $0x4  }
0x90: {  	[tilespmem:s5+$0xFFFFFFB0] =	vst v0  }
0x91: {  	v0 =	vld [tilespmem:s10+$0x5580];
	_ =	sdelay $0x4  }
0x92: {  	[tilespmem:s5+$0xFFFFFFC0] =	vst v0  }
0x93: {  	v0 =	vld [tilespmem:s10+$0x5600];
	_ =	sdelay $0x4  }
0x94: {  	[tilespmem:s5+$0xFFFFFFD0] =	vst v0  }
0x95: {  	v0 =	vld [tilespmem:s10+$0x5680];
	_ =	sdelay $0x4  }
0x96: {  	[tilespmem:s5+$0xFFFFFFE0] =	vst v0  }
0x97: {  	v0 =	vld [tilespmem:s10+$0x5700];
	_ =	sdelay $0x4  }
0x98: {  	[tilespmem:s5+$0xFFFFFFF0] =	vst v0  }
0x99: {  	v0 =	vld [tilespmem:s10+$0x5780]  }
.Ltmp7:
0x9a: {  	(pc) =	sbr.rel @p1 .LBB2_25-.Ltmp7, $2  }
0x9b: {  	_ =	sdelay $0x2  }
0x9c: {  	s10 =	sshra.s32 s15, $0x2;
	s15 =	sadd.s32 $0x1000, s15;
	[tilespmem:s5+$0x0] =	vst v0  }
0x9d: {  	v0 =	vld [tilespmem:s10+$0x5400];
	_ =	sdelay $0x3  }
0x9e: {  	s5 =	sadd.s32 $0x80, s5  }
0x9f: {  	[tilespmem:s5+$0xFFFFFF90] =	vst v0  }
0xa0: {  	v0 =	vld [tilespmem:s10+$0x5480];
	_ =	sdelay $0x4  }
0xa1: {  	[tilespmem:s5+$0xFFFFFFA0] =	vst v0  }
0xa2: {  	v0 =	vld [tilespmem:s10+$0x5500];
	_ =	sdelay $0x4  }
0xa3: {  	[tilespmem:s5+$0xFFFFFFB0] =	vst v0  }
0xa4: {  	v0 =	vld [tilespmem:s10+$0x5580];
	_ =	sdelay $0x4  }
0xa5: {  	[tilespmem:s5+$0xFFFFFFC0] =	vst v0  }
0xa6: {  	v0 =	vld [tilespmem:s10+$0x5600];
	_ =	sdelay $0x4  }
0xa7: {  	[tilespmem:s5+$0xFFFFFFD0] =	vst v0  }
0xa8: {  	v0 =	vld [tilespmem:s10+$0x5680];
	_ =	sdelay $0x4  }
0xa9: {  	[tilespmem:s5+$0xFFFFFFE0] =	vst v0  }
0xaa: {  	v0 =	vld [tilespmem:s10+$0x5700];
	_ =	sdelay $0x4  }
0xab: {  	[tilespmem:s5+$0xFFFFFFF0] =	vst v0  }
0xac: {  	v0 =	vld [tilespmem:s10+$0x5780];
	_ =	sdelay $0x1  }
0xad: {  	s21 =	sshll.u32 s19, $0x6  }
0xae: {  	s22 =	sadd.s32 s21, s12  }
0xaf: {  	p1 =	seq.s32 s19, $0x9;
	s10 =	sshll.u32 s22, $0x4  }
0xb0: {  	s22 =	sshrl.u32 @!p1 s20, $0x2;
	s10 =	sadd.s32 s4, s10;
	[tilespmem:s5+$0x0] =	vst v0  }
0xb1: {  	[hbm4b:s10+s1] =	stream.linear.scatter [tilespmem:s29], [sflag:$0x6], $0x800, $0x38;
	[tilespmem:$0x12400] =	vst v63  }
0xb2: {  	s15 =	simm.s32 @!p1 $0x5400;
	s5 =	sadd.s32 @!p1 $0x280, s22;
	s10 =	simm.s32 @!p1 $0x80  }
0xb3: {  	[tilespmem:s15], [sflag:$0x2] =	stream.indirect.gather @!p1 [hbm4b:s3+s10], $0x80, s5, s10, $0xb8;
	[tilespmem:$0x12400] =	vst v63  }
0xb4: {  	_ =	swait.ge [sflag:s30], $0x4000  }
0xb5: {  	[sflag:s30] =	ssyncset.done $0x0  }
0xb6: {  	[sflag:s30] =	ssyncadd.s32 $0xFFFFC000  }
0xb7: {  	_ =	swait.ge [sflag:s31], $0x800  }
0xb8: {  	[sflag:s31] =	ssyncset.done $0x0  }
0xb9: {  	s15 =	simm.s32 $0x0;
	[sflag:s31] =	ssyncadd.s32 $0xFFFFF800  }
0xba: {  	v63 =	vld [tilespmem:s15+$0x9400];
	_ =	sdelay $0x3  }
0xbb: {  	s5 =	simm.s32 $0x11440  }
0xbc: {  	[tilespmem:s5+$0xFFFFFFC0] =	vst v63  }
0xbd: {  	v0 =	vld [tilespmem:s15+$0x9480];
	_ =	sdelay $0x4  }
0xbe: {  	[tilespmem:s5+$0xFFFFFFD0] =	vst v0  }
0xbf: {  	v0 =	vld [tilespmem:s15+$0x9500];
	_ =	sdelay $0x4  }
0xc0: {  	[tilespmem:s5+$0xFFFFFFE0] =	vst v0  }
0xc1: {  	v0 =	vld [tilespmem:s15+$0x9580];
	_ =	sdelay $0x4  }
0xc2: {  	[tilespmem:s5+$0xFFFFFFF0] =	vst v0  }
0xc3: {  	v0 =	vld [tilespmem:s15+$0x9600];
	_ =	sdelay $0x4  }
0xc4: {  	[tilespmem:s5+$0x0] =	vst v0  }
0xc5: {  	v0 =	vld [tilespmem:s15+$0x9680];
	_ =	sdelay $0x4  }
0xc6: {  	[tilespmem:s5+$0x10] =	vst v0  }
0xc7: {  	v0 =	vld [tilespmem:s15+$0x9700];
	_ =	sdelay $0x4  }
0xc8: {  	[tilespmem:s5+$0x20] =	vst v0  }
0xc9: {  	v0 =	vld [tilespmem:s15+$0x9780];
	_ =	sdelay $0x4  }
0xca: {  	s10 =	simm.s32 $0x400;
	s15 =	simm.s32 $0x2000;
	[tilespmem:s5+$0x30] =	vst v0  }
.LBB2_27:
0xcb: {  	p2 =	sne.s32 s15, $0xF000;
	v0 =	vld [tilespmem:s10+$0x9400];
	_ =	sdelay $0x3  }
0xcc: {  	s5 =	sadd.s32 $0x80, s5  }
0xcd: {  	[tilespmem:s5+$0xFFFFFFC0] =	vst v0  }
0xce: {  	v0 =	vld [tilespmem:s10+$0x9480];
	_ =	sdelay $0x4  }
0xcf: {  	[tilespmem:s5+$0xFFFFFFD0] =	vst v0  }
0xd0: {  	v0 =	vld [tilespmem:s10+$0x9500];
	_ =	sdelay $0x4  }
0xd1: {  	[tilespmem:s5+$0xFFFFFFE0] =	vst v0  }
0xd2: {  	v0 =	vld [tilespmem:s10+$0x9580];
	_ =	sdelay $0x4  }
0xd3: {  	[tilespmem:s5+$0xFFFFFFF0] =	vst v0  }
0xd4: {  	v0 =	vld [tilespmem:s10+$0x9600];
	_ =	sdelay $0x4  }
0xd5: {  	[tilespmem:s5+$0x0] =	vst v0  }
0xd6: {  	v0 =	vld [tilespmem:s10+$0x9680];
	_ =	sdelay $0x4  }
0xd7: {  	[tilespmem:s5+$0x10] =	vst v0  }
0xd8: {  	v0 =	vld [tilespmem:s10+$0x9700];
	_ =	sdelay $0x4  }
0xd9: {  	[tilespmem:s5+$0x20] =	vst v0  }
0xda: {  	v0 =	vld [tilespmem:s10+$0x9780]  }
.Ltmp8:
0xdb: {  	(pc) =	sbr.rel @p2 .LBB2_27-.Ltmp8, $2  }
0xdc: {  	_ =	sdelay $0x2  }
0xdd: {  	s10 =	sshra.s32 s15, $0x2;
	s15 =	sadd.s32 $0x1000, s15;
	[tilespmem:s5+$0x30] =	vst v0  }
0xde: {  	v0 =	vld [tilespmem:s10+$0x9400];
	_ =	sdelay $0x3  }
0xdf: {  	s5 =	sadd.s32 $0x80, s5  }
0xe0: {  	[tilespmem:s5+$0xFFFFFFC0] =	vst v0  }
0xe1: {  	v0 =	vld [tilespmem:s10+$0x9480];
	_ =	sdelay $0x4  }
0xe2: {  	[tilespmem:s5+$0xFFFFFFD0] =	vst v0  }
0xe3: {  	v0 =	vld [tilespmem:s10+$0x9500];
	_ =	sdelay $0x4  }
0xe4: {  	[tilespmem:s5+$0xFFFFFFE0] =	vst v0  }
0xe5: {  	v0 =	vld [tilespmem:s10+$0x9580];
	_ =	sdelay $0x4  }
0xe6: {  	[tilespmem:s5+$0xFFFFFFF0] =	vst v0  }
0xe7: {  	v0 =	vld [tilespmem:s10+$0x9600];
	_ =	sdelay $0x4  }
0xe8: {  	[tilespmem:s5+$0x0] =	vst v0  }
0xe9: {  	v0 =	vld [tilespmem:s10+$0x9680];
	_ =	sdelay $0x4  }
0xea: {  	[tilespmem:s5+$0x10] =	vst v0  }
0xeb: {  	v0 =	vld [tilespmem:s10+$0x9700];
	_ =	sdelay $0x4  }
0xec: {  	[tilespmem:s5+$0x20] =	vst v0  }
0xed: {  	v0 =	vld [tilespmem:s10+$0x9780];
	_ =	sdelay $0x2  }
0xee: {  	s15 =	sadd.s32 s21, s13  }
0xef: {  	s10 =	sshll.u32 s15, $0x4  }
0xf0: {  	s15 =	sadd.s32 s4, s10;
	[tilespmem:s5+$0x30] =	vst v0  }
0xf1: {  	[hbm4b:s15+s1] =	stream.linear.scatter [tilespmem:s25], [sflag:$0x5], $0x800, $0x38;
	[tilespmem:$0x12400] =	vst v63  }
0xf2: {  	s10 =	simm.s32 @!p1 $0x80;
	s5 =	sadd.s32 @!p1 $0x300, s22;
	s15 =	simm.s32 @!p1 $0x9400  }
0xf3: {  	[tilespmem:s15], [sflag:$0x3] =	stream.indirect.gather @!p1 [hbm4b:s3+s10], $0x80, s5, s10, $0xb8;
	[tilespmem:$0x12400] =	vst v63  }
0xf4: {  	_ =	swait.ge [sflag:s0], $0x4000  }
0xf5: {  	[sflag:s0] =	ssyncset.done $0x0  }
0xf6: {  	[sflag:s0] =	ssyncadd.s32 $0xFFFFC000  }
0xf7: {  	_ =	swait.ge [sflag:s28], $0x800  }
0xf8: {  	[sflag:s28] =	ssyncset.done $0x0  }
0xf9: {  	s22 =	simm.s32 $0x0;
	[sflag:s28] =	ssyncadd.s32 $0xFFFFF800  }
0xfa: {  	v63 =	vld [tilespmem:s22+$0xD400];
	_ =	sdelay $0x3  }
0xfb: {  	s5 =	simm.s32 $0x11C70  }
0xfc: {  	[tilespmem:s5+$0xFFFFFF90] =	vst v63  }
0xfd: {  	v0 =	vld [tilespmem:s22+$0xD480];
	_ =	sdelay $0x4  }
0xfe: {  	[tilespmem:s5+$0xFFFFFFA0] =	vst v0  }
0xff: {  	v0 =	vld [tilespmem:s22+$0xD500];
	_ =	sdelay $0x4  }
0x100: {  	[tilespmem:s5+$0xFFFFFFB0] =	vst v0  }
0x101: {  	v0 =	vld [tilespmem:s22+$0xD580];
	_ =	sdelay $0x4  }
0x102: {  	[tilespmem:s5+$0xFFFFFFC0] =	vst v0  }
0x103: {  	v0 =	vld [tilespmem:s22+$0xD600];
	_ =	sdelay $0x4  }
0x104: {  	[tilespmem:s5+$0xFFFFFFD0] =	vst v0  }
0x105: {  	v0 =	vld [tilespmem:s22+$0xD680];
	_ =	sdelay $0x4  }
0x106: {  	[tilespmem:s5+$0xFFFFFFE0] =	vst v0  }
0x107: {  	v0 =	vld [tilespmem:s22+$0xD700];
	_ =	sdelay $0x4  }
0x108: {  	[tilespmem:s5+$0xFFFFFFF0] =	vst v0  }
0x109: {  	v0 =	vld [tilespmem:s22+$0xD780];
	_ =	sdelay $0x4  }
0x10a: {  	s10 =	simm.s32 $0x400;
	s15 =	simm.s32 $0x2000;
	[tilespmem:s5+$0x0] =	vst v0  }
.LBB2_29:
0x10b: {  	p2 =	sne.s32 s15, $0xF000;
	v0 =	vld [tilespmem:s10+$0xD400];
	_ =	sdelay $0x3  }
0x10c: {  	s5 =	sadd.s32 $0x80, s5  }
0x10d: {  	[tilespmem:s5+$0xFFFFFF90] =	vst v0  }
0x10e: {  	v0 =	vld [tilespmem:s10+$0xD480];
	_ =	sdelay $0x4  }
0x10f: {  	[tilespmem:s5+$0xFFFFFFA0] =	vst v0  }
0x110: {  	v0 =	vld [tilespmem:s10+$0xD500];
	_ =	sdelay $0x4  }
0x111: {  	[tilespmem:s5+$0xFFFFFFB0] =	vst v0  }
0x112: {  	v0 =	vld [tilespmem:s10+$0xD580];
	_ =	sdelay $0x4  }
0x113: {  	[tilespmem:s5+$0xFFFFFFC0] =	vst v0  }
0x114: {  	v0 =	vld [tilespmem:s10+$0xD600];
	_ =	sdelay $0x4  }
0x115: {  	[tilespmem:s5+$0xFFFFFFD0] =	vst v0  }
0x116: {  	v0 =	vld [tilespmem:s10+$0xD680];
	_ =	sdelay $0x4  }
0x117: {  	[tilespmem:s5+$0xFFFFFFE0] =	vst v0  }
0x118: {  	v0 =	vld [tilespmem:s10+$0xD700];
	_ =	sdelay $0x4  }
0x119: {  	[tilespmem:s5+$0xFFFFFFF0] =	vst v0  }
0x11a: {  	v0 =	vld [tilespmem:s10+$0xD780]  }
.Ltmp9:
0x11b: {  	(pc) =	sbr.rel @p2 .LBB2_29-.Ltmp9, $2  }
0x11c: {  	_ =	sdelay $0x2  }
0x11d: {  	s10 =	sshra.s32 s15, $0x2;
	s15 =	sadd.s32 $0x1000, s15;
	[tilespmem:s5+$0x0] =	vst v0  }
0x11e: {  	v0 =	vld [tilespmem:s10+$0xD400];
	_ =	sdelay $0x3  }
0x11f: {  	s5 =	sadd.s32 $0x80, s5  }
0x120: {  	[tilespmem:s5+$0xFFFFFF90] =	vst v0  }
0x121: {  	v0 =	vld [tilespmem:s10+$0xD480];
	_ =	sdelay $0x4  }
0x122: {  	[tilespmem:s5+$0xFFFFFFA0] =	vst v0  }
0x123: {  	v0 =	vld [tilespmem:s10+$0xD500];
	_ =	sdelay $0x4  }
0x124: {  	[tilespmem:s5+$0xFFFFFFB0] =	vst v0  }
0x125: {  	v0 =	vld [tilespmem:s10+$0xD580];
	_ =	sdelay $0x4  }
0x126: {  	[tilespmem:s5+$0xFFFFFFC0] =	vst v0  }
0x127: {  	v0 =	vld [tilespmem:s10+$0xD600];
	_ =	sdelay $0x4  }
0x128: {  	[tilespmem:s5+$0xFFFFFFD0] =	vst v0  }
0x129: {  	v0 =	vld [tilespmem:s10+$0xD680];
	_ =	sdelay $0x4  }
0x12a: {  	[tilespmem:s5+$0xFFFFFFE0] =	vst v0  }
0x12b: {  	v0 =	vld [tilespmem:s10+$0xD700];
	_ =	sdelay $0x4  }
0x12c: {  	[tilespmem:s5+$0xFFFFFFF0] =	vst v0  }
0x12d: {  	v0 =	vld [tilespmem:s10+$0xD780];
	_ =	sdelay $0x1  }
.Ltmp10:
0x12e: {  	_ = 	snop;
	(pc) =	sbr.rel @p1 .LBB2_32-.Ltmp10, $4  }
0x12f: {  	s21 =	sadd.s32 s21, s14  }
0x130: {  	s10 =	sshll.u32 s21, $0x4  }
0x131: {  	s22 =	sadd.s32 s4, s10;
	[tilespmem:s5+$0x0] =	vst v0  }
0x132: {  	[hbm4b:s22+s1] =	stream.linear.scatter [tilespmem:s29], [sflag:$0x6], $0x800, $0x38;
	[tilespmem:$0x12400] =	vst v63  }
.Ltmp11:
0x133: {  	(pc) =	sbr.rel .LBB2_18-.Ltmp11, $4  }
0x134: {  	_ = 	snop  }
0x135: {  	s5 =	sshrl.u32 s20, $0x2  }
0x136: {  	s19 =	sadd.s32 $0x1, s19;
	s5 =	sadd.s32 $0x380, s5  }
0x137: {  	[tilespmem:s23], [sflag:$0x4] =	stream.indirect.gather [hbm4b:s3+s17], $0x80, s5, s17, $0xb8;
	[tilespmem:$0x12400] =	vst v63  }
.LBB2_2:
0x138: {  	s5 =	rddreg [dreg:$0x2]  }
0x139: {  	[tilespmem:s19], [sflag:$0x7] =	stream.linear.gather [hbm4b:s5+s19], $0x1400, $0x38;
	[tilespmem:$0x12400] =	vst v63  }
0x13a: {  	_ =	swait.ge [sflag:s16], $0x1400  }
0x13b: {  	[sflag:s16] =	ssyncset.done $0x0  }
0x13c: {  	[sflag:s16] =	ssyncadd.s32 $0xFFFFEC00  }
0x13d: {  	[tilespmem:s18], [sflag:$0x1] =	stream.indirect.gather [hbm4b:s3+s17], $0x80, s19, s17, $0xb8;
	[tilespmem:$0x12400] =	vst v63  }
0x13e: {  	s20 =	simm.s32 $0x5400  }
0x13f: {  	[tilespmem:s20], [sflag:$0x2] =	stream.indirect.gather [hbm4b:s3+s17], $0x80, s17, s17, $0xb8;
	[tilespmem:$0x12400] =	vst v63  }
0x140: {  	s21 =	simm.s32 $0x100;
	s10 =	simm.s32 $0x9400  }
0x141: {  	[tilespmem:s10], [sflag:$0x3] =	stream.indirect.gather [hbm4b:s3+s17], $0x80, s21, s17, $0xb8;
	[tilespmem:$0x12400] =	vst v63  }
0x142: {  	s22 =	simm.s32 $0x180  }
0x143: {  	[tilespmem:s23], [sflag:$0x4] =	stream.indirect.gather [hbm4b:s3+s17], $0x80, s22, s17, $0xb8;
	[tilespmem:$0x12400] =	vst v63  }
.LBB2_3:
0x144: {  	_ =	swait.ge [sflag:s24], $0x4000  }
0x145: {  	p1 =	seq.s32 s19, $0x0;
	[sflag:s24] =	ssyncset.done $0x0  }
0x146: {  	s5 =	simm.s32 @!p1 $0x5;
	[sflag:s24] =	ssyncadd.s32 $0xFFFFC000  }
0x147: {  	_ =	swait.ge @!p1 [sflag:s5], $0x800  }
0x148: {  	[sflag:s5] =	ssyncset.done @!p1 $0x0  }
0x149: {  	s22 =	simm.s32 $0x0;
	[sflag:s5] =	ssyncadd.s32 @!p1 $0xFFFFF800  }
0x14a: {  	v0 =	vld [tilespmem:s22+$0x1400];
	_ =	sdelay $0x3  }
0x14b: {  	s21 =	simm.s32 $0x11440  }
0x14c: {  	[tilespmem:s21+$0xFFFFFFC0] =	vst v0  }
0x14d: {  	v0 =	vld [tilespmem:s22+$0x1480];
	_ =	sdelay $0x4  }
0x14e: {  	[tilespmem:s21+$0xFFFFFFD0] =	vst v0  }
0x14f: {  	v0 =	vld [tilespmem:s22+$0x1500];
	_ =	sdelay $0x4  }
0x150: {  	[tilespmem:s21+$0xFFFFFFE0] =	vst v0  }
0x151: {  	v0 =	vld [tilespmem:s22+$0x1580];
	_ =	sdelay $0x4  }
0x152: {  	[tilespmem:s21+$0xFFFFFFF0] =	vst v0  }
0x153: {  	v0 =	vld [tilespmem:s22+$0x1600];
	_ =	sdelay $0x4  }
0x154: {  	[tilespmem:s21+$0x0] =	vst v0  }
0x155: {  	v0 =	vld [tilespmem:s22+$0x1680];
	_ =	sdelay $0x4  }
0x156: {  	[tilespmem:s21+$0x10] =	vst v0  }
0x157: {  	v0 =	vld [tilespmem:s22+$0x1700];
	_ =	sdelay $0x4  }
0x158: {  	[tilespmem:s21+$0x20] =	vst v0  }
0x159: {  	v0 =	vld [tilespmem:s22+$0x1780];
	_ =	sdelay $0x4  }
0x15a: {  	s20 =	sshll.u32 s19, $0xB;
	s10 =	simm.s32 $0x2000;
	s5 =	simm.s32 $0x400;
	[tilespmem:s21+$0x30] =	vst v0  }
.LBB2_4:
0x15b: {  	p2 =	sne.s32 s10, $0xF000;
	v0 =	vld [tilespmem:s5+$0x1400];
	_ =	sdelay $0x3  }
0x15c: {  	s21 =	sadd.s32 $0x80, s21  }
0x15d: {  	[tilespmem:s21+$0xFFFFFFC0] =	vst v0  }
0x15e: {  	v0 =	vld [tilespmem:s5+$0x1480];
	_ =	sdelay $0x4  }
0x15f: {  	[tilespmem:s21+$0xFFFFFFD0] =	vst v0  }
0x160: {  	v0 =	vld [tilespmem:s5+$0x1500];
	_ =	sdelay $0x4  }
0x161: {  	[tilespmem:s21+$0xFFFFFFE0] =	vst v0  }
0x162: {  	v0 =	vld [tilespmem:s5+$0x1580];
	_ =	sdelay $0x4  }
0x163: {  	[tilespmem:s21+$0xFFFFFFF0] =	vst v0  }
0x164: {  	v0 =	vld [tilespmem:s5+$0x1600];
	_ =	sdelay $0x4  }
0x165: {  	[tilespmem:s21+$0x0] =	vst v0  }
0x166: {  	v0 =	vld [tilespmem:s5+$0x1680];
	_ =	sdelay $0x4  }
0x167: {  	[tilespmem:s21+$0x10] =	vst v0  }
0x168: {  	v0 =	vld [tilespmem:s5+$0x1700];
	_ =	sdelay $0x4  }
0x169: {  	[tilespmem:s21+$0x20] =	vst v0  }
0x16a: {  	v0 =	vld [tilespmem:s5+$0x1780]  }
.Ltmp12:
0x16b: {  	(pc) =	sbr.rel @p2 .LBB2_4-.Ltmp12, $2  }
0x16c: {  	_ =	sdelay $0x2  }
0x16d: {  	s5 =	sshra.s32 s10, $0x2;
	s10 =	sadd.s32 $0x1000, s10;
	[tilespmem:s21+$0x30] =	vst v0  }
0x16e: {  	v0 =	vld [tilespmem:s5+$0x1400];
	_ =	sdelay $0x3  }
0x16f: {  	s10 =	sadd.s32 $0x80, s21  }
0x170: {  	[tilespmem:s10+$0xFFFFFFC0] =	vst v0  }
0x171: {  	v0 =	vld [tilespmem:s5+$0x1480];
	_ =	sdelay $0x4  }
0x172: {  	[tilespmem:s10+$0xFFFFFFD0] =	vst v0  }
0x173: {  	v0 =	vld [tilespmem:s5+$0x1500];
	_ =	sdelay $0x4  }
0x174: {  	[tilespmem:s10+$0xFFFFFFE0] =	vst v0  }
0x175: {  	v0 =	vld [tilespmem:s5+$0x1580];
	_ =	sdelay $0x4  }
0x176: {  	[tilespmem:s10+$0xFFFFFFF0] =	vst v0  }
0x177: {  	v0 =	vld [tilespmem:s5+$0x1600];
	_ =	sdelay $0x4  }
0x178: {  	[tilespmem:s10+$0x0] =	vst v0  }
0x179: {  	v0 =	vld [tilespmem:s5+$0x1680];
	_ =	sdelay $0x4  }
0x17a: {  	[tilespmem:s10+$0x10] =	vst v0  }
0x17b: {  	v0 =	vld [tilespmem:s5+$0x1700];
	_ =	sdelay $0x4  }
0x17c: {  	[tilespmem:s10+$0x20] =	vst v0  }
0x17d: {  	v0 =	vld [tilespmem:s5+$0x1780]  }
0x17e: {  	p2 =	sne.s32 s19, $0x9  }
.Ltmp13:
0x17f: {  	s22 =	sshll.u32 s19, $0xD;
	(pc) =	sbr.rel @p2 .LBB2_7-.Ltmp13, $4  }
0x180: {  	s5 =	sadd.s32 s6, s22  }
0x181: {  	s5 =	sshrl.u32 s5, $0x3  }
0x182: {  	s5 =	sadd.s32 s4, s5;
	[tilespmem:s10+$0x30] =	vst v0  }
0x183: {  	[hbm4b:s5+s1] =	stream.linear.scatter [tilespmem:s25], [sflag:$0x5], $0x800, $0x38;
	[tilespmem:$0x12400] =	vst v63  }
.Ltmp14:
0x184: {  	(pc) =	sbr.rel .LBB2_8-.Ltmp14, $4  }
0x185: {  	_ = 	snop  }
0x186: {  	_ =	swait.ge [sflag:s26], $0x4000  }
0x187: {  	[sflag:s26] =	ssyncset.done $0x0  }
0x188: {  	[sflag:s26] =	ssyncadd.s32 $0xFFFFC000  }
.LBB2_7:
0x189: {  	s5 =	sshrl.u32 s20, $0x2  }
.Ltmp15:
0x18a: {  	s5 =	sadd.s32 $0x200, s5;
	(pc) =	sbr.rel @p1 .LBB2_9-.Ltmp15, $4  }
0x18b: {  	[tilespmem:s18], [sflag:$0x1] =	stream.indirect.gather [hbm4b:s3+s17], $0x80, s5, s17, $0xb8;
	[tilespmem:$0x12400] =	vst v63  }
0x18c: {  	_ =	swait.ge [sflag:s26], $0x4000  }
0x18d: {  	[sflag:s26] =	ssyncset.done $0x0  }
0x18e: {  	[sflag:s26] =	ssyncadd.s32 $0xFFFFC000  }
.LBB2_8:
0x18f: {  	_ =	swait.ge [sflag:s28], $0x800  }
0x190: {  	[sflag:s28] =	ssyncset.done $0x0  }
0x191: {  	[sflag:s28] =	ssyncadd.s32 $0xFFFFF800  }
.LBB2_9:
0x192: {  	s5 =	simm.s32 $0x0  }
0x193: {  	v0 =	vld [tilespmem:s5+$0x5400];
	_ =	sdelay $0x3  }
0x194: {  	s21 =	simm.s32 $0x11C70  }
0x195: {  	[tilespmem:s21+$0xFFFFFF90] =	vst v0  }
0x196: {  	v0 =	vld [tilespmem:s5+$0x5480];
	_ =	sdelay $0x4  }
0x197: {  	[tilespmem:s21+$0xFFFFFFA0] =	vst v0  }
0x198: {  	v0 =	vld [tilespmem:s5+$0x5500];
	_ =	sdelay $0x4  }
0x199: {  	[tilespmem:s21+$0xFFFFFFB0] =	vst v0  }
0x19a: {  	v0 =	vld [tilespmem:s5+$0x5580];
	_ =	sdelay $0x4  }
0x19b: {  	[tilespmem:s21+$0xFFFFFFC0] =	vst v0  }
0x19c: {  	v0 =	vld [tilespmem:s5+$0x5600];
	_ =	sdelay $0x4  }
0x19d: {  	[tilespmem:s21+$0xFFFFFFD0] =	vst v0  }
0x19e: {  	v0 =	vld [tilespmem:s5+$0x5680];
	_ =	sdelay $0x4  }
0x19f: {  	[tilespmem:s21+$0xFFFFFFE0] =	vst v0  }
0x1a0: {  	v0 =	vld [tilespmem:s5+$0x5700];
	_ =	sdelay $0x4  }
0x1a1: {  	[tilespmem:s21+$0xFFFFFFF0] =	vst v0  }
0x1a2: {  	v0 =	vld [tilespmem:s5+$0x5780];
	_ =	sdelay $0x4  }
0x1a3: {  	s10 =	simm.s32 $0x2000;
	s5 =	simm.s32 $0x400;
	[tilespmem:s21+$0x0] =	vst v0  }
.LBB2_10:
0x1a4: {  	p1 =	sne.s32 s10, $0xF000;
	v0 =	vld [tilespmem:s5+$0x5400];
	_ =	sdelay $0x3  }
0x1a5: {  	s21 =	sadd.s32 $0x80, s21  }
0x1a6: {  	[tilespmem:s21+$0xFFFFFF90] =	vst v0  }
0x1a7: {  	v0 =	vld [tilespmem:s5+$0x5480];
	_ =	sdelay $0x4  }
0x1a8: {  	[tilespmem:s21+$0xFFFFFFA0] =	vst v0  }
0x1a9: {  	v0 =	vld [tilespmem:s5+$0x5500];
	_ =	sdelay $0x4  }
0x1aa: {  	[tilespmem:s21+$0xFFFFFFB0] =	vst v0  }
0x1ab: {  	v0 =	vld [tilespmem:s5+$0x5580];
	_ =	sdelay $0x4  }
0x1ac: {  	[tilespmem:s21+$0xFFFFFFC0] =	vst v0  }
0x1ad: {  	v0 =	vld [tilespmem:s5+$0x5600];
	_ =	sdelay $0x4  }
0x1ae: {  	[tilespmem:s21+$0xFFFFFFD0] =	vst v0  }
0x1af: {  	v0 =	vld [tilespmem:s5+$0x5680];
	_ =	sdelay $0x4  }
0x1b0: {  	[tilespmem:s21+$0xFFFFFFE0] =	vst v0  }
0x1b1: {  	v0 =	vld [tilespmem:s5+$0x5700];
	_ =	sdelay $0x4  }
0x1b2: {  	[tilespmem:s21+$0xFFFFFFF0] =	vst v0  }
0x1b3: {  	v0 =	vld [tilespmem:s5+$0x5780]  }
.Ltmp16:
0x1b4: {  	(pc) =	sbr.rel @p1 .LBB2_10-.Ltmp16, $2  }
0x1b5: {  	_ =	sdelay $0x2  }
0x1b6: {  	s5 =	sshra.s32 s10, $0x2;
	s10 =	sadd.s32 $0x1000, s10;
	[tilespmem:s21+$0x0] =	vst v0  }
0x1b7: {  	v0 =	vld [tilespmem:s5+$0x5400];
	_ =	sdelay $0x3  }
0x1b8: {  	s10 =	sadd.s32 $0x80, s21  }
0x1b9: {  	[tilespmem:s10+$0xFFFFFF90] =	vst v0  }
0x1ba: {  	v0 =	vld [tilespmem:s5+$0x5480];
	_ =	sdelay $0x4  }
0x1bb: {  	[tilespmem:s10+$0xFFFFFFA0] =	vst v0  }
0x1bc: {  	v0 =	vld [tilespmem:s5+$0x5500];
	_ =	sdelay $0x4  }
0x1bd: {  	[tilespmem:s10+$0xFFFFFFB0] =	vst v0  }
0x1be: {  	v0 =	vld [tilespmem:s5+$0x5580];
	_ =	sdelay $0x4  }
0x1bf: {  	[tilespmem:s10+$0xFFFFFFC0] =	vst v0  }
0x1c0: {  	v0 =	vld [tilespmem:s5+$0x5600];
	_ =	sdelay $0x4  }
0x1c1: {  	[tilespmem:s10+$0xFFFFFFD0] =	vst v0  }
0x1c2: {  	v0 =	vld [tilespmem:s5+$0x5680];
	_ =	sdelay $0x4  }
0x1c3: {  	[tilespmem:s10+$0xFFFFFFE0] =	vst v0  }
0x1c4: {  	v0 =	vld [tilespmem:s5+$0x5700];
	_ =	sdelay $0x4  }
0x1c5: {  	[tilespmem:s10+$0xFFFFFFF0] =	vst v0  }
0x1c6: {  	v0 =	vld [tilespmem:s5+$0x5780];
	_ =	sdelay $0x1  }
0x1c7: {  	s21 =	sshll.u32 s19, $0x6  }
0x1c8: {  	s22 =	sadd.s32 s21, s7  }
0x1c9: {  	p1 =	seq.s32 s19, $0x9;
	s5 =	sshll.u32 s22, $0x4  }
0x1ca: {  	s22 =	sshrl.u32 @!p1 s20, $0x2;
	s5 =	sadd.s32 s4, s5;
	[tilespmem:s10+$0x0] =	vst v0  }
0x1cb: {  	[hbm4b:s5+s1] =	stream.linear.scatter [tilespmem:s29], [sflag:$0x6], $0x800, $0x38;
	[tilespmem:$0x12400] =	vst v63  }
0x1cc: {  	s15 =	simm.s32 @!p1 $0x5400;
	s10 =	simm.s32 @!p1 $0x80;
	s5 =	sadd.s32 @!p1 $0x280, s22  }
0x1cd: {  	[tilespmem:s15], [sflag:$0x2] =	stream.indirect.gather @!p1 [hbm4b:s3+s10], $0x80, s5, s10, $0xb8;
	[tilespmem:$0x12400] =	vst v63  }
0x1ce: {  	_ =	swait.ge [sflag:s30], $0x4000  }
0x1cf: {  	[sflag:s30] =	ssyncset.done $0x0  }
0x1d0: {  	[sflag:s30] =	ssyncadd.s32 $0xFFFFC000  }
0x1d1: {  	_ =	swait.ge [sflag:s31], $0x800  }
0x1d2: {  	[sflag:s31] =	ssyncset.done $0x0  }
0x1d3: {  	s15 =	simm.s32 $0x0;
	[sflag:s31] =	ssyncadd.s32 $0xFFFFF800  }
0x1d4: {  	v63 =	vld [tilespmem:s15+$0x9400];
	_ =	sdelay $0x3  }
0x1d5: {  	s5 =	simm.s32 $0x11440  }
0x1d6: {  	[tilespmem:s5+$0xFFFFFFC0] =	vst v63  }
0x1d7: {  	v0 =	vld [tilespmem:s15+$0x9480];
	_ =	sdelay $0x4  }
0x1d8: {  	[tilespmem:s5+$0xFFFFFFD0] =	vst v0  }
0x1d9: {  	v0 =	vld [tilespmem:s15+$0x9500];
	_ =	sdelay $0x4  }
0x1da: {  	[tilespmem:s5+$0xFFFFFFE0] =	vst v0  }
0x1db: {  	v0 =	vld [tilespmem:s15+$0x9580];
	_ =	sdelay $0x4  }
0x1dc: {  	[tilespmem:s5+$0xFFFFFFF0] =	vst v0  }
0x1dd: {  	v0 =	vld [tilespmem:s15+$0x9600];
	_ =	sdelay $0x4  }
0x1de: {  	[tilespmem:s5+$0x0] =	vst v0  }
0x1df: {  	v0 =	vld [tilespmem:s15+$0x9680];
	_ =	sdelay $0x4  }
0x1e0: {  	[tilespmem:s5+$0x10] =	vst v0  }
0x1e1: {  	v0 =	vld [tilespmem:s15+$0x9700];
	_ =	sdelay $0x4  }
0x1e2: {  	[tilespmem:s5+$0x20] =	vst v0  }
0x1e3: {  	v0 =	vld [tilespmem:s15+$0x9780];
	_ =	sdelay $0x4  }
0x1e4: {  	s10 =	simm.s32 $0x400;
	s15 =	simm.s32 $0x2000;
	[tilespmem:s5+$0x30] =	vst v0  }
.LBB2_12:
0x1e5: {  	p2 =	sne.s32 s15, $0xF000;
	v0 =	vld [tilespmem:s10+$0x9400];
	_ =	sdelay $0x3  }
0x1e6: {  	s5 =	sadd.s32 $0x80, s5  }
0x1e7: {  	[tilespmem:s5+$0xFFFFFFC0] =	vst v0  }
0x1e8: {  	v0 =	vld [tilespmem:s10+$0x9480];
	_ =	sdelay $0x4  }
0x1e9: {  	[tilespmem:s5+$0xFFFFFFD0] =	vst v0  }
0x1ea: {  	v0 =	vld [tilespmem:s10+$0x9500];
	_ =	sdelay $0x4  }
0x1eb: {  	[tilespmem:s5+$0xFFFFFFE0] =	vst v0  }
0x1ec: {  	v0 =	vld [tilespmem:s10+$0x9580];
	_ =	sdelay $0x4  }
0x1ed: {  	[tilespmem:s5+$0xFFFFFFF0] =	vst v0  }
0x1ee: {  	v0 =	vld [tilespmem:s10+$0x9600];
	_ =	sdelay $0x4  }
0x1ef: {  	[tilespmem:s5+$0x0] =	vst v0  }
0x1f0: {  	v0 =	vld [tilespmem:s10+$0x9680];
	_ =	sdelay $0x4  }
0x1f1: {  	[tilespmem:s5+$0x10] =	vst v0  }
0x1f2: {  	v0 =	vld [tilespmem:s10+$0x9700];
	_ =	sdelay $0x4  }
0x1f3: {  	[tilespmem:s5+$0x20] =	vst v0  }
0x1f4: {  	v0 =	vld [tilespmem:s10+$0x9780]  }
.Ltmp17:
0x1f5: {  	(pc) =	sbr.rel @p2 .LBB2_12-.Ltmp17, $2  }
0x1f6: {  	_ =	sdelay $0x2  }
0x1f7: {  	s10 =	sshra.s32 s15, $0x2;
	s15 =	sadd.s32 $0x1000, s15;
	[tilespmem:s5+$0x30] =	vst v0  }
0x1f8: {  	v0 =	vld [tilespmem:s10+$0x9400];
	_ =	sdelay $0x3  }
0x1f9: {  	s5 =	sadd.s32 $0x80, s5  }
0x1fa: {  	[tilespmem:s5+$0xFFFFFFC0] =	vst v0  }
0x1fb: {  	v0 =	vld [tilespmem:s10+$0x9480];
	_ =	sdelay $0x4  }
0x1fc: {  	[tilespmem:s5+$0xFFFFFFD0] =	vst v0  }
0x1fd: {  	v0 =	vld [tilespmem:s10+$0x9500];
	_ =	sdelay $0x4  }
0x1fe: {  	[tilespmem:s5+$0xFFFFFFE0] =	vst v0  }
0x1ff: {  	v0 =	vld [tilespmem:s10+$0x9580];
	_ =	sdelay $0x4  }
0x200: {  	[tilespmem:s5+$0xFFFFFFF0] =	vst v0  }
0x201: {  	v0 =	vld [tilespmem:s10+$0x9600];
	_ =	sdelay $0x4  }
0x202: {  	[tilespmem:s5+$0x0] =	vst v0  }
0x203: {  	v0 =	vld [tilespmem:s10+$0x9680];
	_ =	sdelay $0x4  }
0x204: {  	[tilespmem:s5+$0x10] =	vst v0  }
0x205: {  	v0 =	vld [tilespmem:s10+$0x9700];
	_ =	sdelay $0x4  }
0x206: {  	[tilespmem:s5+$0x20] =	vst v0  }
0x207: {  	v0 =	vld [tilespmem:s10+$0x9780];
	_ =	sdelay $0x2  }
0x208: {  	s15 =	sadd.s32 s21, s8  }
0x209: {  	s10 =	sshll.u32 s15, $0x4  }
0x20a: {  	s15 =	sadd.s32 s4, s10;
	[tilespmem:s5+$0x30] =	vst v0  }
0x20b: {  	[hbm4b:s15+s1] =	stream.linear.scatter [tilespmem:s25], [sflag:$0x5], $0x800, $0x38;
	[tilespmem:$0x12400] =	vst v63  }
0x20c: {  	s10 =	simm.s32 @!p1 $0x80;
	s5 =	sadd.s32 @!p1 $0x300, s22;
	s15 =	simm.s32 @!p1 $0x9400  }
0x20d: {  	[tilespmem:s15], [sflag:$0x3] =	stream.indirect.gather @!p1 [hbm4b:s3+s10], $0x80, s5, s10, $0xb8;
	[tilespmem:$0x12400] =	vst v63  }
0x20e: {  	_ =	swait.ge [sflag:s0], $0x4000  }
0x20f: {  	[sflag:s0] =	ssyncset.done $0x0  }
0x210: {  	[sflag:s0] =	ssyncadd.s32 $0xFFFFC000  }
0x211: {  	_ =	swait.ge [sflag:s28], $0x800  }
0x212: {  	[sflag:s28] =	ssyncset.done $0x0  }
0x213: {  	s22 =	simm.s32 $0x0;
	[sflag:s28] =	ssyncadd.s32 $0xFFFFF800  }
0x214: {  	v63 =	vld [tilespmem:s22+$0xD400];
	_ =	sdelay $0x3  }
0x215: {  	s5 =	simm.s32 $0x11C70  }
0x216: {  	[tilespmem:s5+$0xFFFFFF90] =	vst v63  }
0x217: {  	v0 =	vld [tilespmem:s22+$0xD480];
	_ =	sdelay $0x4  }
0x218: {  	[tilespmem:s5+$0xFFFFFFA0] =	vst v0  }
0x219: {  	v0 =	vld [tilespmem:s22+$0xD500];
	_ =	sdelay $0x4  }
0x21a: {  	[tilespmem:s5+$0xFFFFFFB0] =	vst v0  }
0x21b: {  	v0 =	vld [tilespmem:s22+$0xD580];
	_ =	sdelay $0x4  }
0x21c: {  	[tilespmem:s5+$0xFFFFFFC0] =	vst v0  }
0x21d: {  	v0 =	vld [tilespmem:s22+$0xD600];
	_ =	sdelay $0x4  }
0x21e: {  	[tilespmem:s5+$0xFFFFFFD0] =	vst v0  }
0x21f: {  	v0 =	vld [tilespmem:s22+$0xD680];
	_ =	sdelay $0x4  }
0x220: {  	[tilespmem:s5+$0xFFFFFFE0] =	vst v0  }
0x221: {  	v0 =	vld [tilespmem:s22+$0xD700];
	_ =	sdelay $0x4  }
0x222: {  	[tilespmem:s5+$0xFFFFFFF0] =	vst v0  }
0x223: {  	v0 =	vld [tilespmem:s22+$0xD780];
	_ =	sdelay $0x4  }
0x224: {  	s10 =	simm.s32 $0x400;
	s15 =	simm.s32 $0x2000;
	[tilespmem:s5+$0x0] =	vst v0  }
.LBB2_14:
0x225: {  	p2 =	sne.s32 s15, $0xF000;
	v0 =	vld [tilespmem:s10+$0xD400];
	_ =	sdelay $0x3  }
0x226: {  	s5 =	sadd.s32 $0x80, s5  }
0x227: {  	[tilespmem:s5+$0xFFFFFF90] =	vst v0  }
0x228: {  	v0 =	vld [tilespmem:s10+$0xD480];
	_ =	sdelay $0x4  }
0x229: {  	[tilespmem:s5+$0xFFFFFFA0] =	vst v0  }
0x22a: {  	v0 =	vld [tilespmem:s10+$0xD500];
	_ =	sdelay $0x4  }
0x22b: {  	[tilespmem:s5+$0xFFFFFFB0] =	vst v0  }
0x22c: {  	v0 =	vld [tilespmem:s10+$0xD580];
	_ =	sdelay $0x4  }
0x22d: {  	[tilespmem:s5+$0xFFFFFFC0] =	vst v0  }
0x22e: {  	v0 =	vld [tilespmem:s10+$0xD600];
	_ =	sdelay $0x4  }
0x22f: {  	[tilespmem:s5+$0xFFFFFFD0] =	vst v0  }
0x230: {  	v0 =	vld [tilespmem:s10+$0xD680];
	_ =	sdelay $0x4  }
0x231: {  	[tilespmem:s5+$0xFFFFFFE0] =	vst v0  }
0x232: {  	v0 =	vld [tilespmem:s10+$0xD700];
	_ =	sdelay $0x4  }
0x233: {  	[tilespmem:s5+$0xFFFFFFF0] =	vst v0  }
0x234: {  	v0 =	vld [tilespmem:s10+$0xD780]  }
.Ltmp18:
0x235: {  	(pc) =	sbr.rel @p2 .LBB2_14-.Ltmp18, $2  }
0x236: {  	_ =	sdelay $0x2  }
0x237: {  	s10 =	sshra.s32 s15, $0x2;
	s15 =	sadd.s32 $0x1000, s15;
	[tilespmem:s5+$0x0] =	vst v0  }
0x238: {  	v0 =	vld [tilespmem:s10+$0xD400];
	_ =	sdelay $0x3  }
0x239: {  	s5 =	sadd.s32 $0x80, s5  }
0x23a: {  	[tilespmem:s5+$0xFFFFFF90] =	vst v0  }
0x23b: {  	v0 =	vld [tilespmem:s10+$0xD480];
	_ =	sdelay $0x4  }
0x23c: {  	[tilespmem:s5+$0xFFFFFFA0] =	vst v0  }
0x23d: {  	v0 =	vld [tilespmem:s10+$0xD500];
	_ =	sdelay $0x4  }
0x23e: {  	[tilespmem:s5+$0xFFFFFFB0] =	vst v0  }
0x23f: {  	v0 =	vld [tilespmem:s10+$0xD580];
	_ =	sdelay $0x4  }
0x240: {  	[tilespmem:s5+$0xFFFFFFC0] =	vst v0  }
0x241: {  	v0 =	vld [tilespmem:s10+$0xD600];
	_ =	sdelay $0x4  }
0x242: {  	[tilespmem:s5+$0xFFFFFFD0] =	vst v0  }
0x243: {  	v0 =	vld [tilespmem:s10+$0xD680];
	_ =	sdelay $0x4  }
0x244: {  	[tilespmem:s5+$0xFFFFFFE0] =	vst v0  }
0x245: {  	v0 =	vld [tilespmem:s10+$0xD700];
	_ =	sdelay $0x4  }
0x246: {  	[tilespmem:s5+$0xFFFFFFF0] =	vst v0  }
0x247: {  	v0 =	vld [tilespmem:s10+$0xD780];
	_ =	sdelay $0x1  }
.Ltmp19:
0x248: {  	_ = 	snop;
	(pc) =	sbr.rel @p1 .LBB2_32-.Ltmp19, $4  }
0x249: {  	s21 =	sadd.s32 s21, s9  }
0x24a: {  	s10 =	sshll.u32 s21, $0x4  }
0x24b: {  	s22 =	sadd.s32 s4, s10;
	[tilespmem:s5+$0x0] =	vst v0  }
0x24c: {  	[hbm4b:s22+s1] =	stream.linear.scatter [tilespmem:s29], [sflag:$0x6], $0x800, $0x38;
	[tilespmem:$0x12400] =	vst v63  }
.Ltmp20:
0x24d: {  	(pc) =	sbr.rel .LBB2_3-.Ltmp20, $4  }
0x24e: {  	_ = 	snop  }
0x24f: {  	s5 =	sshrl.u32 s20, $0x2  }
0x250: {  	s19 =	sadd.s32 $0x1, s19;
	s5 =	sadd.s32 $0x380, s5  }
0x251: {  	[tilespmem:s23], [sflag:$0x4] =	stream.indirect.gather [hbm4b:s3+s17], $0x80, s5, s17, $0xb8;
	[tilespmem:$0x12400] =	vst v63  }
.LBB2_33:
0x252: {  	_ =	sfence.sel $0x180000  }
0x253: {  	[bflag:$0x0] =	sbarrier.arrive $0xFFFF  }
0x254: {  	_ =	strace $0x90000047  }
0x255: {  	s0 =	stileid.u32;
	[bflag:$0x2] =	sbarrier.arrive $0xFFFF  }
0x256: {  	p0 =	sne.s32 s0, $0x0;
	s0 =	rddreg [dreg:$0x1]  }
0x257: {  	s0 =	sadd.s32 @!p0 $0x100000, s0  }
0x258: {  	[sflag:s0] =	ssyncadd.tile.s32 @!p0 $0x1;
	_ =	shalt  }
.Lfunc_end2:
_tile_overlayer_lowered:
.L_overlay_start_2:
0x259: {  	(tag) =	ssettag $0x2  }
0x25a: {  	s0 =	rddreg [dreg:$0x0];
	s2 =	stileid.u32  }
0x25b: {  	s1 =	rddreg [dreg:$0x1];
	p0 =	sne.s32 s2, $0x0  }
0x25c: {  	s3 =	rddreg [dreg:$0x2];
	[bflag:$0x3] =	sbarrier.arrive $0xFFFF;
	s2 =	simm.s32 @!p0 $0x1C07  }
0x25d: {  	[timem:s3], [sflag:s2] =	dma.local @!p0 [hbm:s0], s1  }
0x25e: {  	s0 =	simm.s32 @!p0 $0x7  }
0x25f: {  	_ =	swait.ge @!p0 [sflag:s0], s1  }
0x260: {  	s1 =	ssub.s32 @!p0 $0x0, s1;
	[sflag:s0] =	ssyncset.done @!p0 $0x0  }
0x261: {  	[sflag:s0] =	ssyncadd.s32 @!p0 s1  }
0x262: {  	[bflag:$0x3] =	sbarrier.arrive $0xFFFF  }
0x263: {  	_ =	shalt  }

// kernel: kernel.9.cloned.1.call-start
scs
__scs_entry_jumppad:
0x0: {  	(pc) =	sbr.rel $0x88, $3  }
0x1: {  	(tag) =	ssettag $0x0;
	lr =	simm.s32 $0x1  }
0x2: {  	[smem:$0x3F8B] =	sst lr;
	_ =	strace $0xD0000000  }
0x3: {  	_ = 	snop  }
0x4: {  	_ = 	snop  }
0x5: {  	_ = 	snop  }
0x6: {  	_ = 	snop  }
0x7: {  	_ = 	snop  }
__scs_overlays_trampoline_lowered:
0x8: {  	[smem:$0x3F9A] =	sst s0  }
0x9: {  	[smem:$0x3F9B] =	sst s1  }
0xa: {  	[smem:$0x3F9C] =	sst s2  }
0xb: {  	[smem:$0x3F9D] =	sst s3  }
0xc: {  	[smem:$0x3F9E] =	sst s4  }
0xd: {  	[smem:$0x3F9F] =	sst s5  }
0xe: {  	[smem:$0x3FA0] =	sst s6  }
0xf: {  	[smem:$0x3FA1] =	sst s7  }
0x10: {  	[smem:$0x3FA2] =	sst s8  }
0x11: {  	[smem:$0x3FA3] =	sst s9;
	s0 =	simm.s32 @!p0 $0x0  }
0x12: {  	s1 =	sld [smem:$0x3F89];
	s0 =	simm.s32 @p0 $0x1  }
0x13: {  	[smem:$0x3FA4] =	sst s0;
	s0 =	simm.s32 @!p1 $0x0  }
0x14: {  	s2 =	sld [smem:$0x3F88];
	s0 =	simm.s32 @p1 $0x1  }
0x15: {  	[smem:$0x3FA5] =	sst s0;
	s0 =	simm.s32 @!p2 $0x0  }
0x16: {  	s3 =	sld [smem:$0x3FDB];
	s0 =	simm.s32 @p2 $0x1  }
0x17: {  	s4 =	simm.s32 $0x1BF5;
	[smem:$0x3FA7] =	sst s0  }
0x18: {  	s0 =	sld [smem:$0x3F8A];
	_ =	swait.ge [sflag:s4], $0x0  }
0x19: {  	s7 =	sld [smem:$0x3F8B]  }
0x1a: {  	s8 =	sadd.s32 $0xFFFFE003, lr  }
0x1b: {  	s9 =	sadd.s32 $0xFFFFFEF7, lr;
	s5 =	simm.s32 $0xFFFFFFFF;
	p2 =	slt.u32 s8, $0xFFFFF086  }
0x1c: {  	p1 =	slt.u32 s9, $0xF7A;
	s5 =	simm.s32 @!p2 $0x0  }
0x1d: {  	s5 =	simm.s32 @p1 $0x1;
	p0 =	seq.s32 s7, s2  }
0x1e: {  	s7 =	smul.u32 @!p0 $0xF7A, s2;
	p2 =	seq.s32 @!p0 s5, $0x0  }
0x1f: {  	s9 =	smul.u32 $0xF7A, s1;
	s8 =	simm.s32 @!p0 $0x1BF5;
	p2 =	por !p2, p0  }
0x20: {  	[sflag:s8] =	ssyncset.s32 @!p0 $0xFFFFF086;
	s6 =	sadd.s32 @!p0 s3, s7;
	s7 =	simm.s32 @!p0 $0x108  }
0x21: {  	s3 =	sadd.s32 s3, s9;
	s6 =	sadd.s32 @!p0 $0x88, s6;
	s7 =	simm.s32 @p2 $0x1082  }
0x22: {  	[simem:s7], [sflag:s8] =	dma.local @!p0 [hbm:s6], $0xF7A  }
0x23: {  	s9 =	sor.u32 $0xD0000000, s2;
	s6 =	simm.s32 $0x108;
	_ =	swait.ge @!p0 [sflag:s8], $0x0  }
0x24: {  	s3 =	sadd.s32 $0x88, s3;
	s6 =	simm.s32 @!p1 $0x1082;
	[sflag:s4] =	ssyncset.s32 $0xFFFFF086  }
0x25: {  	[simem:s6], [sflag:s4] =	dma.local [hbm:s3], $0xF7A  }
0x26: {  	[smem:$0x3F8B] =	sst s1;
	(tag) =	ssettag s2;
	_ =	strace s9  }
0x27: {  	s1 =	sld [smem:$0x3F9B]  }
0x28: {  	s2 =	sld [smem:$0x3F9C]  }
0x29: {  	s4 =	sld [smem:$0x3F9E]  }
0x2a: {  	p0 =	seq.s32 s5, $0x0;
	s5 =	sld [smem:$0x3F9F]  }
0x2b: {  	s6 =	sld [smem:$0x3FA0]  }
0x2c: {  	s7 =	sld [smem:$0x3FA1]  }
0x2d: {  	s3 =	simm.s32 $0x108;
	s8 =	sld [smem:$0x3FA2]  }
0x2e: {  	s3 =	simm.s32 @!p0 $0x1082;
	s9 =	sld [smem:$0x3FA3]  }
0x2f: {  	lr =	sadd.s32 s0, s3;
	s0 =	sld [smem:$0x3F9A]  }
0x30: {  	s3 =	sld [smem:$0x3F9D]  }
0x31: {  	[smem:$0x3FA6] =	sst s10  }
0x32: {  	s10 =	sld [smem:$0x3FA4];
	_ =	sdelay $0x3  }
0x33: {  	p0 =	seq.s32 s10, $0x1;
	s10 =	sld [smem:$0x3FA6];
	_ =	sdelay $0x3  }
0x34: {  	[smem:$0x3FA6] =	sst s10  }
0x35: {  	s10 =	sld [smem:$0x3FA5];
	_ =	sdelay $0x3  }
0x36: {  	p1 =	seq.s32 s10, $0x1;
	s10 =	sld [smem:$0x3FA6];
	_ =	sdelay $0x3  }
0x37: {  	[smem:$0x3FA6] =	sst s10  }
0x38: {  	s10 =	sld [smem:$0x3FA7]  }
0x39: {  	_ = 	snop;
	(pc) =	sbr.ind lr, $3  }
0x3a: {  	_ = 	snop  }
0x3b: {  	_ = 	snop  }
0x3c: {  	p2 =	seq.s32 s10, $0x1;
	s10 =	sld [smem:$0x3FA6]  }
0x3d: {  	_ =	shalt  }
0x3e: {  	_ =	shalt  }
0x3f: {  	_ =	shalt  }
0x40: {  	_ =	shalt  }
0x41: {  	_ =	shalt  }
0x42: {  	_ =	shalt  }
0x43: {  	_ =	shalt  }
0x44: {  	_ =	shalt  }
0x45: {  	_ =	shalt  }
0x46: {  	_ =	shalt  }
0x47: {  	_ =	shalt  }
0x48: {  	_ =	shalt  }
0x49: {  	_ =	shalt  }
0x4a: {  	_ =	shalt  }
0x4b: {  	_ =	shalt  }
0x4c: {  	_ =	shalt  }
0x4d: {  	_ =	shalt  }
0x4e: {  	_ =	shalt  }
0x4f: {  	_ =	shalt  }
0x50: {  	_ =	shalt  }
0x51: {  	_ =	shalt  }
0x52: {  	_ =	shalt  }
0x53: {  	_ =	shalt  }
0x54: {  	_ =	shalt  }
0x55: {  	_ =	shalt  }
0x56: {  	_ =	shalt  }
0x57: {  	_ =	shalt  }
0x58: {  	_ =	shalt  }
0x59: {  	_ =	shalt  }
0x5a: {  	_ =	shalt  }
0x5b: {  	_ =	shalt  }
0x5c: {  	_ =	shalt  }
0x5d: {  	_ =	shalt  }
0x5e: {  	_ =	shalt  }
0x5f: {  	_ =	shalt  }
0x60: {  	_ =	shalt  }
0x61: {  	_ =	shalt  }
0x62: {  	_ =	shalt  }
0x63: {  	_ =	shalt  }
0x64: {  	_ =	shalt  }
0x65: {  	_ =	shalt  }
0x66: {  	_ =	shalt  }
0x67: {  	_ =	shalt  }
0x68: {  	_ =	shalt  }
0x69: {  	_ =	shalt  }
0x6a: {  	_ =	shalt  }
0x6b: {  	_ =	shalt  }
0x6c: {  	_ =	shalt  }
0x6d: {  	_ =	shalt  }
0x6e: {  	_ =	shalt  }
0x6f: {  	_ =	shalt  }
0x70: {  	_ =	shalt  }
0x71: {  	_ =	shalt  }
0x72: {  	_ =	shalt  }
0x73: {  	_ =	shalt  }
0x74: {  	_ =	shalt  }
0x75: {  	_ =	shalt  }
0x76: {  	_ =	shalt  }
0x77: {  	_ =	shalt  }
0x78: {  	_ =	shalt  }
0x79: {  	_ =	shalt  }
0x7a: {  	_ =	shalt  }
0x7b: {  	_ =	shalt  }
0x7c: {  	_ =	shalt  }
0x7d: {  	_ =	shalt  }
0x7e: {  	_ =	shalt  }
0x7f: {  	_ =	shalt  }
0x80: {  	_ =	shalt  }
0x81: {  	_ =	shalt  }
0x82: {  	_ =	shalt  }
0x83: {  	_ =	shalt  }
0x84: {  	_ =	shalt  }
0x85: {  	_ =	shalt  }
0x86: {  	_ =	shalt  }
0x87: {  	_ =	shalt  }
.Lfunc_end0:
.L_simem_size_0:
called_computation.1_lowered:
.L_overlay_start_0:
0x88: {  	s2 =	sld [smem:$0x3FD9]  }
0x89: {  	s3 =	sld [smem:$0x3FFE];
	_ =	sdelay $0x1  }
0x8a: {  	s1 =	srdreg.scid  }
0x8b: {  	s0 =	sand.u32 $0x1, s1  }
0x8c: {  	s14 =	sshll.u32 s0, $0xA;
	s2 =	sadd.s32 s3, s2  }
0x8d: {  	s2 =	sadd.s32 s2, s14  }
0x8e: {  	[smem:$0x3FB2] =	sst s2  }
0x8f: {  	_ = 	snop  }
0x90: {  	s2 =	sld [smem:$0x3FD0];
	_ =	sdelay $0x2  }
0x91: {  	s15 =	simm.s32 $0xA;
	s4 =	simm.s32 $0x10  }
0x92: {  	[smem:s4], [sflag:s15] =	dma.local [hbm:s2], $0x1  }
0x93: {  	_ =	swait.eq [sflag:s15], $0x1  }
0x94: {  	[sflag:s15] =	ssyncset.done $0x0  }
0x95: {  	[sflag:s15] =	ssyncadd.s32 $0xFFFFFFFF  }
0x96: {  	s16 =	sld [smem:$0x10];
	(tm) =	ssettm $0x1  }
0x97: {  	s17 =	sld [smem:$0x3FFB];
	_ =	sdelay $0x3  }
0x98: {  	_ =	strace s17  }
0x99: {  	s3 =	sld [smem:$0x3FFC];
	_ =	sdelay $0x3  }
0x9a: {  	_ =	strace s3  }
0x9b: {  	s3 =	sld [smem:$0x3FFD];
	_ =	sdelay $0x3  }
0x9c: {  	_ =	strace s3  }
0x9d: {  	_ =	strace $0x8FFFFFFF  }
0x9e: {  	s18 =	sld [smem:$0x3FDB];
	_ =	sdelay $0x1  }
0x9f: {  	s19 =	simm.s32 $_scs_section_size  }
0xa0: {  	s5 =	simm.s32 $_size__tile_overlayer_lowered;
	s6 =	simm.s32 $_tile_overlayer_lowered  }
0xa1: {  	s22 =	simm.s32 $0x1BFF;
	s21 =	sshll.u32 s6, $0x1;
	s3 =	sadd.s32 s19, s18  }
0xa2: {  	s7 =	simm.s32 $0x0;
	s20 =	sshll.u32 s5, $0x1;
	s5 =	sadd.s32 s21, s3  }
0xa3: {  	[timem:s7], [sflag:s22] =	dma.local [hbm:s5], s20  }
0xa4: {  	_ =	swait.ge [sflag:s22], s20  }
0xa5: {  	s4 =	ssub.s32 $0x0, s20;
	[sflag:s22] =	ssyncset.done $0x0  }
0xa6: {  	[sflag:s22] =	ssyncadd.s32 s4;
	_ =	sdelay $0x1  }
0xa7: {  	s23 =	simm.s32 $0x1B8B  }
0xa8: {  	_ =	swait.ge [sflag:s23], $0x1  }
0xa9: {  	[sflag:s23] =	ssyncset.done $0x0  }
0xaa: {  	s25 =	simm.s32 $0x1B8E;
	s24 =	sld [smem:$0x3FFE];
	[sflag:s23] =	ssyncadd.s32 $0xFFFFFFFF  }
0xab: {  	s26 =	simm.s32 $execute0_lowered;
	[smem:$0x3FD2] =	sst s25  }
0xac: {  	s5 =	sshll.u32 s26, $0x1;
	_ =	strace $0x80000049;
	[dreg:$0x1] =	wrdreg $0xFFFFFFFF  }
0xad: {  	s28 =	simm.s32 $_size_execute0_lowered;
	s3 =	sadd.s32 s3, s5;
	[dreg:$0x0] =	wrdreg $0x0  }
0xae: {  	s5 =	sshll.u32 s28, $0x1;
	[dreg:$0x2] =	wrdreg s3  }
0xaf: {  	[dreg:$0x3] =	wrdreg s5  }
0xb0: {  	[dreg:$0x4] =	wrdreg $0xC0  }
0xb1: {  	_ =	task [dreg:s7], $0x5FFFF  }
0xb2: {  	[dreg:$0x1] =	wrdreg $0xFFFFFFFF  }
0xb3: {  	[dreg:$0x0] =	wrdreg $0x60  }
0xb4: {  	[dreg:$0x2] =	wrdreg s16  }
0xb5: {  	[dreg:$0x3] =	wrdreg s24  }
0xb6: {  	[dreg:$0x4] =	wrdreg $0x9  }
0xb7: {  	_ =	task.clear_ibuf [dreg:s7], $0x5FFFF;
	_ =	strace $0x90000049  }
0xb8: {  	s29 =	simm.s32 $0x9;
	_ =	strace $0x8000004B  }
0xb9: {  	_ =	swait.ge [sflag:s29], $0x1  }
0xba: {  	[sflag:s29] =	ssyncadd.s32 $0xFFFFFFFF  }
0xbb: {  	_ =	strace $0x9000004B  }
0xbc: {  	_ =	sfence  }
0xbd: {  	s30 =	sld [smem:$0x0];
	_ =	sdelay $0x2  }
0xbe: {  	s31 =	sshll.u32 s1, $0xD;
	s1 =	sshrl.u32 s1, $0x2  }
0xbf: {  	s3 =	sand.u32 $0x4000, s31;
	s1 =	sadd.s32 s1, s30  }
0xc0: {  	s0 =	sor.u32 s3, s0;
	s1 =	sshll.u32 s1, $0x11  }
0xc1: {  	s0 =	sor.u32 s1, s0  }
0xc2: {  	s0 =	sadd.s32 $0x8F2B, s0  }
0xc3: {  	[sflag:s0] =	ssyncadd.remote.s32 $0x1  }
0xc4: {  	_ =	sfence.sel $0xFFFF  }
0xc5: {  	[dreg:$0x0] =	wrdreg $0xFFFFFFFF;
	(pc) =	sbr.abs _section_cstart, $3  }
0xc6: {  	[dreg:$0x1] =	wrdreg $0xFFFFFFFF  }
0xc7: {  	_ =	task.clear_ibuf [dreg:s7], $0x2FFFF;
	_ =	strace $0x9FFFFFFF  }
0xc8: {  	(tm) =	ssettm $0x7FFFFFFF  }
0xc9: {  	_ =	shalt  }
tec
execute0_lowered:
.L_overlay_start_1:
0x0: {  	(tag) =	ssettag $0x1  }
0x1: {  	s1 =	rddreg [dreg:$0x0]  }
0x2: {  	s0 =	rddreg [dreg:$0x1];
	s3 =	simm.s32 $0x0;
	s2 =	srdreg.scid  }
0x3: {  	s8 =	stileid.u32;
	s16 =	simm.s32 $0x7;
	s17 =	simm.s32 $0x80  }
0x4: {  	s18 =	simm.s32 $0x1400;
	s28 =	simm.s32 $0x6;
	s29 =	simm.s32 $0x13400  }
0x5: {  	s30 =	simm.s32 $0x3;
	s31 =	simm.s32 $0x5;
	s9 =	smul.u32 $0xA00, s8  }
0x6: {  	[smem:$0x7FF] =	sst s3;
	s2 =	sand.u32 $0x1, s2;
	s7 =	smul.u32 $0x280, s8  }
0x7: {  	s10 =	sadd.s32 $0x4200, s0;
	s4 =	sadd.s32 $0x9200, s0;
	s24 =	smul.u32 $0x28, s8  }
0x8: {  	_ =	strace $0x8000004A;
	s5 =	ssub.s32 $0x2, s2;
	p0 =	seq.s32 s2, $0x1  }
0x9: {  	s6 =	sshrl.u32 s5, $0x1;
	s25 =	sadd.s32 s10, s7;
	s7 =	sor.u32 $0x40, s9  }
0xa: {  	s26 =	sadd.s32 $0x280, s24;
	s24 =	simm.s32 $0x1;
	s23 =	ssub.s32 s5, s6  }
0xb: {  	[dreg:$0x3] =	wrdreg s25;
	s6 =	smul.u32 $0x50000, s8;
	s8 =	sor.u32 $0x80, s9  }
0xc: {  	s9 =	sor.u32 $0xC0, s9;
	s5 =	sshll.u32 s26, $0x4;
	s11 =	sshll.u32 s26, $0xA  }
.Ltmp0:
0xd: {  	s2 =	sshll.u32 s26, $0x6;
	s25 =	simm.s32 $0x11400;
	(pc) =	sbr.rel .LBB2_1-.Ltmp0, $4  }
0xe: {  	s26 =	simm.s32 $0x2;
	s5 =	sadd.s32 s10, s5;
	s11 =	sadd.s32 s4, s11  }
0xf: {  	s12 =	sor.u32 $0x40, s2;
	s13 =	sor.u32 $0x80, s2;
	s14 =	sor.u32 $0xC0, s2  }
0x10: {  	s0 =	smax.u32 s23, $0x1;
	s23 =	simm.s32 $0xD400;
	[dreg:$0x4] =	wrdreg s5  }
0x11: {  	s2 =	simm.s32 $0x0;
	[dreg:$0x5] =	wrdreg s0;
	s0 =	simm.s32 $0x4  }
.LBB2_32:
0x12: {  	_ =	swait.ge [sflag:s31], $0x2000  }
0x13: {  	[sflag:s31] =	ssyncset.done $0x0  }
0x14: {  	[sflag:s31] =	ssyncadd.s32 $0xFFFFE000  }
0x15: {  	_ =	swait.ge [sflag:s28], $0x2000  }
0x16: {  	s2 =	sadd.s32 $0x1, s2;
	s5 =	rddreg [dreg:$0x5]  }
0x17: {  	p1 =	sne.s32 s2, s5  }
.Ltmp1:
0x18: {  	_ = 	snop;
	(pc) =	sbr.rel @!p1 .LBB2_33-.Ltmp1, $3  }
0x19: {  	_ =	sdelay $0x1  }
0x1a: {  	[sflag:s28] =	ssyncset.done $0x0  }
0x1b: {  	[sflag:s28] =	ssyncadd.s32 $0xFFFFE000  }
.LBB2_1:
.Ltmp2:
0x1c: {  	(pc) =	sbr.rel @!p0 .LBB2_2-.Ltmp2, $2  }
0x1d: {  	_ =	sdelay $0x2  }
0x1e: {  	s19 =	simm.s32 $0x0  }
0x1f: {  	s5 =	rddreg [dreg:$0x4]  }
0x20: {  	[tilespmem:s19], [sflag:$0x7] =	stream.linear.gather [hbm4b:s5+s19], $0x1400, $0x38;
	[tilespmem:$0x15400] =	vst v63  }
0x21: {  	_ =	swait.ge [sflag:s16], $0x1400  }
0x22: {  	[sflag:s16] =	ssyncset.done $0x0  }
0x23: {  	[sflag:s16] =	ssyncadd.s32 $0xFFFFEC00  }
0x24: {  	[tilespmem:s18], [sflag:$0x1] =	stream.indirect.gather [hbm4b:s1+s17], $0x80, s19, s17, $0xb8;
	[tilespmem:$0x15400] =	vst v63  }
0x25: {  	s20 =	simm.s32 $0x5400  }
0x26: {  	[tilespmem:s20], [sflag:$0x2] =	stream.indirect.gather [hbm4b:s1+s17], $0x80, s17, s17, $0xb8;
	[tilespmem:$0x15400] =	vst v63  }
0x27: {  	s21 =	simm.s32 $0x100;
	s10 =	simm.s32 $0x9400  }
0x28: {  	[tilespmem:s10], [sflag:$0x3] =	stream.indirect.gather [hbm4b:s1+s17], $0x80, s21, s17, $0xb8;
	[tilespmem:$0x15400] =	vst v63  }
0x29: {  	s22 =	simm.s32 $0x180  }
0x2a: {  	[tilespmem:s23], [sflag:$0x4] =	stream.indirect.gather [hbm4b:s1+s17], $0x80, s22, s17, $0xb8;
	[tilespmem:$0x15400] =	vst v63  }
.LBB2_18:
0x2b: {  	_ =	swait.ge [sflag:s24], $0x4000  }
0x2c: {  	p1 =	seq.s32 s19, $0x0;
	[sflag:s24] =	ssyncset.done $0x0  }
0x2d: {  	s5 =	simm.s32 @!p1 $0x5;
	[sflag:s24] =	ssyncadd.s32 $0xFFFFC000  }
0x2e: {  	_ =	swait.ge @!p1 [sflag:s5], $0x2000  }
0x2f: {  	[sflag:s5] =	ssyncset.done @!p1 $0x0  }
0x30: {  	s22 =	simm.s32 $0x0;
	[sflag:s5] =	ssyncadd.s32 @!p1 $0xFFFFE000  }
0x31: {  	v0 =	vld [tilespmem:s22+$0x1400];
	_ =	sdelay $0x3  }
0x32: {  	s21 =	simm.s32 $0x11440  }
0x33: {  	[tilespmem:s21+$0xFFFFFFC0] =	vst v0  }
0x34: {  	v0 =	vld [tilespmem:s22+$0x1410];
	_ =	sdelay $0x4  }
0x35: {  	[tilespmem:s21+$0xFFFFFFD0] =	vst v0  }
0x36: {  	v0 =	vld [tilespmem:s22+$0x1420];
	_ =	sdelay $0x4  }
0x37: {  	[tilespmem:s21+$0xFFFFFFE0] =	vst v0  }
0x38: {  	v0 =	vld [tilespmem:s22+$0x1430];
	_ =	sdelay $0x4  }
0x39: {  	[tilespmem:s21+$0xFFFFFFF0] =	vst v0  }
0x3a: {  	v0 =	vld [tilespmem:s22+$0x1480];
	_ =	sdelay $0x4  }
0x3b: {  	[tilespmem:s21+$0x0] =	vst v0  }
0x3c: {  	v0 =	vld [tilespmem:s22+$0x1490];
	_ =	sdelay $0x4  }
0x3d: {  	[tilespmem:s21+$0x10] =	vst v0  }
0x3e: {  	v0 =	vld [tilespmem:s22+$0x14A0];
	_ =	sdelay $0x4  }
0x3f: {  	[tilespmem:s21+$0x20] =	vst v0  }
0x40: {  	v0 =	vld [tilespmem:s22+$0x14B0];
	_ =	sdelay $0x4  }
0x41: {  	s20 =	sshll.u32 s19, $0xB;
	s10 =	simm.s32 $0x800;
	s5 =	simm.s32 $0x100;
	[tilespmem:s21+$0x30] =	vst v0  }
.LBB2_19:
0x42: {  	p2 =	sne.s32 s10, $0xFC00;
	v0 =	vld [tilespmem:s5+$0x1400];
	_ =	sdelay $0x3  }
0x43: {  	s21 =	sadd.s32 $0x80, s21  }
0x44: {  	[tilespmem:s21+$0xFFFFFFC0] =	vst v0  }
0x45: {  	v0 =	vld [tilespmem:s5+$0x1410];
	_ =	sdelay $0x4  }
0x46: {  	[tilespmem:s21+$0xFFFFFFD0] =	vst v0  }
0x47: {  	v0 =	vld [tilespmem:s5+$0x1420];
	_ =	sdelay $0x4  }
0x48: {  	[tilespmem:s21+$0xFFFFFFE0] =	vst v0  }
0x49: {  	v0 =	vld [tilespmem:s5+$0x1430];
	_ =	sdelay $0x4  }
0x4a: {  	[tilespmem:s21+$0xFFFFFFF0] =	vst v0  }
0x4b: {  	v0 =	vld [tilespmem:s5+$0x1480];
	_ =	sdelay $0x4  }
0x4c: {  	[tilespmem:s21+$0x0] =	vst v0  }
0x4d: {  	v0 =	vld [tilespmem:s5+$0x1490];
	_ =	sdelay $0x4  }
0x4e: {  	[tilespmem:s21+$0x10] =	vst v0  }
0x4f: {  	v0 =	vld [tilespmem:s5+$0x14A0];
	_ =	sdelay $0x4  }
0x50: {  	[tilespmem:s21+$0x20] =	vst v0  }
0x51: {  	v0 =	vld [tilespmem:s5+$0x14B0]  }
.Ltmp3:
0x52: {  	(pc) =	sbr.rel @p2 .LBB2_19-.Ltmp3, $2  }
0x53: {  	_ =	sdelay $0x2  }
0x54: {  	s5 =	sshra.s32 s10, $0x2;
	s10 =	sadd.s32 $0x400, s10;
	[tilespmem:s21+$0x30] =	vst v0  }
0x55: {  	v0 =	vld [tilespmem:s5+$0x1400];
	_ =	sdelay $0x3  }
0x56: {  	s10 =	sadd.s32 $0x80, s21  }
0x57: {  	[tilespmem:s10+$0xFFFFFFC0] =	vst v0  }
0x58: {  	v0 =	vld [tilespmem:s5+$0x1410];
	_ =	sdelay $0x4  }
0x59: {  	[tilespmem:s10+$0xFFFFFFD0] =	vst v0  }
0x5a: {  	v0 =	vld [tilespmem:s5+$0x1420];
	_ =	sdelay $0x4  }
0x5b: {  	[tilespmem:s10+$0xFFFFFFE0] =	vst v0  }
0x5c: {  	v0 =	vld [tilespmem:s5+$0x1430];
	_ =	sdelay $0x4  }
0x5d: {  	[tilespmem:s10+$0xFFFFFFF0] =	vst v0  }
0x5e: {  	v0 =	vld [tilespmem:s5+$0x1480];
	_ =	sdelay $0x4  }
0x5f: {  	[tilespmem:s10+$0x0] =	vst v0  }
0x60: {  	v0 =	vld [tilespmem:s5+$0x1490];
	_ =	sdelay $0x4  }
0x61: {  	[tilespmem:s10+$0x10] =	vst v0  }
0x62: {  	v0 =	vld [tilespmem:s5+$0x14A0];
	_ =	sdelay $0x4  }
0x63: {  	[tilespmem:s10+$0x20] =	vst v0  }
0x64: {  	v0 =	vld [tilespmem:s5+$0x14B0]  }
0x65: {  	p2 =	sne.s32 s19, $0x9  }
.Ltmp4:
0x66: {  	_ = 	snop;
	(pc) =	sbr.rel @p2 .LBB2_22-.Ltmp4, $4  }
0x67: {  	_ = 	snop  }
0x68: {  	s22 =	sshll.u32 s19, $0xC  }
0x69: {  	s5 =	sadd.s32 s22, s11;
	[tilespmem:s10+$0x30] =	vst v0  }
0x6a: {  	[hbm4b:s5+s3] =	stream.linear.scatter [tilespmem:s25], [sflag:$0x5], $0x2000, $0x38;
	[tilespmem:$0x15400] =	vst v63  }
.Ltmp5:
0x6b: {  	(pc) =	sbr.rel .LBB2_23-.Ltmp5, $4  }
0x6c: {  	_ = 	snop  }
0x6d: {  	_ =	swait.ge [sflag:s26], $0x4000  }
0x6e: {  	[sflag:s26] =	ssyncset.done $0x0  }
0x6f: {  	[sflag:s26] =	ssyncadd.s32 $0xFFFFC000  }
.LBB2_22:
0x70: {  	s5 =	sshrl.u32 s20, $0x2  }
.Ltmp6:
0x71: {  	s5 =	sadd.s32 $0x200, s5;
	(pc) =	sbr.rel @p1 .LBB2_24-.Ltmp6, $4  }
0x72: {  	[tilespmem:s18], [sflag:$0x1] =	stream.indirect.gather [hbm4b:s1+s17], $0x80, s5, s17, $0xb8;
	[tilespmem:$0x15400] =	vst v63  }
0x73: {  	_ =	swait.ge [sflag:s26], $0x4000  }
0x74: {  	[sflag:s26] =	ssyncset.done $0x0  }
0x75: {  	[sflag:s26] =	ssyncadd.s32 $0xFFFFC000  }
.LBB2_23:
0x76: {  	_ =	swait.ge [sflag:s28], $0x2000  }
0x77: {  	[sflag:s28] =	ssyncset.done $0x0  }
0x78: {  	[sflag:s28] =	ssyncadd.s32 $0xFFFFE000  }
.LBB2_24:
0x79: {  	s10 =	simm.s32 $0x0  }
0x7a: {  	v0 =	vld [tilespmem:s10+$0x5400];
	_ =	sdelay $0x3  }
0x7b: {  	s5 =	simm.s32 $0x13470  }
0x7c: {  	[tilespmem:s5+$0xFFFFFF90] =	vst v0  }
0x7d: {  	v0 =	vld [tilespmem:s10+$0x5410];
	_ =	sdelay $0x4  }
0x7e: {  	[tilespmem:s5+$0xFFFFFFA0] =	vst v0  }
0x7f: {  	v0 =	vld [tilespmem:s10+$0x5420];
	_ =	sdelay $0x4  }
0x80: {  	[tilespmem:s5+$0xFFFFFFB0] =	vst v0  }
0x81: {  	v0 =	vld [tilespmem:s10+$0x5430];
	_ =	sdelay $0x4  }
0x82: {  	[tilespmem:s5+$0xFFFFFFC0] =	vst v0  }
0x83: {  	v0 =	vld [tilespmem:s10+$0x5480];
	_ =	sdelay $0x4  }
0x84: {  	[tilespmem:s5+$0xFFFFFFD0] =	vst v0  }
0x85: {  	v0 =	vld [tilespmem:s10+$0x5490];
	_ =	sdelay $0x4  }
0x86: {  	[tilespmem:s5+$0xFFFFFFE0] =	vst v0  }
0x87: {  	v0 =	vld [tilespmem:s10+$0x54A0];
	_ =	sdelay $0x4  }
0x88: {  	[tilespmem:s5+$0xFFFFFFF0] =	vst v0  }
0x89: {  	v0 =	vld [tilespmem:s10+$0x54B0];
	_ =	sdelay $0x4  }
0x8a: {  	s15 =	simm.s32 $0x800;
	s10 =	simm.s32 $0x100;
	[tilespmem:s5+$0x0] =	vst v0  }
.LBB2_25:
0x8b: {  	p1 =	sne.s32 s15, $0xFC00;
	v0 =	vld [tilespmem:s10+$0x5400];
	_ =	sdelay $0x3  }
0x8c: {  	s5 =	sadd.s32 $0x80, s5  }
0x8d: {  	[tilespmem:s5+$0xFFFFFF90] =	vst v0  }
0x8e: {  	v0 =	vld [tilespmem:s10+$0x5410];
	_ =	sdelay $0x4  }
0x8f: {  	[tilespmem:s5+$0xFFFFFFA0] =	vst v0  }
0x90: {  	v0 =	vld [tilespmem:s10+$0x5420];
	_ =	sdelay $0x4  }
0x91: {  	[tilespmem:s5+$0xFFFFFFB0] =	vst v0  }
0x92: {  	v0 =	vld [tilespmem:s10+$0x5430];
	_ =	sdelay $0x4  }
0x93: {  	[tilespmem:s5+$0xFFFFFFC0] =	vst v0  }
0x94: {  	v0 =	vld [tilespmem:s10+$0x5480];
	_ =	sdelay $0x4  }
0x95: {  	[tilespmem:s5+$0xFFFFFFD0] =	vst v0  }
0x96: {  	v0 =	vld [tilespmem:s10+$0x5490];
	_ =	sdelay $0x4  }
0x97: {  	[tilespmem:s5+$0xFFFFFFE0] =	vst v0  }
0x98: {  	v0 =	vld [tilespmem:s10+$0x54A0];
	_ =	sdelay $0x4  }
0x99: {  	[tilespmem:s5+$0xFFFFFFF0] =	vst v0  }
0x9a: {  	v0 =	vld [tilespmem:s10+$0x54B0]  }
.Ltmp7:
0x9b: {  	(pc) =	sbr.rel @p1 .LBB2_25-.Ltmp7, $2  }
0x9c: {  	_ =	sdelay $0x2  }
0x9d: {  	s10 =	sshra.s32 s15, $0x2;
	s15 =	sadd.s32 $0x400, s15;
	[tilespmem:s5+$0x0] =	vst v0  }
0x9e: {  	v0 =	vld [tilespmem:s10+$0x5400];
	_ =	sdelay $0x3  }
0x9f: {  	s5 =	sadd.s32 $0x80, s5  }
0xa0: {  	[tilespmem:s5+$0xFFFFFF90] =	vst v0  }
0xa1: {  	v0 =	vld [tilespmem:s10+$0x5410];
	_ =	sdelay $0x4  }
0xa2: {  	[tilespmem:s5+$0xFFFFFFA0] =	vst v0  }
0xa3: {  	v0 =	vld [tilespmem:s10+$0x5420];
	_ =	sdelay $0x4  }
0xa4: {  	[tilespmem:s5+$0xFFFFFFB0] =	vst v0  }
0xa5: {  	v0 =	vld [tilespmem:s10+$0x5430];
	_ =	sdelay $0x4  }
0xa6: {  	[tilespmem:s5+$0xFFFFFFC0] =	vst v0  }
0xa7: {  	v0 =	vld [tilespmem:s10+$0x5480];
	_ =	sdelay $0x4  }
0xa8: {  	[tilespmem:s5+$0xFFFFFFD0] =	vst v0  }
0xa9: {  	v0 =	vld [tilespmem:s10+$0x5490];
	_ =	sdelay $0x4  }
0xaa: {  	[tilespmem:s5+$0xFFFFFFE0] =	vst v0  }
0xab: {  	v0 =	vld [tilespmem:s10+$0x54A0];
	_ =	sdelay $0x4  }
0xac: {  	[tilespmem:s5+$0xFFFFFFF0] =	vst v0  }
0xad: {  	v0 =	vld [tilespmem:s10+$0x54B0];
	_ =	sdelay $0x1  }
0xae: {  	s21 =	sshll.u32 s19, $0x8  }
0xaf: {  	s22 =	sadd.s32 s21, s12  }
0xb0: {  	p1 =	seq.s32 s19, $0x9;
	s10 =	sshll.u32 s22, $0x4  }
0xb1: {  	s22 =	sshrl.u32 @!p1 s20, $0x2;
	s10 =	sadd.s32 s4, s10;
	[tilespmem:s5+$0x0] =	vst v0  }
0xb2: {  	[hbm4b:s10+s3] =	stream.linear.scatter [tilespmem:s29], [sflag:$0x6], $0x2000, $0x38;
	[tilespmem:$0x15400] =	vst v63  }
0xb3: {  	s15 =	simm.s32 @!p1 $0x5400;
	s5 =	sadd.s32 @!p1 $0x280, s22;
	s10 =	simm.s32 @!p1 $0x80  }
0xb4: {  	[tilespmem:s15], [sflag:$0x2] =	stream.indirect.gather @!p1 [hbm4b:s1+s10], $0x80, s5, s10, $0xb8;
	[tilespmem:$0x15400] =	vst v63  }
0xb5: {  	_ =	swait.ge [sflag:s30], $0x4000  }
0xb6: {  	[sflag:s30] =	ssyncset.done $0x0  }
0xb7: {  	[sflag:s30] =	ssyncadd.s32 $0xFFFFC000  }
0xb8: {  	_ =	swait.ge [sflag:s31], $0x2000  }
0xb9: {  	[sflag:s31] =	ssyncset.done $0x0  }
0xba: {  	s15 =	simm.s32 $0x0;
	[sflag:s31] =	ssyncadd.s32 $0xFFFFE000  }
0xbb: {  	v63 =	vld [tilespmem:s15+$0x9400];
	_ =	sdelay $0x3  }
0xbc: {  	s5 =	simm.s32 $0x11440  }
0xbd: {  	[tilespmem:s5+$0xFFFFFFC0] =	vst v63  }
0xbe: {  	v0 =	vld [tilespmem:s15+$0x9410];
	_ =	sdelay $0x4  }
0xbf: {  	[tilespmem:s5+$0xFFFFFFD0] =	vst v0  }
0xc0: {  	v0 =	vld [tilespmem:s15+$0x9420];
	_ =	sdelay $0x4  }
0xc1: {  	[tilespmem:s5+$0xFFFFFFE0] =	vst v0  }
0xc2: {  	v0 =	vld [tilespmem:s15+$0x9430];
	_ =	sdelay $0x4  }
0xc3: {  	[tilespmem:s5+$0xFFFFFFF0] =	vst v0  }
0xc4: {  	v0 =	vld [tilespmem:s15+$0x9480];
	_ =	sdelay $0x4  }
0xc5: {  	[tilespmem:s5+$0x0] =	vst v0  }
0xc6: {  	v0 =	vld [tilespmem:s15+$0x9490];
	_ =	sdelay $0x4  }
0xc7: {  	[tilespmem:s5+$0x10] =	vst v0  }
0xc8: {  	v0 =	vld [tilespmem:s15+$0x94A0];
	_ =	sdelay $0x4  }
0xc9: {  	[tilespmem:s5+$0x20] =	vst v0  }
0xca: {  	v0 =	vld [tilespmem:s15+$0x94B0];
	_ =	sdelay $0x4  }
0xcb: {  	s10 =	simm.s32 $0x100;
	s15 =	simm.s32 $0x800;
	[tilespmem:s5+$0x30] =	vst v0  }
.LBB2_27:
0xcc: {  	p2 =	sne.s32 s15, $0xFC00;
	v0 =	vld [tilespmem:s10+$0x9400];
	_ =	sdelay $0x3  }
0xcd: {  	s5 =	sadd.s32 $0x80, s5  }
0xce: {  	[tilespmem:s5+$0xFFFFFFC0] =	vst v0  }
0xcf: {  	v0 =	vld [tilespmem:s10+$0x9410];
	_ =	sdelay $0x4  }
0xd0: {  	[tilespmem:s5+$0xFFFFFFD0] =	vst v0  }
0xd1: {  	v0 =	vld [tilespmem:s10+$0x9420];
	_ =	sdelay $0x4  }
0xd2: {  	[tilespmem:s5+$0xFFFFFFE0] =	vst v0  }
0xd3: {  	v0 =	vld [tilespmem:s10+$0x9430];
	_ =	sdelay $0x4  }
0xd4: {  	[tilespmem:s5+$0xFFFFFFF0] =	vst v0  }
0xd5: {  	v0 =	vld [tilespmem:s10+$0x9480];
	_ =	sdelay $0x4  }
0xd6: {  	[tilespmem:s5+$0x0] =	vst v0  }
0xd7: {  	v0 =	vld [tilespmem:s10+$0x9490];
	_ =	sdelay $0x4  }
0xd8: {  	[tilespmem:s5+$0x10] =	vst v0  }
0xd9: {  	v0 =	vld [tilespmem:s10+$0x94A0];
	_ =	sdelay $0x4  }
0xda: {  	[tilespmem:s5+$0x20] =	vst v0  }
0xdb: {  	v0 =	vld [tilespmem:s10+$0x94B0]  }
.Ltmp8:
0xdc: {  	(pc) =	sbr.rel @p2 .LBB2_27-.Ltmp8, $2  }
0xdd: {  	_ =	sdelay $0x2  }
0xde: {  	s10 =	sshra.s32 s15, $0x2;
	s15 =	sadd.s32 $0x400, s15;
	[tilespmem:s5+$0x30] =	vst v0  }
0xdf: {  	v0 =	vld [tilespmem:s10+$0x9400];
	_ =	sdelay $0x3  }
0xe0: {  	s5 =	sadd.s32 $0x80, s5  }
0xe1: {  	[tilespmem:s5+$0xFFFFFFC0] =	vst v0  }
0xe2: {  	v0 =	vld [tilespmem:s10+$0x9410];
	_ =	sdelay $0x4  }
0xe3: {  	[tilespmem:s5+$0xFFFFFFD0] =	vst v0  }
0xe4: {  	v0 =	vld [tilespmem:s10+$0x9420];
	_ =	sdelay $0x4  }
0xe5: {  	[tilespmem:s5+$0xFFFFFFE0] =	vst v0  }
0xe6: {  	v0 =	vld [tilespmem:s10+$0x9430];
	_ =	sdelay $0x4  }
0xe7: {  	[tilespmem:s5+$0xFFFFFFF0] =	vst v0  }
0xe8: {  	v0 =	vld [tilespmem:s10+$0x9480];
	_ =	sdelay $0x4  }
0xe9: {  	[tilespmem:s5+$0x0] =	vst v0  }
0xea: {  	v0 =	vld [tilespmem:s10+$0x9490];
	_ =	sdelay $0x4  }
0xeb: {  	[tilespmem:s5+$0x10] =	vst v0  }
0xec: {  	v0 =	vld [tilespmem:s10+$0x94A0];
	_ =	sdelay $0x4  }
0xed: {  	[tilespmem:s5+$0x20] =	vst v0  }
0xee: {  	v0 =	vld [tilespmem:s10+$0x94B0];
	_ =	sdelay $0x2  }
0xef: {  	s15 =	sadd.s32 s21, s13  }
0xf0: {  	s10 =	sshll.u32 s15, $0x4  }
0xf1: {  	s15 =	sadd.s32 s4, s10;
	[tilespmem:s5+$0x30] =	vst v0  }
0xf2: {  	[hbm4b:s15+s3] =	stream.linear.scatter [tilespmem:s25], [sflag:$0x5], $0x2000, $0x38;
	[tilespmem:$0x15400] =	vst v63  }
0xf3: {  	s10 =	simm.s32 @!p1 $0x80;
	s5 =	sadd.s32 @!p1 $0x300, s22;
	s15 =	simm.s32 @!p1 $0x9400  }
0xf4: {  	[tilespmem:s15], [sflag:$0x3] =	stream.indirect.gather @!p1 [hbm4b:s1+s10], $0x80, s5, s10, $0xb8;
	[tilespmem:$0x15400] =	vst v63  }
0xf5: {  	_ =	swait.ge [sflag:s0], $0x4000  }
0xf6: {  	[sflag:s0] =	ssyncset.done $0x0  }
0xf7: {  	[sflag:s0] =	ssyncadd.s32 $0xFFFFC000  }
0xf8: {  	_ =	swait.ge [sflag:s28], $0x2000  }
0xf9: {  	[sflag:s28] =	ssyncset.done $0x0  }
0xfa: {  	s22 =	simm.s32 $0x0;
	[sflag:s28] =	ssyncadd.s32 $0xFFFFE000  }
0xfb: {  	v63 =	vld [tilespmem:s22+$0xD400];
	_ =	sdelay $0x3  }
0xfc: {  	s5 =	simm.s32 $0x13470  }
0xfd: {  	[tilespmem:s5+$0xFFFFFF90] =	vst v63  }
0xfe: {  	v0 =	vld [tilespmem:s22+$0xD410];
	_ =	sdelay $0x4  }
0xff: {  	[tilespmem:s5+$0xFFFFFFA0] =	vst v0  }
0x100: {  	v0 =	vld [tilespmem:s22+$0xD420];
	_ =	sdelay $0x4  }
0x101: {  	[tilespmem:s5+$0xFFFFFFB0] =	vst v0  }
0x102: {  	v0 =	vld [tilespmem:s22+$0xD430];
	_ =	sdelay $0x4  }
0x103: {  	[tilespmem:s5+$0xFFFFFFC0] =	vst v0  }
0x104: {  	v0 =	vld [tilespmem:s22+$0xD480];
	_ =	sdelay $0x4  }
0x105: {  	[tilespmem:s5+$0xFFFFFFD0] =	vst v0  }
0x106: {  	v0 =	vld [tilespmem:s22+$0xD490];
	_ =	sdelay $0x4  }
0x107: {  	[tilespmem:s5+$0xFFFFFFE0] =	vst v0  }
0x108: {  	v0 =	vld [tilespmem:s22+$0xD4A0];
	_ =	sdelay $0x4  }
0x109: {  	[tilespmem:s5+$0xFFFFFFF0] =	vst v0  }
0x10a: {  	v0 =	vld [tilespmem:s22+$0xD4B0];
	_ =	sdelay $0x4  }
0x10b: {  	s10 =	simm.s32 $0x100;
	s15 =	simm.s32 $0x800;
	[tilespmem:s5+$0x0] =	vst v0  }
.LBB2_29:
0x10c: {  	p2 =	sne.s32 s15, $0xFC00;
	v0 =	vld [tilespmem:s10+$0xD400];
	_ =	sdelay $0x3  }
0x10d: {  	s5 =	sadd.s32 $0x80, s5  }
0x10e: {  	[tilespmem:s5+$0xFFFFFF90] =	vst v0  }
0x10f: {  	v0 =	vld [tilespmem:s10+$0xD410];
	_ =	sdelay $0x4  }
0x110: {  	[tilespmem:s5+$0xFFFFFFA0] =	vst v0  }
0x111: {  	v0 =	vld [tilespmem:s10+$0xD420];
	_ =	sdelay $0x4  }
0x112: {  	[tilespmem:s5+$0xFFFFFFB0] =	vst v0  }
0x113: {  	v0 =	vld [tilespmem:s10+$0xD430];
	_ =	sdelay $0x4  }
0x114: {  	[tilespmem:s5+$0xFFFFFFC0] =	vst v0  }
0x115: {  	v0 =	vld [tilespmem:s10+$0xD480];
	_ =	sdelay $0x4  }
0x116: {  	[tilespmem:s5+$0xFFFFFFD0] =	vst v0  }
0x117: {  	v0 =	vld [tilespmem:s10+$0xD490];
	_ =	sdelay $0x4  }
0x118: {  	[tilespmem:s5+$0xFFFFFFE0] =	vst v0  }
0x119: {  	v0 =	vld [tilespmem:s10+$0xD4A0];
	_ =	sdelay $0x4  }
0x11a: {  	[tilespmem:s5+$0xFFFFFFF0] =	vst v0  }
0x11b: {  	v0 =	vld [tilespmem:s10+$0xD4B0]  }
.Ltmp9:
0x11c: {  	(pc) =	sbr.rel @p2 .LBB2_29-.Ltmp9, $2  }
0x11d: {  	_ =	sdelay $0x2  }
0x11e: {  	s10 =	sshra.s32 s15, $0x2;
	s15 =	sadd.s32 $0x400, s15;
	[tilespmem:s5+$0x0] =	vst v0  }
0x11f: {  	v0 =	vld [tilespmem:s10+$0xD400];
	_ =	sdelay $0x3  }
0x120: {  	s5 =	sadd.s32 $0x80, s5  }
0x121: {  	[tilespmem:s5+$0xFFFFFF90] =	vst v0  }
0x122: {  	v0 =	vld [tilespmem:s10+$0xD410];
	_ =	sdelay $0x4  }
0x123: {  	[tilespmem:s5+$0xFFFFFFA0] =	vst v0  }
0x124: {  	v0 =	vld [tilespmem:s10+$0xD420];
	_ =	sdelay $0x4  }
0x125: {  	[tilespmem:s5+$0xFFFFFFB0] =	vst v0  }
0x126: {  	v0 =	vld [tilespmem:s10+$0xD430];
	_ =	sdelay $0x4  }
0x127: {  	[tilespmem:s5+$0xFFFFFFC0] =	vst v0  }
0x128: {  	v0 =	vld [tilespmem:s10+$0xD480];
	_ =	sdelay $0x4  }
0x129: {  	[tilespmem:s5+$0xFFFFFFD0] =	vst v0  }
0x12a: {  	v0 =	vld [tilespmem:s10+$0xD490];
	_ =	sdelay $0x4  }
0x12b: {  	[tilespmem:s5+$0xFFFFFFE0] =	vst v0  }
0x12c: {  	v0 =	vld [tilespmem:s10+$0xD4A0];
	_ =	sdelay $0x4  }
0x12d: {  	[tilespmem:s5+$0xFFFFFFF0] =	vst v0  }
0x12e: {  	v0 =	vld [tilespmem:s10+$0xD4B0];
	_ =	sdelay $0x1  }
.Ltmp10:
0x12f: {  	_ = 	snop;
	(pc) =	sbr.rel @p1 .LBB2_32-.Ltmp10, $4  }
0x130: {  	s21 =	sadd.s32 s21, s14  }
0x131: {  	s10 =	sshll.u32 s21, $0x4  }
0x132: {  	s22 =	sadd.s32 s4, s10;
	[tilespmem:s5+$0x0] =	vst v0  }
0x133: {  	[hbm4b:s22+s3] =	stream.linear.scatter [tilespmem:s29], [sflag:$0x6], $0x2000, $0x38;
	[tilespmem:$0x15400] =	vst v63  }
.Ltmp11:
0x134: {  	(pc) =	sbr.rel .LBB2_18-.Ltmp11, $4  }
0x135: {  	_ = 	snop  }
0x136: {  	s5 =	sshrl.u32 s20, $0x2  }
0x137: {  	s19 =	sadd.s32 $0x1, s19;
	s5 =	sadd.s32 $0x380, s5  }
0x138: {  	[tilespmem:s23], [sflag:$0x4] =	stream.indirect.gather [hbm4b:s1+s17], $0x80, s5, s17, $0xb8;
	[tilespmem:$0x15400] =	vst v63  }
.LBB2_2:
0x139: {  	s5 =	rddreg [dreg:$0x3]  }
0x13a: {  	[tilespmem:s19], [sflag:$0x7] =	stream.linear.gather [hbm4b:s5+s19], $0x1400, $0x38;
	[tilespmem:$0x15400] =	vst v63  }
0x13b: {  	_ =	swait.ge [sflag:s16], $0x1400  }
0x13c: {  	[sflag:s16] =	ssyncset.done $0x0  }
0x13d: {  	[sflag:s16] =	ssyncadd.s32 $0xFFFFEC00  }
0x13e: {  	[tilespmem:s18], [sflag:$0x1] =	stream.indirect.gather [hbm4b:s1+s17], $0x80, s19, s17, $0xb8;
	[tilespmem:$0x15400] =	vst v63  }
0x13f: {  	s20 =	simm.s32 $0x5400  }
0x140: {  	[tilespmem:s20], [sflag:$0x2] =	stream.indirect.gather [hbm4b:s1+s17], $0x80, s17, s17, $0xb8;
	[tilespmem:$0x15400] =	vst v63  }
0x141: {  	s21 =	simm.s32 $0x100;
	s10 =	simm.s32 $0x9400  }
0x142: {  	[tilespmem:s10], [sflag:$0x3] =	stream.indirect.gather [hbm4b:s1+s17], $0x80, s21, s17, $0xb8;
	[tilespmem:$0x15400] =	vst v63  }
0x143: {  	s22 =	simm.s32 $0x180  }
0x144: {  	[tilespmem:s23], [sflag:$0x4] =	stream.indirect.gather [hbm4b:s1+s17], $0x80, s22, s17, $0xb8;
	[tilespmem:$0x15400] =	vst v63  }
.LBB2_3:
0x145: {  	_ =	swait.ge [sflag:s24], $0x4000  }
0x146: {  	p1 =	seq.s32 s19, $0x0;
	[sflag:s24] =	ssyncset.done $0x0  }
0x147: {  	s5 =	simm.s32 @!p1 $0x5;
	[sflag:s24] =	ssyncadd.s32 $0xFFFFC000  }
0x148: {  	_ =	swait.ge @!p1 [sflag:s5], $0x2000  }
0x149: {  	[sflag:s5] =	ssyncset.done @!p1 $0x0  }
0x14a: {  	s22 =	simm.s32 $0x0;
	[sflag:s5] =	ssyncadd.s32 @!p1 $0xFFFFE000  }
0x14b: {  	v0 =	vld [tilespmem:s22+$0x1400];
	_ =	sdelay $0x3  }
0x14c: {  	s21 =	simm.s32 $0x11440  }
0x14d: {  	[tilespmem:s21+$0xFFFFFFC0] =	vst v0  }
0x14e: {  	v0 =	vld [tilespmem:s22+$0x1410];
	_ =	sdelay $0x4  }
0x14f: {  	[tilespmem:s21+$0xFFFFFFD0] =	vst v0  }
0x150: {  	v0 =	vld [tilespmem:s22+$0x1420];
	_ =	sdelay $0x4  }
0x151: {  	[tilespmem:s21+$0xFFFFFFE0] =	vst v0  }
0x152: {  	v0 =	vld [tilespmem:s22+$0x1430];
	_ =	sdelay $0x4  }
0x153: {  	[tilespmem:s21+$0xFFFFFFF0] =	vst v0  }
0x154: {  	v0 =	vld [tilespmem:s22+$0x1480];
	_ =	sdelay $0x4  }
0x155: {  	[tilespmem:s21+$0x0] =	vst v0  }
0x156: {  	v0 =	vld [tilespmem:s22+$0x1490];
	_ =	sdelay $0x4  }
0x157: {  	[tilespmem:s21+$0x10] =	vst v0  }
0x158: {  	v0 =	vld [tilespmem:s22+$0x14A0];
	_ =	sdelay $0x4  }
0x159: {  	[tilespmem:s21+$0x20] =	vst v0  }
0x15a: {  	v0 =	vld [tilespmem:s22+$0x14B0];
	_ =	sdelay $0x4  }
0x15b: {  	s20 =	sshll.u32 s19, $0xB;
	s10 =	simm.s32 $0x800;
	s5 =	simm.s32 $0x100;
	[tilespmem:s21+$0x30] =	vst v0  }
.LBB2_4:
0x15c: {  	p2 =	sne.s32 s10, $0xFC00;
	v0 =	vld [tilespmem:s5+$0x1400];
	_ =	sdelay $0x3  }
0x15d: {  	s21 =	sadd.s32 $0x80, s21  }
0x15e: {  	[tilespmem:s21+$0xFFFFFFC0] =	vst v0  }
0x15f: {  	v0 =	vld [tilespmem:s5+$0x1410];
	_ =	sdelay $0x4  }
0x160: {  	[tilespmem:s21+$0xFFFFFFD0] =	vst v0  }
0x161: {  	v0 =	vld [tilespmem:s5+$0x1420];
	_ =	sdelay $0x4  }
0x162: {  	[tilespmem:s21+$0xFFFFFFE0] =	vst v0  }
0x163: {  	v0 =	vld [tilespmem:s5+$0x1430];
	_ =	sdelay $0x4  }
0x164: {  	[tilespmem:s21+$0xFFFFFFF0] =	vst v0  }
0x165: {  	v0 =	vld [tilespmem:s5+$0x1480];
	_ =	sdelay $0x4  }
0x166: {  	[tilespmem:s21+$0x0] =	vst v0  }
0x167: {  	v0 =	vld [tilespmem:s5+$0x1490];
	_ =	sdelay $0x4  }
0x168: {  	[tilespmem:s21+$0x10] =	vst v0  }
0x169: {  	v0 =	vld [tilespmem:s5+$0x14A0];
	_ =	sdelay $0x4  }
0x16a: {  	[tilespmem:s21+$0x20] =	vst v0  }
0x16b: {  	v0 =	vld [tilespmem:s5+$0x14B0]  }
.Ltmp12:
0x16c: {  	(pc) =	sbr.rel @p2 .LBB2_4-.Ltmp12, $2  }
0x16d: {  	_ =	sdelay $0x2  }
0x16e: {  	s5 =	sshra.s32 s10, $0x2;
	s10 =	sadd.s32 $0x400, s10;
	[tilespmem:s21+$0x30] =	vst v0  }
0x16f: {  	v0 =	vld [tilespmem:s5+$0x1400];
	_ =	sdelay $0x3  }
0x170: {  	s10 =	sadd.s32 $0x80, s21  }
0x171: {  	[tilespmem:s10+$0xFFFFFFC0] =	vst v0  }
0x172: {  	v0 =	vld [tilespmem:s5+$0x1410];
	_ =	sdelay $0x4  }
0x173: {  	[tilespmem:s10+$0xFFFFFFD0] =	vst v0  }
0x174: {  	v0 =	vld [tilespmem:s5+$0x1420];
	_ =	sdelay $0x4  }
0x175: {  	[tilespmem:s10+$0xFFFFFFE0] =	vst v0  }
0x176: {  	v0 =	vld [tilespmem:s5+$0x1430];
	_ =	sdelay $0x4  }
0x177: {  	[tilespmem:s10+$0xFFFFFFF0] =	vst v0  }
0x178: {  	v0 =	vld [tilespmem:s5+$0x1480];
	_ =	sdelay $0x4  }
0x179: {  	[tilespmem:s10+$0x0] =	vst v0  }
0x17a: {  	v0 =	vld [tilespmem:s5+$0x1490];
	_ =	sdelay $0x4  }
0x17b: {  	[tilespmem:s10+$0x10] =	vst v0  }
0x17c: {  	v0 =	vld [tilespmem:s5+$0x14A0];
	_ =	sdelay $0x4  }
0x17d: {  	[tilespmem:s10+$0x20] =	vst v0  }
0x17e: {  	v0 =	vld [tilespmem:s5+$0x14B0]  }
0x17f: {  	p2 =	sne.s32 s19, $0x9  }
.Ltmp13:
0x180: {  	s22 =	sshll.u32 s19, $0xF;
	(pc) =	sbr.rel @p2 .LBB2_7-.Ltmp13, $4  }
0x181: {  	s5 =	sadd.s32 s6, s22  }
0x182: {  	s5 =	sshrl.u32 s5, $0x3  }
0x183: {  	s5 =	sadd.s32 s4, s5;
	[tilespmem:s10+$0x30] =	vst v0  }
0x184: {  	[hbm4b:s5+s3] =	stream.linear.scatter [tilespmem:s25], [sflag:$0x5], $0x2000, $0x38;
	[tilespmem:$0x15400] =	vst v63  }
.Ltmp14:
0x185: {  	(pc) =	sbr.rel .LBB2_8-.Ltmp14, $4  }
0x186: {  	_ = 	snop  }
0x187: {  	_ =	swait.ge [sflag:s26], $0x4000  }
0x188: {  	[sflag:s26] =	ssyncset.done $0x0  }
0x189: {  	[sflag:s26] =	ssyncadd.s32 $0xFFFFC000  }
.LBB2_7:
0x18a: {  	s5 =	sshrl.u32 s20, $0x2  }
.Ltmp15:
0x18b: {  	s5 =	sadd.s32 $0x200, s5;
	(pc) =	sbr.rel @p1 .LBB2_9-.Ltmp15, $4  }
0x18c: {  	[tilespmem:s18], [sflag:$0x1] =	stream.indirect.gather [hbm4b:s1+s17], $0x80, s5, s17, $0xb8;
	[tilespmem:$0x15400] =	vst v63  }
0x18d: {  	_ =	swait.ge [sflag:s26], $0x4000  }
0x18e: {  	[sflag:s26] =	ssyncset.done $0x0  }
0x18f: {  	[sflag:s26] =	ssyncadd.s32 $0xFFFFC000  }
.LBB2_8:
0x190: {  	_ =	swait.ge [sflag:s28], $0x2000  }
0x191: {  	[sflag:s28] =	ssyncset.done $0x0  }
0x192: {  	[sflag:s28] =	ssyncadd.s32 $0xFFFFE000  }
.LBB2_9:
0x193: {  	s5 =	simm.s32 $0x0  }
0x194: {  	v0 =	vld [tilespmem:s5+$0x5400];
	_ =	sdelay $0x3  }
0x195: {  	s21 =	simm.s32 $0x13470  }
0x196: {  	[tilespmem:s21+$0xFFFFFF90] =	vst v0  }
0x197: {  	v0 =	vld [tilespmem:s5+$0x5410];
	_ =	sdelay $0x4  }
0x198: {  	[tilespmem:s21+$0xFFFFFFA0] =	vst v0  }
0x199: {  	v0 =	vld [tilespmem:s5+$0x5420];
	_ =	sdelay $0x4  }
0x19a: {  	[tilespmem:s21+$0xFFFFFFB0] =	vst v0  }
0x19b: {  	v0 =	vld [tilespmem:s5+$0x5430];
	_ =	sdelay $0x4  }
0x19c: {  	[tilespmem:s21+$0xFFFFFFC0] =	vst v0  }
0x19d: {  	v0 =	vld [tilespmem:s5+$0x5480];
	_ =	sdelay $0x4  }
0x19e: {  	[tilespmem:s21+$0xFFFFFFD0] =	vst v0  }
0x19f: {  	v0 =	vld [tilespmem:s5+$0x5490];
	_ =	sdelay $0x4  }
0x1a0: {  	[tilespmem:s21+$0xFFFFFFE0] =	vst v0  }
0x1a1: {  	v0 =	vld [tilespmem:s5+$0x54A0];
	_ =	sdelay $0x4  }
0x1a2: {  	[tilespmem:s21+$0xFFFFFFF0] =	vst v0  }
0x1a3: {  	v0 =	vld [tilespmem:s5+$0x54B0];
	_ =	sdelay $0x4  }
0x1a4: {  	s10 =	simm.s32 $0x800;
	s5 =	simm.s32 $0x100;
	[tilespmem:s21+$0x0] =	vst v0  }
.LBB2_10:
0x1a5: {  	p1 =	sne.s32 s10, $0xFC00;
	v0 =	vld [tilespmem:s5+$0x5400];
	_ =	sdelay $0x3  }
0x1a6: {  	s21 =	sadd.s32 $0x80, s21  }
0x1a7: {  	[tilespmem:s21+$0xFFFFFF90] =	vst v0  }
0x1a8: {  	v0 =	vld [tilespmem:s5+$0x5410];
	_ =	sdelay $0x4  }
0x1a9: {  	[tilespmem:s21+$0xFFFFFFA0] =	vst v0  }
0x1aa: {  	v0 =	vld [tilespmem:s5+$0x5420];
	_ =	sdelay $0x4  }
0x1ab: {  	[tilespmem:s21+$0xFFFFFFB0] =	vst v0  }
0x1ac: {  	v0 =	vld [tilespmem:s5+$0x5430];
	_ =	sdelay $0x4  }
0x1ad: {  	[tilespmem:s21+$0xFFFFFFC0] =	vst v0  }
0x1ae: {  	v0 =	vld [tilespmem:s5+$0x5480];
	_ =	sdelay $0x4  }
0x1af: {  	[tilespmem:s21+$0xFFFFFFD0] =	vst v0  }
0x1b0: {  	v0 =	vld [tilespmem:s5+$0x5490];
	_ =	sdelay $0x4  }
0x1b1: {  	[tilespmem:s21+$0xFFFFFFE0] =	vst v0  }
0x1b2: {  	v0 =	vld [tilespmem:s5+$0x54A0];
	_ =	sdelay $0x4  }
0x1b3: {  	[tilespmem:s21+$0xFFFFFFF0] =	vst v0  }
0x1b4: {  	v0 =	vld [tilespmem:s5+$0x54B0]  }
.Ltmp16:
0x1b5: {  	(pc) =	sbr.rel @p1 .LBB2_10-.Ltmp16, $2  }
0x1b6: {  	_ =	sdelay $0x2  }
0x1b7: {  	s5 =	sshra.s32 s10, $0x2;
	s10 =	sadd.s32 $0x400, s10;
	[tilespmem:s21+$0x0] =	vst v0  }
0x1b8: {  	v0 =	vld [tilespmem:s5+$0x5400];
	_ =	sdelay $0x3  }
0x1b9: {  	s10 =	sadd.s32 $0x80, s21  }
0x1ba: {  	[tilespmem:s10+$0xFFFFFF90] =	vst v0  }
0x1bb: {  	v0 =	vld [tilespmem:s5+$0x5410];
	_ =	sdelay $0x4  }
0x1bc: {  	[tilespmem:s10+$0xFFFFFFA0] =	vst v0  }
0x1bd: {  	v0 =	vld [tilespmem:s5+$0x5420];
	_ =	sdelay $0x4  }
0x1be: {  	[tilespmem:s10+$0xFFFFFFB0] =	vst v0  }
0x1bf: {  	v0 =	vld [tilespmem:s5+$0x5430];
	_ =	sdelay $0x4  }
0x1c0: {  	[tilespmem:s10+$0xFFFFFFC0] =	vst v0  }
0x1c1: {  	v0 =	vld [tilespmem:s5+$0x5480];
	_ =	sdelay $0x4  }
0x1c2: {  	[tilespmem:s10+$0xFFFFFFD0] =	vst v0  }
0x1c3: {  	v0 =	vld [tilespmem:s5+$0x5490];
	_ =	sdelay $0x4  }
0x1c4: {  	[tilespmem:s10+$0xFFFFFFE0] =	vst v0  }
0x1c5: {  	v0 =	vld [tilespmem:s5+$0x54A0];
	_ =	sdelay $0x4  }
0x1c6: {  	[tilespmem:s10+$0xFFFFFFF0] =	vst v0  }
0x1c7: {  	v0 =	vld [tilespmem:s5+$0x54B0];
	_ =	sdelay $0x1  }
0x1c8: {  	s21 =	sshll.u32 s19, $0x8  }
0x1c9: {  	s22 =	sadd.s32 s21, s7  }
0x1ca: {  	p1 =	seq.s32 s19, $0x9;
	s5 =	sshll.u32 s22, $0x4  }
0x1cb: {  	s22 =	sshrl.u32 @!p1 s20, $0x2;
	s5 =	sadd.s32 s4, s5;
	[tilespmem:s10+$0x0] =	vst v0  }
0x1cc: {  	[hbm4b:s5+s3] =	stream.linear.scatter [tilespmem:s29], [sflag:$0x6], $0x2000, $0x38;
	[tilespmem:$0x15400] =	vst v63  }
0x1cd: {  	s15 =	simm.s32 @!p1 $0x5400;
	s10 =	simm.s32 @!p1 $0x80;
	s5 =	sadd.s32 @!p1 $0x280, s22  }
0x1ce: {  	[tilespmem:s15], [sflag:$0x2] =	stream.indirect.gather @!p1 [hbm4b:s1+s10], $0x80, s5, s10, $0xb8;
	[tilespmem:$0x15400] =	vst v63  }
0x1cf: {  	_ =	swait.ge [sflag:s30], $0x4000  }
0x1d0: {  	[sflag:s30] =	ssyncset.done $0x0  }
0x1d1: {  	[sflag:s30] =	ssyncadd.s32 $0xFFFFC000  }
0x1d2: {  	_ =	swait.ge [sflag:s31], $0x2000  }
0x1d3: {  	[sflag:s31] =	ssyncset.done $0x0  }
0x1d4: {  	s15 =	simm.s32 $0x0;
	[sflag:s31] =	ssyncadd.s32 $0xFFFFE000  }
0x1d5: {  	v63 =	vld [tilespmem:s15+$0x9400];
	_ =	sdelay $0x3  }
0x1d6: {  	s5 =	simm.s32 $0x11440  }
0x1d7: {  	[tilespmem:s5+$0xFFFFFFC0] =	vst v63  }
0x1d8: {  	v0 =	vld [tilespmem:s15+$0x9410];
	_ =	sdelay $0x4  }
0x1d9: {  	[tilespmem:s5+$0xFFFFFFD0] =	vst v0  }
0x1da: {  	v0 =	vld [tilespmem:s15+$0x9420];
	_ =	sdelay $0x4  }
0x1db: {  	[tilespmem:s5+$0xFFFFFFE0] =	vst v0  }
0x1dc: {  	v0 =	vld [tilespmem:s15+$0x9430];
	_ =	sdelay $0x4  }
0x1dd: {  	[tilespmem:s5+$0xFFFFFFF0] =	vst v0  }
0x1de: {  	v0 =	vld [tilespmem:s15+$0x9480];
	_ =	sdelay $0x4  }
0x1df: {  	[tilespmem:s5+$0x0] =	vst v0  }
0x1e0: {  	v0 =	vld [tilespmem:s15+$0x9490];
	_ =	sdelay $0x4  }
0x1e1: {  	[tilespmem:s5+$0x10] =	vst v0  }
0x1e2: {  	v0 =	vld [tilespmem:s15+$0x94A0];
	_ =	sdelay $0x4  }
0x1e3: {  	[tilespmem:s5+$0x20] =	vst v0  }
0x1e4: {  	v0 =	vld [tilespmem:s15+$0x94B0];
	_ =	sdelay $0x4  }
0x1e5: {  	s10 =	simm.s32 $0x100;
	s15 =	simm.s32 $0x800;
	[tilespmem:s5+$0x30] =	vst v0  }
.LBB2_12:
0x1e6: {  	p2 =	sne.s32 s15, $0xFC00;
	v0 =	vld [tilespmem:s10+$0x9400];
	_ =	sdelay $0x3  }
0x1e7: {  	s5 =	sadd.s32 $0x80, s5  }
0x1e8: {  	[tilespmem:s5+$0xFFFFFFC0] =	vst v0  }
0x1e9: {  	v0 =	vld [tilespmem:s10+$0x9410];
	_ =	sdelay $0x4  }
0x1ea: {  	[tilespmem:s5+$0xFFFFFFD0] =	vst v0  }
0x1eb: {  	v0 =	vld [tilespmem:s10+$0x9420];
	_ =	sdelay $0x4  }
0x1ec: {  	[tilespmem:s5+$0xFFFFFFE0] =	vst v0  }
0x1ed: {  	v0 =	vld [tilespmem:s10+$0x9430];
	_ =	sdelay $0x4  }
0x1ee: {  	[tilespmem:s5+$0xFFFFFFF0] =	vst v0  }
0x1ef: {  	v0 =	vld [tilespmem:s10+$0x9480];
	_ =	sdelay $0x4  }
0x1f0: {  	[tilespmem:s5+$0x0] =	vst v0  }
0x1f1: {  	v0 =	vld [tilespmem:s10+$0x9490];
	_ =	sdelay $0x4  }
0x1f2: {  	[tilespmem:s5+$0x10] =	vst v0  }
0x1f3: {  	v0 =	vld [tilespmem:s10+$0x94A0];
	_ =	sdelay $0x4  }
0x1f4: {  	[tilespmem:s5+$0x20] =	vst v0  }
0x1f5: {  	v0 =	vld [tilespmem:s10+$0x94B0]  }
.Ltmp17:
0x1f6: {  	(pc) =	sbr.rel @p2 .LBB2_12-.Ltmp17, $2  }
0x1f7: {  	_ =	sdelay $0x2  }
0x1f8: {  	s10 =	sshra.s32 s15, $0x2;
	s15 =	sadd.s32 $0x400, s15;
	[tilespmem:s5+$0x30] =	vst v0  }
0x1f9: {  	v0 =	vld [tilespmem:s10+$0x9400];
	_ =	sdelay $0x3  }
0x1fa: {  	s5 =	sadd.s32 $0x80, s5  }
0x1fb: {  	[tilespmem:s5+$0xFFFFFFC0] =	vst v0  }
0x1fc: {  	v0 =	vld [tilespmem:s10+$0x9410];
	_ =	sdelay $0x4  }
0x1fd: {  	[tilespmem:s5+$0xFFFFFFD0] =	vst v0  }
0x1fe: {  	v0 =	vld [tilespmem:s10+$0x9420];
	_ =	sdelay $0x4  }
0x1ff: {  	[tilespmem:s5+$0xFFFFFFE0] =	vst v0  }
0x200: {  	v0 =	vld [tilespmem:s10+$0x9430];
	_ =	sdelay $0x4  }
0x201: {  	[tilespmem:s5+$0xFFFFFFF0] =	vst v0  }
0x202: {  	v0 =	vld [tilespmem:s10+$0x9480];
	_ =	sdelay $0x4  }
0x203: {  	[tilespmem:s5+$0x0] =	vst v0  }
0x204: {  	v0 =	vld [tilespmem:s10+$0x9490];
	_ =	sdelay $0x4  }
0x205: {  	[tilespmem:s5+$0x10] =	vst v0  }
0x206: {  	v0 =	vld [tilespmem:s10+$0x94A0];
	_ =	sdelay $0x4  }
0x207: {  	[tilespmem:s5+$0x20] =	vst v0  }
0x208: {  	v0 =	vld [tilespmem:s10+$0x94B0];
	_ =	sdelay $0x2  }
0x209: {  	s15 =	sadd.s32 s21, s8  }
0x20a: {  	s10 =	sshll.u32 s15, $0x4  }
0x20b: {  	s15 =	sadd.s32 s4, s10;
	[tilespmem:s5+$0x30] =	vst v0  }
0x20c: {  	[hbm4b:s15+s3] =	stream.linear.scatter [tilespmem:s25], [sflag:$0x5], $0x2000, $0x38;
	[tilespmem:$0x15400] =	vst v63  }
0x20d: {  	s10 =	simm.s32 @!p1 $0x80;
	s5 =	sadd.s32 @!p1 $0x300, s22;
	s15 =	simm.s32 @!p1 $0x9400  }
0x20e: {  	[tilespmem:s15], [sflag:$0x3] =	stream.indirect.gather @!p1 [hbm4b:s1+s10], $0x80, s5, s10, $0xb8;
	[tilespmem:$0x15400] =	vst v63  }
0x20f: {  	_ =	swait.ge [sflag:s0], $0x4000  }
0x210: {  	[sflag:s0] =	ssyncset.done $0x0  }
0x211: {  	[sflag:s0] =	ssyncadd.s32 $0xFFFFC000  }
0x212: {  	_ =	swait.ge [sflag:s28], $0x2000  }
0x213: {  	[sflag:s28] =	ssyncset.done $0x0  }
0x214: {  	s22 =	simm.s32 $0x0;
	[sflag:s28] =	ssyncadd.s32 $0xFFFFE000  }
0x215: {  	v63 =	vld [tilespmem:s22+$0xD400];
	_ =	sdelay $0x3  }
0x216: {  	s5 =	simm.s32 $0x13470  }
0x217: {  	[tilespmem:s5+$0xFFFFFF90] =	vst v63  }
0x218: {  	v0 =	vld [tilespmem:s22+$0xD410];
	_ =	sdelay $0x4  }
0x219: {  	[tilespmem:s5+$0xFFFFFFA0] =	vst v0  }
0x21a: {  	v0 =	vld [tilespmem:s22+$0xD420];
	_ =	sdelay $0x4  }
0x21b: {  	[tilespmem:s5+$0xFFFFFFB0] =	vst v0  }
0x21c: {  	v0 =	vld [tilespmem:s22+$0xD430];
	_ =	sdelay $0x4  }
0x21d: {  	[tilespmem:s5+$0xFFFFFFC0] =	vst v0  }
0x21e: {  	v0 =	vld [tilespmem:s22+$0xD480];
	_ =	sdelay $0x4  }
0x21f: {  	[tilespmem:s5+$0xFFFFFFD0] =	vst v0  }
0x220: {  	v0 =	vld [tilespmem:s22+$0xD490];
	_ =	sdelay $0x4  }
0x221: {  	[tilespmem:s5+$0xFFFFFFE0] =	vst v0  }
0x222: {  	v0 =	vld [tilespmem:s22+$0xD4A0];
	_ =	sdelay $0x4  }
0x223: {  	[tilespmem:s5+$0xFFFFFFF0] =	vst v0  }
0x224: {  	v0 =	vld [tilespmem:s22+$0xD4B0];
	_ =	sdelay $0x4  }
0x225: {  	s10 =	simm.s32 $0x100;
	s15 =	simm.s32 $0x800;
	[tilespmem:s5+$0x0] =	vst v0  }
.LBB2_14:
0x226: {  	p2 =	sne.s32 s15, $0xFC00;
	v0 =	vld [tilespmem:s10+$0xD400];
	_ =	sdelay $0x3  }
0x227: {  	s5 =	sadd.s32 $0x80, s5  }
0x228: {  	[tilespmem:s5+$0xFFFFFF90] =	vst v0  }
0x229: {  	v0 =	vld [tilespmem:s10+$0xD410];
	_ =	sdelay $0x4  }
0x22a: {  	[tilespmem:s5+$0xFFFFFFA0] =	vst v0  }
0x22b: {  	v0 =	vld [tilespmem:s10+$0xD420];
	_ =	sdelay $0x4  }
0x22c: {  	[tilespmem:s5+$0xFFFFFFB0] =	vst v0  }
0x22d: {  	v0 =	vld [tilespmem:s10+$0xD430];
	_ =	sdelay $0x4  }
0x22e: {  	[tilespmem:s5+$0xFFFFFFC0] =	vst v0  }
0x22f: {  	v0 =	vld [tilespmem:s10+$0xD480];
	_ =	sdelay $0x4  }
0x230: {  	[tilespmem:s5+$0xFFFFFFD0] =	vst v0  }
0x231: {  	v0 =	vld [tilespmem:s10+$0xD490];
	_ =	sdelay $0x4  }
0x232: {  	[tilespmem:s5+$0xFFFFFFE0] =	vst v0  }
0x233: {  	v0 =	vld [tilespmem:s10+$0xD4A0];
	_ =	sdelay $0x4  }
0x234: {  	[tilespmem:s5+$0xFFFFFFF0] =	vst v0  }
0x235: {  	v0 =	vld [tilespmem:s10+$0xD4B0]  }
.Ltmp18:
0x236: {  	(pc) =	sbr.rel @p2 .LBB2_14-.Ltmp18, $2  }
0x237: {  	_ =	sdelay $0x2  }
0x238: {  	s10 =	sshra.s32 s15, $0x2;
	s15 =	sadd.s32 $0x400, s15;
	[tilespmem:s5+$0x0] =	vst v0  }
0x239: {  	v0 =	vld [tilespmem:s10+$0xD400];
	_ =	sdelay $0x3  }
0x23a: {  	s5 =	sadd.s32 $0x80, s5  }
0x23b: {  	[tilespmem:s5+$0xFFFFFF90] =	vst v0  }
0x23c: {  	v0 =	vld [tilespmem:s10+$0xD410];
	_ =	sdelay $0x4  }
0x23d: {  	[tilespmem:s5+$0xFFFFFFA0] =	vst v0  }
0x23e: {  	v0 =	vld [tilespmem:s10+$0xD420];
	_ =	sdelay $0x4  }
0x23f: {  	[tilespmem:s5+$0xFFFFFFB0] =	vst v0  }
0x240: {  	v0 =	vld [tilespmem:s10+$0xD430];
	_ =	sdelay $0x4  }
0x241: {  	[tilespmem:s5+$0xFFFFFFC0] =	vst v0  }
0x242: {  	v0 =	vld [tilespmem:s10+$0xD480];
	_ =	sdelay $0x4  }
0x243: {  	[tilespmem:s5+$0xFFFFFFD0] =	vst v0  }
0x244: {  	v0 =	vld [tilespmem:s10+$0xD490];
	_ =	sdelay $0x4  }
0x245: {  	[tilespmem:s5+$0xFFFFFFE0] =	vst v0  }
0x246: {  	v0 =	vld [tilespmem:s10+$0xD4A0];
	_ =	sdelay $0x4  }
0x247: {  	[tilespmem:s5+$0xFFFFFFF0] =	vst v0  }
0x248: {  	v0 =	vld [tilespmem:s10+$0xD4B0];
	_ =	sdelay $0x1  }
.Ltmp19:
0x249: {  	_ = 	snop;
	(pc) =	sbr.rel @p1 .LBB2_32-.Ltmp19, $4  }
0x24a: {  	s21 =	sadd.s32 s21, s9  }
0x24b: {  	s10 =	sshll.u32 s21, $0x4  }
0x24c: {  	s22 =	sadd.s32 s4, s10;
	[tilespmem:s5+$0x0] =	vst v0  }
0x24d: {  	[hbm4b:s22+s3] =	stream.linear.scatter [tilespmem:s29], [sflag:$0x6], $0x2000, $0x38;
	[tilespmem:$0x15400] =	vst v63  }
.Ltmp20:
0x24e: {  	(pc) =	sbr.rel .LBB2_3-.Ltmp20, $4  }
0x24f: {  	_ = 	snop  }
0x250: {  	s5 =	sshrl.u32 s20, $0x2  }
0x251: {  	s19 =	sadd.s32 $0x1, s19;
	s5 =	sadd.s32 $0x380, s5  }
0x252: {  	[tilespmem:s23], [sflag:$0x4] =	stream.indirect.gather [hbm4b:s1+s17], $0x80, s5, s17, $0xb8;
	[tilespmem:$0x15400] =	vst v63  }
.LBB2_33:
0x253: {  	_ =	sfence.sel $0x180000  }
0x254: {  	[bflag:$0x0] =	sbarrier.arrive $0xFFFF  }
0x255: {  	_ =	strace $0x9000004A  }
0x256: {  	s0 =	stileid.u32;
	[bflag:$0x2] =	sbarrier.arrive $0xFFFF  }
0x257: {  	p0 =	sne.s32 s0, $0x0;
	s0 =	rddreg [dreg:$0x2]  }
0x258: {  	s0 =	sadd.s32 @!p0 $0x100000, s0  }
0x259: {  	[sflag:s0] =	ssyncadd.tile.s32 @!p0 $0x1;
	_ =	shalt  }
.Lfunc_end2:
_tile_overlayer_lowered:
.L_overlay_start_2:
0x25a: {  	(tag) =	ssettag $0x2  }
0x25b: {  	s0 =	rddreg [dreg:$0x0];
	s2 =	stileid.u32  }
0x25c: {  	s1 =	rddreg [dreg:$0x1];
	p0 =	sne.s32 s2, $0x0  }
0x25d: {  	s3 =	rddreg [dreg:$0x2];
	[bflag:$0x3] =	sbarrier.arrive $0xFFFF;
	s2 =	simm.s32 @!p0 $0x1C07  }
0x25e: {  	[timem:s3], [sflag:s2] =	dma.local @!p0 [hbm:s0], s1  }
0x25f: {  	s0 =	simm.s32 @!p0 $0x7  }
0x260: {  	_ =	swait.ge @!p0 [sflag:s0], s1  }
0x261: {  	s1 =	ssub.s32 @!p0 $0x0, s1;
	[sflag:s0] =	ssyncset.done @!p0 $0x0  }
0x262: {  	[sflag:s0] =	ssyncadd.s32 @!p0 s1  }
0x263: {  	[bflag:$0x3] =	sbarrier.arrive $0xFFFF  }
0x264: {  	_ =	shalt  }

</sc_bundles>
